<compile_context>
chip_gen: v7x
topology: tpu7x:2x2x1
jax: 0.10.2.dev20260603
libtpu: 0.0.44.dev20260713+nightly
codegen_flags: <defaults>
</compile_context>

<pallas_src>
import functools

import jax
import jax.numpy as jnp
from jax import lax
from jax.experimental import pallas as pl
from jax.experimental.pallas import tpu as pltpu
from jax.experimental.pallas import tpu_sc as plsc

NUM_BIOMES = 11
EMBED_DIM = 64
BATCH = 16384

_info = plsc.get_sparse_core_info()
_NC = _info.num_cores
_NS = _info.num_subcores
_NW = _NC * _NS
_BPW = BATCH // _NW
_L = 16
_GROUPS = _BPW // _L
_CHUNKG = 8
_NCHUNK = _GROUPS // _CHUNKG
_DEPTH = 6
_TSIZE = NUM_BIOMES * EMBED_DIM
_TSTRIDE = _TSIZE + 1

_mesh = plsc.VectorSubcoreMesh(core_axis_name="c", subcore_axis_name="s")


@functools.partial(
    pl.kernel,
    mesh=_mesh,
    out_type=jax.ShapeDtypeStruct((EMBED_DIM, BATCH), jnp.float32),
    scratch_types=[
        pltpu.VMEM((_L * _TSTRIDE,), jnp.float32),
        pltpu.VMEM((_BPW,), jnp.int32),
        pltpu.VMEM((EMBED_DIM, _BPW), jnp.float32),
        pltpu.SemaphoreType.DMA,
        pltpu.SemaphoreType.DMA,
    ],
    compiler_params=pltpu.CompilerParams(needs_layout_passes=False),
)
def _emb_lookup(table_hbm, idx_hbm, out_hbm, table_v, idx_v, rows_v, sem, tsem):
    wid = lax.axis_index("s") * _NC + lax.axis_index("c")
    base = wid * _BPW

    tcp = pltpu.make_async_copy(table_hbm, table_v, tsem)
    tcp.start()
    pltpu.sync_copy(idx_hbm.at[pl.ds(base, _BPW)], idx_v)
    tcp.wait()

    lane_off = lax.iota(jnp.int32, _L) * _TSTRIDE

    copies = []
    for c in range(_NCHUNK):

        @plsc.parallel_loop(c * _CHUNKG, (c + 1) * _CHUNKG, unroll=1)
        def _group(g):
            pvec = idx_v[pl.ds(g * _L, _L)] * EMBED_DIM + lane_off
            c0 = g * _L
            vals = {}
            for j in range(EMBED_DIM + _DEPTH):
                if j < EMBED_DIM:
                    vals[j] = plsc.load_gather(table_v, [pvec + j])
                if j >= _DEPTH:
                    rows_v[j - _DEPTH, pl.ds(c0, _L)] = vals.pop(j - _DEPTH)

        cp = pltpu.make_async_copy(
            rows_v.at[:, pl.ds(c * _CHUNKG * _L, _CHUNKG * _L)],
            out_hbm.at[:, pl.ds(base + c * _CHUNKG * _L, _CHUNKG * _L)],
            sem,
        )
        cp.start()
        copies.append(cp)

    for cp in copies:
        cp.wait()


def kernel(prompts, table):
    rep = jnp.tile(jnp.pad(table.reshape(-1), (0, 1)), _L)
    out_t = _emb_lookup(rep, prompts.astype(jnp.int32))
    return out_t.T

# --- scband reference (transcript-rebuilt; emitter-appended) ---
"""Pipeline reference for scband-biome-description-encoder-39367670235749 (READ-ONLY COPY).

The authoritative reference and input builder live on the scoring server;
editing this copy changes nothing except your own understanding.
"""

import jax, jax.numpy as jnp
import numpy as np

NUM_BIOMES = 11
EMBED_DIM = 64
BATCH = 16384

def setup_inputs(seed: int = 0) -> dict:
    key = jax.random.key(seed)
    k_idx, k_tab = jax.random.split(key)
    prompts = jax.random.randint(k_idx, (BATCH,), 0, NUM_BIOMES, dtype=jnp.int64 if jax.config.jax_enable_x64 else jnp.int32)
    table = jax.random.normal(k_tab, (NUM_BIOMES, EMBED_DIM), dtype=jnp.float32)
    return {"prompts": prompts, "table": table}

def reference(prompts, table):
    # Equivalent of nn.Embedding lookup: biome_embeddings(biome_indices)
    return jnp.take(table, prompts, axis=0)

if __name__ == "__main__":
    import jax
    _d = setup_inputs()
    print(jax.jit(kernel)(*tuple(_d.values())))

</pallas_src>

<mosaic_0001>
#map = affine_map<(d0, d1) -> (0)>
#map1 = affine_map<(d0, d1) -> (0, 0)>
module attributes {stable_mosaic.version = 14 : i64} {
  func.func @_emb_lookup(%arg0: i32, %arg1: i32, %arg2: memref<11280xf32, #tpu.memory_space<hbm>>, %arg3: memref<16384xi32, #tpu.memory_space<hbm>>, %arg4: memref<64x16384xf32, #tpu.memory_space<hbm>>, %arg5: memref<11280xf32, #tpu.memory_space<vmem>>, %arg6: memref<512xi32, #tpu.memory_space<vmem>>, %arg7: memref<64x512xf32, #tpu.memory_space<vmem>>, %arg8: memref<!tpu.dma_semaphore, #tpu.memory_space<semaphore_mem>>, %arg9: memref<!tpu.dma_semaphore, #tpu.memory_space<semaphore_mem>>) attributes {dimension_semantics = [#tpu.dimension_semantics<core_parallel>, #tpu.dimension_semantics<subcore_parallel>], iteration_bounds = array<i64: 2, 16>, scalar_prefetch = 0 : i64, scratch_operands = 5 : i64, tpu.core_type = #tpu.core_type<sc_vector_subcore>, window_params = [{transform_indices = #map}, {transform_indices = #map}, {transform_indices = #map1}]} {
    %mul3A = arith.constant 2 : i32
    %mul3A_0 = arith.muli %arg1, %mul3A : i32
    %add3A = arith.addi %mul3A_0, %arg0 : i32
    %mul3A_1 = arith.constant 512 : i32
    %mul3A_2 = arith.muli %add3A, %mul3A_1 : i32
    tpu.enqueue_dma source(%arg2 : memref<11280xf32, #tpu.memory_space<hbm>>) target(%arg5 : memref<11280xf32, #tpu.memory_space<vmem>>) target_semaphore(%arg9 : memref<!tpu.dma_semaphore, #tpu.memory_space<semaphore_mem>>)
    "tpu.region"() ({
      %run_scoped3A = tpu.sem_alloc : memref<!tpu.dma_semaphore, #tpu.memory_space<semaphore_mem>>
      %dma_start3A_103 = tpu.memref_slice %arg3[%mul3A_2] : memref<16384xi32, #tpu.memory_space<hbm>> -> memref<512xi32, #tpu.memory_space<hbm>>
      %dma_start3A_104 = tpu.memref_slice %arg3[%mul3A_2] : memref<16384xi32, #tpu.memory_space<hbm>> -> memref<512xi32, #tpu.memory_space<hbm>>
      tpu.enqueue_dma source(%dma_start3A_104 : memref<512xi32, #tpu.memory_space<hbm>>) target(%arg6 : memref<512xi32, #tpu.memory_space<vmem>>) target_semaphore(%run_scoped3A : memref<!tpu.dma_semaphore, #tpu.memory_space<semaphore_mem>>)
      %dma_wait3A_105 = tpu.memref_slice %arg3[%mul3A_2] : memref<16384xi32, #tpu.memory_space<hbm>> -> memref<512xi32, #tpu.memory_space<hbm>>
      %dma_wait3A_106 = tpu.memref_slice %arg3[%mul3A_2] : memref<16384xi32, #tpu.memory_space<hbm>> -> memref<512xi32, #tpu.memory_space<hbm>>
      tpu.wait_dma2 semaphore(%run_scoped3A : memref<!tpu.dma_semaphore, #tpu.memory_space<semaphore_mem>>) src(%dma_wait3A_106 : memref<512xi32, #tpu.memory_space<hbm>>) dst(%arg6 : memref<512xi32, #tpu.memory_space<vmem>>)
      tpu.yield
    }) : () -> ()
    tpu.wait_dma2 semaphore(%arg9 : memref<!tpu.dma_semaphore, #tpu.memory_space<semaphore_mem>>) src(%arg2 : memref<11280xf32, #tpu.memory_space<hbm>>) dst(%arg5 : memref<11280xf32, #tpu.memory_space<vmem>>)
    %iota3A = tpu.iota {dimensions = array<i32: 0>} : vector<16xi32>
    %mul3A_3 = arith.constant 705 : i32
    %mul3A_4 = vector.broadcast %mul3A_3 : i32 to vector<16xi32>
    %mul3A_5 = arith.muli %iota3A, %mul3A_4 : vector<16xi32>
    %parallel_loop3A = arith.constant 0 : i32
    %parallel_loop3A_6 = arith.constant 8 : i32
    %parallel_loop3A_7 = arith.constant 1 : i32
    scf.for %parallel_loop3A_103 = %parallel_loop3A to %parallel_loop3A_6 step %parallel_loop3A_7  : i32 {
      %parallel_loop3A_104 = arith.constant 16 : i32
      %parallel_loop3A_105 = arith.muli %parallel_loop3A_103, %parallel_loop3A_104 : i32
      %parallel_loop3A_106 = arith.index_cast %parallel_loop3A_105 : i32 to index
      %parallel_loop3A_107 = tpu.vector_load %arg6[%parallel_loop3A_106] {strides = array<i32>} : memref<512xi32, #tpu.memory_space<vmem>>, vector<16xi32>,
      %parallel_loop3A_108 = arith.constant 64 : i32
      %parallel_loop3A_109 = vector.broadcast %parallel_loop3A_108 : i32 to vector<16xi32>
      %parallel_loop3A_110 = arith.muli %parallel_loop3A_107, %parallel_loop3A_109 : vector<16xi32>
      %parallel_loop3A_111 = arith.addi %parallel_loop3A_110, %mul3A_5 : vector<16xi32>
      %parallel_loop3A_112 = arith.constant 16 : i32
      %parallel_loop3A_113 = arith.muli %parallel_loop3A_103, %parallel_loop3A_112 : i32
      %parallel_loop3A_114 = arith.constant 0 : i32
      %parallel_loop3A_115 = vector.broadcast %parallel_loop3A_114 : i32 to vector<16xi32>
      %parallel_loop3A_116 = arith.addi %parallel_loop3A_111, %parallel_loop3A_115 : vector<16xi32>
      %parallel_loop3A_117 = tpu.vector_load_idx %arg5[%parallel_loop3A_116] : memref<11280xf32, #tpu.memory_space<vmem>>[vector<16xi32>], vector<16xf32>,
      %parallel_loop3A_118 = arith.constant 1 : i32
      %parallel_loop3A_119 = vector.broadcast %parallel_loop3A_118 : i32 to vector<16xi32>
      %parallel_loop3A_120 = arith.addi %parallel_loop3A_111, %parallel_loop3A_119 : vector<16xi32>
      %parallel_loop3A_121 = tpu.vector_load_idx %arg5[%parallel_loop3A_120] : memref<11280xf32, #tpu.memory_space<vmem>>[vector<16xi32>], vector<16xf32>,
      %parallel_loop3A_122 = arith.constant 2 : i32
      %parallel_loop3A_123 = vector.broadcast %parallel_loop3A_122 : i32 to vector<16xi32>
      %parallel_loop3A_124 = arith.addi %parallel_loop3A_111, %parallel_loop3A_123 : vector<16xi32>
      %parallel_loop3A_125 = tpu.vector_load_idx %arg5[%parallel_loop3A_124] : memref<11280xf32, #tpu.memory_space<vmem>>[vector<16xi32>], vector<16xf32>,
      %parallel_loop3A_126 = arith.constant 3 : i32
      %parallel_loop3A_127 = vector.broadcast %parallel_loop3A_126 : i32 to vector<16xi32>
      %parallel_loop3A_128 = arith.addi %parallel_loop3A_111, %parallel_loop3A_127 : vector<16xi32>
      %parallel_loop3A_129 = tpu.vector_load_idx %arg5[%parallel_loop3A_128] : memref<11280xf32, #tpu.memory_space<vmem>>[vector<16xi32>], vector<16xf32>,
      %parallel_loop3A_130 = arith.constant 4 : i32
      %parallel_loop3A_131 = vector.broadcast %parallel_loop3A_130 : i32 to vector<16xi32>
      %parallel_loop3A_132 = arith.addi %parallel_loop3A_111, %parallel_loop3A_131 : vector<16xi32>
      %parallel_loop3A_133 = tpu.vector_load_idx %arg5[%parallel_loop3A_132] : memref<11280xf32, #tpu.memory_space<vmem>>[vector<16xi32>], vector<16xf32>,
      %parallel_loop3A_134 = arith.constant 5 : i32
      %parallel_loop3A_135 = vector.broadcast %parallel_loop3A_134 : i32 to vector<16xi32>
      %parallel_loop3A_136 = arith.addi %parallel_loop3A_111, %parallel_loop3A_135 : vector<16xi32>
      %parallel_loop3A_137 = tpu.vector_load_idx %arg5[%parallel_loop3A_136] : memref<11280xf32, #tpu.memory_space<vmem>>[vector<16xi32>], vector<16xf32>,
      %parallel_loop3A_138 = arith.constant 6 : i32
      %parallel_loop3A_139 = vector.broadcast %parallel_loop3A_138 : i32 to vector<16xi32>
      %parallel_loop3A_140 = arith.addi %parallel_loop3A_111, %parallel_loop3A_139 : vector<16xi32>
      %parallel_loop3A_141 = tpu.vector_load_idx %arg5[%parallel_loop3A_140] : memref<11280xf32, #tpu.memory_space<vmem>>[vector<16xi32>], vector<16xf32>,
      %parallel_loop3A_142 = arith.constant 0 : i32
      %parallel_loop3A_143 = arith.index_cast %parallel_loop3A_142 : i32 to index
      %parallel_loop3A_144 = arith.index_cast %parallel_loop3A_113 : i32 to index
      %parallel_loop3A_145 = tpu.vector_load %arg7[%parallel_loop3A_143, %parallel_loop3A_144] {strides = array<i32>} : memref<64x512xf32, #tpu.memory_space<vmem>>, vector<16xf32>,
      tpu.vector_store %arg7[%parallel_loop3A_143, %parallel_loop3A_144], %parallel_loop3A_117 {strides = array<i32>} : memref<64x512xf32, #tpu.memory_space<vmem>>, vector<16xf32>,
      %parallel_loop3A_146 = arith.constant 7 : i32
      %parallel_loop3A_147 = vector.broadcast %parallel_loop3A_146 : i32 to vector<16xi32>
      %parallel_loop3A_148 = arith.addi %parallel_loop3A_111, %parallel_loop3A_147 : vector<16xi32>
      %parallel_loop3A_149 = tpu.vector_load_idx %arg5[%parallel_loop3A_148] : memref<11280xf32, #tpu.memory_space<vmem>>[vector<16xi32>], vector<16xf32>,
      %parallel_loop3A_150 = arith.constant 1 : i32
      %parallel_loop3A_151 = arith.index_cast %parallel_loop3A_150 : i32 to index
      %parallel_loop3A_152 = arith.index_cast %parallel_loop3A_113 : i32 to index
      %parallel_loop3A_153 = tpu.vector_load %arg7[%parallel_loop3A_151, %parallel_loop3A_152] {strides = array<i32>} : memref<64x512xf32, #tpu.memory_space<vmem>>, vector<16xf32>,
      tpu.vector_store %arg7[%parallel_loop3A_151, %parallel_loop3A_152], %parallel_loop3A_121 {strides = array<i32>} : memref<64x512xf32, #tpu.memory_space<vmem>>, vector<16xf32>,
      %parallel_loop3A_154 = arith.constant 8 : i32
      %parallel_loop3A_155 = vector.broadcast %parallel_loop3A_154 : i32 to vector<16xi32>
      %parallel_loop3A_156 = arith.addi %parallel_loop3A_111, %parallel_loop3A_155 : vector<16xi32>
      %parallel_loop3A_157 = tpu.vector_load_idx %arg5[%parallel_loop3A_156] : memref<11280xf32, #tpu.memory_space<vmem>>[vector<16xi32>], vector<16xf32>,
      %parallel_loop3A_158 = arith.constant 2 : i32
      %parallel_loop3A_159 = arith.index_cast %parallel_loop3A_158 : i32 to index
      %parallel_loop3A_160 = arith.index_cast %parallel_loop3A_113 : i32 to index
      %parallel_loop3A_161 = tpu.vector_load %arg7[%parallel_loop3A_159, %parallel_loop3A_160] {strides = array<i32>} : memref<64x512xf32, #tpu.memory_space<vmem>>, vector<16xf32>,
      tpu.vector_store %arg7[%parallel_loop3A_159, %parallel_loop3A_160], %parallel_loop3A_125 {strides = array<i32>} : memref<64x512xf32, #tpu.memory_space<vmem>>, vector<16xf32>,
      %parallel_loop3A_162 = arith.constant 9 : i32
      %parallel_loop3A_163 = vector.broadcast %parallel_loop3A_162 : i32 to vector<16xi32>
      %parallel_loop3A_164 = arith.addi %parallel_loop3A_111, %parallel_loop3A_163 : vector<16xi32>
      %parallel_loop3A_165 = tpu.vector_load_idx %arg5[%parallel_loop3A_164] : memref<11280xf32, #tpu.memory_space<vmem>>[vector<16xi32>], vector<16xf32>,
      %parallel_loop3A_166 = arith.constant 3 : i32
      %parallel_loop3A_167 = arith.index_cast %parallel_loop3A_166 : i32 to index
      %parallel_loop3A_168 = arith.index_cast %parallel_loop3A_113 : i32 to index
      %parallel_loop3A_169 = tpu.vector_load %arg7[%parallel_loop3A_167, %parallel_loop3A_168] {strides = array<i32>} : memref<64x512xf32, #tpu.memory_space<vmem>>, vector<16xf32>,
      tpu.vector_store %arg7[%parallel_loop3A_167, %parallel_loop3A_168], %parallel_loop3A_129 {strides = array<i32>} : memref<64x512xf32, #tpu.memory_space<vmem>>, vector<16xf32>,
      %parallel_loop3A_170 = arith.constant 10 : i32
      %parallel_loop3A_171 = vector.broadcast %parallel_loop3A_170 : i32 to vector<16xi32>
      %parallel_loop3A_172 = arith.addi %parallel_loop3A_111, %parallel_loop3A_171 : vector<16xi32>
      %parallel_loop3A_173 = tpu.vector_load_idx %arg5[%parallel_loop3A_172] : memref<11280xf32, #tpu.memory_space<vmem>>[vector<16xi32>], vector<16xf32>,
      %parallel_loop3A_174 = arith.constant 4 : i32
      %parallel_loop3A_175 = arith.index_cast %parallel_loop3A_174 : i32 to index
      %parallel_loop3A_176 = arith.index_cast %parallel_loop3A_113 : i32 to index
      %parallel_loop3A_177 = tpu.vector_load %arg7[%parallel_loop3A_175, %parallel_loop3A_176] {strides = array<i32>} : memref<64x512xf32, #tpu.memory_space<vmem>>, vector<16xf32>,
      tpu.vector_store %arg7[%parallel_loop3A_175, %parallel_loop3A_176], %parallel_loop3A_133 {strides = array<i32>} : memref<64x512xf32, #tpu.memory_space<vmem>>, vector<16xf32>,
      %parallel_loop3A_178 = arith.constant 11 : i32
      %parallel_loop3A_179 = vector.broadcast %parallel_loop3A_178 : i32 to vector<16xi32>
      %parallel_loop3A_180 = arith.addi %parallel_loop3A_111, %parallel_loop3A_179 : vector<16xi32>
      %parallel_loop3A_181 = tpu.vector_load_idx %arg5[%parallel_loop3A_180] : memref<11280xf32, #tpu.memory_space<vmem>>[vector<16xi32>], vector<16xf32>,
      %parallel_loop3A_182 = arith.constant 5 : i32
      %parallel_loop3A_183 = arith.index_cast %parallel_loop3A_182 : i32 to index
      %parallel_loop3A_184 = arith.index_cast %parallel_loop3A_113 : i32 to index
      %parallel_loop3A_185 = tpu.vector_load %arg7[%parallel_loop3A_183, %parallel_loop3A_184] {strides = array<i32>} : memref<64x512xf32, #tpu.memory_space<vmem>>, vector<16xf32>,
      tpu.vector_store %arg7[%parallel_loop3A_183, %parallel_loop3A_184], %parallel_loop3A_137 {strides = array<i32>} : memref<64x512xf32, #tpu.memory_space<vmem>>, vector<16xf32>,
      %parallel_loop3A_186 = arith.constant 12 : i32
      %parallel_loop3A_187 = vector.broadcast %parallel_loop3A_186 : i32 to vector<16xi32>
      %parallel_loop3A_188 = arith.addi %parallel_loop3A_111, %parallel_loop3A_187 : vector<16xi32>
      %parallel_loop3A_189 = tpu.vector_load_idx %arg5[%parallel_loop3A_188] : memref<11280xf32, #tpu.memory_space<vmem>>[vector<16xi32>], vector<16xf32>,
      %parallel_loop3A_190 = arith.constant 6 : i32
      %parallel_loop3A_191 = arith.index_cast %parallel_loop3A_190 : i32 to index
      %parallel_loop3A_192 = arith.index_cast %parallel_loop3A_113 : i32 to index
      %parallel_loop3A_193 = tpu.vector_load %arg7[%parallel_loop3A_191, %parallel_loop3A_192] {strides = array<i32>} : memref<64x512xf32, #tpu.memory_space<vmem>>, vector<16xf32>,
      tpu.vector_store %arg7[%parallel_loop3A_191, %parallel_loop3A_192], %parallel_loop3A_141 {strides = array<i32>} : memref<64x512xf32, #tpu.memory_space<vmem>>, vector<16xf32>,
      %parallel_loop3A_194 = arith.constant 13 : i32
      %parallel_loop3A_195 = vector.broadcast %parallel_loop3A_194 : i32 to vector<16xi32>
      %parallel_loop3A_196 = arith.addi %parallel_loop3A_111, %parallel_loop3A_195 : vector<16xi32>
      %parallel_loop3A_197 = tpu.vector_load_idx %arg5[%parallel_loop3A_196] : memref<11280xf32, #tpu.memory_space<vmem>>[vector<16xi32>], vector<16xf32>,
      %parallel_loop3A_198 = arith.constant 7 : i32
      %parallel_loop3A_199 = arith.index_cast %parallel_loop3A_198 : i32 to index
      %parallel_loop3A_200 = arith.index_cast %parallel_loop3A_113 : i32 to index
      %parallel_loop3A_201 = tpu.vector_load %arg7[%parallel_loop3A_199, %parallel_loop3A_200] {strides = array<i32>} : memref<64x512xf32, #tpu.memory_space<vmem>>, vector<16xf32>,
      tpu.vector_store %arg7[%parallel_loop3A_199, %parallel_loop3A_200], %parallel_loop3A_149 {strides = array<i32>} : memref<64x512xf32, #tpu.memory_space<vmem>>, vector<16xf32>,
      %parallel_loop3A_202 = arith.constant 14 : i32
      %parallel_loop3A_203 = vector.broadcast %parallel_loop3A_202 : i32 to vector<16xi32>
      %parallel_loop3A_204 = arith.addi %parallel_loop3A_111, %parallel_loop3A_203 : vector<16xi32>
      %parallel_loop3A_205 = tpu.vector_load_idx %arg5[%parallel_loop3A_204] : memref<11280xf32, #tpu.memory_space<vmem>>[vector<16xi32>], vector<16xf32>,
      %parallel_loop3A_206 = arith.constant 8 : i32
      %parallel_loop3A_207 = arith.index_cast %parallel_loop3A_206 : i32 to index
      %parallel_loop3A_208 = arith.index_cast %parallel_loop3A_113 : i32 to index
      %parallel_loop3A_209 = tpu.vector_load %arg7[%parallel_loop3A_207, %parallel_loop3A_208] {strides = array<i32>} : memref<64x512xf32, #tpu.memory_space<vmem>>, vector<16xf32>,
      tpu.vector_store %arg7[%parallel_loop3A_207, %parallel_loop3A_208], %parallel_loop3A_157 {strides = array<i32>} : memref<64x512xf32, #tpu.memory_space<vmem>>, vector<16xf32>,
      %parallel_loop3A_210 = arith.constant 15 : i32
      %parallel_loop3A_211 = vector.broadcast %parallel_loop3A_210 : i32 to vector<16xi32>
      %parallel_loop3A_212 = arith.addi %parallel_loop3A_111, %parallel_loop3A_211 : vector<16xi32>
      %parallel_loop3A_213 = tpu.vector_load_idx %arg5[%parallel_loop3A_212] : memref<11280xf32, #tpu.memory_space<vmem>>[vector<16xi32>], vector<16xf32>,
      %parallel_loop3A_214 = arith.constant 9 : i32
      %parallel_loop3A_215 = arith.index_cast %parallel_loop3A_214 : i32 to index
      %parallel_loop3A_216 = arith.index_cast %parallel_loop3A_113 : i32 to index
      %parallel_loop3A_217 = tpu.vector_load %arg7[%parallel_loop3A_215, %parallel_loop3A_216] {strides = array<i32>} : memref<64x512xf32, #tpu.memory_space<vmem>>, vector<16xf32>,
      tpu.vector_store %arg7[%parallel_loop3A_215, %parallel_loop3A_216], %parallel_loop3A_165 {strides = array<i32>} : memref<64x512xf32, #tpu.memory_space<vmem>>, vector<16xf32>,
      %parallel_loop3A_218 = arith.constant 16 : i32
      %parallel_loop3A_219 = vector.broadcast %parallel_loop3A_218 : i32 to vector<16xi32>
      %parallel_loop3A_220 = arith.addi %parallel_loop3A_111, %parallel_loop3A_219 : vector<16xi32>
      %parallel_loop3A_221 = tpu.vector_load_idx %arg5[%parallel_loop3A_220] : memref<11280xf32, #tpu.memory_space<vmem>>[vector<16xi32>], vector<16xf32>,
      %parallel_loop3A_222 = arith.constant 10 : i32
      %parallel_loop3A_223 = arith.index_cast %parallel_loop3A_222 : i32 to index
      %parallel_loop3A_224 = arith.index_cast %parallel_loop3A_113 : i32 to index
      %parallel_loop3A_225 = tpu.vector_load %arg7[%parallel_loop3A_223, %parallel_loop3A_224] {strides = array<i32>} : memref<64x512xf32, #tpu.memory_space<vmem>>, vector<16xf32>,
      tpu.vector_store %arg7[%parallel_loop3A_223, %parallel_loop3A_224], %parallel_loop3A_173 {strides = array<i32>} : memref<64x512xf32, #tpu.memory_space<vmem>>, vector<16xf32>,
      %parallel_loop3A_226 = arith.constant 17 : i32
      %parallel_loop3A_227 = vector.broadcast %parallel_loop3A_226 : i32 to vector<16xi32>
      %parallel_loop3A_228 = arith.addi %parallel_loop3A_111, %parallel_loop3A_227 : vector<16xi32>
      %parallel_loop3A_229 = tpu.vector_load_idx %arg5[%parallel_loop3A_228] : memref<11280xf32, #tpu.memory_space<vmem>>[vector<16xi32>], vector<16xf32>,
      %parallel_loop3A_230 = arith.constant 11 : i32
      %parallel_loop3A_231 = arith.index_cast %parallel_loop3A_230 : i32 to index
      %parallel_loop3A_232 = arith.index_cast %parallel_loop3A_113 : i32 to index
      %parallel_loop3A_233 = tpu.vector_load %arg7[%parallel_loop3A_231, %parallel_loop3A_232] {strides = array<i32>} : memref<64x512xf32, #tpu.memory_space<vmem>>, vector<16xf32>,
      tpu.vector_store %arg7[%parallel_loop3A_231, %parallel_loop3A_232], %parallel_loop3A_181 {strides = array<i32>} : memref<64x512xf32, #tpu.memory_space<vmem>>, vector<16xf32>,
      %parallel_loop3A_234 = arith.constant 18 : i32
      %parallel_loop3A_235 = vector.broadcast %parallel_loop3A_234 : i32 to vector<16xi32>
      %parallel_loop3A_236 = arith.addi %parallel_loop3A_111, %parallel_loop3A_235 : vector<16xi32>
      %parallel_loop3A_237 = tpu.vector_load_idx %arg5[%parallel_loop3A_236] : memref<11280xf32, #tpu.memory_space<vmem>>[vector<16xi32>], vector<16xf32>,
      %parallel_loop3A_238 = arith.constant 12 : i32
      %parallel_loop3A_239 = arith.index_cast %parallel_loop3A_238 : i32 to index
      %parallel_loop3A_240 = arith.index_cast %parallel_loop3A_113 : i32 to index
      %parallel_loop3A_241 = tpu.vector_load %arg7[%parallel_loop3A_239, %parallel_loop3A_240] {strides = array<i32>} : memref<64x512xf32, #tpu.memory_space<vmem>>, vector<16xf32>,
      tpu.vector_store %arg7[%parallel_loop3A_239, %parallel_loop3A_240], %parallel_loop3A_189 {strides = array<i32>} : memref<64x512xf32, #tpu.memory_space<vmem>>, vector<16xf32>,
      %parallel_loop3A_242 = arith.constant 19 : i32
      %parallel_loop3A_243 = vector.broadcast %parallel_loop3A_242 : i32 to vector<16xi32>
      %parallel_loop3A_244 = arith.addi %parallel_loop3A_111, %parallel_loop3A_243 : vector<16xi32>
      %parallel_loop3A_245 = tpu.vector_load_idx %arg5[%parallel_loop3A_244] : memref<11280xf32, #tpu.memory_space<vmem>>[vector<16xi32>], vector<16xf32>,
      %parallel_loop3A_246 = arith.constant 13 : i32
      %parallel_loop3A_247 = arith.index_cast %parallel_loop3A_246 : i32 to index
      %parallel_loop3A_248 = arith.index_cast %parallel_loop3A_113 : i32 to index
      %parallel_loop3A_249 = tpu.vector_load %arg7[%parallel_loop3A_247, %parallel_loop3A_248] {strides = array<i32>} : memref<64x512xf32, #tpu.memory_space<vmem>>, vector<16xf32>,
      tpu.vector_store %arg7[%parallel_loop3A_247, %parallel_loop3A_248], %parallel_loop3A_197 {strides = array<i32>} : memref<64x512xf32, #tpu.memory_space<vmem>>, vector<16xf32>,
      %parallel_loop3A_250 = arith.constant 20 : i32
      %parallel_loop3A_251 = vector.broadcast %parallel_loop3A_250 : i32 to vector<16xi32>
      %parallel_loop3A_252 = arith.addi %parallel_loop3A_111, %parallel_loop3A_251 : vector<16xi32>
      %parallel_loop3A_253 = tpu.vector_load_idx %arg5[%parallel_loop3A_252] : memref<11280xf32, #tpu.memory_space<vmem>>[vector<16xi32>], vector<16xf32>,
      %parallel_loop3A_254 = arith.constant 14 : i32
      %parallel_loop3A_255 = arith.index_cast %parallel_loop3A_254 : i32 to index
      %parallel_loop3A_256 = arith.index_cast %parallel_loop3A_113 : i32 to index
      %parallel_loop3A_257 = tpu.vector_load %arg7[%parallel_loop3A_255, %parallel_loop3A_256] {strides = array<i32>} : memref<64x512xf32, #tpu.memory_space<vmem>>, vector<16xf32>,
      tpu.vector_store %arg7[%parallel_loop3A_255, %parallel_loop3A_256], %parallel_loop3A_205 {strides = array<i32>} : memref<64x512xf32, #tpu.memory_space<vmem>>, vector<16xf32>,
      %parallel_loop3A_258 = arith.constant 21 : i32
      %parallel_loop3A_259 = vector.broadcast %parallel_loop3A_258 : i32 to vector<16xi32>
      %parallel_loop3A_260 = arith.addi %parallel_loop3A_111, %parallel_loop3A_259 : vector<16xi32>
      %parallel_loop3A_261 = tpu.vector_load_idx %arg5[%parallel_loop3A_260] : memref<11280xf32, #tpu.memory_space<vmem>>[vector<16xi32>], vector<16xf32>,
      %parallel_loop3A_262 = arith.constant 15 : i32
      %parallel_loop3A_263 = arith.index_cast %parallel_loop3A_262 : i32 to index
      %parallel_loop3A_264 = arith.index_cast %parallel_loop3A_113 : i32 to index
      %parallel_loop3A_265 = tpu.vector_load %arg7[%parallel_loop3A_263, %parallel_loop3A_264] {strides = array<i32>} : memref<64x512xf32, #tpu.memory_space<vmem>>, vector<16xf32>,
      tpu.vector_store %arg7[%parallel_loop3A_263, %parallel_loop3A_264], %parallel_loop3A_213 {strides = array<i32>} : memref<64x512xf32, #tpu.memory_space<vmem>>, vector<16xf32>,
      %parallel_loop3A_266 = arith.constant 22 : i32
      %parallel_loop3A_267 = vector.broadcast %parallel_loop3A_266 : i32 to vector<16xi32>
      %parallel_loop3A_268 = arith.addi %parallel_loop3A_111, %parallel_loop3A_267 : vector<16xi32>
      %parallel_loop3A_269 = tpu.vector_load_idx %arg5[%parallel_loop3A_268] : memref<11280xf32, #tpu.memory_space<vmem>>[vector<16xi32>], vector<16xf32>,
      %parallel_loop3A_270 = arith.constant 16 : i32
      %parallel_loop3A_271 = arith.index_cast %parallel_loop3A_270 : i32 to index
      %parallel_loop3A_272 = arith.index_cast %parallel_loop3A_113 : i32 to index
      %parallel_loop3A_273 = tpu.vector_load %arg7[%parallel_loop3A_271, %parallel_loop3A_272] {strides = array<i32>} : memref<64x512xf32, #tpu.memory_space<vmem>>, vector<16xf32>,
      tpu.vector_store %arg7[%parallel_loop3A_271, %parallel_loop3A_272], %parallel_loop3A_221 {strides = array<i32>} : memref<64x512xf32, #tpu.memory_space<vmem>>, vector<16xf32>,
      %parallel_loop3A_274 = arith.constant 23 : i32
      %parallel_loop3A_275 = vector.broadcast %parallel_loop3A_274 : i32 to vector<16xi32>
      %parallel_loop3A_276 = arith.addi %parallel_loop3A_111, %parallel_loop3A_275 : vector<16xi32>
      %parallel_loop3A_277 = tpu.vector_load_idx %arg5[%parallel_loop3A_276] : memref<11280xf32, #tpu.memory_space<vmem>>[vector<16xi32>], vector<16xf32>,
      %parallel_loop3A_278 = arith.constant 17 : i32
      %parallel_loop3A_279 = arith.index_cast %parallel_loop3A_278 : i32 to index
      %parallel_loop3A_280 = arith.index_cast %parallel_loop3A_113 : i32 to index
      %parallel_loop3A_281 = tpu.vector_load %arg7[%parallel_loop3A_279, %parallel_loop3A_280] {strides = array<i32>} : memref<64x512xf32, #tpu.memory_space<vmem>>, vector<16xf32>,
      tpu.vector_store %arg7[%parallel_loop3A_279, %parallel_loop3A_280], %parallel_loop3A_229 {strides = array<i32>} : memref<64x512xf32, #tpu.memory_space<vmem>>, vector<16xf32>,
      %parallel_loop3A_282 = arith.constant 24 : i32
      %parallel_loop3A_283 = vector.broadcast %parallel_loop3A_282 : i32 to vector<16xi32>
      %parallel_loop3A_284 = arith.addi %parallel_loop3A_111, %parallel_loop3A_283 : vector<16xi32>
      %parallel_loop3A_285 = tpu.vector_load_idx %arg5[%parallel_loop3A_284] : memref<11280xf32, #tpu.memory_space<vmem>>[vector<16xi32>], vector<16xf32>,
      %parallel_loop3A_286 = arith.constant 18 : i32
      %parallel_loop3A_287 = arith.index_cast %parallel_loop3A_286 : i32 to index
      %parallel_loop3A_288 = arith.index_cast %parallel_loop3A_113 : i32 to index
      %parallel_loop3A_289 = tpu.vector_load %arg7[%parallel_loop3A_287, %parallel_loop3A_288] {strides = array<i32>} : memref<64x512xf32, #tpu.memory_space<vmem>>, vector<16xf32>,
      tpu.vector_store %arg7[%parallel_loop3A_287, %parallel_loop3A_288], %parallel_loop3A_237 {strides = array<i32>} : memref<64x512xf32, #tpu.memory_space<vmem>>, vector<16xf32>,
      %parallel_loop3A_290 = arith.constant 25 : i32
      %parallel_loop3A_291 = vector.broadcast %parallel_loop3A_290 : i32 to vector<16xi32>
      %parallel_loop3A_292 = arith.addi %parallel_loop3A_111, %parallel_loop3A_291 : vector<16xi32>
      %parallel_loop3A_293 = tpu.vector_load_idx %arg5[%parallel_loop3A_292] : memref<11280xf32, #tpu.memory_space<vmem>>[vector<16xi32>], vector<16xf32>,
      %parallel_loop3A_294 = arith.constant 19 : i32
      %parallel_loop3A_295 = arith.index_cast %parallel_loop3A_294 : i32 to index
      %parallel_loop3A_296 = arith.index_cast %parallel_loop3A_113 : i32 to index
      %parallel_loop3A_297 = tpu.vector_load %arg7[%parallel_loop3A_295, %parallel_loop3A_296] {strides = array<i32>} : memref<64x512xf32, #tpu.memory_space<vmem>>, vector<16xf32>,
      tpu.vector_store %arg7[%parallel_loop3A_295, %parallel_loop3A_296], %parallel_loop3A_245 {strides = array<i32>} : memref<64x512xf32, #tpu.memory_space<vmem>>, vector<16xf32>,
      %parallel_loop3A_298 = arith.constant 26 : i32
      %parallel_loop3A_299 = vector.broadcast %parallel_loop3A_298 : i32 to vector<16xi32>
      %parallel_loop3A_300 = arith.addi %parallel_loop3A_111, %parallel_loop3A_299 : vector<16xi32>
      %parallel_loop3A_301 = tpu.vector_load_idx %arg5[%parallel_loop3A_300] : memref<11280xf32, #tpu.memory_space<vmem>>[vector<16xi32>], vector<16xf32>,
      %parallel_loop3A_302 = arith.constant 20 : i32
      %parallel_loop3A_303 = arith.index_cast %parallel_loop3A_302 : i32 to index
      %parallel_loop3A_304 = arith.index_cast %parallel_loop3A_113 : i32 to index
      %parallel_loop3A_305 = tpu.vector_load %arg7[%parallel_loop3A_303, %parallel_loop3A_304] {strides = array<i32>} : memref<64x512xf32, #tpu.memory_space<vmem>>, vector<16xf32>,
      tpu.vector_store %arg7[%parallel_loop3A_303, %parallel_loop3A_304], %parallel_loop3A_253 {strides = array<i32>} : memref<64x512xf32, #tpu.memory_space<vmem>>, vector<16xf32>,
      %parallel_loop3A_306 = arith.constant 27 : i32
      %parallel_loop3A_307 = vector.broadcast %parallel_loop3A_306 : i32 to vector<16xi32>
      %parallel_loop3A_308 = arith.addi %parallel_loop3A_111, %parallel_loop3A_307 : vector<16xi32>
      %parallel_loop3A_309 = tpu.vector_load_idx %arg5[%parallel_loop3A_308] : memref<11280xf32, #tpu.memory_space<vmem>>[vector<16xi32>], vector<16xf32>,
      %parallel_loop3A_310 = arith.constant 21 : i32
      %parallel_loop3A_311 = arith.index_cast %parallel_loop3A_310 : i32 to index
      %parallel_loop3A_312 = arith.index_cast %parallel_loop3A_113 : i32 to index
      %parallel_loop3A_313 = tpu.vector_load %arg7[%parallel_loop3A_311, %parallel_loop3A_312] {strides = array<i32>} : memref<64x512xf32, #tpu.memory_space<vmem>>, vector<16xf32>,
      tpu.vector_store %arg7[%parallel_loop3A_311, %parallel_loop3A_312], %parallel_loop3A_261 {strides = array<i32>} : memref<64x512xf32, #tpu.memory_space<vmem>>, vector<16xf32>,
      %parallel_loop3A_314 = arith.constant 28 : i32
      %parallel_loop3A_315 = vector.broadcast %parallel_loop3A_314 : i32 to vector<16xi32>
      %parallel_loop3A_316 = arith.addi %parallel_loop3A_111, %parallel_loop3A_315 : vector<16xi32>
      %parallel_loop3A_317 = tpu.vector_load_idx %arg5[%parallel_loop3A_316] : memref<11280xf32, #tpu.memory_space<vmem>>[vector<16xi32>], vector<16xf32>,
      %parallel_loop3A_318 = arith.constant 22 : i32
      %parallel_loop3A_319 = arith.index_cast %parallel_loop3A_318 : i32 to index
      %parallel_loop3A_320 = arith.index_cast %parallel_loop3A_113 : i32 to index
      %parallel_loop3A_321 = tpu.vector_load %arg7[%parallel_loop3A_319, %parallel_loop3A_320] {strides = array<i32>} : memref<64x512xf32, #tpu.memory_space<vmem>>, vector<16xf32>,
      tpu.vector_store %arg7[%parallel_loop3A_319, %parallel_loop3A_320], %parallel_loop3A_269 {strides = array<i32>} : memref<64x512xf32, #tpu.memory_space<vmem>>, vector<16xf32>,
      %parallel_loop3A_322 = arith.constant 29 : i32
      %parallel_loop3A_323 = vector.broadcast %parallel_loop3A_322 : i32 to vector<16xi32>
      %parallel_loop3A_324 = arith.addi %parallel_loop3A_111, %parallel_loop3A_323 : vector<16xi32>
      %parallel_loop3A_325 = tpu.vector_load_idx %arg5[%parallel_loop3A_324] : memref<11280xf32, #tpu.memory_space<vmem>>[vector<16xi32>], vector<16xf32>,
      %parallel_loop3A_326 = arith.constant 23 : i32
      %parallel_loop3A_327 = arith.index_cast %parallel_loop3A_326 : i32 to index
      %parallel_loop3A_328 = arith.index_cast %parallel_loop3A_113 : i32 to index
      %parallel_loop3A_329 = tpu.vector_load %arg7[%parallel_loop3A_327, %parallel_loop3A_328] {strides = array<i32>} : memref<64x512xf32, #tpu.memory_space<vmem>>, vector<16xf32>,
      tpu.vector_store %arg7[%parallel_loop3A_327, %parallel_loop3A_328], %parallel_loop3A_277 {strides = array<i32>} : memref<64x512xf32, #tpu.memory_space<vmem>>, vector<16xf32>,
      %parallel_loop3A_330 = arith.constant 30 : i32
      %parallel_loop3A_331 = vector.broadcast %parallel_loop3A_330 : i32 to vector<16xi32>
      %parallel_loop3A_332 = arith.addi %parallel_loop3A_111, %parallel_loop3A_331 : vector<16xi32>
      %parallel_loop3A_333 = tpu.vector_load_idx %arg5[%parallel_loop3A_332] : memref<11280xf32, #tpu.memory_space<vmem>>[vector<16xi32>], vector<16xf32>,
      %parallel_loop3A_334 = arith.constant 24 : i32
      %parallel_loop3A_335 = arith.index_cast %parallel_loop3A_334 : i32 to index
      %parallel_loop3A_336 = arith.index_cast %parallel_loop3A_113 : i32 to index
      %parallel_loop3A_337 = tpu.vector_load %arg7[%parallel_loop3A_335, %parallel_loop3A_336] {strides = array<i32>} : memref<64x512xf32, #tpu.memory_space<vmem>>, vector<16xf32>,
      tpu.vector_store %arg7[%parallel_loop3A_335, %parallel_loop3A_336], %parallel_loop3A_285 {strides = array<i32>} : memref<64x512xf32, #tpu.memory_space<vmem>>, vector<16xf32>,
      %parallel_loop3A_338 = arith.constant 31 : i32
      %parallel_loop3A_339 = vector.broadcast %parallel_loop3A_338 : i32 to vector<16xi32>
      %parallel_loop3A_340 = arith.addi %parallel_loop3A_111, %parallel_loop3A_339 : vector<16xi32>
      %parallel_loop3A_341 = tpu.vector_load_idx %arg5[%parallel_loop3A_340] : memref<11280xf32, #tpu.memory_space<vmem>>[vector<16xi32>], vector<16xf32>,
      %parallel_loop3A_342 = arith.constant 25 : i32
      %parallel_loop3A_343 = arith.index_cast %parallel_loop3A_342 : i32 to index
      %parallel_loop3A_344 = arith.index_cast %parallel_loop3A_113 : i32 to index
      %parallel_loop3A_345 = tpu.vector_load %arg7[%parallel_loop3A_343, %parallel_loop3A_344] {strides = array<i32>} : memref<64x512xf32, #tpu.memory_space<vmem>>, vector<16xf32>,
      tpu.vector_store %arg7[%parallel_loop3A_343, %parallel_loop3A_344], %parallel_loop3A_293 {strides = array<i32>} : memref<64x512xf32, #tpu.memory_space<vmem>>, vector<16xf32>,
      %parallel_loop3A_346 = arith.constant 32 : i32
      %parallel_loop3A_347 = vector.broadcast %parallel_loop3A_346 : i32 to vector<16xi32>
      %parallel_loop3A_348 = arith.addi %parallel_loop3A_111, %parallel_loop3A_347 : vector<16xi32>
      %parallel_loop3A_349 = tpu.vector_load_idx %arg5[%parallel_loop3A_348] : memref<11280xf32, #tpu.memory_space<vmem>>[vector<16xi32>], vector<16xf32>,
      %parallel_loop3A_350 = arith.constant 26 : i32
      %parallel_loop3A_351 = arith.index_cast %parallel_loop3A_350 : i32 to index
      %parallel_loop3A_352 = arith.index_cast %parallel_loop3A_113 : i32 to index
      %parallel_loop3A_353 = tpu.vector_load %arg7[%parallel_loop3A_351, %parallel_loop3A_352] {strides = array<i32>} : memref<64x512xf32, #tpu.memory_space<vmem>>, vector<16xf32>,
      tpu.vector_store %arg7[%parallel_loop3A_351, %parallel_loop3A_352], %parallel_loop3A_301 {strides = array<i32>} : memref<64x512xf32, #tpu.memory_space<vmem>>, vector<16xf32>,
      %parallel_loop3A_354 = arith.constant 33 : i32
      %parallel_loop3A_355 = vector.broadcast %parallel_loop3A_354 : i32 to vector<16xi32>
      %parallel_loop3A_356 = arith.addi %parallel_loop3A_111, %parallel_loop3A_355 : vector<16xi32>
      %parallel_loop3A_357 = tpu.vector_load_idx %arg5[%parallel_loop3A_356] : memref<11280xf32, #tpu.memory_space<vmem>>[vector<16xi32>], vector<16xf32>,
      %parallel_loop3A_358 = arith.constant 27 : i32
      %parallel_loop3A_359 = arith.index_cast %parallel_loop3A_358 : i32 to index
      %parallel_loop3A_360 = arith.index_cast %parallel_loop3A_113 : i32 to index
      %parallel_loop3A_361 = tpu.vector_load %arg7[%parallel_loop3A_359, %parallel_loop3A_360] {strides = array<i32>} : memref<64x512xf32, #tpu.memory_space<vmem>>, vector<16xf32>,
      tpu.vector_store %arg7[%parallel_loop3A_359, %parallel_loop3A_360], %parallel_loop3A_309 {strides = array<i32>} : memref<64x512xf32, #tpu.memory_space<vmem>>, vector<16xf32>,
      %parallel_loop3A_362 = arith.constant 34 : i32
      %parallel_loop3A_363 = vector.broadcast %parallel_loop3A_362 : i32 to vector<16xi32>
      %parallel_loop3A_364 = arith.addi %parallel_loop3A_111, %parallel_loop3A_363 : vector<16xi32>
      %parallel_loop3A_365 = tpu.vector_load_idx %arg5[%parallel_loop3A_364] : memref<11280xf32, #tpu.memory_space<vmem>>[vector<16xi32>], vector<16xf32>,
      %parallel_loop3A_366 = arith.constant 28 : i32
      %parallel_loop3A_367 = arith.index_cast %parallel_loop3A_366 : i32 to index
      %parallel_loop3A_368 = arith.index_cast %parallel_loop3A_113 : i32 to index
      %parallel_loop3A_369 = tpu.vector_load %arg7[%parallel_loop3A_367, %parallel_loop3A_368] {strides = array<i32>} : memref<64x512xf32, #tpu.memory_space<vmem>>, vector<16xf32>,
      tpu.vector_store %arg7[%parallel_loop3A_367, %parallel_loop3A_368], %parallel_loop3A_317 {strides = array<i32>} : memref<64x512xf32, #tpu.memory_space<vmem>>, vector<16xf32>,
      %parallel_loop3A_370 = arith.constant 35 : i32
      %parallel_loop3A_371 = vector.broadcast %parallel_loop3A_370 : i32 to vector<16xi32>
      %parallel_loop3A_372 = arith.addi %parallel_loop3A_111, %parallel_loop3A_371 : vector<16xi32>
      %parallel_loop3A_373 = tpu.vector_load_idx %arg5[%parallel_loop3A_372] : memref<11280xf32, #tpu.memory_space<vmem>>[vector<16xi32>], vector<16xf32>,
      %parallel_loop3A_374 = arith.constant 29 : i32
      %parallel_loop3A_375 = arith.index_cast %parallel_loop3A_374 : i32 to index
      %parallel_loop3A_376 = arith.index_cast %parallel_loop3A_113 : i32 to index
      %parallel_loop3A_377 = tpu.vector_load %arg7[%parallel_loop3A_375, %parallel_loop3A_376] {strides = array<i32>} : memref<64x512xf32, #tpu.memory_space<vmem>>, vector<16xf32>,
      tpu.vector_store %arg7[%parallel_loop3A_375, %parallel_loop3A_376], %parallel_loop3A_325 {strides = array<i32>} : memref<64x512xf32, #tpu.memory_space<vmem>>, vector<16xf32>,
      %parallel_loop3A_378 = arith.constant 36 : i32
      %parallel_loop3A_379 = vector.broadcast %parallel_loop3A_378 : i32 to vector<16xi32>
      %parallel_loop3A_380 = arith.addi %parallel_loop3A_111, %parallel_loop3A_379 : vector<16xi32>
      %parallel_loop3A_381 = tpu.vector_load_idx %arg5[%parallel_loop3A_380] : memref<11280xf32, #tpu.memory_space<vmem>>[vector<16xi32>], vector<16xf32>,
      %parallel_loop3A_382 = arith.constant 30 : i32
      %parallel_loop3A_383 = arith.index_cast %parallel_loop3A_382 : i32 to index
      %parallel_loop3A_384 = arith.index_cast %parallel_loop3A_113 : i32 to index
      %parallel_loop3A_385 = tpu.vector_load %arg7[%parallel_loop3A_383, %parallel_loop3A_384] {strides = array<i32>} : memref<64x512xf32, #tpu.memory_space<vmem>>, vector<16xf32>,
      tpu.vector_store %arg7[%parallel_loop3A_383, %parallel_loop3A_384], %parallel_loop3A_333 {strides = array<i32>} : memref<64x512xf32, #tpu.memory_space<vmem>>, vector<16xf32>,
      %parallel_loop3A_386 = arith.constant 37 : i32
      %parallel_loop3A_387 = vector.broadcast %parallel_loop3A_386 : i32 to vector<16xi32>
      %parallel_loop3A_388 = arith.addi %parallel_loop3A_111, %parallel_loop3A_387 : vector<16xi32>
      %parallel_loop3A_389 = tpu.vector_load_idx %arg5[%parallel_loop3A_388] : memref<11280xf32, #tpu.memory_space<vmem>>[vector<16xi32>], vector<16xf32>,
      %parallel_loop3A_390 = arith.constant 31 : i32
      %parallel_loop3A_391 = arith.index_cast %parallel_loop3A_390 : i32 to index
      %parallel_loop3A_392 = arith.index_cast %parallel_loop3A_113 : i32 to index
      %parallel_loop3A_393 = tpu.vector_load %arg7[%parallel_loop3A_391, %parallel_loop3A_392] {strides = array<i32>} : memref<64x512xf32, #tpu.memory_space<vmem>>, vector<16xf32>,
      tpu.vector_store %arg7[%parallel_loop3A_391, %parallel_loop3A_392], %parallel_loop3A_341 {strides = array<i32>} : memref<64x512xf32, #tpu.memory_space<vmem>>, vector<16xf32>,
      %parallel_loop3A_394 = arith.constant 38 : i32
      %parallel_loop3A_395 = vector.broadcast %parallel_loop3A_394 : i32 to vector<16xi32>
      %parallel_loop3A_396 = arith.addi %parallel_loop3A_111, %parallel_loop3A_395 : vector<16xi32>
      %parallel_loop3A_397 = tpu.vector_load_idx %arg5[%parallel_loop3A_396] : memref<11280xf32, #tpu.memory_space<vmem>>[vector<16xi32>], vector<16xf32>,
      %parallel_loop3A_398 = arith.constant 32 : i32
      %parallel_loop3A_399 = arith.index_cast %parallel_loop3A_398 : i32 to index
      %parallel_loop3A_400 = arith.index_cast %parallel_loop3A_113 : i32 to index
      %parallel_loop3A_401 = tpu.vector_load %arg7[%parallel_loop3A_399, %parallel_loop3A_400] {strides = array<i32>} : memref<64x512xf32, #tpu.memory_space<vmem>>, vector<16xf32>,
      tpu.vector_store %arg7[%parallel_loop3A_399, %parallel_loop3A_400], %parallel_loop3A_349 {strides = array<i32>} : memref<64x512xf32, #tpu.memory_space<vmem>>, vector<16xf32>,
      %parallel_loop3A_402 = arith.constant 39 : i32
      %parallel_loop3A_403 = vector.broadcast %parallel_loop3A_402 : i32 to vector<16xi32>
      %parallel_loop3A_404 = arith.addi %parallel_loop3A_111, %parallel_loop3A_403 : vector<16xi32>
      %parallel_loop3A_405 = tpu.vector_load_idx %arg5[%parallel_loop3A_404] : memref<11280xf32, #tpu.memory_space<vmem>>[vector<16xi32>], vector<16xf32>,
      %parallel_loop3A_406 = arith.constant 33 : i32
      %parallel_loop3A_407 = arith.index_cast %parallel_loop3A_406 : i32 to index
      %parallel_loop3A_408 = arith.index_cast %parallel_loop3A_113 : i32 to index
      %parallel_loop3A_409 = tpu.vector_load %arg7[%parallel_loop3A_407, %parallel_loop3A_408] {strides = array<i32>} : memref<64x512xf32, #tpu.memory_space<vmem>>, vector<16xf32>,
      tpu.vector_store %arg7[%parallel_loop3A_407, %parallel_loop3A_408], %parallel_loop3A_357 {strides = array<i32>} : memref<64x512xf32, #tpu.memory_space<vmem>>, vector<16xf32>,
      %parallel_loop3A_410 = arith.constant 40 : i32
      %parallel_loop3A_411 = vector.broadcast %parallel_loop3A_410 : i32 to vector<16xi32>
      %parallel_loop3A_412 = arith.addi %parallel_loop3A_111, %parallel_loop3A_411 : vector<16xi32>
      %parallel_loop3A_413 = tpu.vector_load_idx %arg5[%parallel_loop3A_412] : memref<11280xf32, #tpu.memory_space<vmem>>[vector<16xi32>], vector<16xf32>,
      %parallel_loop3A_414 = arith.constant 34 : i32
      %parallel_loop3A_415 = arith.index_cast %parallel_loop3A_414 : i32 to index
      %parallel_loop3A_416 = arith.index_cast %parallel_loop3A_113 : i32 to index
      %parallel_loop3A_417 = tpu.vector_load %arg7[%parallel_loop3A_415, %parallel_loop3A_416] {strides = array<i32>} : memref<64x512xf32, #tpu.memory_space<vmem>>, vector<16xf32>,
      tpu.vector_store %arg7[%parallel_loop3A_415, %parallel_loop3A_416], %parallel_loop3A_365 {strides = array<i32>} : memref<64x512xf32, #tpu.memory_space<vmem>>, vector<16xf32>,
      %parallel_loop3A_418 = arith.constant 41 : i32
      %parallel_loop3A_419 = vector.broadcast %parallel_loop3A_418 : i32 to vector<16xi32>
      %parallel_loop3A_420 = arith.addi %parallel_loop3A_111, %parallel_loop3A_419 : vector<16xi32>
      %parallel_loop3A_421 = tpu.vector_load_idx %arg5[%parallel_loop3A_420] : memref<11280xf32, #tpu.memory_space<vmem>>[vector<16xi32>], vector<16xf32>,
      %parallel_loop3A_422 = arith.constant 35 : i32
      %parallel_loop3A_423 = arith.index_cast %parallel_loop3A_422 : i32 to index
      %parallel_loop3A_424 = arith.index_cast %parallel_loop3A_113 : i32 to index
      %parallel_loop3A_425 = tpu.vector_load %arg7[%parallel_loop3A_423, %parallel_loop3A_424] {strides = array<i32>} : memref<64x512xf32, #tpu.memory_space<vmem>>, vector<16xf32>,
      tpu.vector_store %arg7[%parallel_loop3A_423, %parallel_loop3A_424], %parallel_loop3A_373 {strides = array<i32>} : memref<64x512xf32, #tpu.memory_space<vmem>>, vector<16xf32>,
      %parallel_loop3A_426 = arith.constant 42 : i32
      %parallel_loop3A_427 = vector.broadcast %parallel_loop3A_426 : i32 to vector<16xi32>
      %parallel_loop3A_428 = arith.addi %parallel_loop3A_111, %parallel_loop3A_427 : vector<16xi32>
      %parallel_loop3A_429 = tpu.vector_load_idx %arg5[%parallel_loop3A_428] : memref<11280xf32, #tpu.memory_space<vmem>>[vector<16xi32>], vector<16xf32>,
      %parallel_loop3A_430 = arith.constant 36 : i32
      %parallel_loop3A_431 = arith.index_cast %parallel_loop3A_430 : i32 to index
      %parallel_loop3A_432 = arith.index_cast %parallel_loop3A_113 : i32 to index
      %parallel_loop3A_433 = tpu.vector_load %arg7[%parallel_loop3A_431, %parallel_loop3A_432] {strides = array<i32>} : memref<64x512xf32, #tpu.memory_space<vmem>>, vector<16xf32>,
      tpu.vector_store %arg7[%parallel_loop3A_431, %parallel_loop3A_432], %parallel_loop3A_381 {strides = array<i32>} : memref<64x512xf32, #tpu.memory_space<vmem>>, vector<16xf32>,
      %parallel_loop3A_434 = arith.constant 43 : i32
      %parallel_loop3A_435 = vector.broadcast %parallel_loop3A_434 : i32 to vector<16xi32>
      %parallel_loop3A_436 = arith.addi %parallel_loop3A_111, %parallel_loop3A_435 : vector<16xi32>
      %parallel_loop3A_437 = tpu.vector_load_idx %arg5[%parallel_loop3A_436] : memref<11280xf32, #tpu.memory_space<vmem>>[vector<16xi32>], vector<16xf32>,
      %parallel_loop3A_438 = arith.constant 37 : i32
      %parallel_loop3A_439 = arith.index_cast %parallel_loop3A_438 : i32 to index
      %parallel_loop3A_440 = arith.index_cast %parallel_loop3A_113 : i32 to index
      %parallel_loop3A_441 = tpu.vector_load %arg7[%parallel_loop3A_439, %parallel_loop3A_440] {strides = array<i32>} : memref<64x512xf32, #tpu.memory_space<vmem>>, vector<16xf32>,
      tpu.vector_store %arg7[%parallel_loop3A_439, %parallel_loop3A_440], %parallel_loop3A_389 {strides = array<i32>} : memref<64x512xf32, #tpu.memory_space<vmem>>, vector<16xf32>,
      %parallel_loop3A_442 = arith.constant 44 : i32
      %parallel_loop3A_443 = vector.broadcast %parallel_loop3A_442 : i32 to vector<16xi32>
      %parallel_loop3A_444 = arith.addi %parallel_loop3A_111, %parallel_loop3A_443 : vector<16xi32>
      %parallel_loop3A_445 = tpu.vector_load_idx %arg5[%parallel_loop3A_444] : memref<11280xf32, #tpu.memory_space<vmem>>[vector<16xi32>], vector<16xf32>,
      %parallel_loop3A_446 = arith.constant 38 : i32
      %parallel_loop3A_447 = arith.index_cast %parallel_loop3A_446 : i32 to index
      %parallel_loop3A_448 = arith.index_cast %parallel_loop3A_113 : i32 to index
      %parallel_loop3A_449 = tpu.vector_load %arg7[%parallel_loop3A_447, %parallel_loop3A_448] {strides = array<i32>} : memref<64x512xf32, #tpu.memory_space<vmem>>, vector<16xf32>,
      tpu.vector_store %arg7[%parallel_loop3A_447, %parallel_loop3A_448], %parallel_loop3A_397 {strides = array<i32>} : memref<64x512xf32, #tpu.memory_space<vmem>>, vector<16xf32>,
      %parallel_loop3A_450 = arith.constant 45 : i32
      %parallel_loop3A_451 = vector.broadcast %parallel_loop3A_450 : i32 to vector<16xi32>
      %parallel_loop3A_452 = arith.addi %parallel_loop3A_111, %parallel_loop3A_451 : vector<16xi32>
      %parallel_loop3A_453 = tpu.vector_load_idx %arg5[%parallel_loop3A_452] : memref<11280xf32, #tpu.memory_space<vmem>>[vector<16xi32>], vector<16xf32>,
      %parallel_loop3A_454 = arith.constant 39 : i32
      %parallel_loop3A_455 = arith.index_cast %parallel_loop3A_454 : i32 to index
      %parallel_loop3A_456 = arith.index_cast %parallel_loop3A_113 : i32 to index
      %parallel_loop3A_457 = tpu.vector_load %arg7[%parallel_loop3A_455, %parallel_loop3A_456] {strides = array<i32>} : memref<64x512xf32, #tpu.memory_space<vmem>>, vector<16xf32>,
      tpu.vector_store %arg7[%parallel_loop3A_455, %parallel_loop3A_456], %parallel_loop3A_405 {strides = array<i32>} : memref<64x512xf32, #tpu.memory_space<vmem>>, vector<16xf32>,
      %parallel_loop3A_458 = arith.constant 46 : i32
      %parallel_loop3A_459 = vector.broadcast %parallel_loop3A_458 : i32 to vector<16xi32>
      %parallel_loop3A_460 = arith.addi %parallel_loop3A_111, %parallel_loop3A_459 : vector<16xi32>
      %parallel_loop3A_461 = tpu.vector_load_idx %arg5[%parallel_loop3A_460] : memref<11280xf32, #tpu.memory_space<vmem>>[vector<16xi32>], vector<16xf32>,
      %parallel_loop3A_462 = arith.constant 40 : i32
      %parallel_loop3A_463 = arith.index_cast %parallel_loop3A_462 : i32 to index
      %parallel_loop3A_464 = arith.index_cast %parallel_loop3A_113 : i32 to index
      %parallel_loop3A_465 = tpu.vector_load %arg7[%parallel_loop3A_463, %parallel_loop3A_464] {strides = array<i32>} : memref<64x512xf32, #tpu.memory_space<vmem>>, vector<16xf32>,
      tpu.vector_store %arg7[%parallel_loop3A_463, %parallel_loop3A_464], %parallel_loop3A_413 {strides = array<i32>} : memref<64x512xf32, #tpu.memory_space<vmem>>, vector<16xf32>,
      %parallel_loop3A_466 = arith.constant 47 : i32
      %parallel_loop3A_467 = vector.broadcast %parallel_loop3A_466 : i32 to vector<16xi32>
      %parallel_loop3A_468 = arith.addi %parallel_loop3A_111, %parallel_loop3A_467 : vector<16xi32>
      %parallel_loop3A_469 = tpu.vector_load_idx %arg5[%parallel_loop3A_468] : memref<11280xf32, #tpu.memory_space<vmem>>[vector<16xi32>], vector<16xf32>,
      %parallel_loop3A_470 = arith.constant 41 : i32
      %parallel_loop3A_471 = arith.index_cast %parallel_loop3A_470 : i32 to index
      %parallel_loop3A_472 = arith.index_cast %parallel_loop3A_113 : i32 to index
      %parallel_loop3A_473 = tpu.vector_load %arg7[%parallel_loop3A_471, %parallel_loop3A_472] {strides = array<i32>} : memref<64x512xf32, #tpu.memory_space<vmem>>, vector<16xf32>,
      tpu.vector_store %arg7[%parallel_loop3A_471, %parallel_loop3A_472], %parallel_loop3A_421 {strides = array<i32>} : memref<64x512xf32, #tpu.memory_space<vmem>>, vector<16xf32>,
      %parallel_loop3A_474 = arith.constant 48 : i32
      %parallel_loop3A_475 = vector.broadcast %parallel_loop3A_474 : i32 to vector<16xi32>
      %parallel_loop3A_476 = arith.addi %parallel_loop3A_111, %parallel_loop3A_475 : vector<16xi32>
      %parallel_loop3A_477 = tpu.vector_load_idx %arg5[%parallel_loop3A_476] : memref<11280xf32, #tpu.memory_space<vmem>>[vector<16xi32>], vector<16xf32>,
      %parallel_loop3A_478 = arith.constant 42 : i32
      %parallel_loop3A_479 = arith.index_cast %parallel_loop3A_478 : i32 to index
      %parallel_loop3A_480 = arith.index_cast %parallel_loop3A_113 : i32 to index
      %parallel_loop3A_481 = tpu.vector_load %arg7[%parallel_loop3A_479, %parallel_loop3A_480] {strides = array<i32>} : memref<64x512xf32, #tpu.memory_space<vmem>>, vector<16xf32>,
      tpu.vector_store %arg7[%parallel_loop3A_479, %parallel_loop3A_480], %parallel_loop3A_429 {strides = array<i32>} : memref<64x512xf32, #tpu.memory_space<vmem>>, vector<16xf32>,
      %parallel_loop3A_482 = arith.constant 49 : i32
      %parallel_loop3A_483 = vector.broadcast %parallel_loop3A_482 : i32 to vector<16xi32>
      %parallel_loop3A_484 = arith.addi %parallel_loop3A_111, %parallel_loop3A_483 : vector<16xi32>
      %parallel_loop3A_485 = tpu.vector_load_idx %arg5[%parallel_loop3A_484] : memref<11280xf32, #tpu.memory_space<vmem>>[vector<16xi32>], vector<16xf32>,
      %parallel_loop3A_486 = arith.constant 43 : i32
      %parallel_loop3A_487 = arith.index_cast %parallel_loop3A_486 : i32 to index
      %parallel_loop3A_488 = arith.index_cast %parallel_loop3A_113 : i32 to index
      %parallel_loop3A_489 = tpu.vector_load %arg7[%parallel_loop3A_487, %parallel_loop3A_488] {strides = array<i32>} : memref<64x512xf32, #tpu.memory_space<vmem>>, vector<16xf32>,
      tpu.vector_store %arg7[%parallel_loop3A_487, %parallel_loop3A_488], %parallel_loop3A_437 {strides = array<i32>} : memref<64x512xf32, #tpu.memory_space<vmem>>, vector<16xf32>,
      %parallel_loop3A_490 = arith.constant 50 : i32
      %parallel_loop3A_491 = vector.broadcast %parallel_loop3A_490 : i32 to vector<16xi32>
      %parallel_loop3A_492 = arith.addi %parallel_loop3A_111, %parallel_loop3A_491 : vector<16xi32>
      %parallel_loop3A_493 = tpu.vector_load_idx %arg5[%parallel_loop3A_492] : memref<11280xf32, #tpu.memory_space<vmem>>[vector<16xi32>], vector<16xf32>,
      %parallel_loop3A_494 = arith.constant 44 : i32
      %parallel_loop3A_495 = arith.index_cast %parallel_loop3A_494 : i32 to index
      %parallel_loop3A_496 = arith.index_cast %parallel_loop3A_113 : i32 to index
      %parallel_loop3A_497 = tpu.vector_load %arg7[%parallel_loop3A_495, %parallel_loop3A_496] {strides = array<i32>} : memref<64x512xf32, #tpu.memory_space<vmem>>, vector<16xf32>,
      tpu.vector_store %arg7[%parallel_loop3A_495, %parallel_loop3A_496], %parallel_loop3A_445 {strides = array<i32>} : memref<64x512xf32, #tpu.memory_space<vmem>>, vector<16xf32>,
      %parallel_loop3A_498 = arith.constant 51 : i32
      %parallel_loop3A_499 = vector.broadcast %parallel_loop3A_498 : i32 to vector<16xi32>
      %parallel_loop3A_500 = arith.addi %parallel_loop3A_111, %parallel_loop3A_499 : vector<16xi32>
      %parallel_loop3A_501 = tpu.vector_load_idx %arg5[%parallel_loop3A_500] : memref<11280xf32, #tpu.memory_space<vmem>>[vector<16xi32>], vector<16xf32>,
      %parallel_loop3A_502 = arith.constant 45 : i32
      %parallel_loop3A_503 = arith.index_cast %parallel_loop3A_502 : i32 to index
      %parallel_loop3A_504 = arith.index_cast %parallel_loop3A_113 : i32 to index
      %parallel_loop3A_505 = tpu.vector_load %arg7[%parallel_loop3A_503, %parallel_loop3A_504] {strides = array<i32>} : memref<64x512xf32, #tpu.memory_space<vmem>>, vector<16xf32>,
      tpu.vector_store %arg7[%parallel_loop3A_503, %parallel_loop3A_504], %parallel_loop3A_453 {strides = array<i32>} : memref<64x512xf32, #tpu.memory_space<vmem>>, vector<16xf32>,
      %parallel_loop3A_506 = arith.constant 52 : i32
      %parallel_loop3A_507 = vector.broadcast %parallel_loop3A_506 : i32 to vector<16xi32>
      %parallel_loop3A_508 = arith.addi %parallel_loop3A_111, %parallel_loop3A_507 : vector<16xi32>
      %parallel_loop3A_509 = tpu.vector_load_idx %arg5[%parallel_loop3A_508] : memref<11280xf32, #tpu.memory_space<vmem>>[vector<16xi32>], vector<16xf32>,
      %parallel_loop3A_510 = arith.constant 46 : i32
      %parallel_loop3A_511 = arith.index_cast %parallel_loop3A_510 : i32 to index
      %parallel_loop3A_512 = arith.index_cast %parallel_loop3A_113 : i32 to index
      %parallel_loop3A_513 = tpu.vector_load %arg7[%parallel_loop3A_511, %parallel_loop3A_512] {strides = array<i32>} : memref<64x512xf32, #tpu.memory_space<vmem>>, vector<16xf32>,
      tpu.vector_store %arg7[%parallel_loop3A_511, %parallel_loop3A_512], %parallel_loop3A_461 {strides = array<i32>} : memref<64x512xf32, #tpu.memory_space<vmem>>, vector<16xf32>,
      %parallel_loop3A_514 = arith.constant 53 : i32
      %parallel_loop3A_515 = vector.broadcast %parallel_loop3A_514 : i32 to vector<16xi32>
      %parallel_loop3A_516 = arith.addi %parallel_loop3A_111, %parallel_loop3A_515 : vector<16xi32>
      %parallel_loop3A_517 = tpu.vector_load_idx %arg5[%parallel_loop3A_516] : memref<11280xf32, #tpu.memory_space<vmem>>[vector<16xi32>], vector<16xf32>,
      %parallel_loop3A_518 = arith.constant 47 : i32
      %parallel_loop3A_519 = arith.index_cast %parallel_loop3A_518 : i32 to index
      %parallel_loop3A_520 = arith.index_cast %parallel_loop3A_113 : i32 to index
      %parallel_loop3A_521 = tpu.vector_load %arg7[%parallel_loop3A_519, %parallel_loop3A_520] {strides = array<i32>} : memref<64x512xf32, #tpu.memory_space<vmem>>, vector<16xf32>,
      tpu.vector_store %arg7[%parallel_loop3A_519, %parallel_loop3A_520], %parallel_loop3A_469 {strides = array<i32>} : memref<64x512xf32, #tpu.memory_space<vmem>>, vector<16xf32>,
      %parallel_loop3A_522 = arith.constant 54 : i32
      %parallel_loop3A_523 = vector.broadcast %parallel_loop3A_522 : i32 to vector<16xi32>
      %parallel_loop3A_524 = arith.addi %parallel_loop3A_111, %parallel_loop3A_523 : vector<16xi32>
      %parallel_loop3A_525 = tpu.vector_load_idx %arg5[%parallel_loop3A_524] : memref<11280xf32, #tpu.memory_space<vmem>>[vector<16xi32>], vector<16xf32>,
      %parallel_loop3A_526 = arith.constant 48 : i32
      %parallel_loop3A_527 = arith.index_cast %parallel_loop3A_526 : i32 to index
      %parallel_loop3A_528 = arith.index_cast %parallel_loop3A_113 : i32 to index
      %parallel_loop3A_529 = tpu.vector_load %arg7[%parallel_loop3A_527, %parallel_loop3A_528] {strides = array<i32>} : memref<64x512xf32, #tpu.memory_space<vmem>>, vector<16xf32>,
      tpu.vector_store %arg7[%parallel_loop3A_527, %parallel_loop3A_528], %parallel_loop3A_477 {strides = array<i32>} : memref<64x512xf32, #tpu.memory_space<vmem>>, vector<16xf32>,
      %parallel_loop3A_530 = arith.constant 55 : i32
      %parallel_loop3A_531 = vector.broadcast %parallel_loop3A_530 : i32 to vector<16xi32>
      %parallel_loop3A_532 = arith.addi %parallel_loop3A_111, %parallel_loop3A_531 : vector<16xi32>
      %parallel_loop3A_533 = tpu.vector_load_idx %arg5[%parallel_loop3A_532] : memref<11280xf32, #tpu.memory_space<vmem>>[vector<16xi32>], vector<16xf32>,
      %parallel_loop3A_534 = arith.constant 49 : i32
      %parallel_loop3A_535 = arith.index_cast %parallel_loop3A_534 : i32 to index
      %parallel_loop3A_536 = arith.index_cast %parallel_loop3A_113 : i32 to index
      %parallel_loop3A_537 = tpu.vector_load %arg7[%parallel_loop3A_535, %parallel_loop3A_536] {strides = array<i32>} : memref<64x512xf32, #tpu.memory_space<vmem>>, vector<16xf32>,
      tpu.vector_store %arg7[%parallel_loop3A_535, %parallel_loop3A_536], %parallel_loop3A_485 {strides = array<i32>} : memref<64x512xf32, #tpu.memory_space<vmem>>, vector<16xf32>,
      %parallel_loop3A_538 = arith.constant 56 : i32
      %parallel_loop3A_539 = vector.broadcast %parallel_loop3A_538 : i32 to vector<16xi32>
      %parallel_loop3A_540 = arith.addi %parallel_loop3A_111, %parallel_loop3A_539 : vector<16xi32>
      %parallel_loop3A_541 = tpu.vector_load_idx %arg5[%parallel_loop3A_540] : memref<11280xf32, #tpu.memory_space<vmem>>[vector<16xi32>], vector<16xf32>,
      %parallel_loop3A_542 = arith.constant 50 : i32
      %parallel_loop3A_543 = arith.index_cast %parallel_loop3A_542 : i32 to index
      %parallel_loop3A_544 = arith.index_cast %parallel_loop3A_113 : i32 to index
      %parallel_loop3A_545 = tpu.vector_load %arg7[%parallel_loop3A_543, %parallel_loop3A_544] {strides = array<i32>} : memref<64x512xf32, #tpu.memory_space<vmem>>, vector<16xf32>,
      tpu.vector_store %arg7[%parallel_loop3A_543, %parallel_loop3A_544], %parallel_loop3A_493 {strides = array<i32>} : memref<64x512xf32, #tpu.memory_space<vmem>>, vector<16xf32>,
      %parallel_loop3A_546 = arith.constant 57 : i32
      %parallel_loop3A_547 = vector.broadcast %parallel_loop3A_546 : i32 to vector<16xi32>
      %parallel_loop3A_548 = arith.addi %parallel_loop3A_111, %parallel_loop3A_547 : vector<16xi32>
      %parallel_loop3A_549 = tpu.vector_load_idx %arg5[%parallel_loop3A_548] : memref<11280xf32, #tpu.memory_space<vmem>>[vector<16xi32>], vector<16xf32>,
      %parallel_loop3A_550 = arith.constant 51 : i32
      %parallel_loop3A_551 = arith.index_cast %parallel_loop3A_550 : i32 to index
      %parallel_loop3A_552 = arith.index_cast %parallel_loop3A_113 : i32 to index
      %parallel_loop3A_553 = tpu.vector_load %arg7[%parallel_loop3A_551, %parallel_loop3A_552] {strides = array<i32>} : memref<64x512xf32, #tpu.memory_space<vmem>>, vector<16xf32>,
      tpu.vector_store %arg7[%parallel_loop3A_551, %parallel_loop3A_552], %parallel_loop3A_501 {strides = array<i32>} : memref<64x512xf32, #tpu.memory_space<vmem>>, vector<16xf32>,
      %parallel_loop3A_554 = arith.constant 58 : i32
      %parallel_loop3A_555 = vector.broadcast %parallel_loop3A_554 : i32 to vector<16xi32>
      %parallel_loop3A_556 = arith.addi %parallel_loop3A_111, %parallel_loop3A_555 : vector<16xi32>
      %parallel_loop3A_557 = tpu.vector_load_idx %arg5[%parallel_loop3A_556] : memref<11280xf32, #tpu.memory_space<vmem>>[vector<16xi32>], vector<16xf32>,
      %parallel_loop3A_558 = arith.constant 52 : i32
      %parallel_loop3A_559 = arith.index_cast %parallel_loop3A_558 : i32 to index
      %parallel_loop3A_560 = arith.index_cast %parallel_loop3A_113 : i32 to index
      %parallel_loop3A_561 = tpu.vector_load %arg7[%parallel_loop3A_559, %parallel_loop3A_560] {strides = array<i32>} : memref<64x512xf32, #tpu.memory_space<vmem>>, vector<16xf32>,
      tpu.vector_store %arg7[%parallel_loop3A_559, %parallel_loop3A_560], %parallel_loop3A_509 {strides = array<i32>} : memref<64x512xf32, #tpu.memory_space<vmem>>, vector<16xf32>,
      %parallel_loop3A_562 = arith.constant 59 : i32
      %parallel_loop3A_563 = vector.broadcast %parallel_loop3A_562 : i32 to vector<16xi32>
      %parallel_loop3A_564 = arith.addi %parallel_loop3A_111, %parallel_loop3A_563 : vector<16xi32>
      %parallel_loop3A_565 = tpu.vector_load_idx %arg5[%parallel_loop3A_564] : memref<11280xf32, #tpu.memory_space<vmem>>[vector<16xi32>], vector<16xf32>,
      %parallel_loop3A_566 = arith.constant 53 : i32
      %parallel_loop3A_567 = arith.index_cast %parallel_loop3A_566 : i32 to index
      %parallel_loop3A_568 = arith.index_cast %parallel_loop3A_113 : i32 to index
      %parallel_loop3A_569 = tpu.vector_load %arg7[%parallel_loop3A_567, %parallel_loop3A_568] {strides = array<i32>} : memref<64x512xf32, #tpu.memory_space<vmem>>, vector<16xf32>,
      tpu.vector_store %arg7[%parallel_loop3A_567, %parallel_loop3A_568], %parallel_loop3A_517 {strides = array<i32>} : memref<64x512xf32, #tpu.memory_space<vmem>>, vector<16xf32>,
      %parallel_loop3A_570 = arith.constant 60 : i32
      %parallel_loop3A_571 = vector.broadcast %parallel_loop3A_570 : i32 to vector<16xi32>
      %parallel_loop3A_572 = arith.addi %parallel_loop3A_111, %parallel_loop3A_571 : vector<16xi32>
      %parallel_loop3A_573 = tpu.vector_load_idx %arg5[%parallel_loop3A_572] : memref<11280xf32, #tpu.memory_space<vmem>>[vector<16xi32>], vector<16xf32>,
      %parallel_loop3A_574 = arith.constant 54 : i32
      %parallel_loop3A_575 = arith.index_cast %parallel_loop3A_574 : i32 to index
      %parallel_loop3A_576 = arith.index_cast %parallel_loop3A_113 : i32 to index
      %parallel_loop3A_577 = tpu.vector_load %arg7[%parallel_loop3A_575, %parallel_loop3A_576] {strides = array<i32>} : memref<64x512xf32, #tpu.memory_space<vmem>>, vector<16xf32>,
      tpu.vector_store %arg7[%parallel_loop3A_575, %parallel_loop3A_576], %parallel_loop3A_525 {strides = array<i32>} : memref<64x512xf32, #tpu.memory_space<vmem>>, vector<16xf32>,
      %parallel_loop3A_578 = arith.constant 61 : i32
      %parallel_loop3A_579 = vector.broadcast %parallel_loop3A_578 : i32 to vector<16xi32>
      %parallel_loop3A_580 = arith.addi %parallel_loop3A_111, %parallel_loop3A_579 : vector<16xi32>
      %parallel_loop3A_581 = tpu.vector_load_idx %arg5[%parallel_loop3A_580] : memref<11280xf32, #tpu.memory_space<vmem>>[vector<16xi32>], vector<16xf32>,
      %parallel_loop3A_582 = arith.constant 55 : i32
      %parallel_loop3A_583 = arith.index_cast %parallel_loop3A_582 : i32 to index
      %parallel_loop3A_584 = arith.index_cast %parallel_loop3A_113 : i32 to index
      %parallel_loop3A_585 = tpu.vector_load %arg7[%parallel_loop3A_583, %parallel_loop3A_584] {strides = array<i32>} : memref<64x512xf32, #tpu.memory_space<vmem>>, vector<16xf32>,
      tpu.vector_store %arg7[%parallel_loop3A_583, %parallel_loop3A_584], %parallel_loop3A_533 {strides = array<i32>} : memref<64x512xf32, #tpu.memory_space<vmem>>, vector<16xf32>,
      %parallel_loop3A_586 = arith.constant 62 : i32
      %parallel_loop3A_587 = vector.broadcast %parallel_loop3A_586 : i32 to vector<16xi32>
      %parallel_loop3A_588 = arith.addi %parallel_loop3A_111, %parallel_loop3A_587 : vector<16xi32>
      %parallel_loop3A_589 = tpu.vector_load_idx %arg5[%parallel_loop3A_588] : memref<11280xf32, #tpu.memory_space<vmem>>[vector<16xi32>], vector<16xf32>,
      %parallel_loop3A_590 = arith.constant 56 : i32
      %parallel_loop3A_591 = arith.index_cast %parallel_loop3A_590 : i32 to index
      %parallel_loop3A_592 = arith.index_cast %parallel_loop3A_113 : i32 to index
      %parallel_loop3A_593 = tpu.vector_load %arg7[%parallel_loop3A_591, %parallel_loop3A_592] {strides = array<i32>} : memref<64x512xf32, #tpu.memory_space<vmem>>, vector<16xf32>,
      tpu.vector_store %arg7[%parallel_loop3A_591, %parallel_loop3A_592], %parallel_loop3A_541 {strides = array<i32>} : memref<64x512xf32, #tpu.memory_space<vmem>>, vector<16xf32>,
      %parallel_loop3A_594 = arith.constant 63 : i32
      %parallel_loop3A_595 = vector.broadcast %parallel_loop3A_594 : i32 to vector<16xi32>
      %parallel_loop3A_596 = arith.addi %parallel_loop3A_111, %parallel_loop3A_595 : vector<16xi32>
      %parallel_loop3A_597 = tpu.vector_load_idx %arg5[%parallel_loop3A_596] : memref<11280xf32, #tpu.memory_space<vmem>>[vector<16xi32>], vector<16xf32>,
      %parallel_loop3A_598 = arith.constant 57 : i32
      %parallel_loop3A_599 = arith.index_cast %parallel_loop3A_598 : i32 to index
      %parallel_loop3A_600 = arith.index_cast %parallel_loop3A_113 : i32 to index
      %parallel_loop3A_601 = tpu.vector_load %arg7[%parallel_loop3A_599, %parallel_loop3A_600] {strides = array<i32>} : memref<64x512xf32, #tpu.memory_space<vmem>>, vector<16xf32>,
      tpu.vector_store %arg7[%parallel_loop3A_599, %parallel_loop3A_600], %parallel_loop3A_549 {strides = array<i32>} : memref<64x512xf32, #tpu.memory_space<vmem>>, vector<16xf32>,
      %parallel_loop3A_602 = arith.constant 58 : i32
      %parallel_loop3A_603 = arith.index_cast %parallel_loop3A_602 : i32 to index
      %parallel_loop3A_604 = arith.index_cast %parallel_loop3A_113 : i32 to index
      %parallel_loop3A_605 = tpu.vector_load %arg7[%parallel_loop3A_603, %parallel_loop3A_604] {strides = array<i32>} : memref<64x512xf32, #tpu.memory_space<vmem>>, vector<16xf32>,
      tpu.vector_store %arg7[%parallel_loop3A_603, %parallel_loop3A_604], %parallel_loop3A_557 {strides = array<i32>} : memref<64x512xf32, #tpu.memory_space<vmem>>, vector<16xf32>,
      %parallel_loop3A_606 = arith.constant 59 : i32
      %parallel_loop3A_607 = arith.index_cast %parallel_loop3A_606 : i32 to index
      %parallel_loop3A_608 = arith.index_cast %parallel_loop3A_113 : i32 to index
      %parallel_loop3A_609 = tpu.vector_load %arg7[%parallel_loop3A_607, %parallel_loop3A_608] {strides = array<i32>} : memref<64x512xf32, #tpu.memory_space<vmem>>, vector<16xf32>,
      tpu.vector_store %arg7[%parallel_loop3A_607, %parallel_loop3A_608], %parallel_loop3A_565 {strides = array<i32>} : memref<64x512xf32, #tpu.memory_space<vmem>>, vector<16xf32>,
      %parallel_loop3A_610 = arith.constant 60 : i32
      %parallel_loop3A_611 = arith.index_cast %parallel_loop3A_610 : i32 to index
      %parallel_loop3A_612 = arith.index_cast %parallel_loop3A_113 : i32 to index
      %parallel_loop3A_613 = tpu.vector_load %arg7[%parallel_loop3A_611, %parallel_loop3A_612] {strides = array<i32>} : memref<64x512xf32, #tpu.memory_space<vmem>>, vector<16xf32>,
      tpu.vector_store %arg7[%parallel_loop3A_611, %parallel_loop3A_612], %parallel_loop3A_573 {strides = array<i32>} : memref<64x512xf32, #tpu.memory_space<vmem>>, vector<16xf32>,
      %parallel_loop3A_614 = arith.constant 61 : i32
      %parallel_loop3A_615 = arith.index_cast %parallel_loop3A_614 : i32 to index
      %parallel_loop3A_616 = arith.index_cast %parallel_loop3A_113 : i32 to index
      %parallel_loop3A_617 = tpu.vector_load %arg7[%parallel_loop3A_615, %parallel_loop3A_616] {strides = array<i32>} : memref<64x512xf32, #tpu.memory_space<vmem>>, vector<16xf32>,
      tpu.vector_store %arg7[%parallel_loop3A_615, %parallel_loop3A_616], %parallel_loop3A_581 {strides = array<i32>} : memref<64x512xf32, #tpu.memory_space<vmem>>, vector<16xf32>,
      %parallel_loop3A_618 = arith.constant 62 : i32
      %parallel_loop3A_619 = arith.index_cast %parallel_loop3A_618 : i32 to index
      %parallel_loop3A_620 = arith.index_cast %parallel_loop3A_113 : i32 to index
      %parallel_loop3A_621 = tpu.vector_load %arg7[%parallel_loop3A_619, %parallel_loop3A_620] {strides = array<i32>} : memref<64x512xf32, #tpu.memory_space<vmem>>, vector<16xf32>,
      tpu.vector_store %arg7[%parallel_loop3A_619, %parallel_loop3A_620], %parallel_loop3A_589 {strides = array<i32>} : memref<64x512xf32, #tpu.memory_space<vmem>>, vector<16xf32>,
      %parallel_loop3A_622 = arith.constant 63 : i32
      %parallel_loop3A_623 = arith.index_cast %parallel_loop3A_622 : i32 to index
      %parallel_loop3A_624 = arith.index_cast %parallel_loop3A_113 : i32 to index
      %parallel_loop3A_625 = tpu.vector_load %arg7[%parallel_loop3A_623, %parallel_loop3A_624] {strides = array<i32>} : memref<64x512xf32, #tpu.memory_space<vmem>>, vector<16xf32>,
      tpu.vector_store %arg7[%parallel_loop3A_623, %parallel_loop3A_624], %parallel_loop3A_597 {strides = array<i32>} : memref<64x512xf32, #tpu.memory_space<vmem>>, vector<16xf32>,
    } {sc.loop_unroll_factor = 1 : i64, sc.parallel_access}
    %add3A_8 = arith.constant 0 : i32
    %add3A_9 = arith.addi %mul3A_2, %add3A_8 : i32
    %dma_start3A = arith.constant 0 : i32
    %dma_start3A_10 = arith.constant 0 : i32
    %dma_start3A_11 = tpu.memref_slice %arg7[%dma_start3A, %dma_start3A_10] : memref<64x512xf32, #tpu.memory_space<vmem>> -> memref<64x128xf32, #tpu.memory_space<vmem>>
    %dma_start3A_12 = arith.constant 0 : i32
    %dma_start3A_13 = tpu.memref_slice %arg4[%dma_start3A_12, %add3A_9] : memref<64x16384xf32, #tpu.memory_space<hbm>> -> memref<64x128xf32, #tpu.memory_space<hbm>>
    %dma_start3A_14 = arith.constant 0 : i32
    %dma_start3A_15 = tpu.memref_slice %arg4[%dma_start3A_14, %add3A_9] : memref<64x16384xf32, #tpu.memory_space<hbm>> -> memref<64x128xf32, #tpu.memory_space<hbm>>
    %dma_start3A_16 = arith.constant 0 : i32
    %dma_start3A_17 = arith.constant 0 : i32
    %dma_start3A_18 = tpu.memref_slice %arg7[%dma_start3A_16, %dma_start3A_17] : memref<64x512xf32, #tpu.memory_space<vmem>> -> memref<64x128xf32, #tpu.memory_space<vmem>>
    tpu.enqueue_dma source(%dma_start3A_18 : memref<64x128xf32, #tpu.memory_space<vmem>>) target(%dma_start3A_15 : memref<64x128xf32, #tpu.memory_space<hbm>>) target_semaphore(%arg8 : memref<!tpu.dma_semaphore, #tpu.memory_space<semaphore_mem>>)
    %parallel_loop3A_19 = arith.constant 8 : i32
    %parallel_loop3A_20 = arith.constant 16 : i32
    %parallel_loop3A_21 = arith.constant 1 : i32
    scf.for %parallel_loop3A_103 = %parallel_loop3A_19 to %parallel_loop3A_20 step %parallel_loop3A_21  : i32 {
      %parallel_loop3A_104 = arith.constant 16 : i32
      %parallel_loop3A_105 = arith.muli %parallel_loop3A_103, %parallel_loop3A_104 : i32
      %parallel_loop3A_106 = arith.index_cast %parallel_loop3A_105 : i32 to index
      %parallel_loop3A_107 = tpu.vector_load %arg6[%parallel_loop3A_106] {strides = array<i32>} : memref<512xi32, #tpu.memory_space<vmem>>, vector<16xi32>,
      %parallel_loop3A_108 = arith.constant 64 : i32
      %parallel_loop3A_109 = vector.broadcast %parallel_loop3A_108 : i32 to vector<16xi32>
      %parallel_loop3A_110 = arith.muli %parallel_loop3A_107, %parallel_loop3A_109 : vector<16xi32>
      %parallel_loop3A_111 = arith.addi %parallel_loop3A_110, %mul3A_5 : vector<16xi32>
      %parallel_loop3A_112 = arith.constant 16 : i32
      %parallel_loop3A_113 = arith.muli %parallel_loop3A_103, %parallel_loop3A_112 : i32
      %parallel_loop3A_114 = arith.constant 0 : i32
      %parallel_loop3A_115 = vector.broadcast %parallel_loop3A_114 : i32 to vector<16xi32>
      %parallel_loop3A_116 = arith.addi %parallel_loop3A_111, %parallel_loop3A_115 : vector<16xi32>
      %parallel_loop3A_117 = tpu.vector_load_idx %arg5[%parallel_loop3A_116] : memref<11280xf32, #tpu.memory_space<vmem>>[vector<16xi32>], vector<16xf32>,
      %parallel_loop3A_118 = arith.constant 1 : i32
      %parallel_loop3A_119 = vector.broadcast %parallel_loop3A_118 : i32 to vector<16xi32>
      %parallel_loop3A_120 = arith.addi %parallel_loop3A_111, %parallel_loop3A_119 : vector<16xi32>
      %parallel_loop3A_121 = tpu.vector_load_idx %arg5[%parallel_loop3A_120] : memref<11280xf32, #tpu.memory_space<vmem>>[vector<16xi32>], vector<16xf32>,
      %parallel_loop3A_122 = arith.constant 2 : i32
      %parallel_loop3A_123 = vector.broadcast %parallel_loop3A_122 : i32 to vector<16xi32>
      %parallel_loop3A_124 = arith.addi %parallel_loop3A_111, %parallel_loop3A_123 : vector<16xi32>
      %parallel_loop3A_125 = tpu.vector_load_idx %arg5[%parallel_loop3A_124] : memref<11280xf32, #tpu.memory_space<vmem>>[vector<16xi32>], vector<16xf32>,
      %parallel_loop3A_126 = arith.constant 3 : i32
      %parallel_loop3A_127 = vector.broadcast %parallel_loop3A_126 : i32 to vector<16xi32>
      %parallel_loop3A_128 = arith.addi %parallel_loop3A_111, %parallel_loop3A_127 : vector<16xi32>
      %parallel_loop3A_129 = tpu.vector_load_idx %arg5[%parallel_loop3A_128] : memref<11280xf32, #tpu.memory_space<vmem>>[vector<16xi32>], vector<16xf32>,
      %parallel_loop3A_130 = arith.constant 4 : i32
      %parallel_loop3A_131 = vector.broadcast %parallel_loop3A_130 : i32 to vector<16xi32>
      %parallel_loop3A_132 = arith.addi %parallel_loop3A_111, %parallel_loop3A_131 : vector<16xi32>
      %parallel_loop3A_133 = tpu.vector_load_idx %arg5[%parallel_loop3A_132] : memref<11280xf32, #tpu.memory_space<vmem>>[vector<16xi32>], vector<16xf32>,
      %parallel_loop3A_134 = arith.constant 5 : i32
      %parallel_loop3A_135 = vector.broadcast %parallel_loop3A_134 : i32 to vector<16xi32>
      %parallel_loop3A_136 = arith.addi %parallel_loop3A_111, %parallel_loop3A_135 : vector<16xi32>
      %parallel_loop3A_137 = tpu.vector_load_idx %arg5[%parallel_loop3A_136] : memref<11280xf32, #tpu.memory_space<vmem>>[vector<16xi32>], vector<16xf32>,
      %parallel_loop3A_138 = arith.constant 6 : i32
      %parallel_loop3A_139 = vector.broadcast %parallel_loop3A_138 : i32 to vector<16xi32>
      %parallel_loop3A_140 = arith.addi %parallel_loop3A_111, %parallel_loop3A_139 : vector<16xi32>
      %parallel_loop3A_141 = tpu.vector_load_idx %arg5[%parallel_loop3A_140] : memref<11280xf32, #tpu.memory_space<vmem>>[vector<16xi32>], vector<16xf32>,
      %parallel_loop3A_142 = arith.constant 0 : i32
      %parallel_loop3A_143 = arith.index_cast %parallel_loop3A_142 : i32 to index
      %parallel_loop3A_144 = arith.index_cast %parallel_loop3A_113 : i32 to index
      %parallel_loop3A_145 = tpu.vector_load %arg7[%parallel_loop3A_143, %parallel_loop3A_144] {strides = array<i32>} : memref<64x512xf32, #tpu.memory_space<vmem>>, vector<16xf32>,
      tpu.vector_store %arg7[%parallel_loop3A_143, %parallel_loop3A_144], %parallel_loop3A_117 {strides = array<i32>} : memref<64x512xf32, #tpu.memory_space<vmem>>, vector<16xf32>,
      %parallel_loop3A_146 = arith.constant 7 : i32
      %parallel_loop3A_147 = vector.broadcast %parallel_loop3A_146 : i32 to vector<16xi32>
      %parallel_loop3A_148 = arith.addi %parallel_loop3A_111, %parallel_loop3A_147 : vector<16xi32>
      %parallel_loop3A_149 = tpu.vector_load_idx %arg5[%parallel_loop3A_148] : memref<11280xf32, #tpu.memory_space<vmem>>[vector<16xi32>], vector<16xf32>,
      %parallel_loop3A_150 = arith.constant 1 : i32
      %parallel_loop3A_151 = arith.index_cast %parallel_loop3A_150 : i32 to index
      %parallel_loop3A_152 = arith.index_cast %parallel_loop3A_113 : i32 to index
      %parallel_loop3A_153 = tpu.vector_load %arg7[%parallel_loop3A_151, %parallel_loop3A_152] {strides = array<i32>} : memref<64x512xf32, #tpu.memory_space<vmem>>, vector<16xf32>,
      tpu.vector_store %arg7[%parallel_loop3A_151, %parallel_loop3A_152], %parallel_loop3A_121 {strides = array<i32>} : memref<64x512xf32, #tpu.memory_space<vmem>>, vector<16xf32>,
      %parallel_loop3A_154 = arith.constant 8 : i32
      %parallel_loop3A_155 = vector.broadcast %parallel_loop3A_154 : i32 to vector<16xi32>
      %parallel_loop3A_156 = arith.addi %parallel_loop3A_111, %parallel_loop3A_155 : vector<16xi32>
      %parallel_loop3A_157 = tpu.vector_load_idx %arg5[%parallel_loop3A_156] : memref<11280xf32, #tpu.memory_space<vmem>>[vector<16xi32>], vector<16xf32>,
      %parallel_loop3A_158 = arith.constant 2 : i32
      %parallel_loop3A_159 = arith.index_cast %parallel_loop3A_158 : i32 to index
      %parallel_loop3A_160 = arith.index_cast %parallel_loop3A_113 : i32 to index
      %parallel_loop3A_161 = tpu.vector_load %arg7[%parallel_loop3A_159, %parallel_loop3A_160] {strides = array<i32>} : memref<64x512xf32, #tpu.memory_space<vmem>>, vector<16xf32>,
      tpu.vector_store %arg7[%parallel_loop3A_159, %parallel_loop3A_160], %parallel_loop3A_125 {strides = array<i32>} : memref<64x512xf32, #tpu.memory_space<vmem>>, vector<16xf32>,
      %parallel_loop3A_162 = arith.constant 9 : i32
      %parallel_loop3A_163 = vector.broadcast %parallel_loop3A_162 : i32 to vector<16xi32>
      %parallel_loop3A_164 = arith.addi %parallel_loop3A_111, %parallel_loop3A_163 : vector<16xi32>
      %parallel_loop3A_165 = tpu.vector_load_idx %arg5[%parallel_loop3A_164] : memref<11280xf32, #tpu.memory_space<vmem>>[vector<16xi32>], vector<16xf32>,
      %parallel_loop3A_166 = arith.constant 3 : i32
      %parallel_loop3A_167 = arith.index_cast %parallel_loop3A_166 : i32 to index
      %parallel_loop3A_168 = arith.index_cast %parallel_loop3A_113 : i32 to index
      %parallel_loop3A_169 = tpu.vector_load %arg7[%parallel_loop3A_167, %parallel_loop3A_168] {strides = array<i32>} : memref<64x512xf32, #tpu.memory_space<vmem>>, vector<16xf32>,
      tpu.vector_store %arg7[%parallel_loop3A_167, %parallel_loop3A_168], %parallel_loop3A_129 {strides = array<i32>} : memref<64x512xf32, #tpu.memory_space<vmem>>, vector<16xf32>,
      %parallel_loop3A_170 = arith.constant 10 : i32
      %parallel_loop3A_171 = vector.broadcast %parallel_loop3A_170 : i32 to vector<16xi32>
      %parallel_loop3A_172 = arith.addi %parallel_loop3A_111, %parallel_loop3A_171 : vector<16xi32>
      %parallel_loop3A_173 = tpu.vector_load_idx %arg5[%parallel_loop3A_172] : memref<11280xf32, #tpu.memory_space<vmem>>[vector<16xi32>], vector<16xf32>,
      %parallel_loop3A_174 = arith.constant 4 : i32
      %parallel_loop3A_175 = arith.index_cast %parallel_loop3A_174 : i32 to index
      %parallel_loop3A_176 = arith.index_cast %parallel_loop3A_113 : i32 to index
      %parallel_loop3A_177 = tpu.vector_load %arg7[%parallel_loop3A_175, %parallel_loop3A_176] {strides = array<i32>} : memref<64x512xf32, #tpu.memory_space<vmem>>, vector<16xf32>,
      tpu.vector_store %arg7[%parallel_loop3A_175, %parallel_loop3A_176], %parallel_loop3A_133 {strides = array<i32>} : memref<64x512xf32, #tpu.memory_space<vmem>>, vector<16xf32>,
      %parallel_loop3A_178 = arith.constant 11 : i32
      %parallel_loop3A_179 = vector.broadcast %parallel_loop3A_178 : i32 to vector<16xi32>
      %parallel_loop3A_180 = arith.addi %parallel_loop3A_111, %parallel_loop3A_179 : vector<16xi32>
      %parallel_loop3A_181 = tpu.vector_load_idx %arg5[%parallel_loop3A_180] : memref<11280xf32, #tpu.memory_space<vmem>>[vector<16xi32>], vector<16xf32>,
      %parallel_loop3A_182 = arith.constant 5 : i32
      %parallel_loop3A_183 = arith.index_cast %parallel_loop3A_182 : i32 to index
      %parallel_loop3A_184 = arith.index_cast %parallel_loop3A_113 : i32 to index
      %parallel_loop3A_185 = tpu.vector_load %arg7[%parallel_loop3A_183, %parallel_loop3A_184] {strides = array<i32>} : memref<64x512xf32, #tpu.memory_space<vmem>>, vector<16xf32>,
      tpu.vector_store %arg7[%parallel_loop3A_183, %parallel_loop3A_184], %parallel_loop3A_137 {strides = array<i32>} : memref<64x512xf32, #tpu.memory_space<vmem>>, vector<16xf32>,
      %parallel_loop3A_186 = arith.constant 12 : i32
      %parallel_loop3A_187 = vector.broadcast %parallel_loop3A_186 : i32 to vector<16xi32>
      %parallel_loop3A_188 = arith.addi %parallel_loop3A_111, %parallel_loop3A_187 : vector<16xi32>
      %parallel_loop3A_189 = tpu.vector_load_idx %arg5[%parallel_loop3A_188] : memref<11280xf32, #tpu.memory_space<vmem>>[vector<16xi32>], vector<16xf32>,
      %parallel_loop3A_190 = arith.constant 6 : i32
      %parallel_loop3A_191 = arith.index_cast %parallel_loop3A_190 : i32 to index
      %parallel_loop3A_192 = arith.index_cast %parallel_loop3A_113 : i32 to index
      %parallel_loop3A_193 = tpu.vector_load %arg7[%parallel_loop3A_191, %parallel_loop3A_192] {strides = array<i32>} : memref<64x512xf32, #tpu.memory_space<vmem>>, vector<16xf32>,
      tpu.vector_store %arg7[%parallel_loop3A_191, %parallel_loop3A_192], %parallel_loop3A_141 {strides = array<i32>} : memref<64x512xf32, #tpu.memory_space<vmem>>, vector<16xf32>,
      %parallel_loop3A_194 = arith.constant 13 : i32
      %parallel_loop3A_195 = vector.broadcast %parallel_loop3A_194 : i32 to vector<16xi32>
      %parallel_loop3A_196 = arith.addi %parallel_loop3A_111, %parallel_loop3A_195 : vector<16xi32>
      %parallel_loop3A_197 = tpu.vector_load_idx %arg5[%parallel_loop3A_196] : memref<11280xf32, #tpu.memory_space<vmem>>[vector<16xi32>], vector<16xf32>,
      %parallel_loop3A_198 = arith.constant 7 : i32
      %parallel_loop3A_199 = arith.index_cast %parallel_loop3A_198 : i32 to index
      %parallel_loop3A_200 = arith.index_cast %parallel_loop3A_113 : i32 to index
      %parallel_loop3A_201 = tpu.vector_load %arg7[%parallel_loop3A_199, %parallel_loop3A_200] {strides = array<i32>} : memref<64x512xf32, #tpu.memory_space<vmem>>, vector<16xf32>,
      tpu.vector_store %arg7[%parallel_loop3A_199, %parallel_loop3A_200], %parallel_loop3A_149 {strides = array<i32>} : memref<64x512xf32, #tpu.memory_space<vmem>>, vector<16xf32>,
      %parallel_loop3A_202 = arith.constant 14 : i32
      %parallel_loop3A_203 = vector.broadcast %parallel_loop3A_202 : i32 to vector<16xi32>
      %parallel_loop3A_204 = arith.addi %parallel_loop3A_111, %parallel_loop3A_203 : vector<16xi32>
      %parallel_loop3A_205 = tpu.vector_load_idx %arg5[%parallel_loop3A_204] : memref<11280xf32, #tpu.memory_space<vmem>>[vector<16xi32>], vector<16xf32>,
      %parallel_loop3A_206 = arith.constant 8 : i32
      %parallel_loop3A_207 = arith.index_cast %parallel_loop3A_206 : i32 to index
      %parallel_loop3A_208 = arith.index_cast %parallel_loop3A_113 : i32 to index
      %parallel_loop3A_209 = tpu.vector_load %arg7[%parallel_loop3A_207, %parallel_loop3A_208] {strides = array<i32>} : memref<64x512xf32, #tpu.memory_space<vmem>>, vector<16xf32>,
      tpu.vector_store %arg7[%parallel_loop3A_207, %parallel_loop3A_208], %parallel_loop3A_157 {strides = array<i32>} : memref<64x512xf32, #tpu.memory_space<vmem>>, vector<16xf32>,
      %parallel_loop3A_210 = arith.constant 15 : i32
      %parallel_loop3A_211 = vector.broadcast %parallel_loop3A_210 : i32 to vector<16xi32>
      %parallel_loop3A_212 = arith.addi %parallel_loop3A_111, %parallel_loop3A_211 : vector<16xi32>
      %parallel_loop3A_213 = tpu.vector_load_idx %arg5[%parallel_loop3A_212] : memref<11280xf32, #tpu.memory_space<vmem>>[vector<16xi32>], vector<16xf32>,
      %parallel_loop3A_214 = arith.constant 9 : i32
      %parallel_loop3A_215 = arith.index_cast %parallel_loop3A_214 : i32 to index
      %parallel_loop3A_216 = arith.index_cast %parallel_loop3A_113 : i32 to index
      %parallel_loop3A_217 = tpu.vector_load %arg7[%parallel_loop3A_215, %parallel_loop3A_216] {strides = array<i32>} : memref<64x512xf32, #tpu.memory_space<vmem>>, vector<16xf32>,
      tpu.vector_store %arg7[%parallel_loop3A_215, %parallel_loop3A_216], %parallel_loop3A_165 {strides = array<i32>} : memref<64x512xf32, #tpu.memory_space<vmem>>, vector<16xf32>,
      %parallel_loop3A_218 = arith.constant 16 : i32
      %parallel_loop3A_219 = vector.broadcast %parallel_loop3A_218 : i32 to vector<16xi32>
      %parallel_loop3A_220 = arith.addi %parallel_loop3A_111, %parallel_loop3A_219 : vector<16xi32>
      %parallel_loop3A_221 = tpu.vector_load_idx %arg5[%parallel_loop3A_220] : memref<11280xf32, #tpu.memory_space<vmem>>[vector<16xi32>], vector<16xf32>,
      %parallel_loop3A_222 = arith.constant 10 : i32
      %parallel_loop3A_223 = arith.index_cast %parallel_loop3A_222 : i32 to index
      %parallel_loop3A_224 = arith.index_cast %parallel_loop3A_113 : i32 to index
      %parallel_loop3A_225 = tpu.vector_load %arg7[%parallel_loop3A_223, %parallel_loop3A_224] {strides = array<i32>} : memref<64x512xf32, #tpu.memory_space<vmem>>, vector<16xf32>,
      tpu.vector_store %arg7[%parallel_loop3A_223, %parallel_loop3A_224], %parallel_loop3A_173 {strides = array<i32>} : memref<64x512xf32, #tpu.memory_space<vmem>>, vector<16xf32>,
      %parallel_loop3A_226 = arith.constant 17 : i32
      %parallel_loop3A_227 = vector.broadcast %parallel_loop3A_226 : i32 to vector<16xi32>
      %parallel_loop3A_228 = arith.addi %parallel_loop3A_111, %parallel_loop3A_227 : vector<16xi32>
      %parallel_loop3A_229 = tpu.vector_load_idx %arg5[%parallel_loop3A_228] : memref<11280xf32, #tpu.memory_space<vmem>>[vector<16xi32>], vector<16xf32>,
      %parallel_loop3A_230 = arith.constant 11 : i32
      %parallel_loop3A_231 = arith.index_cast %parallel_loop3A_230 : i32 to index
      %parallel_loop3A_232 = arith.index_cast %parallel_loop3A_113 : i32 to index
      %parallel_loop3A_233 = tpu.vector_load %arg7[%parallel_loop3A_231, %parallel_loop3A_232] {strides = array<i32>} : memref<64x512xf32, #tpu.memory_space<vmem>>, vector<16xf32>,
      tpu.vector_store %arg7[%parallel_loop3A_231, %parallel_loop3A_232], %parallel_loop3A_181 {strides = array<i32>} : memref<64x512xf32, #tpu.memory_space<vmem>>, vector<16xf32>,
      %parallel_loop3A_234 = arith.constant 18 : i32
      %parallel_loop3A_235 = vector.broadcast %parallel_loop3A_234 : i32 to vector<16xi32>
      %parallel_loop3A_236 = arith.addi %parallel_loop3A_111, %parallel_loop3A_235 : vector<16xi32>
      %parallel_loop3A_237 = tpu.vector_load_idx %arg5[%parallel_loop3A_236] : memref<11280xf32, #tpu.memory_space<vmem>>[vector<16xi32>], vector<16xf32>,
      %parallel_loop3A_238 = arith.constant 12 : i32
      %parallel_loop3A_239 = arith.index_cast %parallel_loop3A_238 : i32 to index
      %parallel_loop3A_240 = arith.index_cast %parallel_loop3A_113 : i32 to index
      %parallel_loop3A_241 = tpu.vector_load %arg7[%parallel_loop3A_239, %parallel_loop3A_240] {strides = array<i32>} : memref<64x512xf32, #tpu.memory_space<vmem>>, vector<16xf32>,
      tpu.vector_store %arg7[%parallel_loop3A_239, %parallel_loop3A_240], %parallel_loop3A_189 {strides = array<i32>} : memref<64x512xf32, #tpu.memory_space<vmem>>, vector<16xf32>,
      %parallel_loop3A_242 = arith.constant 19 : i32
      %parallel_loop3A_243 = vector.broadcast %parallel_loop3A_242 : i32 to vector<16xi32>
      %parallel_loop3A_244 = arith.addi %parallel_loop3A_111, %parallel_loop3A_243 : vector<16xi32>
      %parallel_loop3A_245 = tpu.vector_load_idx %arg5[%parallel_loop3A_244] : memref<11280xf32, #tpu.memory_space<vmem>>[vector<16xi32>], vector<16xf32>,
      %parallel_loop3A_246 = arith.constant 13 : i32
      %parallel_loop3A_247 = arith.index_cast %parallel_loop3A_246 : i32 to index
      %parallel_loop3A_248 = arith.index_cast %parallel_loop3A_113 : i32 to index
      %parallel_loop3A_249 = tpu.vector_load %arg7[%parallel_loop3A_247, %parallel_loop3A_248] {strides = array<i32>} : memref<64x512xf32, #tpu.memory_space<vmem>>, vector<16xf32>,
      tpu.vector_store %arg7[%parallel_loop3A_247, %parallel_loop3A_248], %parallel_loop3A_197 {strides = array<i32>} : memref<64x512xf32, #tpu.memory_space<vmem>>, vector<16xf32>,
      %parallel_loop3A_250 = arith.constant 20 : i32
      %parallel_loop3A_251 = vector.broadcast %parallel_loop3A_250 : i32 to vector<16xi32>
      %parallel_loop3A_252 = arith.addi %parallel_loop3A_111, %parallel_loop3A_251 : vector<16xi32>
      %parallel_loop3A_253 = tpu.vector_load_idx %arg5[%parallel_loop3A_252] : memref<11280xf32, #tpu.memory_space<vmem>>[vector<16xi32>], vector<16xf32>,
      %parallel_loop3A_254 = arith.constant 14 : i32
      %parallel_loop3A_255 = arith.index_cast %parallel_loop3A_254 : i32 to index
      %parallel_loop3A_256 = arith.index_cast %parallel_loop3A_113 : i32 to index
      %parallel_loop3A_257 = tpu.vector_load %arg7[%parallel_loop3A_255, %parallel_loop3A_256] {strides = array<i32>} : memref<64x512xf32, #tpu.memory_space<vmem>>, vector<16xf32>,
      tpu.vector_store %arg7[%parallel_loop3A_255, %parallel_loop3A_256], %parallel_loop3A_205 {strides = array<i32>} : memref<64x512xf32, #tpu.memory_space<vmem>>, vector<16xf32>,
      %parallel_loop3A_258 = arith.constant 21 : i32
      %parallel_loop3A_259 = vector.broadcast %parallel_loop3A_258 : i32 to vector<16xi32>
      %parallel_loop3A_260 = arith.addi %parallel_loop3A_111, %parallel_loop3A_259 : vector<16xi32>
      %parallel_loop3A_261 = tpu.vector_load_idx %arg5[%parallel_loop3A_260] : memref<11280xf32, #tpu.memory_space<vmem>>[vector<16xi32>], vector<16xf32>,
      %parallel_loop3A_262 = arith.constant 15 : i32
      %parallel_loop3A_263 = arith.index_cast %parallel_loop3A_262 : i32 to index
      %parallel_loop3A_264 = arith.index_cast %parallel_loop3A_113 : i32 to index
      %parallel_loop3A_265 = tpu.vector_load %arg7[%parallel_loop3A_263, %parallel_loop3A_264] {strides = array<i32>} : memref<64x512xf32, #tpu.memory_space<vmem>>, vector<16xf32>,
      tpu.vector_store %arg7[%parallel_loop3A_263, %parallel_loop3A_264], %parallel_loop3A_213 {strides = array<i32>} : memref<64x512xf32, #tpu.memory_space<vmem>>, vector<16xf32>,
      %parallel_loop3A_266 = arith.constant 22 : i32
      %parallel_loop3A_267 = vector.broadcast %parallel_loop3A_266 : i32 to vector<16xi32>
      %parallel_loop3A_268 = arith.addi %parallel_loop3A_111, %parallel_loop3A_267 : vector<16xi32>
      %parallel_loop3A_269 = tpu.vector_load_idx %arg5[%parallel_loop3A_268] : memref<11280xf32, #tpu.memory_space<vmem>>[vector<16xi32>], vector<16xf32>,
      %parallel_loop3A_270 = arith.constant 16 : i32
      %parallel_loop3A_271 = arith.index_cast %parallel_loop3A_270 : i32 to index
      %parallel_loop3A_272 = arith.index_cast %parallel_loop3A_113 : i32 to index
      %parallel_loop3A_273 = tpu.vector_load %arg7[%parallel_loop3A_271, %parallel_loop3A_272] {strides = array<i32>} : memref<64x512xf32, #tpu.memory_space<vmem>>, vector<16xf32>,
      tpu.vector_store %arg7[%parallel_loop3A_271, %parallel_loop3A_272], %parallel_loop3A_221 {strides = array<i32>} : memref<64x512xf32, #tpu.memory_space<vmem>>, vector<16xf32>,
      %parallel_loop3A_274 = arith.constant 23 : i32
      %parallel_loop3A_275 = vector.broadcast %parallel_loop3A_274 : i32 to vector<16xi32>
      %parallel_loop3A_276 = arith.addi %parallel_loop3A_111, %parallel_loop3A_275 : vector<16xi32>
      %parallel_loop3A_277 = tpu.vector_load_idx %arg5[%parallel_loop3A_276] : memref<11280xf32, #tpu.memory_space<vmem>>[vector<16xi32>], vector<16xf32>,
      %parallel_loop3A_278 = arith.constant 17 : i32
      %parallel_loop3A_279 = arith.index_cast %parallel_loop3A_278 : i32 to index
      %parallel_loop3A_280 = arith.index_cast %parallel_loop3A_113 : i32 to index
      %parallel_loop3A_281 = tpu.vector_load %arg7[%parallel_loop3A_279, %parallel_loop3A_280] {strides = array<i32>} : memref<64x512xf32, #tpu.memory_space<vmem>>, vector<16xf32>,
      tpu.vector_store %arg7[%parallel_loop3A_279, %parallel_loop3A_280], %parallel_loop3A_229 {strides = array<i32>} : memref<64x512xf32, #tpu.memory_space<vmem>>, vector<16xf32>,
      %parallel_loop3A_282 = arith.constant 24 : i32
      %parallel_loop3A_283 = vector.broadcast %parallel_loop3A_282 : i32 to vector<16xi32>
      %parallel_loop3A_284 = arith.addi %parallel_loop3A_111, %parallel_loop3A_283 : vector<16xi32>
      %parallel_loop3A_285 = tpu.vector_load_idx %arg5[%parallel_loop3A_284] : memref<11280xf32, #tpu.memory_space<vmem>>[vector<16xi32>], vector<16xf32>,
      %parallel_loop3A_286 = arith.constant 18 : i32
      %parallel_loop3A_287 = arith.index_cast %parallel_loop3A_286 : i32 to index
      %parallel_loop3A_288 = arith.index_cast %parallel_loop3A_113 : i32 to index
      %parallel_loop3A_289 = tpu.vector_load %arg7[%parallel_loop3A_287, %parallel_loop3A_288] {strides = array<i32>} : memref<64x512xf32, #tpu.memory_space<vmem>>, vector<16xf32>,
      tpu.vector_store %arg7[%parallel_loop3A_287, %parallel_loop3A_288], %parallel_loop3A_237 {strides = array<i32>} : memref<64x512xf32, #tpu.memory_space<vmem>>, vector<16xf32>,
      %parallel_loop3A_290 = arith.constant 25 : i32
      %parallel_loop3A_291 = vector.broadcast %parallel_loop3A_290 : i32 to vector<16xi32>
      %parallel_loop3A_292 = arith.addi %parallel_loop3A_111, %parallel_loop3A_291 : vector<16xi32>
      %parallel_loop3A_293 = tpu.vector_load_idx %arg5[%parallel_loop3A_292] : memref<11280xf32, #tpu.memory_space<vmem>>[vector<16xi32>], vector<16xf32>,
      %parallel_loop3A_294 = arith.constant 19 : i32
      %parallel_loop3A_295 = arith.index_cast %parallel_loop3A_294 : i32 to index
      %parallel_loop3A_296 = arith.index_cast %parallel_loop3A_113 : i32 to index
      %parallel_loop3A_297 = tpu.vector_load %arg7[%parallel_loop3A_295, %parallel_loop3A_296] {strides = array<i32>} : memref<64x512xf32, #tpu.memory_space<vmem>>, vector<16xf32>,
      tpu.vector_store %arg7[%parallel_loop3A_295, %parallel_loop3A_296], %parallel_loop3A_245 {strides = array<i32>} : memref<64x512xf32, #tpu.memory_space<vmem>>, vector<16xf32>,
      %parallel_loop3A_298 = arith.constant 26 : i32
      %parallel_loop3A_299 = vector.broadcast %parallel_loop3A_298 : i32 to vector<16xi32>
      %parallel_loop3A_300 = arith.addi %parallel_loop3A_111, %parallel_loop3A_299 : vector<16xi32>
      %parallel_loop3A_301 = tpu.vector_load_idx %arg5[%parallel_loop3A_300] : memref<11280xf32, #tpu.memory_space<vmem>>[vector<16xi32>], vector<16xf32>,
      %parallel_loop3A_302 = arith.constant 20 : i32
      %parallel_loop3A_303 = arith.index_cast %parallel_loop3A_302 : i32 to index
      %parallel_loop3A_304 = arith.index_cast %parallel_loop3A_113 : i32 to index
      %parallel_loop3A_305 = tpu.vector_load %arg7[%parallel_loop3A_303, %parallel_loop3A_304] {strides = array<i32>} : memref<64x512xf32, #tpu.memory_space<vmem>>, vector<16xf32>,
      tpu.vector_store %arg7[%parallel_loop3A_303, %parallel_loop3A_304], %parallel_loop3A_253 {strides = array<i32>} : memref<64x512xf32, #tpu.memory_space<vmem>>, vector<16xf32>,
      %parallel_loop3A_306 = arith.constant 27 : i32
      %parallel_loop3A_307 = vector.broadcast %parallel_loop3A_306 : i32 to vector<16xi32>
      %parallel_loop3A_308 = arith.addi %parallel_loop3A_111, %parallel_loop3A_307 : vector<16xi32>
      %parallel_loop3A_309 = tpu.vector_load_idx %arg5[%parallel_loop3A_308] : memref<11280xf32, #tpu.memory_space<vmem>>[vector<16xi32>], vector<16xf32>,
      %parallel_loop3A_310 = arith.constant 21 : i32
      %parallel_loop3A_311 = arith.index_cast %parallel_loop3A_310 : i32 to index
      %parallel_loop3A_312 = arith.index_cast %parallel_loop3A_113 : i32 to index
      %parallel_loop3A_313 = tpu.vector_load %arg7[%parallel_loop3A_311, %parallel_loop3A_312] {strides = array<i32>} : memref<64x512xf32, #tpu.memory_space<vmem>>, vector<16xf32>,
      tpu.vector_store %arg7[%parallel_loop3A_311, %parallel_loop3A_312], %parallel_loop3A_261 {strides = array<i32>} : memref<64x512xf32, #tpu.memory_space<vmem>>, vector<16xf32>,
      %parallel_loop3A_314 = arith.constant 28 : i32
      %parallel_loop3A_315 = vector.broadcast %parallel_loop3A_314 : i32 to vector<16xi32>
      %parallel_loop3A_316 = arith.addi %parallel_loop3A_111, %parallel_loop3A_315 : vector<16xi32>
      %parallel_loop3A_317 = tpu.vector_load_idx %arg5[%parallel_loop3A_316] : memref<11280xf32, #tpu.memory_space<vmem>>[vector<16xi32>], vector<16xf32>,
      %parallel_loop3A_318 = arith.constant 22 : i32
      %parallel_loop3A_319 = arith.index_cast %parallel_loop3A_318 : i32 to index
      %parallel_loop3A_320 = arith.index_cast %parallel_loop3A_113 : i32 to index
      %parallel_loop3A_321 = tpu.vector_load %arg7[%parallel_loop3A_319, %parallel_loop3A_320] {strides = array<i32>} : memref<64x512xf32, #tpu.memory_space<vmem>>, vector<16xf32>,
      tpu.vector_store %arg7[%parallel_loop3A_319, %parallel_loop3A_320], %parallel_loop3A_269 {strides = array<i32>} : memref<64x512xf32, #tpu.memory_space<vmem>>, vector<16xf32>,
      %parallel_loop3A_322 = arith.constant 29 : i32
      %parallel_loop3A_323 = vector.broadcast %parallel_loop3A_322 : i32 to vector<16xi32>
      %parallel_loop3A_324 = arith.addi %parallel_loop3A_111, %parallel_loop3A_323 : vector<16xi32>
      %parallel_loop3A_325 = tpu.vector_load_idx %arg5[%parallel_loop3A_324] : memref<11280xf32, #tpu.memory_space<vmem>>[vector<16xi32>], vector<16xf32>,
      %parallel_loop3A_326 = arith.constant 23 : i32
      %parallel_loop3A_327 = arith.index_cast %parallel_loop3A_326 : i32 to index
      %parallel_loop3A_328 = arith.index_cast %parallel_loop3A_113 : i32 to index
      %parallel_loop3A_329 = tpu.vector_load %arg7[%parallel_loop3A_327, %parallel_loop3A_328] {strides = array<i32>} : memref<64x512xf32, #tpu.memory_space<vmem>>, vector<16xf32>,
      tpu.vector_store %arg7[%parallel_loop3A_327, %parallel_loop3A_328], %parallel_loop3A_277 {strides = array<i32>} : memref<64x512xf32, #tpu.memory_space<vmem>>, vector<16xf32>,
      %parallel_loop3A_330 = arith.constant 30 : i32
      %parallel_loop3A_331 = vector.broadcast %parallel_loop3A_330 : i32 to vector<16xi32>
      %parallel_loop3A_332 = arith.addi %parallel_loop3A_111, %parallel_loop3A_331 : vector<16xi32>
      %parallel_loop3A_333 = tpu.vector_load_idx %arg5[%parallel_loop3A_332] : memref<11280xf32, #tpu.memory_space<vmem>>[vector<16xi32>], vector<16xf32>,
      %parallel_loop3A_334 = arith.constant 24 : i32
      %parallel_loop3A_335 = arith.index_cast %parallel_loop3A_334 : i32 to index
      %parallel_loop3A_336 = arith.index_cast %parallel_loop3A_113 : i32 to index
      %parallel_loop3A_337 = tpu.vector_load %arg7[%parallel_loop3A_335, %parallel_loop3A_336] {strides = array<i32>} : memref<64x512xf32, #tpu.memory_space<vmem>>, vector<16xf32>,
      tpu.vector_store %arg7[%parallel_loop3A_335, %parallel_loop3A_336], %parallel_loop3A_285 {strides = array<i32>} : memref<64x512xf32, #tpu.memory_space<vmem>>, vector<16xf32>,
      %parallel_loop3A_338 = arith.constant 31 : i32
      %parallel_loop3A_339 = vector.broadcast %parallel_loop3A_338 : i32 to vector<16xi32>
      %parallel_loop3A_340 = arith.addi %parallel_loop3A_111, %parallel_loop3A_339 : vector<16xi32>
      %parallel_loop3A_341 = tpu.vector_load_idx %arg5[%parallel_loop3A_340] : memref<11280xf32, #tpu.memory_space<vmem>>[vector<16xi32>], vector<16xf32>,
      %parallel_loop3A_342 = arith.constant 25 : i32
      %parallel_loop3A_343 = arith.index_cast %parallel_loop3A_342 : i32 to index
      %parallel_loop3A_344 = arith.index_cast %parallel_loop3A_113 : i32 to index
      %parallel_loop3A_345 = tpu.vector_load %arg7[%parallel_loop3A_343, %parallel_loop3A_344] {strides = array<i32>} : memref<64x512xf32, #tpu.memory_space<vmem>>, vector<16xf32>,
      tpu.vector_store %arg7[%parallel_loop3A_343, %parallel_loop3A_344], %parallel_loop3A_293 {strides = array<i32>} : memref<64x512xf32, #tpu.memory_space<vmem>>, vector<16xf32>,
      %parallel_loop3A_346 = arith.constant 32 : i32
      %parallel_loop3A_347 = vector.broadcast %parallel_loop3A_346 : i32 to vector<16xi32>
      %parallel_loop3A_348 = arith.addi %parallel_loop3A_111, %parallel_loop3A_347 : vector<16xi32>
      %parallel_loop3A_349 = tpu.vector_load_idx %arg5[%parallel_loop3A_348] : memref<11280xf32, #tpu.memory_space<vmem>>[vector<16xi32>], vector<16xf32>,
      %parallel_loop3A_350 = arith.constant 26 : i32
      %parallel_loop3A_351 = arith.index_cast %parallel_loop3A_350 : i32 to index
      %parallel_loop3A_352 = arith.index_cast %parallel_loop3A_113 : i32 to index
      %parallel_loop3A_353 = tpu.vector_load %arg7[%parallel_loop3A_351, %parallel_loop3A_352] {strides = array<i32>} : memref<64x512xf32, #tpu.memory_space<vmem>>, vector<16xf32>,
      tpu.vector_store %arg7[%parallel_loop3A_351, %parallel_loop3A_352], %parallel_loop3A_301 {strides = array<i32>} : memref<64x512xf32, #tpu.memory_space<vmem>>, vector<16xf32>,
      %parallel_loop3A_354 = arith.constant 33 : i32
      %parallel_loop3A_355 = vector.broadcast %parallel_loop3A_354 : i32 to vector<16xi32>
      %parallel_loop3A_356 = arith.addi %parallel_loop3A_111, %parallel_loop3A_355 : vector<16xi32>
      %parallel_loop3A_357 = tpu.vector_load_idx %arg5[%parallel_loop3A_356] : memref<11280xf32, #tpu.memory_space<vmem>>[vector<16xi32>], vector<16xf32>,
      %parallel_loop3A_358 = arith.constant 27 : i32
      %parallel_loop3A_359 = arith.index_cast %parallel_loop3A_358 : i32 to index
      %parallel_loop3A_360 = arith.index_cast %parallel_loop3A_113 : i32 to index
      %parallel_loop3A_361 = tpu.vector_load %arg7[%parallel_loop3A_359, %parallel_loop3A_360] {strides = array<i32>} : memref<64x512xf32, #tpu.memory_space<vmem>>, vector<16xf32>,
      tpu.vector_store %arg7[%parallel_loop3A_359, %parallel_loop3A_360], %parallel_loop3A_309 {strides = array<i32>} : memref<64x512xf32, #tpu.memory_space<vmem>>, vector<16xf32>,
      %parallel_loop3A_362 = arith.constant 34 : i32
      %parallel_loop3A_363 = vector.broadcast %parallel_loop3A_362 : i32 to vector<16xi32>
      %parallel_loop3A_364 = arith.addi %parallel_loop3A_111, %parallel_loop3A_363 : vector<16xi32>
      %parallel_loop3A_365 = tpu.vector_load_idx %arg5[%parallel_loop3A_364] : memref<11280xf32, #tpu.memory_space<vmem>>[vector<16xi32>], vector<16xf32>,
      %parallel_loop3A_366 = arith.constant 28 : i32
      %parallel_loop3A_367 = arith.index_cast %parallel_loop3A_366 : i32 to index
      %parallel_loop3A_368 = arith.index_cast %parallel_loop3A_113 : i32 to index
      %parallel_loop3A_369 = tpu.vector_load %arg7[%parallel_loop3A_367, %parallel_loop3A_368] {strides = array<i32>} : memref<64x512xf32, #tpu.memory_space<vmem>>, vector<16xf32>,
      tpu.vector_store %arg7[%parallel_loop3A_367, %parallel_loop3A_368], %parallel_loop3A_317 {strides = array<i32>} : memref<64x512xf32, #tpu.memory_space<vmem>>, vector<16xf32>,
      %parallel_loop3A_370 = arith.constant 35 : i32
      %parallel_loop3A_371 = vector.broadcast %parallel_loop3A_370 : i32 to vector<16xi32>
      %parallel_loop3A_372 = arith.addi %parallel_loop3A_111, %parallel_loop3A_371 : vector<16xi32>
      %parallel_loop3A_373 = tpu.vector_load_idx %arg5[%parallel_loop3A_372] : memref<11280xf32, #tpu.memory_space<vmem>>[vector<16xi32>], vector<16xf32>,
      %parallel_loop3A_374 = arith.constant 29 : i32
      %parallel_loop3A_375 = arith.index_cast %parallel_loop3A_374 : i32 to index
      %parallel_loop3A_376 = arith.index_cast %parallel_loop3A_113 : i32 to index
      %parallel_loop3A_377 = tpu.vector_load %arg7[%parallel_loop3A_375, %parallel_loop3A_376] {strides = array<i32>} : memref<64x512xf32, #tpu.memory_space<vmem>>, vector<16xf32>,
      tpu.vector_store %arg7[%parallel_loop3A_375, %parallel_loop3A_376], %parallel_loop3A_325 {strides = array<i32>} : memref<64x512xf32, #tpu.memory_space<vmem>>, vector<16xf32>,
      %parallel_loop3A_378 = arith.constant 36 : i32
      %parallel_loop3A_379 = vector.broadcast %parallel_loop3A_378 : i32 to vector<16xi32>
      %parallel_loop3A_380 = arith.addi %parallel_loop3A_111, %parallel_loop3A_379 : vector<16xi32>
      %parallel_loop3A_381 = tpu.vector_load_idx %arg5[%parallel_loop3A_380] : memref<11280xf32, #tpu.memory_space<vmem>>[vector<16xi32>], vector<16xf32>,
      %parallel_loop3A_382 = arith.constant 30 : i32
      %parallel_loop3A_383 = arith.index_cast %parallel_loop3A_382 : i32 to index
      %parallel_loop3A_384 = arith.index_cast %parallel_loop3A_113 : i32 to index
      %parallel_loop3A_385 = tpu.vector_load %arg7[%parallel_loop3A_383, %parallel_loop3A_384] {strides = array<i32>} : memref<64x512xf32, #tpu.memory_space<vmem>>, vector<16xf32>,
      tpu.vector_store %arg7[%parallel_loop3A_383, %parallel_loop3A_384], %parallel_loop3A_333 {strides = array<i32>} : memref<64x512xf32, #tpu.memory_space<vmem>>, vector<16xf32>,
      %parallel_loop3A_386 = arith.constant 37 : i32
      %parallel_loop3A_387 = vector.broadcast %parallel_loop3A_386 : i32 to vector<16xi32>
      %parallel_loop3A_388 = arith.addi %parallel_loop3A_111, %parallel_loop3A_387 : vector<16xi32>
      %parallel_loop3A_389 = tpu.vector_load_idx %arg5[%parallel_loop3A_388] : memref<11280xf32, #tpu.memory_space<vmem>>[vector<16xi32>], vector<16xf32>,
      %parallel_loop3A_390 = arith.constant 31 : i32
      %parallel_loop3A_391 = arith.index_cast %parallel_loop3A_390 : i32 to index
      %parallel_loop3A_392 = arith.index_cast %parallel_loop3A_113 : i32 to index
      %parallel_loop3A_393 = tpu.vector_load %arg7[%parallel_loop3A_391, %parallel_loop3A_392] {strides = array<i32>} : memref<64x512xf32, #tpu.memory_space<vmem>>, vector<16xf32>,
      tpu.vector_store %arg7[%parallel_loop3A_391, %parallel_loop3A_392], %parallel_loop3A_341 {strides = array<i32>} : memref<64x512xf32, #tpu.memory_space<vmem>>, vector<16xf32>,
      %parallel_loop3A_394 = arith.constant 38 : i32
      %parallel_loop3A_395 = vector.broadcast %parallel_loop3A_394 : i32 to vector<16xi32>
      %parallel_loop3A_396 = arith.addi %parallel_loop3A_111, %parallel_loop3A_395 : vector<16xi32>
      %parallel_loop3A_397 = tpu.vector_load_idx %arg5[%parallel_loop3A_396] : memref<11280xf32, #tpu.memory_space<vmem>>[vector<16xi32>], vector<16xf32>,
      %parallel_loop3A_398 = arith.constant 32 : i32
      %parallel_loop3A_399 = arith.index_cast %parallel_loop3A_398 : i32 to index
      %parallel_loop3A_400 = arith.index_cast %parallel_loop3A_113 : i32 to index
      %parallel_loop3A_401 = tpu.vector_load %arg7[%parallel_loop3A_399, %parallel_loop3A_400] {strides = array<i32>} : memref<64x512xf32, #tpu.memory_space<vmem>>, vector<16xf32>,
      tpu.vector_store %arg7[%parallel_loop3A_399, %parallel_loop3A_400], %parallel_loop3A_349 {strides = array<i32>} : memref<64x512xf32, #tpu.memory_space<vmem>>, vector<16xf32>,
      %parallel_loop3A_402 = arith.constant 39 : i32
      %parallel_loop3A_403 = vector.broadcast %parallel_loop3A_402 : i32 to vector<16xi32>
      %parallel_loop3A_404 = arith.addi %parallel_loop3A_111, %parallel_loop3A_403 : vector<16xi32>
      %parallel_loop3A_405 = tpu.vector_load_idx %arg5[%parallel_loop3A_404] : memref<11280xf32, #tpu.memory_space<vmem>>[vector<16xi32>], vector<16xf32>,
      %parallel_loop3A_406 = arith.constant 33 : i32
      %parallel_loop3A_407 = arith.index_cast %parallel_loop3A_406 : i32 to index
      %parallel_loop3A_408 = arith.index_cast %parallel_loop3A_113 : i32 to index
      %parallel_loop3A_409 = tpu.vector_load %arg7[%parallel_loop3A_407, %parallel_loop3A_408] {strides = array<i32>} : memref<64x512xf32, #tpu.memory_space<vmem>>, vector<16xf32>,
      tpu.vector_store %arg7[%parallel_loop3A_407, %parallel_loop3A_408], %parallel_loop3A_357 {strides = array<i32>} : memref<64x512xf32, #tpu.memory_space<vmem>>, vector<16xf32>,
      %parallel_loop3A_410 = arith.constant 40 : i32
      %parallel_loop3A_411 = vector.broadcast %parallel_loop3A_410 : i32 to vector<16xi32>
      %parallel_loop3A_412 = arith.addi %parallel_loop3A_111, %parallel_loop3A_411 : vector<16xi32>
      %parallel_loop3A_413 = tpu.vector_load_idx %arg5[%parallel_loop3A_412] : memref<11280xf32, #tpu.memory_space<vmem>>[vector<16xi32>], vector<16xf32>,
      %parallel_loop3A_414 = arith.constant 34 : i32
      %parallel_loop3A_415 = arith.index_cast %parallel_loop3A_414 : i32 to index
      %parallel_loop3A_416 = arith.index_cast %parallel_loop3A_113 : i32 to index
      %parallel_loop3A_417 = tpu.vector_load %arg7[%parallel_loop3A_415, %parallel_loop3A_416] {strides = array<i32>} : memref<64x512xf32, #tpu.memory_space<vmem>>, vector<16xf32>,
      tpu.vector_store %arg7[%parallel_loop3A_415, %parallel_loop3A_416], %parallel_loop3A_365 {strides = array<i32>} : memref<64x512xf32, #tpu.memory_space<vmem>>, vector<16xf32>,
      %parallel_loop3A_418 = arith.constant 41 : i32
      %parallel_loop3A_419 = vector.broadcast %parallel_loop3A_418 : i32 to vector<16xi32>
      %parallel_loop3A_420 = arith.addi %parallel_loop3A_111, %parallel_loop3A_419 : vector<16xi32>
      %parallel_loop3A_421 = tpu.vector_load_idx %arg5[%parallel_loop3A_420] : memref<11280xf32, #tpu.memory_space<vmem>>[vector<16xi32>], vector<16xf32>,
      %parallel_loop3A_422 = arith.constant 35 : i32
      %parallel_loop3A_423 = arith.index_cast %parallel_loop3A_422 : i32 to index
      %parallel_loop3A_424 = arith.index_cast %parallel_loop3A_113 : i32 to index
      %parallel_loop3A_425 = tpu.vector_load %arg7[%parallel_loop3A_423, %parallel_loop3A_424] {strides = array<i32>} : memref<64x512xf32, #tpu.memory_space<vmem>>, vector<16xf32>,
      tpu.vector_store %arg7[%parallel_loop3A_423, %parallel_loop3A_424], %parallel_loop3A_373 {strides = array<i32>} : memref<64x512xf32, #tpu.memory_space<vmem>>, vector<16xf32>,
      %parallel_loop3A_426 = arith.constant 42 : i32
      %parallel_loop3A_427 = vector.broadcast %parallel_loop3A_426 : i32 to vector<16xi32>
      %parallel_loop3A_428 = arith.addi %parallel_loop3A_111, %parallel_loop3A_427 : vector<16xi32>
      %parallel_loop3A_429 = tpu.vector_load_idx %arg5[%parallel_loop3A_428] : memref<11280xf32, #tpu.memory_space<vmem>>[vector<16xi32>], vector<16xf32>,
      %parallel_loop3A_430 = arith.constant 36 : i32
      %parallel_loop3A_431 = arith.index_cast %parallel_loop3A_430 : i32 to index
      %parallel_loop3A_432 = arith.index_cast %parallel_loop3A_113 : i32 to index
      %parallel_loop3A_433 = tpu.vector_load %arg7[%parallel_loop3A_431, %parallel_loop3A_432] {strides = array<i32>} : memref<64x512xf32, #tpu.memory_space<vmem>>, vector<16xf32>,
      tpu.vector_store %arg7[%parallel_loop3A_431, %parallel_loop3A_432], %parallel_loop3A_381 {strides = array<i32>} : memref<64x512xf32, #tpu.memory_space<vmem>>, vector<16xf32>,
      %parallel_loop3A_434 = arith.constant 43 : i32
      %parallel_loop3A_435 = vector.broadcast %parallel_loop3A_434 : i32 to vector<16xi32>
      %parallel_loop3A_436 = arith.addi %parallel_loop3A_111, %parallel_loop3A_435 : vector<16xi32>
      %parallel_loop3A_437 = tpu.vector_load_idx %arg5[%parallel_loop3A_436] : memref<11280xf32, #tpu.memory_space<vmem>>[vector<16xi32>], vector<16xf32>,
      %parallel_loop3A_438 = arith.constant 37 : i32
      %parallel_loop3A_439 = arith.index_cast %parallel_loop3A_438 : i32 to index
      %parallel_loop3A_440 = arith.index_cast %parallel_loop3A_113 : i32 to index
      %parallel_loop3A_441 = tpu.vector_load %arg7[%parallel_loop3A_439, %parallel_loop3A_440] {strides = array<i32>} : memref<64x512xf32, #tpu.memory_space<vmem>>, vector<16xf32>,
      tpu.vector_store %arg7[%parallel_loop3A_439, %parallel_loop3A_440], %parallel_loop3A_389 {strides = array<i32>} : memref<64x512xf32, #tpu.memory_space<vmem>>, vector<16xf32>,
      %parallel_loop3A_442 = arith.constant 44 : i32
      %parallel_loop3A_443 = vector.broadcast %parallel_loop3A_442 : i32 to vector<16xi32>
      %parallel_loop3A_444 = arith.addi %parallel_loop3A_111, %parallel_loop3A_443 : vector<16xi32>
      %parallel_loop3A_445 = tpu.vector_load_idx %arg5[%parallel_loop3A_444] : memref<11280xf32, #tpu.memory_space<vmem>>[vector<16xi32>], vector<16xf32>,
      %parallel_loop3A_446 = arith.constant 38 : i32
      %parallel_loop3A_447 = arith.index_cast %parallel_loop3A_446 : i32 to index
      %parallel_loop3A_448 = arith.index_cast %parallel_loop3A_113 : i32 to index
      %parallel_loop3A_449 = tpu.vector_load %arg7[%parallel_loop3A_447, %parallel_loop3A_448] {strides = array<i32>} : memref<64x512xf32, #tpu.memory_space<vmem>>, vector<16xf32>,
      tpu.vector_store %arg7[%parallel_loop3A_447, %parallel_loop3A_448], %parallel_loop3A_397 {strides = array<i32>} : memref<64x512xf32, #tpu.memory_space<vmem>>, vector<16xf32>,
      %parallel_loop3A_450 = arith.constant 45 : i32
      %parallel_loop3A_451 = vector.broadcast %parallel_loop3A_450 : i32 to vector<16xi32>
      %parallel_loop3A_452 = arith.addi %parallel_loop3A_111, %parallel_loop3A_451 : vector<16xi32>
      %parallel_loop3A_453 = tpu.vector_load_idx %arg5[%parallel_loop3A_452] : memref<11280xf32, #tpu.memory_space<vmem>>[vector<16xi32>], vector<16xf32>,
      %parallel_loop3A_454 = arith.constant 39 : i32
      %parallel_loop3A_455 = arith.index_cast %parallel_loop3A_454 : i32 to index
      %parallel_loop3A_456 = arith.index_cast %parallel_loop3A_113 : i32 to index
      %parallel_loop3A_457 = tpu.vector_load %arg7[%parallel_loop3A_455, %parallel_loop3A_456] {strides = array<i32>} : memref<64x512xf32, #tpu.memory_space<vmem>>, vector<16xf32>,
      tpu.vector_store %arg7[%parallel_loop3A_455, %parallel_loop3A_456], %parallel_loop3A_405 {strides = array<i32>} : memref<64x512xf32, #tpu.memory_space<vmem>>, vector<16xf32>,
      %parallel_loop3A_458 = arith.constant 46 : i32
      %parallel_loop3A_459 = vector.broadcast %parallel_loop3A_458 : i32 to vector<16xi32>
      %parallel_loop3A_460 = arith.addi %parallel_loop3A_111, %parallel_loop3A_459 : vector<16xi32>
      %parallel_loop3A_461 = tpu.vector_load_idx %arg5[%parallel_loop3A_460] : memref<11280xf32, #tpu.memory_space<vmem>>[vector<16xi32>], vector<16xf32>,
      %parallel_loop3A_462 = arith.constant 40 : i32
      %parallel_loop3A_463 = arith.index_cast %parallel_loop3A_462 : i32 to index
      %parallel_loop3A_464 = arith.index_cast %parallel_loop3A_113 : i32 to index
      %parallel_loop3A_465 = tpu.vector_load %arg7[%parallel_loop3A_463, %parallel_loop3A_464] {strides = array<i32>} : memref<64x512xf32, #tpu.memory_space<vmem>>, vector<16xf32>,
      tpu.vector_store %arg7[%parallel_loop3A_463, %parallel_loop3A_464], %parallel_loop3A_413 {strides = array<i32>} : memref<64x512xf32, #tpu.memory_space<vmem>>, vector<16xf32>,
      %parallel_loop3A_466 = arith.constant 47 : i32
      %parallel_loop3A_467 = vector.broadcast %parallel_loop3A_466 : i32 to vector<16xi32>
      %parallel_loop3A_468 = arith.addi %parallel_loop3A_111, %parallel_loop3A_467 : vector<16xi32>
      %parallel_loop3A_469 = tpu.vector_load_idx %arg5[%parallel_loop3A_468] : memref<11280xf32, #tpu.memory_space<vmem>>[vector<16xi32>], vector<16xf32>,
      %parallel_loop3A_470 = arith.constant 41 : i32
      %parallel_loop3A_471 = arith.index_cast %parallel_loop3A_470 : i32 to index
      %parallel_loop3A_472 = arith.index_cast %parallel_loop3A_113 : i32 to index
      %parallel_loop3A_473 = tpu.vector_load %arg7[%parallel_loop3A_471, %parallel_loop3A_472] {strides = array<i32>} : memref<64x512xf32, #tpu.memory_space<vmem>>, vector<16xf32>,
      tpu.vector_store %arg7[%parallel_loop3A_471, %parallel_loop3A_472], %parallel_loop3A_421 {strides = array<i32>} : memref<64x512xf32, #tpu.memory_space<vmem>>, vector<16xf32>,
      %parallel_loop3A_474 = arith.constant 48 : i32
      %parallel_loop3A_475 = vector.broadcast %parallel_loop3A_474 : i32 to vector<16xi32>
      %parallel_loop3A_476 = arith.addi %parallel_loop3A_111, %parallel_loop3A_475 : vector<16xi32>
      %parallel_loop3A_477 = tpu.vector_load_idx %arg5[%parallel_loop3A_476] : memref<11280xf32, #tpu.memory_space<vmem>>[vector<16xi32>], vector<16xf32>,
      %parallel_loop3A_478 = arith.constant 42 : i32
      %parallel_loop3A_479 = arith.index_cast %parallel_loop3A_478 : i32 to index
      %parallel_loop3A_480 = arith.index_cast %parallel_loop3A_113 : i32 to index
      %parallel_loop3A_481 = tpu.vector_load %arg7[%parallel_loop3A_479, %parallel_loop3A_480] {strides = array<i32>} : memref<64x512xf32, #tpu.memory_space<vmem>>, vector<16xf32>,
      tpu.vector_store %arg7[%parallel_loop3A_479, %parallel_loop3A_480], %parallel_loop3A_429 {strides = array<i32>} : memref<64x512xf32, #tpu.memory_space<vmem>>, vector<16xf32>,
      %parallel_loop3A_482 = arith.constant 49 : i32
      %parallel_loop3A_483 = vector.broadcast %parallel_loop3A_482 : i32 to vector<16xi32>
      %parallel_loop3A_484 = arith.addi %parallel_loop3A_111, %parallel_loop3A_483 : vector<16xi32>
      %parallel_loop3A_485 = tpu.vector_load_idx %arg5[%parallel_loop3A_484] : memref<11280xf32, #tpu.memory_space<vmem>>[vector<16xi32>], vector<16xf32>,
      %parallel_loop3A_486 = arith.constant 43 : i32
      %parallel_loop3A_487 = arith.index_cast %parallel_loop3A_486 : i32 to index
      %parallel_loop3A_488 = arith.index_cast %parallel_loop3A_113 : i32 to index
      %parallel_loop3A_489 = tpu.vector_load %arg7[%parallel_loop3A_487, %parallel_loop3A_488] {strides = array<i32>} : memref<64x512xf32, #tpu.memory_space<vmem>>, vector<16xf32>,
      tpu.vector_store %arg7[%parallel_loop3A_487, %parallel_loop3A_488], %parallel_loop3A_437 {strides = array<i32>} : memref<64x512xf32, #tpu.memory_space<vmem>>, vector<16xf32>,
      %parallel_loop3A_490 = arith.constant 50 : i32
      %parallel_loop3A_491 = vector.broadcast %parallel_loop3A_490 : i32 to vector<16xi32>
      %parallel_loop3A_492 = arith.addi %parallel_loop3A_111, %parallel_loop3A_491 : vector<16xi32>
      %parallel_loop3A_493 = tpu.vector_load_idx %arg5[%parallel_loop3A_492] : memref<11280xf32, #tpu.memory_space<vmem>>[vector<16xi32>], vector<16xf32>,
      %parallel_loop3A_494 = arith.constant 44 : i32
      %parallel_loop3A_495 = arith.index_cast %parallel_loop3A_494 : i32 to index
      %parallel_loop3A_496 = arith.index_cast %parallel_loop3A_113 : i32 to index
      %parallel_loop3A_497 = tpu.vector_load %arg7[%parallel_loop3A_495, %parallel_loop3A_496] {strides = array<i32>} : memref<64x512xf32, #tpu.memory_space<vmem>>, vector<16xf32>,
      tpu.vector_store %arg7[%parallel_loop3A_495, %parallel_loop3A_496], %parallel_loop3A_445 {strides = array<i32>} : memref<64x512xf32, #tpu.memory_space<vmem>>, vector<16xf32>,
      %parallel_loop3A_498 = arith.constant 51 : i32
      %parallel_loop3A_499 = vector.broadcast %parallel_loop3A_498 : i32 to vector<16xi32>
      %parallel_loop3A_500 = arith.addi %parallel_loop3A_111, %parallel_loop3A_499 : vector<16xi32>
      %parallel_loop3A_501 = tpu.vector_load_idx %arg5[%parallel_loop3A_500] : memref<11280xf32, #tpu.memory_space<vmem>>[vector<16xi32>], vector<16xf32>,
      %parallel_loop3A_502 = arith.constant 45 : i32
      %parallel_loop3A_503 = arith.index_cast %parallel_loop3A_502 : i32 to index
      %parallel_loop3A_504 = arith.index_cast %parallel_loop3A_113 : i32 to index
      %parallel_loop3A_505 = tpu.vector_load %arg7[%parallel_loop3A_503, %parallel_loop3A_504] {strides = array<i32>} : memref<64x512xf32, #tpu.memory_space<vmem>>, vector<16xf32>,
      tpu.vector_store %arg7[%parallel_loop3A_503, %parallel_loop3A_504], %parallel_loop3A_453 {strides = array<i32>} : memref<64x512xf32, #tpu.memory_space<vmem>>, vector<16xf32>,
      %parallel_loop3A_506 = arith.constant 52 : i32
      %parallel_loop3A_507 = vector.broadcast %parallel_loop3A_506 : i32 to vector<16xi32>
      %parallel_loop3A_508 = arith.addi %parallel_loop3A_111, %parallel_loop3A_507 : vector<16xi32>
      %parallel_loop3A_509 = tpu.vector_load_idx %arg5[%parallel_loop3A_508] : memref<11280xf32, #tpu.memory_space<vmem>>[vector<16xi32>], vector<16xf32>,
      %parallel_loop3A_510 = arith.constant 46 : i32
      %parallel_loop3A_511 = arith.index_cast %parallel_loop3A_510 : i32 to index
      %parallel_loop3A_512 = arith.index_cast %parallel_loop3A_113 : i32 to index
      %parallel_loop3A_513 = tpu.vector_load %arg7[%parallel_loop3A_511, %parallel_loop3A_512] {strides = array<i32>} : memref<64x512xf32, #tpu.memory_space<vmem>>, vector<16xf32>,
      tpu.vector_store %arg7[%parallel_loop3A_511, %parallel_loop3A_512], %parallel_loop3A_461 {strides = array<i32>} : memref<64x512xf32, #tpu.memory_space<vmem>>, vector<16xf32>,
      %parallel_loop3A_514 = arith.constant 53 : i32
      %parallel_loop3A_515 = vector.broadcast %parallel_loop3A_514 : i32 to vector<16xi32>
      %parallel_loop3A_516 = arith.addi %parallel_loop3A_111, %parallel_loop3A_515 : vector<16xi32>
      %parallel_loop3A_517 = tpu.vector_load_idx %arg5[%parallel_loop3A_516] : memref<11280xf32, #tpu.memory_space<vmem>>[vector<16xi32>], vector<16xf32>,
      %parallel_loop3A_518 = arith.constant 47 : i32
      %parallel_loop3A_519 = arith.index_cast %parallel_loop3A_518 : i32 to index
      %parallel_loop3A_520 = arith.index_cast %parallel_loop3A_113 : i32 to index
      %parallel_loop3A_521 = tpu.vector_load %arg7[%parallel_loop3A_519, %parallel_loop3A_520] {strides = array<i32>} : memref<64x512xf32, #tpu.memory_space<vmem>>, vector<16xf32>,
      tpu.vector_store %arg7[%parallel_loop3A_519, %parallel_loop3A_520], %parallel_loop3A_469 {strides = array<i32>} : memref<64x512xf32, #tpu.memory_space<vmem>>, vector<16xf32>,
      %parallel_loop3A_522 = arith.constant 54 : i32
      %parallel_loop3A_523 = vector.broadcast %parallel_loop3A_522 : i32 to vector<16xi32>
      %parallel_loop3A_524 = arith.addi %parallel_loop3A_111, %parallel_loop3A_523 : vector<16xi32>
      %parallel_loop3A_525 = tpu.vector_load_idx %arg5[%parallel_loop3A_524] : memref<11280xf32, #tpu.memory_space<vmem>>[vector<16xi32>], vector<16xf32>,
      %parallel_loop3A_526 = arith.constant 48 : i32
      %parallel_loop3A_527 = arith.index_cast %parallel_loop3A_526 : i32 to index
      %parallel_loop3A_528 = arith.index_cast %parallel_loop3A_113 : i32 to index
      %parallel_loop3A_529 = tpu.vector_load %arg7[%parallel_loop3A_527, %parallel_loop3A_528] {strides = array<i32>} : memref<64x512xf32, #tpu.memory_space<vmem>>, vector<16xf32>,
      tpu.vector_store %arg7[%parallel_loop3A_527, %parallel_loop3A_528], %parallel_loop3A_477 {strides = array<i32>} : memref<64x512xf32, #tpu.memory_space<vmem>>, vector<16xf32>,
      %parallel_loop3A_530 = arith.constant 55 : i32
      %parallel_loop3A_531 = vector.broadcast %parallel_loop3A_530 : i32 to vector<16xi32>
      %parallel_loop3A_532 = arith.addi %parallel_loop3A_111, %parallel_loop3A_531 : vector<16xi32>
      %parallel_loop3A_533 = tpu.vector_load_idx %arg5[%parallel_loop3A_532] : memref<11280xf32, #tpu.memory_space<vmem>>[vector<16xi32>], vector<16xf32>,
      %parallel_loop3A_534 = arith.constant 49 : i32
      %parallel_loop3A_535 = arith.index_cast %parallel_loop3A_534 : i32 to index
      %parallel_loop3A_536 = arith.index_cast %parallel_loop3A_113 : i32 to index
      %parallel_loop3A_537 = tpu.vector_load %arg7[%parallel_loop3A_535, %parallel_loop3A_536] {strides = array<i32>} : memref<64x512xf32, #tpu.memory_space<vmem>>, vector<16xf32>,
      tpu.vector_store %arg7[%parallel_loop3A_535, %parallel_loop3A_536], %parallel_loop3A_485 {strides = array<i32>} : memref<64x512xf32, #tpu.memory_space<vmem>>, vector<16xf32>,
      %parallel_loop3A_538 = arith.constant 56 : i32
      %parallel_loop3A_539 = vector.broadcast %parallel_loop3A_538 : i32 to vector<16xi32>
      %parallel_loop3A_540 = arith.addi %parallel_loop3A_111, %parallel_loop3A_539 : vector<16xi32>
      %parallel_loop3A_541 = tpu.vector_load_idx %arg5[%parallel_loop3A_540] : memref<11280xf32, #tpu.memory_space<vmem>>[vector<16xi32>], vector<16xf32>,
      %parallel_loop3A_542 = arith.constant 50 : i32
      %parallel_loop3A_543 = arith.index_cast %parallel_loop3A_542 : i32 to index
      %parallel_loop3A_544 = arith.index_cast %parallel_loop3A_113 : i32 to index
      %parallel_loop3A_545 = tpu.vector_load %arg7[%parallel_loop3A_543, %parallel_loop3A_544] {strides = array<i32>} : memref<64x512xf32, #tpu.memory_space<vmem>>, vector<16xf32>,
      tpu.vector_store %arg7[%parallel_loop3A_543, %parallel_loop3A_544], %parallel_loop3A_493 {strides = array<i32>} : memref<64x512xf32, #tpu.memory_space<vmem>>, vector<16xf32>,
      %parallel_loop3A_546 = arith.constant 57 : i32
      %parallel_loop3A_547 = vector.broadcast %parallel_loop3A_546 : i32 to vector<16xi32>
      %parallel_loop3A_548 = arith.addi %parallel_loop3A_111, %parallel_loop3A_547 : vector<16xi32>
      %parallel_loop3A_549 = tpu.vector_load_idx %arg5[%parallel_loop3A_548] : memref<11280xf32, #tpu.memory_space<vmem>>[vector<16xi32>], vector<16xf32>,
      %parallel_loop3A_550 = arith.constant 51 : i32
      %parallel_loop3A_551 = arith.index_cast %parallel_loop3A_550 : i32 to index
      %parallel_loop3A_552 = arith.index_cast %parallel_loop3A_113 : i32 to index
      %parallel_loop3A_553 = tpu.vector_load %arg7[%parallel_loop3A_551, %parallel_loop3A_552] {strides = array<i32>} : memref<64x512xf32, #tpu.memory_space<vmem>>, vector<16xf32>,
      tpu.vector_store %arg7[%parallel_loop3A_551, %parallel_loop3A_552], %parallel_loop3A_501 {strides = array<i32>} : memref<64x512xf32, #tpu.memory_space<vmem>>, vector<16xf32>,
      %parallel_loop3A_554 = arith.constant 58 : i32
      %parallel_loop3A_555 = vector.broadcast %parallel_loop3A_554 : i32 to vector<16xi32>
      %parallel_loop3A_556 = arith.addi %parallel_loop3A_111, %parallel_loop3A_555 : vector<16xi32>
      %parallel_loop3A_557 = tpu.vector_load_idx %arg5[%parallel_loop3A_556] : memref<11280xf32, #tpu.memory_space<vmem>>[vector<16xi32>], vector<16xf32>,
      %parallel_loop3A_558 = arith.constant 52 : i32
      %parallel_loop3A_559 = arith.index_cast %parallel_loop3A_558 : i32 to index
      %parallel_loop3A_560 = arith.index_cast %parallel_loop3A_113 : i32 to index
      %parallel_loop3A_561 = tpu.vector_load %arg7[%parallel_loop3A_559, %parallel_loop3A_560] {strides = array<i32>} : memref<64x512xf32, #tpu.memory_space<vmem>>, vector<16xf32>,
      tpu.vector_store %arg7[%parallel_loop3A_559, %parallel_loop3A_560], %parallel_loop3A_509 {strides = array<i32>} : memref<64x512xf32, #tpu.memory_space<vmem>>, vector<16xf32>,
      %parallel_loop3A_562 = arith.constant 59 : i32
      %parallel_loop3A_563 = vector.broadcast %parallel_loop3A_562 : i32 to vector<16xi32>
      %parallel_loop3A_564 = arith.addi %parallel_loop3A_111, %parallel_loop3A_563 : vector<16xi32>
      %parallel_loop3A_565 = tpu.vector_load_idx %arg5[%parallel_loop3A_564] : memref<11280xf32, #tpu.memory_space<vmem>>[vector<16xi32>], vector<16xf32>,
      %parallel_loop3A_566 = arith.constant 53 : i32
      %parallel_loop3A_567 = arith.index_cast %parallel_loop3A_566 : i32 to index
      %parallel_loop3A_568 = arith.index_cast %parallel_loop3A_113 : i32 to index
      %parallel_loop3A_569 = tpu.vector_load %arg7[%parallel_loop3A_567, %parallel_loop3A_568] {strides = array<i32>} : memref<64x512xf32, #tpu.memory_space<vmem>>, vector<16xf32>,
      tpu.vector_store %arg7[%parallel_loop3A_567, %parallel_loop3A_568], %parallel_loop3A_517 {strides = array<i32>} : memref<64x512xf32, #tpu.memory_space<vmem>>, vector<16xf32>,
      %parallel_loop3A_570 = arith.constant 60 : i32
      %parallel_loop3A_571 = vector.broadcast %parallel_loop3A_570 : i32 to vector<16xi32>
      %parallel_loop3A_572 = arith.addi %parallel_loop3A_111, %parallel_loop3A_571 : vector<16xi32>
      %parallel_loop3A_573 = tpu.vector_load_idx %arg5[%parallel_loop3A_572] : memref<11280xf32, #tpu.memory_space<vmem>>[vector<16xi32>], vector<16xf32>,
      %parallel_loop3A_574 = arith.constant 54 : i32
      %parallel_loop3A_575 = arith.index_cast %parallel_loop3A_574 : i32 to index
      %parallel_loop3A_576 = arith.index_cast %parallel_loop3A_113 : i32 to index
      %parallel_loop3A_577 = tpu.vector_load %arg7[%parallel_loop3A_575, %parallel_loop3A_576] {strides = array<i32>} : memref<64x512xf32, #tpu.memory_space<vmem>>, vector<16xf32>,
      tpu.vector_store %arg7[%parallel_loop3A_575, %parallel_loop3A_576], %parallel_loop3A_525 {strides = array<i32>} : memref<64x512xf32, #tpu.memory_space<vmem>>, vector<16xf32>,
      %parallel_loop3A_578 = arith.constant 61 : i32
      %parallel_loop3A_579 = vector.broadcast %parallel_loop3A_578 : i32 to vector<16xi32>
      %parallel_loop3A_580 = arith.addi %parallel_loop3A_111, %parallel_loop3A_579 : vector<16xi32>
      %parallel_loop3A_581 = tpu.vector_load_idx %arg5[%parallel_loop3A_580] : memref<11280xf32, #tpu.memory_space<vmem>>[vector<16xi32>], vector<16xf32>,
      %parallel_loop3A_582 = arith.constant 55 : i32
      %parallel_loop3A_583 = arith.index_cast %parallel_loop3A_582 : i32 to index
      %parallel_loop3A_584 = arith.index_cast %parallel_loop3A_113 : i32 to index
      %parallel_loop3A_585 = tpu.vector_load %arg7[%parallel_loop3A_583, %parallel_loop3A_584] {strides = array<i32>} : memref<64x512xf32, #tpu.memory_space<vmem>>, vector<16xf32>,
      tpu.vector_store %arg7[%parallel_loop3A_583, %parallel_loop3A_584], %parallel_loop3A_533 {strides = array<i32>} : memref<64x512xf32, #tpu.memory_space<vmem>>, vector<16xf32>,
      %parallel_loop3A_586 = arith.constant 62 : i32
      %parallel_loop3A_587 = vector.broadcast %parallel_loop3A_586 : i32 to vector<16xi32>
      %parallel_loop3A_588 = arith.addi %parallel_loop3A_111, %parallel_loop3A_587 : vector<16xi32>
      %parallel_loop3A_589 = tpu.vector_load_idx %arg5[%parallel_loop3A_588] : memref<11280xf32, #tpu.memory_space<vmem>>[vector<16xi32>], vector<16xf32>,
      %parallel_loop3A_590 = arith.constant 56 : i32
      %parallel_loop3A_591 = arith.index_cast %parallel_loop3A_590 : i32 to index
      %parallel_loop3A_592 = arith.index_cast %parallel_loop3A_113 : i32 to index
      %parallel_loop3A_593 = tpu.vector_load %arg7[%parallel_loop3A_591, %parallel_loop3A_592] {strides = array<i32>} : memref<64x512xf32, #tpu.memory_space<vmem>>, vector<16xf32>,
      tpu.vector_store %arg7[%parallel_loop3A_591, %parallel_loop3A_592], %parallel_loop3A_541 {strides = array<i32>} : memref<64x512xf32, #tpu.memory_space<vmem>>, vector<16xf32>,
      %parallel_loop3A_594 = arith.constant 63 : i32
      %parallel_loop3A_595 = vector.broadcast %parallel_loop3A_594 : i32 to vector<16xi32>
      %parallel_loop3A_596 = arith.addi %parallel_loop3A_111, %parallel_loop3A_595 : vector<16xi32>
      %parallel_loop3A_597 = tpu.vector_load_idx %arg5[%parallel_loop3A_596] : memref<11280xf32, #tpu.memory_space<vmem>>[vector<16xi32>], vector<16xf32>,
      %parallel_loop3A_598 = arith.constant 57 : i32
      %parallel_loop3A_599 = arith.index_cast %parallel_loop3A_598 : i32 to index
      %parallel_loop3A_600 = arith.index_cast %parallel_loop3A_113 : i32 to index
      %parallel_loop3A_601 = tpu.vector_load %arg7[%parallel_loop3A_599, %parallel_loop3A_600] {strides = array<i32>} : memref<64x512xf32, #tpu.memory_space<vmem>>, vector<16xf32>,
      tpu.vector_store %arg7[%parallel_loop3A_599, %parallel_loop3A_600], %parallel_loop3A_549 {strides = array<i32>} : memref<64x512xf32, #tpu.memory_space<vmem>>, vector<16xf32>,
      %parallel_loop3A_602 = arith.constant 58 : i32
      %parallel_loop3A_603 = arith.index_cast %parallel_loop3A_602 : i32 to index
      %parallel_loop3A_604 = arith.index_cast %parallel_loop3A_113 : i32 to index
      %parallel_loop3A_605 = tpu.vector_load %arg7[%parallel_loop3A_603, %parallel_loop3A_604] {strides = array<i32>} : memref<64x512xf32, #tpu.memory_space<vmem>>, vector<16xf32>,
      tpu.vector_store %arg7[%parallel_loop3A_603, %parallel_loop3A_604], %parallel_loop3A_557 {strides = array<i32>} : memref<64x512xf32, #tpu.memory_space<vmem>>, vector<16xf32>,
      %parallel_loop3A_606 = arith.constant 59 : i32
      %parallel_loop3A_607 = arith.index_cast %parallel_loop3A_606 : i32 to index
      %parallel_loop3A_608 = arith.index_cast %parallel_loop3A_113 : i32 to index
      %parallel_loop3A_609 = tpu.vector_load %arg7[%parallel_loop3A_607, %parallel_loop3A_608] {strides = array<i32>} : memref<64x512xf32, #tpu.memory_space<vmem>>, vector<16xf32>,
      tpu.vector_store %arg7[%parallel_loop3A_607, %parallel_loop3A_608], %parallel_loop3A_565 {strides = array<i32>} : memref<64x512xf32, #tpu.memory_space<vmem>>, vector<16xf32>,
      %parallel_loop3A_610 = arith.constant 60 : i32
      %parallel_loop3A_611 = arith.index_cast %parallel_loop3A_610 : i32 to index
      %parallel_loop3A_612 = arith.index_cast %parallel_loop3A_113 : i32 to index
      %parallel_loop3A_613 = tpu.vector_load %arg7[%parallel_loop3A_611, %parallel_loop3A_612] {strides = array<i32>} : memref<64x512xf32, #tpu.memory_space<vmem>>, vector<16xf32>,
      tpu.vector_store %arg7[%parallel_loop3A_611, %parallel_loop3A_612], %parallel_loop3A_573 {strides = array<i32>} : memref<64x512xf32, #tpu.memory_space<vmem>>, vector<16xf32>,
      %parallel_loop3A_614 = arith.constant 61 : i32
      %parallel_loop3A_615 = arith.index_cast %parallel_loop3A_614 : i32 to index
      %parallel_loop3A_616 = arith.index_cast %parallel_loop3A_113 : i32 to index
      %parallel_loop3A_617 = tpu.vector_load %arg7[%parallel_loop3A_615, %parallel_loop3A_616] {strides = array<i32>} : memref<64x512xf32, #tpu.memory_space<vmem>>, vector<16xf32>,
      tpu.vector_store %arg7[%parallel_loop3A_615, %parallel_loop3A_616], %parallel_loop3A_581 {strides = array<i32>} : memref<64x512xf32, #tpu.memory_space<vmem>>, vector<16xf32>,
      %parallel_loop3A_618 = arith.constant 62 : i32
      %parallel_loop3A_619 = arith.index_cast %parallel_loop3A_618 : i32 to index
      %parallel_loop3A_620 = arith.index_cast %parallel_loop3A_113 : i32 to index
      %parallel_loop3A_621 = tpu.vector_load %arg7[%parallel_loop3A_619, %parallel_loop3A_620] {strides = array<i32>} : memref<64x512xf32, #tpu.memory_space<vmem>>, vector<16xf32>,
      tpu.vector_store %arg7[%parallel_loop3A_619, %parallel_loop3A_620], %parallel_loop3A_589 {strides = array<i32>} : memref<64x512xf32, #tpu.memory_space<vmem>>, vector<16xf32>,
      %parallel_loop3A_622 = arith.constant 63 : i32
      %parallel_loop3A_623 = arith.index_cast %parallel_loop3A_622 : i32 to index
      %parallel_loop3A_624 = arith.index_cast %parallel_loop3A_113 : i32 to index
      %parallel_loop3A_625 = tpu.vector_load %arg7[%parallel_loop3A_623, %parallel_loop3A_624] {strides = array<i32>} : memref<64x512xf32, #tpu.memory_space<vmem>>, vector<16xf32>,
      tpu.vector_store %arg7[%parallel_loop3A_623, %parallel_loop3A_624], %parallel_loop3A_597 {strides = array<i32>} : memref<64x512xf32, #tpu.memory_space<vmem>>, vector<16xf32>,
    } {sc.loop_unroll_factor = 1 : i64, sc.parallel_access}
    %add3A_22 = arith.constant 128 : i32
    %add3A_23 = arith.addi %mul3A_2, %add3A_22 : i32
    %dma_start3A_24 = arith.constant 0 : i32
    %dma_start3A_25 = arith.constant 128 : i32
    %dma_start3A_26 = tpu.memref_slice %arg7[%dma_start3A_24, %dma_start3A_25] : memref<64x512xf32, #tpu.memory_space<vmem>> -> memref<64x128xf32, #tpu.memory_space<vmem>>
    %dma_start3A_27 = arith.constant 0 : i32
    %dma_start3A_28 = tpu.memref_slice %arg4[%dma_start3A_27, %add3A_23] : memref<64x16384xf32, #tpu.memory_space<hbm>> -> memref<64x128xf32, #tpu.memory_space<hbm>>
    %dma_start3A_29 = arith.constant 0 : i32
    %dma_start3A_30 = tpu.memref_slice %arg4[%dma_start3A_29, %add3A_23] : memref<64x16384xf32, #tpu.memory_space<hbm>> -> memref<64x128xf32, #tpu.memory_space<hbm>>
    %dma_start3A_31 = arith.constant 0 : i32
    %dma_start3A_32 = arith.constant 128 : i32
    %dma_start3A_33 = tpu.memref_slice %arg7[%dma_start3A_31, %dma_start3A_32] : memref<64x512xf32, #tpu.memory_space<vmem>> -> memref<64x128xf32, #tpu.memory_space<vmem>>
    tpu.enqueue_dma source(%dma_start3A_33 : memref<64x128xf32, #tpu.memory_space<vmem>>) target(%dma_start3A_30 : memref<64x128xf32, #tpu.memory_space<hbm>>) target_semaphore(%arg8 : memref<!tpu.dma_semaphore, #tpu.memory_space<semaphore_mem>>)
    %parallel_loop3A_34 = arith.constant 16 : i32
    %parallel_loop3A_35 = arith.constant 24 : i32
    %parallel_loop3A_36 = arith.constant 1 : i32
    scf.for %parallel_loop3A_103 = %parallel_loop3A_34 to %parallel_loop3A_35 step %parallel_loop3A_36  : i32 {
      %parallel_loop3A_104 = arith.constant 16 : i32
      %parallel_loop3A_105 = arith.muli %parallel_loop3A_103, %parallel_loop3A_104 : i32
      %parallel_loop3A_106 = arith.index_cast %parallel_loop3A_105 : i32 to index
      %parallel_loop3A_107 = tpu.vector_load %arg6[%parallel_loop3A_106] {strides = array<i32>} : memref<512xi32, #tpu.memory_space<vmem>>, vector<16xi32>,
      %parallel_loop3A_108 = arith.constant 64 : i32
      %parallel_loop3A_109 = vector.broadcast %parallel_loop3A_108 : i32 to vector<16xi32>
      %parallel_loop3A_110 = arith.muli %parallel_loop3A_107, %parallel_loop3A_109 : vector<16xi32>
      %parallel_loop3A_111 = arith.addi %parallel_loop3A_110, %mul3A_5 : vector<16xi32>
      %parallel_loop3A_112 = arith.constant 16 : i32
      %parallel_loop3A_113 = arith.muli %parallel_loop3A_103, %parallel_loop3A_112 : i32
      %parallel_loop3A_114 = arith.constant 0 : i32
      %parallel_loop3A_115 = vector.broadcast %parallel_loop3A_114 : i32 to vector<16xi32>
      %parallel_loop3A_116 = arith.addi %parallel_loop3A_111, %parallel_loop3A_115 : vector<16xi32>
      %parallel_loop3A_117 = tpu.vector_load_idx %arg5[%parallel_loop3A_116] : memref<11280xf32, #tpu.memory_space<vmem>>[vector<16xi32>], vector<16xf32>,
      %parallel_loop3A_118 = arith.constant 1 : i32
      %parallel_loop3A_119 = vector.broadcast %parallel_loop3A_118 : i32 to vector<16xi32>
      %parallel_loop3A_120 = arith.addi %parallel_loop3A_111, %parallel_loop3A_119 : vector<16xi32>
      %parallel_loop3A_121 = tpu.vector_load_idx %arg5[%parallel_loop3A_120] : memref<11280xf32, #tpu.memory_space<vmem>>[vector<16xi32>], vector<16xf32>,
      %parallel_loop3A_122 = arith.constant 2 : i32
      %parallel_loop3A_123 = vector.broadcast %parallel_loop3A_122 : i32 to vector<16xi32>
      %parallel_loop3A_124 = arith.addi %parallel_loop3A_111, %parallel_loop3A_123 : vector<16xi32>
      %parallel_loop3A_125 = tpu.vector_load_idx %arg5[%parallel_loop3A_124] : memref<11280xf32, #tpu.memory_space<vmem>>[vector<16xi32>], vector<16xf32>,
      %parallel_loop3A_126 = arith.constant 3 : i32
      %parallel_loop3A_127 = vector.broadcast %parallel_loop3A_126 : i32 to vector<16xi32>
      %parallel_loop3A_128 = arith.addi %parallel_loop3A_111, %parallel_loop3A_127 : vector<16xi32>
      %parallel_loop3A_129 = tpu.vector_load_idx %arg5[%parallel_loop3A_128] : memref<11280xf32, #tpu.memory_space<vmem>>[vector<16xi32>], vector<16xf32>,
      %parallel_loop3A_130 = arith.constant 4 : i32
      %parallel_loop3A_131 = vector.broadcast %parallel_loop3A_130 : i32 to vector<16xi32>
      %parallel_loop3A_132 = arith.addi %parallel_loop3A_111, %parallel_loop3A_131 : vector<16xi32>
      %parallel_loop3A_133 = tpu.vector_load_idx %arg5[%parallel_loop3A_132] : memref<11280xf32, #tpu.memory_space<vmem>>[vector<16xi32>], vector<16xf32>,
      %parallel_loop3A_134 = arith.constant 5 : i32
      %parallel_loop3A_135 = vector.broadcast %parallel_loop3A_134 : i32 to vector<16xi32>
      %parallel_loop3A_136 = arith.addi %parallel_loop3A_111, %parallel_loop3A_135 : vector<16xi32>
      %parallel_loop3A_137 = tpu.vector_load_idx %arg5[%parallel_loop3A_136] : memref<11280xf32, #tpu.memory_space<vmem>>[vector<16xi32>], vector<16xf32>,
      %parallel_loop3A_138 = arith.constant 6 : i32
      %parallel_loop3A_139 = vector.broadcast %parallel_loop3A_138 : i32 to vector<16xi32>
      %parallel_loop3A_140 = arith.addi %parallel_loop3A_111, %parallel_loop3A_139 : vector<16xi32>
      %parallel_loop3A_141 = tpu.vector_load_idx %arg5[%parallel_loop3A_140] : memref<11280xf32, #tpu.memory_space<vmem>>[vector<16xi32>], vector<16xf32>,
      %parallel_loop3A_142 = arith.constant 0 : i32
      %parallel_loop3A_143 = arith.index_cast %parallel_loop3A_142 : i32 to index
      %parallel_loop3A_144 = arith.index_cast %parallel_loop3A_113 : i32 to index
      %parallel_loop3A_145 = tpu.vector_load %arg7[%parallel_loop3A_143, %parallel_loop3A_144] {strides = array<i32>} : memref<64x512xf32, #tpu.memory_space<vmem>>, vector<16xf32>,
      tpu.vector_store %arg7[%parallel_loop3A_143, %parallel_loop3A_144], %parallel_loop3A_117 {strides = array<i32>} : memref<64x512xf32, #tpu.memory_space<vmem>>, vector<16xf32>,
      %parallel_loop3A_146 = arith.constant 7 : i32
      %parallel_loop3A_147 = vector.broadcast %parallel_loop3A_146 : i32 to vector<16xi32>
      %parallel_loop3A_148 = arith.addi %parallel_loop3A_111, %parallel_loop3A_147 : vector<16xi32>
      %parallel_loop3A_149 = tpu.vector_load_idx %arg5[%parallel_loop3A_148] : memref<11280xf32, #tpu.memory_space<vmem>>[vector<16xi32>], vector<16xf32>,
      %parallel_loop3A_150 = arith.constant 1 : i32
      %parallel_loop3A_151 = arith.index_cast %parallel_loop3A_150 : i32 to index
      %parallel_loop3A_152 = arith.index_cast %parallel_loop3A_113 : i32 to index
      %parallel_loop3A_153 = tpu.vector_load %arg7[%parallel_loop3A_151, %parallel_loop3A_152] {strides = array<i32>} : memref<64x512xf32, #tpu.memory_space<vmem>>, vector<16xf32>,
      tpu.vector_store %arg7[%parallel_loop3A_151, %parallel_loop3A_152], %parallel_loop3A_121 {strides = array<i32>} : memref<64x512xf32, #tpu.memory_space<vmem>>, vector<16xf32>,
      %parallel_loop3A_154 = arith.constant 8 : i32
      %parallel_loop3A_155 = vector.broadcast %parallel_loop3A_154 : i32 to vector<16xi32>
      %parallel_loop3A_156 = arith.addi %parallel_loop3A_111, %parallel_loop3A_155 : vector<16xi32>
      %parallel_loop3A_157 = tpu.vector_load_idx %arg5[%parallel_loop3A_156] : memref<11280xf32, #tpu.memory_space<vmem>>[vector<16xi32>], vector<16xf32>,
      %parallel_loop3A_158 = arith.constant 2 : i32
      %parallel_loop3A_159 = arith.index_cast %parallel_loop3A_158 : i32 to index
      %parallel_loop3A_160 = arith.index_cast %parallel_loop3A_113 : i32 to index
      %parallel_loop3A_161 = tpu.vector_load %arg7[%parallel_loop3A_159, %parallel_loop3A_160] {strides = array<i32>} : memref<64x512xf32, #tpu.memory_space<vmem>>, vector<16xf32>,
      tpu.vector_store %arg7[%parallel_loop3A_159, %parallel_loop3A_160], %parallel_loop3A_125 {strides = array<i32>} : memref<64x512xf32, #tpu.memory_space<vmem>>, vector<16xf32>,
      %parallel_loop3A_162 = arith.constant 9 : i32
      %parallel_loop3A_163 = vector.broadcast %parallel_loop3A_162 : i32 to vector<16xi32>
      %parallel_loop3A_164 = arith.addi %parallel_loop3A_111, %parallel_loop3A_163 : vector<16xi32>
      %parallel_loop3A_165 = tpu.vector_load_idx %arg5[%parallel_loop3A_164] : memref<11280xf32, #tpu.memory_space<vmem>>[vector<16xi32>], vector<16xf32>,
      %parallel_loop3A_166 = arith.constant 3 : i32
      %parallel_loop3A_167 = arith.index_cast %parallel_loop3A_166 : i32 to index
      %parallel_loop3A_168 = arith.index_cast %parallel_loop3A_113 : i32 to index
      %parallel_loop3A_169 = tpu.vector_load %arg7[%parallel_loop3A_167, %parallel_loop3A_168] {strides = array<i32>} : memref<64x512xf32, #tpu.memory_space<vmem>>, vector<16xf32>,
      tpu.vector_store %arg7[%parallel_loop3A_167, %parallel_loop3A_168], %parallel_loop3A_129 {strides = array<i32>} : memref<64x512xf32, #tpu.memory_space<vmem>>, vector<16xf32>,
      %parallel_loop3A_170 = arith.constant 10 : i32
      %parallel_loop3A_171 = vector.broadcast %parallel_loop3A_170 : i32 to vector<16xi32>
      %parallel_loop3A_172 = arith.addi %parallel_loop3A_111, %parallel_loop3A_171 : vector<16xi32>
      %parallel_loop3A_173 = tpu.vector_load_idx %arg5[%parallel_loop3A_172] : memref<11280xf32, #tpu.memory_space<vmem>>[vector<16xi32>], vector<16xf32>,
      %parallel_loop3A_174 = arith.constant 4 : i32
      %parallel_loop3A_175 = arith.index_cast %parallel_loop3A_174 : i32 to index
      %parallel_loop3A_176 = arith.index_cast %parallel_loop3A_113 : i32 to index
      %parallel_loop3A_177 = tpu.vector_load %arg7[%parallel_loop3A_175, %parallel_loop3A_176] {strides = array<i32>} : memref<64x512xf32, #tpu.memory_space<vmem>>, vector<16xf32>,
      tpu.vector_store %arg7[%parallel_loop3A_175, %parallel_loop3A_176], %parallel_loop3A_133 {strides = array<i32>} : memref<64x512xf32, #tpu.memory_space<vmem>>, vector<16xf32>,
      %parallel_loop3A_178 = arith.constant 11 : i32
      %parallel_loop3A_179 = vector.broadcast %parallel_loop3A_178 : i32 to vector<16xi32>
      %parallel_loop3A_180 = arith.addi %parallel_loop3A_111, %parallel_loop3A_179 : vector<16xi32>
      %parallel_loop3A_181 = tpu.vector_load_idx %arg5[%parallel_loop3A_180] : memref<11280xf32, #tpu.memory_space<vmem>>[vector<16xi32>], vector<16xf32>,
      %parallel_loop3A_182 = arith.constant 5 : i32
      %parallel_loop3A_183 = arith.index_cast %parallel_loop3A_182 : i32 to index
      %parallel_loop3A_184 = arith.index_cast %parallel_loop3A_113 : i32 to index
      %parallel_loop3A_185 = tpu.vector_load %arg7[%parallel_loop3A_183, %parallel_loop3A_184] {strides = array<i32>} : memref<64x512xf32, #tpu.memory_space<vmem>>, vector<16xf32>,
      tpu.vector_store %arg7[%parallel_loop3A_183, %parallel_loop3A_184], %parallel_loop3A_137 {strides = array<i32>} : memref<64x512xf32, #tpu.memory_space<vmem>>, vector<16xf32>,
      %parallel_loop3A_186 = arith.constant 12 : i32
      %parallel_loop3A_187 = vector.broadcast %parallel_loop3A_186 : i32 to vector<16xi32>
      %parallel_loop3A_188 = arith.addi %parallel_loop3A_111, %parallel_loop3A_187 : vector<16xi32>
      %parallel_loop3A_189 = tpu.vector_load_idx %arg5[%parallel_loop3A_188] : memref<11280xf32, #tpu.memory_space<vmem>>[vector<16xi32>], vector<16xf32>,
      %parallel_loop3A_190 = arith.constant 6 : i32
      %parallel_loop3A_191 = arith.index_cast %parallel_loop3A_190 : i32 to index
      %parallel_loop3A_192 = arith.index_cast %parallel_loop3A_113 : i32 to index
      %parallel_loop3A_193 = tpu.vector_load %arg7[%parallel_loop3A_191, %parallel_loop3A_192] {strides = array<i32>} : memref<64x512xf32, #tpu.memory_space<vmem>>, vector<16xf32>,
      tpu.vector_store %arg7[%parallel_loop3A_191, %parallel_loop3A_192], %parallel_loop3A_141 {strides = array<i32>} : memref<64x512xf32, #tpu.memory_space<vmem>>, vector<16xf32>,
      %parallel_loop3A_194 = arith.constant 13 : i32
      %parallel_loop3A_195 = vector.broadcast %parallel_loop3A_194 : i32 to vector<16xi32>
      %parallel_loop3A_196 = arith.addi %parallel_loop3A_111, %parallel_loop3A_195 : vector<16xi32>
      %parallel_loop3A_197 = tpu.vector_load_idx %arg5[%parallel_loop3A_196] : memref<11280xf32, #tpu.memory_space<vmem>>[vector<16xi32>], vector<16xf32>,
      %parallel_loop3A_198 = arith.constant 7 : i32
      %parallel_loop3A_199 = arith.index_cast %parallel_loop3A_198 : i32 to index
      %parallel_loop3A_200 = arith.index_cast %parallel_loop3A_113 : i32 to index
      %parallel_loop3A_201 = tpu.vector_load %arg7[%parallel_loop3A_199, %parallel_loop3A_200] {strides = array<i32>} : memref<64x512xf32, #tpu.memory_space<vmem>>, vector<16xf32>,
      tpu.vector_store %arg7[%parallel_loop3A_199, %parallel_loop3A_200], %parallel_loop3A_149 {strides = array<i32>} : memref<64x512xf32, #tpu.memory_space<vmem>>, vector<16xf32>,
      %parallel_loop3A_202 = arith.constant 14 : i32
      %parallel_loop3A_203 = vector.broadcast %parallel_loop3A_202 : i32 to vector<16xi32>
      %parallel_loop3A_204 = arith.addi %parallel_loop3A_111, %parallel_loop3A_203 : vector<16xi32>
      %parallel_loop3A_205 = tpu.vector_load_idx %arg5[%parallel_loop3A_204] : memref<11280xf32, #tpu.memory_space<vmem>>[vector<16xi32>], vector<16xf32>,
      %parallel_loop3A_206 = arith.constant 8 : i32
      %parallel_loop3A_207 = arith.index_cast %parallel_loop3A_206 : i32 to index
      %parallel_loop3A_208 = arith.index_cast %parallel_loop3A_113 : i32 to index
      %parallel_loop3A_209 = tpu.vector_load %arg7[%parallel_loop3A_207, %parallel_loop3A_208] {strides = array<i32>} : memref<64x512xf32, #tpu.memory_space<vmem>>, vector<16xf32>,
      tpu.vector_store %arg7[%parallel_loop3A_207, %parallel_loop3A_208], %parallel_loop3A_157 {strides = array<i32>} : memref<64x512xf32, #tpu.memory_space<vmem>>, vector<16xf32>,
      %parallel_loop3A_210 = arith.constant 15 : i32
      %parallel_loop3A_211 = vector.broadcast %parallel_loop3A_210 : i32 to vector<16xi32>
      %parallel_loop3A_212 = arith.addi %parallel_loop3A_111, %parallel_loop3A_211 : vector<16xi32>
      %parallel_loop3A_213 = tpu.vector_load_idx %arg5[%parallel_loop3A_212] : memref<11280xf32, #tpu.memory_space<vmem>>[vector<16xi32>], vector<16xf32>,
      %parallel_loop3A_214 = arith.constant 9 : i32
      %parallel_loop3A_215 = arith.index_cast %parallel_loop3A_214 : i32 to index
      %parallel_loop3A_216 = arith.index_cast %parallel_loop3A_113 : i32 to index
      %parallel_loop3A_217 = tpu.vector_load %arg7[%parallel_loop3A_215, %parallel_loop3A_216] {strides = array<i32>} : memref<64x512xf32, #tpu.memory_space<vmem>>, vector<16xf32>,
      tpu.vector_store %arg7[%parallel_loop3A_215, %parallel_loop3A_216], %parallel_loop3A_165 {strides = array<i32>} : memref<64x512xf32, #tpu.memory_space<vmem>>, vector<16xf32>,
      %parallel_loop3A_218 = arith.constant 16 : i32
      %parallel_loop3A_219 = vector.broadcast %parallel_loop3A_218 : i32 to vector<16xi32>
      %parallel_loop3A_220 = arith.addi %parallel_loop3A_111, %parallel_loop3A_219 : vector<16xi32>
      %parallel_loop3A_221 = tpu.vector_load_idx %arg5[%parallel_loop3A_220] : memref<11280xf32, #tpu.memory_space<vmem>>[vector<16xi32>], vector<16xf32>,
      %parallel_loop3A_222 = arith.constant 10 : i32
      %parallel_loop3A_223 = arith.index_cast %parallel_loop3A_222 : i32 to index
      %parallel_loop3A_224 = arith.index_cast %parallel_loop3A_113 : i32 to index
      %parallel_loop3A_225 = tpu.vector_load %arg7[%parallel_loop3A_223, %parallel_loop3A_224] {strides = array<i32>} : memref<64x512xf32, #tpu.memory_space<vmem>>, vector<16xf32>,
      tpu.vector_store %arg7[%parallel_loop3A_223, %parallel_loop3A_224], %parallel_loop3A_173 {strides = array<i32>} : memref<64x512xf32, #tpu.memory_space<vmem>>, vector<16xf32>,
      %parallel_loop3A_226 = arith.constant 17 : i32
      %parallel_loop3A_227 = vector.broadcast %parallel_loop3A_226 : i32 to vector<16xi32>
      %parallel_loop3A_228 = arith.addi %parallel_loop3A_111, %parallel_loop3A_227 : vector<16xi32>
      %parallel_loop3A_229 = tpu.vector_load_idx %arg5[%parallel_loop3A_228] : memref<11280xf32, #tpu.memory_space<vmem>>[vector<16xi32>], vector<16xf32>,
      %parallel_loop3A_230 = arith.constant 11 : i32
      %parallel_loop3A_231 = arith.index_cast %parallel_loop3A_230 : i32 to index
      %parallel_loop3A_232 = arith.index_cast %parallel_loop3A_113 : i32 to index
      %parallel_loop3A_233 = tpu.vector_load %arg7[%parallel_loop3A_231, %parallel_loop3A_232] {strides = array<i32>} : memref<64x512xf32, #tpu.memory_space<vmem>>, vector<16xf32>,
      tpu.vector_store %arg7[%parallel_loop3A_231, %parallel_loop3A_232], %parallel_loop3A_181 {strides = array<i32>} : memref<64x512xf32, #tpu.memory_space<vmem>>, vector<16xf32>,
      %parallel_loop3A_234 = arith.constant 18 : i32
      %parallel_loop3A_235 = vector.broadcast %parallel_loop3A_234 : i32 to vector<16xi32>
      %parallel_loop3A_236 = arith.addi %parallel_loop3A_111, %parallel_loop3A_235 : vector<16xi32>
      %parallel_loop3A_237 = tpu.vector_load_idx %arg5[%parallel_loop3A_236] : memref<11280xf32, #tpu.memory_space<vmem>>[vector<16xi32>], vector<16xf32>,
      %parallel_loop3A_238 = arith.constant 12 : i32
      %parallel_loop3A_239 = arith.index_cast %parallel_loop3A_238 : i32 to index
      %parallel_loop3A_240 = arith.index_cast %parallel_loop3A_113 : i32 to index
      %parallel_loop3A_241 = tpu.vector_load %arg7[%parallel_loop3A_239, %parallel_loop3A_240] {strides = array<i32>} : memref<64x512xf32, #tpu.memory_space<vmem>>, vector<16xf32>,
      tpu.vector_store %arg7[%parallel_loop3A_239, %parallel_loop3A_240], %parallel_loop3A_189 {strides = array<i32>} : memref<64x512xf32, #tpu.memory_space<vmem>>, vector<16xf32>,
      %parallel_loop3A_242 = arith.constant 19 : i32
      %parallel_loop3A_243 = vector.broadcast %parallel_loop3A_242 : i32 to vector<16xi32>
      %parallel_loop3A_244 = arith.addi %parallel_loop3A_111, %parallel_loop3A_243 : vector<16xi32>
      %parallel_loop3A_245 = tpu.vector_load_idx %arg5[%parallel_loop3A_244] : memref<11280xf32, #tpu.memory_space<vmem>>[vector<16xi32>], vector<16xf32>,
      %parallel_loop3A_246 = arith.constant 13 : i32
      %parallel_loop3A_247 = arith.index_cast %parallel_loop3A_246 : i32 to index
      %parallel_loop3A_248 = arith.index_cast %parallel_loop3A_113 : i32 to index
      %parallel_loop3A_249 = tpu.vector_load %arg7[%parallel_loop3A_247, %parallel_loop3A_248] {strides = array<i32>} : memref<64x512xf32, #tpu.memory_space<vmem>>, vector<16xf32>,
      tpu.vector_store %arg7[%parallel_loop3A_247, %parallel_loop3A_248], %parallel_loop3A_197 {strides = array<i32>} : memref<64x512xf32, #tpu.memory_space<vmem>>, vector<16xf32>,
      %parallel_loop3A_250 = arith.constant 20 : i32
      %parallel_loop3A_251 = vector.broadcast %parallel_loop3A_250 : i32 to vector<16xi32>
      %parallel_loop3A_252 = arith.addi %parallel_loop3A_111, %parallel_loop3A_251 : vector<16xi32>
      %parallel_loop3A_253 = tpu.vector_load_idx %arg5[%parallel_loop3A_252] : memref<11280xf32, #tpu.memory_space<vmem>>[vector<16xi32>], vector<16xf32>,
      %parallel_loop3A_254 = arith.constant 14 : i32
      %parallel_loop3A_255 = arith.index_cast %parallel_loop3A_254 : i32 to index
      %parallel_loop3A_256 = arith.index_cast %parallel_loop3A_113 : i32 to index
      %parallel_loop3A_257 = tpu.vector_load %arg7[%parallel_loop3A_255, %parallel_loop3A_256] {strides = array<i32>} : memref<64x512xf32, #tpu.memory_space<vmem>>, vector<16xf32>,
      tpu.vector_store %arg7[%parallel_loop3A_255, %parallel_loop3A_256], %parallel_loop3A_205 {strides = array<i32>} : memref<64x512xf32, #tpu.memory_space<vmem>>, vector<16xf32>,
      %parallel_loop3A_258 = arith.constant 21 : i32
      %parallel_loop3A_259 = vector.broadcast %parallel_loop3A_258 : i32 to vector<16xi32>
      %parallel_loop3A_260 = arith.addi %parallel_loop3A_111, %parallel_loop3A_259 : vector<16xi32>
      %parallel_loop3A_261 = tpu.vector_load_idx %arg5[%parallel_loop3A_260] : memref<11280xf32, #tpu.memory_space<vmem>>[vector<16xi32>], vector<16xf32>,
      %parallel_loop3A_262 = arith.constant 15 : i32
      %parallel_loop3A_263 = arith.index_cast %parallel_loop3A_262 : i32 to index
      %parallel_loop3A_264 = arith.index_cast %parallel_loop3A_113 : i32 to index
      %parallel_loop3A_265 = tpu.vector_load %arg7[%parallel_loop3A_263, %parallel_loop3A_264] {strides = array<i32>} : memref<64x512xf32, #tpu.memory_space<vmem>>, vector<16xf32>,
      tpu.vector_store %arg7[%parallel_loop3A_263, %parallel_loop3A_264], %parallel_loop3A_213 {strides = array<i32>} : memref<64x512xf32, #tpu.memory_space<vmem>>, vector<16xf32>,
      %parallel_loop3A_266 = arith.constant 22 : i32
      %parallel_loop3A_267 = vector.broadcast %parallel_loop3A_266 : i32 to vector<16xi32>
      %parallel_loop3A_268 = arith.addi %parallel_loop3A_111, %parallel_loop3A_267 : vector<16xi32>
      %parallel_loop3A_269 = tpu.vector_load_idx %arg5[%parallel_loop3A_268] : memref<11280xf32, #tpu.memory_space<vmem>>[vector<16xi32>], vector<16xf32>,
      %parallel_loop3A_270 = arith.constant 16 : i32
      %parallel_loop3A_271 = arith.index_cast %parallel_loop3A_270 : i32 to index
      %parallel_loop3A_272 = arith.index_cast %parallel_loop3A_113 : i32 to index
      %parallel_loop3A_273 = tpu.vector_load %arg7[%parallel_loop3A_271, %parallel_loop3A_272] {strides = array<i32>} : memref<64x512xf32, #tpu.memory_space<vmem>>, vector<16xf32>,
      tpu.vector_store %arg7[%parallel_loop3A_271, %parallel_loop3A_272], %parallel_loop3A_221 {strides = array<i32>} : memref<64x512xf32, #tpu.memory_space<vmem>>, vector<16xf32>,
      %parallel_loop3A_274 = arith.constant 23 : i32
      %parallel_loop3A_275 = vector.broadcast %parallel_loop3A_274 : i32 to vector<16xi32>
      %parallel_loop3A_276 = arith.addi %parallel_loop3A_111, %parallel_loop3A_275 : vector<16xi32>
      %parallel_loop3A_277 = tpu.vector_load_idx %arg5[%parallel_loop3A_276] : memref<11280xf32, #tpu.memory_space<vmem>>[vector<16xi32>], vector<16xf32>,
      %parallel_loop3A_278 = arith.constant 17 : i32
      %parallel_loop3A_279 = arith.index_cast %parallel_loop3A_278 : i32 to index
      %parallel_loop3A_280 = arith.index_cast %parallel_loop3A_113 : i32 to index
      %parallel_loop3A_281 = tpu.vector_load %arg7[%parallel_loop3A_279, %parallel_loop3A_280] {strides = array<i32>} : memref<64x512xf32, #tpu.memory_space<vmem>>, vector<16xf32>,
      tpu.vector_store %arg7[%parallel_loop3A_279, %parallel_loop3A_280], %parallel_loop3A_229 {strides = array<i32>} : memref<64x512xf32, #tpu.memory_space<vmem>>, vector<16xf32>,
      %parallel_loop3A_282 = arith.constant 24 : i32
      %parallel_loop3A_283 = vector.broadcast %parallel_loop3A_282 : i32 to vector<16xi32>
      %parallel_loop3A_284 = arith.addi %parallel_loop3A_111, %parallel_loop3A_283 : vector<16xi32>
      %parallel_loop3A_285 = tpu.vector_load_idx %arg5[%parallel_loop3A_284] : memref<11280xf32, #tpu.memory_space<vmem>>[vector<16xi32>], vector<16xf32>,
      %parallel_loop3A_286 = arith.constant 18 : i32
      %parallel_loop3A_287 = arith.index_cast %parallel_loop3A_286 : i32 to index
      %parallel_loop3A_288 = arith.index_cast %parallel_loop3A_113 : i32 to index
      %parallel_loop3A_289 = tpu.vector_load %arg7[%parallel_loop3A_287, %parallel_loop3A_288] {strides = array<i32>} : memref<64x512xf32, #tpu.memory_space<vmem>>, vector<16xf32>,
      tpu.vector_store %arg7[%parallel_loop3A_287, %parallel_loop3A_288], %parallel_loop3A_237 {strides = array<i32>} : memref<64x512xf32, #tpu.memory_space<vmem>>, vector<16xf32>,
      %parallel_loop3A_290 = arith.constant 25 : i32
      %parallel_loop3A_291 = vector.broadcast %parallel_loop3A_290 : i32 to vector<16xi32>
      %parallel_loop3A_292 = arith.addi %parallel_loop3A_111, %parallel_loop3A_291 : vector<16xi32>
      %parallel_loop3A_293 = tpu.vector_load_idx %arg5[%parallel_loop3A_292] : memref<11280xf32, #tpu.memory_space<vmem>>[vector<16xi32>], vector<16xf32>,
      %parallel_loop3A_294 = arith.constant 19 : i32
      %parallel_loop3A_295 = arith.index_cast %parallel_loop3A_294 : i32 to index
      %parallel_loop3A_296 = arith.index_cast %parallel_loop3A_113 : i32 to index
      %parallel_loop3A_297 = tpu.vector_load %arg7[%parallel_loop3A_295, %parallel_loop3A_296] {strides = array<i32>} : memref<64x512xf32, #tpu.memory_space<vmem>>, vector<16xf32>,
      tpu.vector_store %arg7[%parallel_loop3A_295, %parallel_loop3A_296], %parallel_loop3A_245 {strides = array<i32>} : memref<64x512xf32, #tpu.memory_space<vmem>>, vector<16xf32>,
      %parallel_loop3A_298 = arith.constant 26 : i32
      %parallel_loop3A_299 = vector.broadcast %parallel_loop3A_298 : i32 to vector<16xi32>
      %parallel_loop3A_300 = arith.addi %parallel_loop3A_111, %parallel_loop3A_299 : vector<16xi32>
      %parallel_loop3A_301 = tpu.vector_load_idx %arg5[%parallel_loop3A_300] : memref<11280xf32, #tpu.memory_space<vmem>>[vector<16xi32>], vector<16xf32>,
      %parallel_loop3A_302 = arith.constant 20 : i32
      %parallel_loop3A_303 = arith.index_cast %parallel_loop3A_302 : i32 to index
      %parallel_loop3A_304 = arith.index_cast %parallel_loop3A_113 : i32 to index
      %parallel_loop3A_305 = tpu.vector_load %arg7[%parallel_loop3A_303, %parallel_loop3A_304] {strides = array<i32>} : memref<64x512xf32, #tpu.memory_space<vmem>>, vector<16xf32>,
      tpu.vector_store %arg7[%parallel_loop3A_303, %parallel_loop3A_304], %parallel_loop3A_253 {strides = array<i32>} : memref<64x512xf32, #tpu.memory_space<vmem>>, vector<16xf32>,
      %parallel_loop3A_306 = arith.constant 27 : i32
      %parallel_loop3A_307 = vector.broadcast %parallel_loop3A_306 : i32 to vector<16xi32>
      %parallel_loop3A_308 = arith.addi %parallel_loop3A_111, %parallel_loop3A_307 : vector<16xi32>
      %parallel_loop3A_309 = tpu.vector_load_idx %arg5[%parallel_loop3A_308] : memref<11280xf32, #tpu.memory_space<vmem>>[vector<16xi32>], vector<16xf32>,
      %parallel_loop3A_310 = arith.constant 21 : i32
      %parallel_loop3A_311 = arith.index_cast %parallel_loop3A_310 : i32 to index
      %parallel_loop3A_312 = arith.index_cast %parallel_loop3A_113 : i32 to index
      %parallel_loop3A_313 = tpu.vector_load %arg7[%parallel_loop3A_311, %parallel_loop3A_312] {strides = array<i32>} : memref<64x512xf32, #tpu.memory_space<vmem>>, vector<16xf32>,
      tpu.vector_store %arg7[%parallel_loop3A_311, %parallel_loop3A_312], %parallel_loop3A_261 {strides = array<i32>} : memref<64x512xf32, #tpu.memory_space<vmem>>, vector<16xf32>,
      %parallel_loop3A_314 = arith.constant 28 : i32
      %parallel_loop3A_315 = vector.broadcast %parallel_loop3A_314 : i32 to vector<16xi32>
      %parallel_loop3A_316 = arith.addi %parallel_loop3A_111, %parallel_loop3A_315 : vector<16xi32>
      %parallel_loop3A_317 = tpu.vector_load_idx %arg5[%parallel_loop3A_316] : memref<11280xf32, #tpu.memory_space<vmem>>[vector<16xi32>], vector<16xf32>,
      %parallel_loop3A_318 = arith.constant 22 : i32
      %parallel_loop3A_319 = arith.index_cast %parallel_loop3A_318 : i32 to index
      %parallel_loop3A_320 = arith.index_cast %parallel_loop3A_113 : i32 to index
      %parallel_loop3A_321 = tpu.vector_load %arg7[%parallel_loop3A_319, %parallel_loop3A_320] {strides = array<i32>} : memref<64x512xf32, #tpu.memory_space<vmem>>, vector<16xf32>,
      tpu.vector_store %arg7[%parallel_loop3A_319, %parallel_loop3A_320], %parallel_loop3A_269 {strides = array<i32>} : memref<64x512xf32, #tpu.memory_space<vmem>>, vector<16xf32>,
      %parallel_loop3A_322 = arith.constant 29 : i32
      %parallel_loop3A_323 = vector.broadcast %parallel_loop3A_322 : i32 to vector<16xi32>
      %parallel_loop3A_324 = arith.addi %parallel_loop3A_111, %parallel_loop3A_323 : vector<16xi32>
      %parallel_loop3A_325 = tpu.vector_load_idx %arg5[%parallel_loop3A_324] : memref<11280xf32, #tpu.memory_space<vmem>>[vector<16xi32>], vector<16xf32>,
      %parallel_loop3A_326 = arith.constant 23 : i32
      %parallel_loop3A_327 = arith.index_cast %parallel_loop3A_326 : i32 to index
      %parallel_loop3A_328 = arith.index_cast %parallel_loop3A_113 : i32 to index
      %parallel_loop3A_329 = tpu.vector_load %arg7[%parallel_loop3A_327, %parallel_loop3A_328] {strides = array<i32>} : memref<64x512xf32, #tpu.memory_space<vmem>>, vector<16xf32>,
      tpu.vector_store %arg7[%parallel_loop3A_327, %parallel_loop3A_328], %parallel_loop3A_277 {strides = array<i32>} : memref<64x512xf32, #tpu.memory_space<vmem>>, vector<16xf32>,
      %parallel_loop3A_330 = arith.constant 30 : i32
      %parallel_loop3A_331 = vector.broadcast %parallel_loop3A_330 : i32 to vector<16xi32>
      %parallel_loop3A_332 = arith.addi %parallel_loop3A_111, %parallel_loop3A_331 : vector<16xi32>
      %parallel_loop3A_333 = tpu.vector_load_idx %arg5[%parallel_loop3A_332] : memref<11280xf32, #tpu.memory_space<vmem>>[vector<16xi32>], vector<16xf32>,
      %parallel_loop3A_334 = arith.constant 24 : i32
      %parallel_loop3A_335 = arith.index_cast %parallel_loop3A_334 : i32 to index
      %parallel_loop3A_336 = arith.index_cast %parallel_loop3A_113 : i32 to index
      %parallel_loop3A_337 = tpu.vector_load %arg7[%parallel_loop3A_335, %parallel_loop3A_336] {strides = array<i32>} : memref<64x512xf32, #tpu.memory_space<vmem>>, vector<16xf32>,
      tpu.vector_store %arg7[%parallel_loop3A_335, %parallel_loop3A_336], %parallel_loop3A_285 {strides = array<i32>} : memref<64x512xf32, #tpu.memory_space<vmem>>, vector<16xf32>,
      %parallel_loop3A_338 = arith.constant 31 : i32
      %parallel_loop3A_339 = vector.broadcast %parallel_loop3A_338 : i32 to vector<16xi32>
      %parallel_loop3A_340 = arith.addi %parallel_loop3A_111, %parallel_loop3A_339 : vector<16xi32>
      %parallel_loop3A_341 = tpu.vector_load_idx %arg5[%parallel_loop3A_340] : memref<11280xf32, #tpu.memory_space<vmem>>[vector<16xi32>], vector<16xf32>,
      %parallel_loop3A_342 = arith.constant 25 : i32
      %parallel_loop3A_343 = arith.index_cast %parallel_loop3A_342 : i32 to index
      %parallel_loop3A_344 = arith.index_cast %parallel_loop3A_113 : i32 to index
      %parallel_loop3A_345 = tpu.vector_load %arg7[%parallel_loop3A_343, %parallel_loop3A_344] {strides = array<i32>} : memref<64x512xf32, #tpu.memory_space<vmem>>, vector<16xf32>,
      tpu.vector_store %arg7[%parallel_loop3A_343, %parallel_loop3A_344], %parallel_loop3A_293 {strides = array<i32>} : memref<64x512xf32, #tpu.memory_space<vmem>>, vector<16xf32>,
      %parallel_loop3A_346 = arith.constant 32 : i32
      %parallel_loop3A_347 = vector.broadcast %parallel_loop3A_346 : i32 to vector<16xi32>
      %parallel_loop3A_348 = arith.addi %parallel_loop3A_111, %parallel_loop3A_347 : vector<16xi32>
      %parallel_loop3A_349 = tpu.vector_load_idx %arg5[%parallel_loop3A_348] : memref<11280xf32, #tpu.memory_space<vmem>>[vector<16xi32>], vector<16xf32>,
      %parallel_loop3A_350 = arith.constant 26 : i32
      %parallel_loop3A_351 = arith.index_cast %parallel_loop3A_350 : i32 to index
      %parallel_loop3A_352 = arith.index_cast %parallel_loop3A_113 : i32 to index
      %parallel_loop3A_353 = tpu.vector_load %arg7[%parallel_loop3A_351, %parallel_loop3A_352] {strides = array<i32>} : memref<64x512xf32, #tpu.memory_space<vmem>>, vector<16xf32>,
      tpu.vector_store %arg7[%parallel_loop3A_351, %parallel_loop3A_352], %parallel_loop3A_301 {strides = array<i32>} : memref<64x512xf32, #tpu.memory_space<vmem>>, vector<16xf32>,
      %parallel_loop3A_354 = arith.constant 33 : i32
      %parallel_loop3A_355 = vector.broadcast %parallel_loop3A_354 : i32 to vector<16xi32>
      %parallel_loop3A_356 = arith.addi %parallel_loop3A_111, %parallel_loop3A_355 : vector<16xi32>
      %parallel_loop3A_357 = tpu.vector_load_idx %arg5[%parallel_loop3A_356] : memref<11280xf32, #tpu.memory_space<vmem>>[vector<16xi32>], vector<16xf32>,
      %parallel_loop3A_358 = arith.constant 27 : i32
      %parallel_loop3A_359 = arith.index_cast %parallel_loop3A_358 : i32 to index
      %parallel_loop3A_360 = arith.index_cast %parallel_loop3A_113 : i32 to index
      %parallel_loop3A_361 = tpu.vector_load %arg7[%parallel_loop3A_359, %parallel_loop3A_360] {strides = array<i32>} : memref<64x512xf32, #tpu.memory_space<vmem>>, vector<16xf32>,
      tpu.vector_store %arg7[%parallel_loop3A_359, %parallel_loop3A_360], %parallel_loop3A_309 {strides = array<i32>} : memref<64x512xf32, #tpu.memory_space<vmem>>, vector<16xf32>,
      %parallel_loop3A_362 = arith.constant 34 : i32
      %parallel_loop3A_363 = vector.broadcast %parallel_loop3A_362 : i32 to vector<16xi32>
      %parallel_loop3A_364 = arith.addi %parallel_loop3A_111, %parallel_loop3A_363 : vector<16xi32>
      %parallel_loop3A_365 = tpu.vector_load_idx %arg5[%parallel_loop3A_364] : memref<11280xf32, #tpu.memory_space<vmem>>[vector<16xi32>], vector<16xf32>,
      %parallel_loop3A_366 = arith.constant 28 : i32
      %parallel_loop3A_367 = arith.index_cast %parallel_loop3A_366 : i32 to index
      %parallel_loop3A_368 = arith.index_cast %parallel_loop3A_113 : i32 to index
      %parallel_loop3A_369 = tpu.vector_load %arg7[%parallel_loop3A_367, %parallel_loop3A_368] {strides = array<i32>} : memref<64x512xf32, #tpu.memory_space<vmem>>, vector<16xf32>,
      tpu.vector_store %arg7[%parallel_loop3A_367, %parallel_loop3A_368], %parallel_loop3A_317 {strides = array<i32>} : memref<64x512xf32, #tpu.memory_space<vmem>>, vector<16xf32>,
      %parallel_loop3A_370 = arith.constant 35 : i32
      %parallel_loop3A_371 = vector.broadcast %parallel_loop3A_370 : i32 to vector<16xi32>
      %parallel_loop3A_372 = arith.addi %parallel_loop3A_111, %parallel_loop3A_371 : vector<16xi32>
      %parallel_loop3A_373 = tpu.vector_load_idx %arg5[%parallel_loop3A_372] : memref<11280xf32, #tpu.memory_space<vmem>>[vector<16xi32>], vector<16xf32>,
      %parallel_loop3A_374 = arith.constant 29 : i32
      %parallel_loop3A_375 = arith.index_cast %parallel_loop3A_374 : i32 to index
      %parallel_loop3A_376 = arith.index_cast %parallel_loop3A_113 : i32 to index
      %parallel_loop3A_377 = tpu.vector_load %arg7[%parallel_loop3A_375, %parallel_loop3A_376] {strides = array<i32>} : memref<64x512xf32, #tpu.memory_space<vmem>>, vector<16xf32>,
      tpu.vector_store %arg7[%parallel_loop3A_375, %parallel_loop3A_376], %parallel_loop3A_325 {strides = array<i32>} : memref<64x512xf32, #tpu.memory_space<vmem>>, vector<16xf32>,
      %parallel_loop3A_378 = arith.constant 36 : i32
      %parallel_loop3A_379 = vector.broadcast %parallel_loop3A_378 : i32 to vector<16xi32>
      %parallel_loop3A_380 = arith.addi %parallel_loop3A_111, %parallel_loop3A_379 : vector<16xi32>
      %parallel_loop3A_381 = tpu.vector_load_idx %arg5[%parallel_loop3A_380] : memref<11280xf32, #tpu.memory_space<vmem>>[vector<16xi32>], vector<16xf32>,
      %parallel_loop3A_382 = arith.constant 30 : i32
      %parallel_loop3A_383 = arith.index_cast %parallel_loop3A_382 : i32 to index
      %parallel_loop3A_384 = arith.index_cast %parallel_loop3A_113 : i32 to index
      %parallel_loop3A_385 = tpu.vector_load %arg7[%parallel_loop3A_383, %parallel_loop3A_384] {strides = array<i32>} : memref<64x512xf32, #tpu.memory_space<vmem>>, vector<16xf32>,
      tpu.vector_store %arg7[%parallel_loop3A_383, %parallel_loop3A_384], %parallel_loop3A_333 {strides = array<i32>} : memref<64x512xf32, #tpu.memory_space<vmem>>, vector<16xf32>,
      %parallel_loop3A_386 = arith.constant 37 : i32
      %parallel_loop3A_387 = vector.broadcast %parallel_loop3A_386 : i32 to vector<16xi32>
      %parallel_loop3A_388 = arith.addi %parallel_loop3A_111, %parallel_loop3A_387 : vector<16xi32>
      %parallel_loop3A_389 = tpu.vector_load_idx %arg5[%parallel_loop3A_388] : memref<11280xf32, #tpu.memory_space<vmem>>[vector<16xi32>], vector<16xf32>,
      %parallel_loop3A_390 = arith.constant 31 : i32
      %parallel_loop3A_391 = arith.index_cast %parallel_loop3A_390 : i32 to index
      %parallel_loop3A_392 = arith.index_cast %parallel_loop3A_113 : i32 to index
      %parallel_loop3A_393 = tpu.vector_load %arg7[%parallel_loop3A_391, %parallel_loop3A_392] {strides = array<i32>} : memref<64x512xf32, #tpu.memory_space<vmem>>, vector<16xf32>,
      tpu.vector_store %arg7[%parallel_loop3A_391, %parallel_loop3A_392], %parallel_loop3A_341 {strides = array<i32>} : memref<64x512xf32, #tpu.memory_space<vmem>>, vector<16xf32>,
      %parallel_loop3A_394 = arith.constant 38 : i32
      %parallel_loop3A_395 = vector.broadcast %parallel_loop3A_394 : i32 to vector<16xi32>
      %parallel_loop3A_396 = arith.addi %parallel_loop3A_111, %parallel_loop3A_395 : vector<16xi32>
      %parallel_loop3A_397 = tpu.vector_load_idx %arg5[%parallel_loop3A_396] : memref<11280xf32, #tpu.memory_space<vmem>>[vector<16xi32>], vector<16xf32>,
      %parallel_loop3A_398 = arith.constant 32 : i32
      %parallel_loop3A_399 = arith.index_cast %parallel_loop3A_398 : i32 to index
      %parallel_loop3A_400 = arith.index_cast %parallel_loop3A_113 : i32 to index
      %parallel_loop3A_401 = tpu.vector_load %arg7[%parallel_loop3A_399, %parallel_loop3A_400] {strides = array<i32>} : memref<64x512xf32, #tpu.memory_space<vmem>>, vector<16xf32>,
      tpu.vector_store %arg7[%parallel_loop3A_399, %parallel_loop3A_400], %parallel_loop3A_349 {strides = array<i32>} : memref<64x512xf32, #tpu.memory_space<vmem>>, vector<16xf32>,
      %parallel_loop3A_402 = arith.constant 39 : i32
      %parallel_loop3A_403 = vector.broadcast %parallel_loop3A_402 : i32 to vector<16xi32>
      %parallel_loop3A_404 = arith.addi %parallel_loop3A_111, %parallel_loop3A_403 : vector<16xi32>
      %parallel_loop3A_405 = tpu.vector_load_idx %arg5[%parallel_loop3A_404] : memref<11280xf32, #tpu.memory_space<vmem>>[vector<16xi32>], vector<16xf32>,
      %parallel_loop3A_406 = arith.constant 33 : i32
      %parallel_loop3A_407 = arith.index_cast %parallel_loop3A_406 : i32 to index
      %parallel_loop3A_408 = arith.index_cast %parallel_loop3A_113 : i32 to index
      %parallel_loop3A_409 = tpu.vector_load %arg7[%parallel_loop3A_407, %parallel_loop3A_408] {strides = array<i32>} : memref<64x512xf32, #tpu.memory_space<vmem>>, vector<16xf32>,
      tpu.vector_store %arg7[%parallel_loop3A_407, %parallel_loop3A_408], %parallel_loop3A_357 {strides = array<i32>} : memref<64x512xf32, #tpu.memory_space<vmem>>, vector<16xf32>,
      %parallel_loop3A_410 = arith.constant 40 : i32
      %parallel_loop3A_411 = vector.broadcast %parallel_loop3A_410 : i32 to vector<16xi32>
      %parallel_loop3A_412 = arith.addi %parallel_loop3A_111, %parallel_loop3A_411 : vector<16xi32>
      %parallel_loop3A_413 = tpu.vector_load_idx %arg5[%parallel_loop3A_412] : memref<11280xf32, #tpu.memory_space<vmem>>[vector<16xi32>], vector<16xf32>,
      %parallel_loop3A_414 = arith.constant 34 : i32
      %parallel_loop3A_415 = arith.index_cast %parallel_loop3A_414 : i32 to index
      %parallel_loop3A_416 = arith.index_cast %parallel_loop3A_113 : i32 to index
      %parallel_loop3A_417 = tpu.vector_load %arg7[%parallel_loop3A_415, %parallel_loop3A_416] {strides = array<i32>} : memref<64x512xf32, #tpu.memory_space<vmem>>, vector<16xf32>,
      tpu.vector_store %arg7[%parallel_loop3A_415, %parallel_loop3A_416], %parallel_loop3A_365 {strides = array<i32>} : memref<64x512xf32, #tpu.memory_space<vmem>>, vector<16xf32>,
      %parallel_loop3A_418 = arith.constant 41 : i32
      %parallel_loop3A_419 = vector.broadcast %parallel_loop3A_418 : i32 to vector<16xi32>
      %parallel_loop3A_420 = arith.addi %parallel_loop3A_111, %parallel_loop3A_419 : vector<16xi32>
      %parallel_loop3A_421 = tpu.vector_load_idx %arg5[%parallel_loop3A_420] : memref<11280xf32, #tpu.memory_space<vmem>>[vector<16xi32>], vector<16xf32>,
      %parallel_loop3A_422 = arith.constant 35 : i32
      %parallel_loop3A_423 = arith.index_cast %parallel_loop3A_422 : i32 to index
      %parallel_loop3A_424 = arith.index_cast %parallel_loop3A_113 : i32 to index
      %parallel_loop3A_425 = tpu.vector_load %arg7[%parallel_loop3A_423, %parallel_loop3A_424] {strides = array<i32>} : memref<64x512xf32, #tpu.memory_space<vmem>>, vector<16xf32>,
      tpu.vector_store %arg7[%parallel_loop3A_423, %parallel_loop3A_424], %parallel_loop3A_373 {strides = array<i32>} : memref<64x512xf32, #tpu.memory_space<vmem>>, vector<16xf32>,
      %parallel_loop3A_426 = arith.constant 42 : i32
      %parallel_loop3A_427 = vector.broadcast %parallel_loop3A_426 : i32 to vector<16xi32>
      %parallel_loop3A_428 = arith.addi %parallel_loop3A_111, %parallel_loop3A_427 : vector<16xi32>
      %parallel_loop3A_429 = tpu.vector_load_idx %arg5[%parallel_loop3A_428] : memref<11280xf32, #tpu.memory_space<vmem>>[vector<16xi32>], vector<16xf32>,
      %parallel_loop3A_430 = arith.constant 36 : i32
      %parallel_loop3A_431 = arith.index_cast %parallel_loop3A_430 : i32 to index
      %parallel_loop3A_432 = arith.index_cast %parallel_loop3A_113 : i32 to index
      %parallel_loop3A_433 = tpu.vector_load %arg7[%parallel_loop3A_431, %parallel_loop3A_432] {strides = array<i32>} : memref<64x512xf32, #tpu.memory_space<vmem>>, vector<16xf32>,
      tpu.vector_store %arg7[%parallel_loop3A_431, %parallel_loop3A_432], %parallel_loop3A_381 {strides = array<i32>} : memref<64x512xf32, #tpu.memory_space<vmem>>, vector<16xf32>,
      %parallel_loop3A_434 = arith.constant 43 : i32
      %parallel_loop3A_435 = vector.broadcast %parallel_loop3A_434 : i32 to vector<16xi32>
      %parallel_loop3A_436 = arith.addi %parallel_loop3A_111, %parallel_loop3A_435 : vector<16xi32>
      %parallel_loop3A_437 = tpu.vector_load_idx %arg5[%parallel_loop3A_436] : memref<11280xf32, #tpu.memory_space<vmem>>[vector<16xi32>], vector<16xf32>,
      %parallel_loop3A_438 = arith.constant 37 : i32
      %parallel_loop3A_439 = arith.index_cast %parallel_loop3A_438 : i32 to index
      %parallel_loop3A_440 = arith.index_cast %parallel_loop3A_113 : i32 to index
      %parallel_loop3A_441 = tpu.vector_load %arg7[%parallel_loop3A_439, %parallel_loop3A_440] {strides = array<i32>} : memref<64x512xf32, #tpu.memory_space<vmem>>, vector<16xf32>,
      tpu.vector_store %arg7[%parallel_loop3A_439, %parallel_loop3A_440], %parallel_loop3A_389 {strides = array<i32>} : memref<64x512xf32, #tpu.memory_space<vmem>>, vector<16xf32>,
      %parallel_loop3A_442 = arith.constant 44 : i32
      %parallel_loop3A_443 = vector.broadcast %parallel_loop3A_442 : i32 to vector<16xi32>
      %parallel_loop3A_444 = arith.addi %parallel_loop3A_111, %parallel_loop3A_443 : vector<16xi32>
      %parallel_loop3A_445 = tpu.vector_load_idx %arg5[%parallel_loop3A_444] : memref<11280xf32, #tpu.memory_space<vmem>>[vector<16xi32>], vector<16xf32>,
      %parallel_loop3A_446 = arith.constant 38 : i32
      %parallel_loop3A_447 = arith.index_cast %parallel_loop3A_446 : i32 to index
      %parallel_loop3A_448 = arith.index_cast %parallel_loop3A_113 : i32 to index
      %parallel_loop3A_449 = tpu.vector_load %arg7[%parallel_loop3A_447, %parallel_loop3A_448] {strides = array<i32>} : memref<64x512xf32, #tpu.memory_space<vmem>>, vector<16xf32>,
      tpu.vector_store %arg7[%parallel_loop3A_447, %parallel_loop3A_448], %parallel_loop3A_397 {strides = array<i32>} : memref<64x512xf32, #tpu.memory_space<vmem>>, vector<16xf32>,
      %parallel_loop3A_450 = arith.constant 45 : i32
      %parallel_loop3A_451 = vector.broadcast %parallel_loop3A_450 : i32 to vector<16xi32>
      %parallel_loop3A_452 = arith.addi %parallel_loop3A_111, %parallel_loop3A_451 : vector<16xi32>
      %parallel_loop3A_453 = tpu.vector_load_idx %arg5[%parallel_loop3A_452] : memref<11280xf32, #tpu.memory_space<vmem>>[vector<16xi32>], vector<16xf32>,
      %parallel_loop3A_454 = arith.constant 39 : i32
      %parallel_loop3A_455 = arith.index_cast %parallel_loop3A_454 : i32 to index
      %parallel_loop3A_456 = arith.index_cast %parallel_loop3A_113 : i32 to index
      %parallel_loop3A_457 = tpu.vector_load %arg7[%parallel_loop3A_455, %parallel_loop3A_456] {strides = array<i32>} : memref<64x512xf32, #tpu.memory_space<vmem>>, vector<16xf32>,
      tpu.vector_store %arg7[%parallel_loop3A_455, %parallel_loop3A_456], %parallel_loop3A_405 {strides = array<i32>} : memref<64x512xf32, #tpu.memory_space<vmem>>, vector<16xf32>,
      %parallel_loop3A_458 = arith.constant 46 : i32
      %parallel_loop3A_459 = vector.broadcast %parallel_loop3A_458 : i32 to vector<16xi32>
      %parallel_loop3A_460 = arith.addi %parallel_loop3A_111, %parallel_loop3A_459 : vector<16xi32>
      %parallel_loop3A_461 = tpu.vector_load_idx %arg5[%parallel_loop3A_460] : memref<11280xf32, #tpu.memory_space<vmem>>[vector<16xi32>], vector<16xf32>,
      %parallel_loop3A_462 = arith.constant 40 : i32
      %parallel_loop3A_463 = arith.index_cast %parallel_loop3A_462 : i32 to index
      %parallel_loop3A_464 = arith.index_cast %parallel_loop3A_113 : i32 to index
      %parallel_loop3A_465 = tpu.vector_load %arg7[%parallel_loop3A_463, %parallel_loop3A_464] {strides = array<i32>} : memref<64x512xf32, #tpu.memory_space<vmem>>, vector<16xf32>,
      tpu.vector_store %arg7[%parallel_loop3A_463, %parallel_loop3A_464], %parallel_loop3A_413 {strides = array<i32>} : memref<64x512xf32, #tpu.memory_space<vmem>>, vector<16xf32>,
      %parallel_loop3A_466 = arith.constant 47 : i32
      %parallel_loop3A_467 = vector.broadcast %parallel_loop3A_466 : i32 to vector<16xi32>
      %parallel_loop3A_468 = arith.addi %parallel_loop3A_111, %parallel_loop3A_467 : vector<16xi32>
      %parallel_loop3A_469 = tpu.vector_load_idx %arg5[%parallel_loop3A_468] : memref<11280xf32, #tpu.memory_space<vmem>>[vector<16xi32>], vector<16xf32>,
      %parallel_loop3A_470 = arith.constant 41 : i32
      %parallel_loop3A_471 = arith.index_cast %parallel_loop3A_470 : i32 to index
      %parallel_loop3A_472 = arith.index_cast %parallel_loop3A_113 : i32 to index
      %parallel_loop3A_473 = tpu.vector_load %arg7[%parallel_loop3A_471, %parallel_loop3A_472] {strides = array<i32>} : memref<64x512xf32, #tpu.memory_space<vmem>>, vector<16xf32>,
      tpu.vector_store %arg7[%parallel_loop3A_471, %parallel_loop3A_472], %parallel_loop3A_421 {strides = array<i32>} : memref<64x512xf32, #tpu.memory_space<vmem>>, vector<16xf32>,
      %parallel_loop3A_474 = arith.constant 48 : i32
      %parallel_loop3A_475 = vector.broadcast %parallel_loop3A_474 : i32 to vector<16xi32>
      %parallel_loop3A_476 = arith.addi %parallel_loop3A_111, %parallel_loop3A_475 : vector<16xi32>
      %parallel_loop3A_477 = tpu.vector_load_idx %arg5[%parallel_loop3A_476] : memref<11280xf32, #tpu.memory_space<vmem>>[vector<16xi32>], vector<16xf32>,
      %parallel_loop3A_478 = arith.constant 42 : i32
      %parallel_loop3A_479 = arith.index_cast %parallel_loop3A_478 : i32 to index
      %parallel_loop3A_480 = arith.index_cast %parallel_loop3A_113 : i32 to index
      %parallel_loop3A_481 = tpu.vector_load %arg7[%parallel_loop3A_479, %parallel_loop3A_480] {strides = array<i32>} : memref<64x512xf32, #tpu.memory_space<vmem>>, vector<16xf32>,
      tpu.vector_store %arg7[%parallel_loop3A_479, %parallel_loop3A_480], %parallel_loop3A_429 {strides = array<i32>} : memref<64x512xf32, #tpu.memory_space<vmem>>, vector<16xf32>,
      %parallel_loop3A_482 = arith.constant 49 : i32
      %parallel_loop3A_483 = vector.broadcast %parallel_loop3A_482 : i32 to vector<16xi32>
      %parallel_loop3A_484 = arith.addi %parallel_loop3A_111, %parallel_loop3A_483 : vector<16xi32>
      %parallel_loop3A_485 = tpu.vector_load_idx %arg5[%parallel_loop3A_484] : memref<11280xf32, #tpu.memory_space<vmem>>[vector<16xi32>], vector<16xf32>,
      %parallel_loop3A_486 = arith.constant 43 : i32
      %parallel_loop3A_487 = arith.index_cast %parallel_loop3A_486 : i32 to index
      %parallel_loop3A_488 = arith.index_cast %parallel_loop3A_113 : i32 to index
      %parallel_loop3A_489 = tpu.vector_load %arg7[%parallel_loop3A_487, %parallel_loop3A_488] {strides = array<i32>} : memref<64x512xf32, #tpu.memory_space<vmem>>, vector<16xf32>,
      tpu.vector_store %arg7[%parallel_loop3A_487, %parallel_loop3A_488], %parallel_loop3A_437 {strides = array<i32>} : memref<64x512xf32, #tpu.memory_space<vmem>>, vector<16xf32>,
      %parallel_loop3A_490 = arith.constant 50 : i32
      %parallel_loop3A_491 = vector.broadcast %parallel_loop3A_490 : i32 to vector<16xi32>
      %parallel_loop3A_492 = arith.addi %parallel_loop3A_111, %parallel_loop3A_491 : vector<16xi32>
      %parallel_loop3A_493 = tpu.vector_load_idx %arg5[%parallel_loop3A_492] : memref<11280xf32, #tpu.memory_space<vmem>>[vector<16xi32>], vector<16xf32>,
      %parallel_loop3A_494 = arith.constant 44 : i32
      %parallel_loop3A_495 = arith.index_cast %parallel_loop3A_494 : i32 to index
      %parallel_loop3A_496 = arith.index_cast %parallel_loop3A_113 : i32 to index
      %parallel_loop3A_497 = tpu.vector_load %arg7[%parallel_loop3A_495, %parallel_loop3A_496] {strides = array<i32>} : memref<64x512xf32, #tpu.memory_space<vmem>>, vector<16xf32>,
      tpu.vector_store %arg7[%parallel_loop3A_495, %parallel_loop3A_496], %parallel_loop3A_445 {strides = array<i32>} : memref<64x512xf32, #tpu.memory_space<vmem>>, vector<16xf32>,
      %parallel_loop3A_498 = arith.constant 51 : i32
      %parallel_loop3A_499 = vector.broadcast %parallel_loop3A_498 : i32 to vector<16xi32>
      %parallel_loop3A_500 = arith.addi %parallel_loop3A_111, %parallel_loop3A_499 : vector<16xi32>
      %parallel_loop3A_501 = tpu.vector_load_idx %arg5[%parallel_loop3A_500] : memref<11280xf32, #tpu.memory_space<vmem>>[vector<16xi32>], vector<16xf32>,
      %parallel_loop3A_502 = arith.constant 45 : i32
      %parallel_loop3A_503 = arith.index_cast %parallel_loop3A_502 : i32 to index
      %parallel_loop3A_504 = arith.index_cast %parallel_loop3A_113 : i32 to index
      %parallel_loop3A_505 = tpu.vector_load %arg7[%parallel_loop3A_503, %parallel_loop3A_504] {strides = array<i32>} : memref<64x512xf32, #tpu.memory_space<vmem>>, vector<16xf32>,
      tpu.vector_store %arg7[%parallel_loop3A_503, %parallel_loop3A_504], %parallel_loop3A_453 {strides = array<i32>} : memref<64x512xf32, #tpu.memory_space<vmem>>, vector<16xf32>,
      %parallel_loop3A_506 = arith.constant 52 : i32
      %parallel_loop3A_507 = vector.broadcast %parallel_loop3A_506 : i32 to vector<16xi32>
      %parallel_loop3A_508 = arith.addi %parallel_loop3A_111, %parallel_loop3A_507 : vector<16xi32>
      %parallel_loop3A_509 = tpu.vector_load_idx %arg5[%parallel_loop3A_508] : memref<11280xf32, #tpu.memory_space<vmem>>[vector<16xi32>], vector<16xf32>,
      %parallel_loop3A_510 = arith.constant 46 : i32
      %parallel_loop3A_511 = arith.index_cast %parallel_loop3A_510 : i32 to index
      %parallel_loop3A_512 = arith.index_cast %parallel_loop3A_113 : i32 to index
      %parallel_loop3A_513 = tpu.vector_load %arg7[%parallel_loop3A_511, %parallel_loop3A_512] {strides = array<i32>} : memref<64x512xf32, #tpu.memory_space<vmem>>, vector<16xf32>,
      tpu.vector_store %arg7[%parallel_loop3A_511, %parallel_loop3A_512], %parallel_loop3A_461 {strides = array<i32>} : memref<64x512xf32, #tpu.memory_space<vmem>>, vector<16xf32>,
      %parallel_loop3A_514 = arith.constant 53 : i32
      %parallel_loop3A_515 = vector.broadcast %parallel_loop3A_514 : i32 to vector<16xi32>
      %parallel_loop3A_516 = arith.addi %parallel_loop3A_111, %parallel_loop3A_515 : vector<16xi32>
      %parallel_loop3A_517 = tpu.vector_load_idx %arg5[%parallel_loop3A_516] : memref<11280xf32, #tpu.memory_space<vmem>>[vector<16xi32>], vector<16xf32>,
      %parallel_loop3A_518 = arith.constant 47 : i32
      %parallel_loop3A_519 = arith.index_cast %parallel_loop3A_518 : i32 to index
      %parallel_loop3A_520 = arith.index_cast %parallel_loop3A_113 : i32 to index
      %parallel_loop3A_521 = tpu.vector_load %arg7[%parallel_loop3A_519, %parallel_loop3A_520] {strides = array<i32>} : memref<64x512xf32, #tpu.memory_space<vmem>>, vector<16xf32>,
      tpu.vector_store %arg7[%parallel_loop3A_519, %parallel_loop3A_520], %parallel_loop3A_469 {strides = array<i32>} : memref<64x512xf32, #tpu.memory_space<vmem>>, vector<16xf32>,
      %parallel_loop3A_522 = arith.constant 54 : i32
      %parallel_loop3A_523 = vector.broadcast %parallel_loop3A_522 : i32 to vector<16xi32>
      %parallel_loop3A_524 = arith.addi %parallel_loop3A_111, %parallel_loop3A_523 : vector<16xi32>
      %parallel_loop3A_525 = tpu.vector_load_idx %arg5[%parallel_loop3A_524] : memref<11280xf32, #tpu.memory_space<vmem>>[vector<16xi32>], vector<16xf32>,
      %parallel_loop3A_526 = arith.constant 48 : i32
      %parallel_loop3A_527 = arith.index_cast %parallel_loop3A_526 : i32 to index
      %parallel_loop3A_528 = arith.index_cast %parallel_loop3A_113 : i32 to index
      %parallel_loop3A_529 = tpu.vector_load %arg7[%parallel_loop3A_527, %parallel_loop3A_528] {strides = array<i32>} : memref<64x512xf32, #tpu.memory_space<vmem>>, vector<16xf32>,
      tpu.vector_store %arg7[%parallel_loop3A_527, %parallel_loop3A_528], %parallel_loop3A_477 {strides = array<i32>} : memref<64x512xf32, #tpu.memory_space<vmem>>, vector<16xf32>,
      %parallel_loop3A_530 = arith.constant 55 : i32
      %parallel_loop3A_531 = vector.broadcast %parallel_loop3A_530 : i32 to vector<16xi32>
      %parallel_loop3A_532 = arith.addi %parallel_loop3A_111, %parallel_loop3A_531 : vector<16xi32>
      %parallel_loop3A_533 = tpu.vector_load_idx %arg5[%parallel_loop3A_532] : memref<11280xf32, #tpu.memory_space<vmem>>[vector<16xi32>], vector<16xf32>,
      %parallel_loop3A_534 = arith.constant 49 : i32
      %parallel_loop3A_535 = arith.index_cast %parallel_loop3A_534 : i32 to index
      %parallel_loop3A_536 = arith.index_cast %parallel_loop3A_113 : i32 to index
      %parallel_loop3A_537 = tpu.vector_load %arg7[%parallel_loop3A_535, %parallel_loop3A_536] {strides = array<i32>} : memref<64x512xf32, #tpu.memory_space<vmem>>, vector<16xf32>,
      tpu.vector_store %arg7[%parallel_loop3A_535, %parallel_loop3A_536], %parallel_loop3A_485 {strides = array<i32>} : memref<64x512xf32, #tpu.memory_space<vmem>>, vector<16xf32>,
      %parallel_loop3A_538 = arith.constant 56 : i32
      %parallel_loop3A_539 = vector.broadcast %parallel_loop3A_538 : i32 to vector<16xi32>
      %parallel_loop3A_540 = arith.addi %parallel_loop3A_111, %parallel_loop3A_539 : vector<16xi32>
      %parallel_loop3A_541 = tpu.vector_load_idx %arg5[%parallel_loop3A_540] : memref<11280xf32, #tpu.memory_space<vmem>>[vector<16xi32>], vector<16xf32>,
      %parallel_loop3A_542 = arith.constant 50 : i32
      %parallel_loop3A_543 = arith.index_cast %parallel_loop3A_542 : i32 to index
      %parallel_loop3A_544 = arith.index_cast %parallel_loop3A_113 : i32 to index
      %parallel_loop3A_545 = tpu.vector_load %arg7[%parallel_loop3A_543, %parallel_loop3A_544] {strides = array<i32>} : memref<64x512xf32, #tpu.memory_space<vmem>>, vector<16xf32>,
      tpu.vector_store %arg7[%parallel_loop3A_543, %parallel_loop3A_544], %parallel_loop3A_493 {strides = array<i32>} : memref<64x512xf32, #tpu.memory_space<vmem>>, vector<16xf32>,
      %parallel_loop3A_546 = arith.constant 57 : i32
      %parallel_loop3A_547 = vector.broadcast %parallel_loop3A_546 : i32 to vector<16xi32>
      %parallel_loop3A_548 = arith.addi %parallel_loop3A_111, %parallel_loop3A_547 : vector<16xi32>
      %parallel_loop3A_549 = tpu.vector_load_idx %arg5[%parallel_loop3A_548] : memref<11280xf32, #tpu.memory_space<vmem>>[vector<16xi32>], vector<16xf32>,
      %parallel_loop3A_550 = arith.constant 51 : i32
      %parallel_loop3A_551 = arith.index_cast %parallel_loop3A_550 : i32 to index
      %parallel_loop3A_552 = arith.index_cast %parallel_loop3A_113 : i32 to index
      %parallel_loop3A_553 = tpu.vector_load %arg7[%parallel_loop3A_551, %parallel_loop3A_552] {strides = array<i32>} : memref<64x512xf32, #tpu.memory_space<vmem>>, vector<16xf32>,
      tpu.vector_store %arg7[%parallel_loop3A_551, %parallel_loop3A_552], %parallel_loop3A_501 {strides = array<i32>} : memref<64x512xf32, #tpu.memory_space<vmem>>, vector<16xf32>,
      %parallel_loop3A_554 = arith.constant 58 : i32
      %parallel_loop3A_555 = vector.broadcast %parallel_loop3A_554 : i32 to vector<16xi32>
      %parallel_loop3A_556 = arith.addi %parallel_loop3A_111, %parallel_loop3A_555 : vector<16xi32>
      %parallel_loop3A_557 = tpu.vector_load_idx %arg5[%parallel_loop3A_556] : memref<11280xf32, #tpu.memory_space<vmem>>[vector<16xi32>], vector<16xf32>,
      %parallel_loop3A_558 = arith.constant 52 : i32
      %parallel_loop3A_559 = arith.index_cast %parallel_loop3A_558 : i32 to index
      %parallel_loop3A_560 = arith.index_cast %parallel_loop3A_113 : i32 to index
      %parallel_loop3A_561 = tpu.vector_load %arg7[%parallel_loop3A_559, %parallel_loop3A_560] {strides = array<i32>} : memref<64x512xf32, #tpu.memory_space<vmem>>, vector<16xf32>,
      tpu.vector_store %arg7[%parallel_loop3A_559, %parallel_loop3A_560], %parallel_loop3A_509 {strides = array<i32>} : memref<64x512xf32, #tpu.memory_space<vmem>>, vector<16xf32>,
      %parallel_loop3A_562 = arith.constant 59 : i32
      %parallel_loop3A_563 = vector.broadcast %parallel_loop3A_562 : i32 to vector<16xi32>
      %parallel_loop3A_564 = arith.addi %parallel_loop3A_111, %parallel_loop3A_563 : vector<16xi32>
      %parallel_loop3A_565 = tpu.vector_load_idx %arg5[%parallel_loop3A_564] : memref<11280xf32, #tpu.memory_space<vmem>>[vector<16xi32>], vector<16xf32>,
      %parallel_loop3A_566 = arith.constant 53 : i32
      %parallel_loop3A_567 = arith.index_cast %parallel_loop3A_566 : i32 to index
      %parallel_loop3A_568 = arith.index_cast %parallel_loop3A_113 : i32 to index
      %parallel_loop3A_569 = tpu.vector_load %arg7[%parallel_loop3A_567, %parallel_loop3A_568] {strides = array<i32>} : memref<64x512xf32, #tpu.memory_space<vmem>>, vector<16xf32>,
      tpu.vector_store %arg7[%parallel_loop3A_567, %parallel_loop3A_568], %parallel_loop3A_517 {strides = array<i32>} : memref<64x512xf32, #tpu.memory_space<vmem>>, vector<16xf32>,
      %parallel_loop3A_570 = arith.constant 60 : i32
      %parallel_loop3A_571 = vector.broadcast %parallel_loop3A_570 : i32 to vector<16xi32>
      %parallel_loop3A_572 = arith.addi %parallel_loop3A_111, %parallel_loop3A_571 : vector<16xi32>
      %parallel_loop3A_573 = tpu.vector_load_idx %arg5[%parallel_loop3A_572] : memref<11280xf32, #tpu.memory_space<vmem>>[vector<16xi32>], vector<16xf32>,
      %parallel_loop3A_574 = arith.constant 54 : i32
      %parallel_loop3A_575 = arith.index_cast %parallel_loop3A_574 : i32 to index
      %parallel_loop3A_576 = arith.index_cast %parallel_loop3A_113 : i32 to index
      %parallel_loop3A_577 = tpu.vector_load %arg7[%parallel_loop3A_575, %parallel_loop3A_576] {strides = array<i32>} : memref<64x512xf32, #tpu.memory_space<vmem>>, vector<16xf32>,
      tpu.vector_store %arg7[%parallel_loop3A_575, %parallel_loop3A_576], %parallel_loop3A_525 {strides = array<i32>} : memref<64x512xf32, #tpu.memory_space<vmem>>, vector<16xf32>,
      %parallel_loop3A_578 = arith.constant 61 : i32
      %parallel_loop3A_579 = vector.broadcast %parallel_loop3A_578 : i32 to vector<16xi32>
      %parallel_loop3A_580 = arith.addi %parallel_loop3A_111, %parallel_loop3A_579 : vector<16xi32>
      %parallel_loop3A_581 = tpu.vector_load_idx %arg5[%parallel_loop3A_580] : memref<11280xf32, #tpu.memory_space<vmem>>[vector<16xi32>], vector<16xf32>,
      %parallel_loop3A_582 = arith.constant 55 : i32
      %parallel_loop3A_583 = arith.index_cast %parallel_loop3A_582 : i32 to index
      %parallel_loop3A_584 = arith.index_cast %parallel_loop3A_113 : i32 to index
      %parallel_loop3A_585 = tpu.vector_load %arg7[%parallel_loop3A_583, %parallel_loop3A_584] {strides = array<i32>} : memref<64x512xf32, #tpu.memory_space<vmem>>, vector<16xf32>,
      tpu.vector_store %arg7[%parallel_loop3A_583, %parallel_loop3A_584], %parallel_loop3A_533 {strides = array<i32>} : memref<64x512xf32, #tpu.memory_space<vmem>>, vector<16xf32>,
      %parallel_loop3A_586 = arith.constant 62 : i32
      %parallel_loop3A_587 = vector.broadcast %parallel_loop3A_586 : i32 to vector<16xi32>
      %parallel_loop3A_588 = arith.addi %parallel_loop3A_111, %parallel_loop3A_587 : vector<16xi32>
      %parallel_loop3A_589 = tpu.vector_load_idx %arg5[%parallel_loop3A_588] : memref<11280xf32, #tpu.memory_space<vmem>>[vector<16xi32>], vector<16xf32>,
      %parallel_loop3A_590 = arith.constant 56 : i32
      %parallel_loop3A_591 = arith.index_cast %parallel_loop3A_590 : i32 to index
      %parallel_loop3A_592 = arith.index_cast %parallel_loop3A_113 : i32 to index
      %parallel_loop3A_593 = tpu.vector_load %arg7[%parallel_loop3A_591, %parallel_loop3A_592] {strides = array<i32>} : memref<64x512xf32, #tpu.memory_space<vmem>>, vector<16xf32>,
      tpu.vector_store %arg7[%parallel_loop3A_591, %parallel_loop3A_592], %parallel_loop3A_541 {strides = array<i32>} : memref<64x512xf32, #tpu.memory_space<vmem>>, vector<16xf32>,
      %parallel_loop3A_594 = arith.constant 63 : i32
      %parallel_loop3A_595 = vector.broadcast %parallel_loop3A_594 : i32 to vector<16xi32>
      %parallel_loop3A_596 = arith.addi %parallel_loop3A_111, %parallel_loop3A_595 : vector<16xi32>
      %parallel_loop3A_597 = tpu.vector_load_idx %arg5[%parallel_loop3A_596] : memref<11280xf32, #tpu.memory_space<vmem>>[vector<16xi32>], vector<16xf32>,
      %parallel_loop3A_598 = arith.constant 57 : i32
      %parallel_loop3A_599 = arith.index_cast %parallel_loop3A_598 : i32 to index
      %parallel_loop3A_600 = arith.index_cast %parallel_loop3A_113 : i32 to index
      %parallel_loop3A_601 = tpu.vector_load %arg7[%parallel_loop3A_599, %parallel_loop3A_600] {strides = array<i32>} : memref<64x512xf32, #tpu.memory_space<vmem>>, vector<16xf32>,
      tpu.vector_store %arg7[%parallel_loop3A_599, %parallel_loop3A_600], %parallel_loop3A_549 {strides = array<i32>} : memref<64x512xf32, #tpu.memory_space<vmem>>, vector<16xf32>,
      %parallel_loop3A_602 = arith.constant 58 : i32
      %parallel_loop3A_603 = arith.index_cast %parallel_loop3A_602 : i32 to index
      %parallel_loop3A_604 = arith.index_cast %parallel_loop3A_113 : i32 to index
      %parallel_loop3A_605 = tpu.vector_load %arg7[%parallel_loop3A_603, %parallel_loop3A_604] {strides = array<i32>} : memref<64x512xf32, #tpu.memory_space<vmem>>, vector<16xf32>,
      tpu.vector_store %arg7[%parallel_loop3A_603, %parallel_loop3A_604], %parallel_loop3A_557 {strides = array<i32>} : memref<64x512xf32, #tpu.memory_space<vmem>>, vector<16xf32>,
      %parallel_loop3A_606 = arith.constant 59 : i32
      %parallel_loop3A_607 = arith.index_cast %parallel_loop3A_606 : i32 to index
      %parallel_loop3A_608 = arith.index_cast %parallel_loop3A_113 : i32 to index
      %parallel_loop3A_609 = tpu.vector_load %arg7[%parallel_loop3A_607, %parallel_loop3A_608] {strides = array<i32>} : memref<64x512xf32, #tpu.memory_space<vmem>>, vector<16xf32>,
      tpu.vector_store %arg7[%parallel_loop3A_607, %parallel_loop3A_608], %parallel_loop3A_565 {strides = array<i32>} : memref<64x512xf32, #tpu.memory_space<vmem>>, vector<16xf32>,
      %parallel_loop3A_610 = arith.constant 60 : i32
      %parallel_loop3A_611 = arith.index_cast %parallel_loop3A_610 : i32 to index
      %parallel_loop3A_612 = arith.index_cast %parallel_loop3A_113 : i32 to index
      %parallel_loop3A_613 = tpu.vector_load %arg7[%parallel_loop3A_611, %parallel_loop3A_612] {strides = array<i32>} : memref<64x512xf32, #tpu.memory_space<vmem>>, vector<16xf32>,
      tpu.vector_store %arg7[%parallel_loop3A_611, %parallel_loop3A_612], %parallel_loop3A_573 {strides = array<i32>} : memref<64x512xf32, #tpu.memory_space<vmem>>, vector<16xf32>,
      %parallel_loop3A_614 = arith.constant 61 : i32
      %parallel_loop3A_615 = arith.index_cast %parallel_loop3A_614 : i32 to index
      %parallel_loop3A_616 = arith.index_cast %parallel_loop3A_113 : i32 to index
      %parallel_loop3A_617 = tpu.vector_load %arg7[%parallel_loop3A_615, %parallel_loop3A_616] {strides = array<i32>} : memref<64x512xf32, #tpu.memory_space<vmem>>, vector<16xf32>,
      tpu.vector_store %arg7[%parallel_loop3A_615, %parallel_loop3A_616], %parallel_loop3A_581 {strides = array<i32>} : memref<64x512xf32, #tpu.memory_space<vmem>>, vector<16xf32>,
      %parallel_loop3A_618 = arith.constant 62 : i32
      %parallel_loop3A_619 = arith.index_cast %parallel_loop3A_618 : i32 to index
      %parallel_loop3A_620 = arith.index_cast %parallel_loop3A_113 : i32 to index
      %parallel_loop3A_621 = tpu.vector_load %arg7[%parallel_loop3A_619, %parallel_loop3A_620] {strides = array<i32>} : memref<64x512xf32, #tpu.memory_space<vmem>>, vector<16xf32>,
      tpu.vector_store %arg7[%parallel_loop3A_619, %parallel_loop3A_620], %parallel_loop3A_589 {strides = array<i32>} : memref<64x512xf32, #tpu.memory_space<vmem>>, vector<16xf32>,
      %parallel_loop3A_622 = arith.constant 63 : i32
      %parallel_loop3A_623 = arith.index_cast %parallel_loop3A_622 : i32 to index
      %parallel_loop3A_624 = arith.index_cast %parallel_loop3A_113 : i32 to index
      %parallel_loop3A_625 = tpu.vector_load %arg7[%parallel_loop3A_623, %parallel_loop3A_624] {strides = array<i32>} : memref<64x512xf32, #tpu.memory_space<vmem>>, vector<16xf32>,
      tpu.vector_store %arg7[%parallel_loop3A_623, %parallel_loop3A_624], %parallel_loop3A_597 {strides = array<i32>} : memref<64x512xf32, #tpu.memory_space<vmem>>, vector<16xf32>,
    } {sc.loop_unroll_factor = 1 : i64, sc.parallel_access}
    %add3A_37 = arith.constant 256 : i32
    %add3A_38 = arith.addi %mul3A_2, %add3A_37 : i32
    %dma_start3A_39 = arith.constant 0 : i32
    %dma_start3A_40 = arith.constant 256 : i32
    %dma_start3A_41 = tpu.memref_slice %arg7[%dma_start3A_39, %dma_start3A_40] : memref<64x512xf32, #tpu.memory_space<vmem>> -> memref<64x128xf32, #tpu.memory_space<vmem>>
    %dma_start3A_42 = arith.constant 0 : i32
    %dma_start3A_43 = tpu.memref_slice %arg4[%dma_start3A_42, %add3A_38] : memref<64x16384xf32, #tpu.memory_space<hbm>> -> memref<64x128xf32, #tpu.memory_space<hbm>>
    %dma_start3A_44 = arith.constant 0 : i32
    %dma_start3A_45 = tpu.memref_slice %arg4[%dma_start3A_44, %add3A_38] : memref<64x16384xf32, #tpu.memory_space<hbm>> -> memref<64x128xf32, #tpu.memory_space<hbm>>
    %dma_start3A_46 = arith.constant 0 : i32
    %dma_start3A_47 = arith.constant 256 : i32
    %dma_start3A_48 = tpu.memref_slice %arg7[%dma_start3A_46, %dma_start3A_47] : memref<64x512xf32, #tpu.memory_space<vmem>> -> memref<64x128xf32, #tpu.memory_space<vmem>>
    tpu.enqueue_dma source(%dma_start3A_48 : memref<64x128xf32, #tpu.memory_space<vmem>>) target(%dma_start3A_45 : memref<64x128xf32, #tpu.memory_space<hbm>>) target_semaphore(%arg8 : memref<!tpu.dma_semaphore, #tpu.memory_space<semaphore_mem>>)
    %parallel_loop3A_49 = arith.constant 24 : i32
    %parallel_loop3A_50 = arith.constant 32 : i32
    %parallel_loop3A_51 = arith.constant 1 : i32
    scf.for %parallel_loop3A_103 = %parallel_loop3A_49 to %parallel_loop3A_50 step %parallel_loop3A_51  : i32 {
      %parallel_loop3A_104 = arith.constant 16 : i32
      %parallel_loop3A_105 = arith.muli %parallel_loop3A_103, %parallel_loop3A_104 : i32
      %parallel_loop3A_106 = arith.index_cast %parallel_loop3A_105 : i32 to index
      %parallel_loop3A_107 = tpu.vector_load %arg6[%parallel_loop3A_106] {strides = array<i32>} : memref<512xi32, #tpu.memory_space<vmem>>, vector<16xi32>,
      %parallel_loop3A_108 = arith.constant 64 : i32
      %parallel_loop3A_109 = vector.broadcast %parallel_loop3A_108 : i32 to vector<16xi32>
      %parallel_loop3A_110 = arith.muli %parallel_loop3A_107, %parallel_loop3A_109 : vector<16xi32>
      %parallel_loop3A_111 = arith.addi %parallel_loop3A_110, %mul3A_5 : vector<16xi32>
      %parallel_loop3A_112 = arith.constant 16 : i32
      %parallel_loop3A_113 = arith.muli %parallel_loop3A_103, %parallel_loop3A_112 : i32
      %parallel_loop3A_114 = arith.constant 0 : i32
      %parallel_loop3A_115 = vector.broadcast %parallel_loop3A_114 : i32 to vector<16xi32>
      %parallel_loop3A_116 = arith.addi %parallel_loop3A_111, %parallel_loop3A_115 : vector<16xi32>
      %parallel_loop3A_117 = tpu.vector_load_idx %arg5[%parallel_loop3A_116] : memref<11280xf32, #tpu.memory_space<vmem>>[vector<16xi32>], vector<16xf32>,
      %parallel_loop3A_118 = arith.constant 1 : i32
      %parallel_loop3A_119 = vector.broadcast %parallel_loop3A_118 : i32 to vector<16xi32>
      %parallel_loop3A_120 = arith.addi %parallel_loop3A_111, %parallel_loop3A_119 : vector<16xi32>
      %parallel_loop3A_121 = tpu.vector_load_idx %arg5[%parallel_loop3A_120] : memref<11280xf32, #tpu.memory_space<vmem>>[vector<16xi32>], vector<16xf32>,
      %parallel_loop3A_122 = arith.constant 2 : i32
      %parallel_loop3A_123 = vector.broadcast %parallel_loop3A_122 : i32 to vector<16xi32>
      %parallel_loop3A_124 = arith.addi %parallel_loop3A_111, %parallel_loop3A_123 : vector<16xi32>
      %parallel_loop3A_125 = tpu.vector_load_idx %arg5[%parallel_loop3A_124] : memref<11280xf32, #tpu.memory_space<vmem>>[vector<16xi32>], vector<16xf32>,
      %parallel_loop3A_126 = arith.constant 3 : i32
      %parallel_loop3A_127 = vector.broadcast %parallel_loop3A_126 : i32 to vector<16xi32>
      %parallel_loop3A_128 = arith.addi %parallel_loop3A_111, %parallel_loop3A_127 : vector<16xi32>
      %parallel_loop3A_129 = tpu.vector_load_idx %arg5[%parallel_loop3A_128] : memref<11280xf32, #tpu.memory_space<vmem>>[vector<16xi32>], vector<16xf32>,
      %parallel_loop3A_130 = arith.constant 4 : i32
      %parallel_loop3A_131 = vector.broadcast %parallel_loop3A_130 : i32 to vector<16xi32>
      %parallel_loop3A_132 = arith.addi %parallel_loop3A_111, %parallel_loop3A_131 : vector<16xi32>
      %parallel_loop3A_133 = tpu.vector_load_idx %arg5[%parallel_loop3A_132] : memref<11280xf32, #tpu.memory_space<vmem>>[vector<16xi32>], vector<16xf32>,
      %parallel_loop3A_134 = arith.constant 5 : i32
      %parallel_loop3A_135 = vector.broadcast %parallel_loop3A_134 : i32 to vector<16xi32>
      %parallel_loop3A_136 = arith.addi %parallel_loop3A_111, %parallel_loop3A_135 : vector<16xi32>
      %parallel_loop3A_137 = tpu.vector_load_idx %arg5[%parallel_loop3A_136] : memref<11280xf32, #tpu.memory_space<vmem>>[vector<16xi32>], vector<16xf32>,
      %parallel_loop3A_138 = arith.constant 6 : i32
      %parallel_loop3A_139 = vector.broadcast %parallel_loop3A_138 : i32 to vector<16xi32>
      %parallel_loop3A_140 = arith.addi %parallel_loop3A_111, %parallel_loop3A_139 : vector<16xi32>
      %parallel_loop3A_141 = tpu.vector_load_idx %arg5[%parallel_loop3A_140] : memref<11280xf32, #tpu.memory_space<vmem>>[vector<16xi32>], vector<16xf32>,
      %parallel_loop3A_142 = arith.constant 0 : i32
      %parallel_loop3A_143 = arith.index_cast %parallel_loop3A_142 : i32 to index
      %parallel_loop3A_144 = arith.index_cast %parallel_loop3A_113 : i32 to index
      %parallel_loop3A_145 = tpu.vector_load %arg7[%parallel_loop3A_143, %parallel_loop3A_144] {strides = array<i32>} : memref<64x512xf32, #tpu.memory_space<vmem>>, vector<16xf32>,
      tpu.vector_store %arg7[%parallel_loop3A_143, %parallel_loop3A_144], %parallel_loop3A_117 {strides = array<i32>} : memref<64x512xf32, #tpu.memory_space<vmem>>, vector<16xf32>,
      %parallel_loop3A_146 = arith.constant 7 : i32
      %parallel_loop3A_147 = vector.broadcast %parallel_loop3A_146 : i32 to vector<16xi32>
      %parallel_loop3A_148 = arith.addi %parallel_loop3A_111, %parallel_loop3A_147 : vector<16xi32>
      %parallel_loop3A_149 = tpu.vector_load_idx %arg5[%parallel_loop3A_148] : memref<11280xf32, #tpu.memory_space<vmem>>[vector<16xi32>], vector<16xf32>,
      %parallel_loop3A_150 = arith.constant 1 : i32
      %parallel_loop3A_151 = arith.index_cast %parallel_loop3A_150 : i32 to index
      %parallel_loop3A_152 = arith.index_cast %parallel_loop3A_113 : i32 to index
      %parallel_loop3A_153 = tpu.vector_load %arg7[%parallel_loop3A_151, %parallel_loop3A_152] {strides = array<i32>} : memref<64x512xf32, #tpu.memory_space<vmem>>, vector<16xf32>,
      tpu.vector_store %arg7[%parallel_loop3A_151, %parallel_loop3A_152], %parallel_loop3A_121 {strides = array<i32>} : memref<64x512xf32, #tpu.memory_space<vmem>>, vector<16xf32>,
      %parallel_loop3A_154 = arith.constant 8 : i32
      %parallel_loop3A_155 = vector.broadcast %parallel_loop3A_154 : i32 to vector<16xi32>
      %parallel_loop3A_156 = arith.addi %parallel_loop3A_111, %parallel_loop3A_155 : vector<16xi32>
      %parallel_loop3A_157 = tpu.vector_load_idx %arg5[%parallel_loop3A_156] : memref<11280xf32, #tpu.memory_space<vmem>>[vector<16xi32>], vector<16xf32>,
      %parallel_loop3A_158 = arith.constant 2 : i32
      %parallel_loop3A_159 = arith.index_cast %parallel_loop3A_158 : i32 to index
      %parallel_loop3A_160 = arith.index_cast %parallel_loop3A_113 : i32 to index
      %parallel_loop3A_161 = tpu.vector_load %arg7[%parallel_loop3A_159, %parallel_loop3A_160] {strides = array<i32>} : memref<64x512xf32, #tpu.memory_space<vmem>>, vector<16xf32>,
      tpu.vector_store %arg7[%parallel_loop3A_159, %parallel_loop3A_160], %parallel_loop3A_125 {strides = array<i32>} : memref<64x512xf32, #tpu.memory_space<vmem>>, vector<16xf32>,
      %parallel_loop3A_162 = arith.constant 9 : i32
      %parallel_loop3A_163 = vector.broadcast %parallel_loop3A_162 : i32 to vector<16xi32>
      %parallel_loop3A_164 = arith.addi %parallel_loop3A_111, %parallel_loop3A_163 : vector<16xi32>
      %parallel_loop3A_165 = tpu.vector_load_idx %arg5[%parallel_loop3A_164] : memref<11280xf32, #tpu.memory_space<vmem>>[vector<16xi32>], vector<16xf32>,
      %parallel_loop3A_166 = arith.constant 3 : i32
      %parallel_loop3A_167 = arith.index_cast %parallel_loop3A_166 : i32 to index
      %parallel_loop3A_168 = arith.index_cast %parallel_loop3A_113 : i32 to index
      %parallel_loop3A_169 = tpu.vector_load %arg7[%parallel_loop3A_167, %parallel_loop3A_168] {strides = array<i32>} : memref<64x512xf32, #tpu.memory_space<vmem>>, vector<16xf32>,
      tpu.vector_store %arg7[%parallel_loop3A_167, %parallel_loop3A_168], %parallel_loop3A_129 {strides = array<i32>} : memref<64x512xf32, #tpu.memory_space<vmem>>, vector<16xf32>,
      %parallel_loop3A_170 = arith.constant 10 : i32
      %parallel_loop3A_171 = vector.broadcast %parallel_loop3A_170 : i32 to vector<16xi32>
      %parallel_loop3A_172 = arith.addi %parallel_loop3A_111, %parallel_loop3A_171 : vector<16xi32>
      %parallel_loop3A_173 = tpu.vector_load_idx %arg5[%parallel_loop3A_172] : memref<11280xf32, #tpu.memory_space<vmem>>[vector<16xi32>], vector<16xf32>,
      %parallel_loop3A_174 = arith.constant 4 : i32
      %parallel_loop3A_175 = arith.index_cast %parallel_loop3A_174 : i32 to index
      %parallel_loop3A_176 = arith.index_cast %parallel_loop3A_113 : i32 to index
      %parallel_loop3A_177 = tpu.vector_load %arg7[%parallel_loop3A_175, %parallel_loop3A_176] {strides = array<i32>} : memref<64x512xf32, #tpu.memory_space<vmem>>, vector<16xf32>,
      tpu.vector_store %arg7[%parallel_loop3A_175, %parallel_loop3A_176], %parallel_loop3A_133 {strides = array<i32>} : memref<64x512xf32, #tpu.memory_space<vmem>>, vector<16xf32>,
      %parallel_loop3A_178 = arith.constant 11 : i32
      %parallel_loop3A_179 = vector.broadcast %parallel_loop3A_178 : i32 to vector<16xi32>
      %parallel_loop3A_180 = arith.addi %parallel_loop3A_111, %parallel_loop3A_179 : vector<16xi32>
      %parallel_loop3A_181 = tpu.vector_load_idx %arg5[%parallel_loop3A_180] : memref<11280xf32, #tpu.memory_space<vmem>>[vector<16xi32>], vector<16xf32>,
      %parallel_loop3A_182 = arith.constant 5 : i32
      %parallel_loop3A_183 = arith.index_cast %parallel_loop3A_182 : i32 to index
      %parallel_loop3A_184 = arith.index_cast %parallel_loop3A_113 : i32 to index
      %parallel_loop3A_185 = tpu.vector_load %arg7[%parallel_loop3A_183, %parallel_loop3A_184] {strides = array<i32>} : memref<64x512xf32, #tpu.memory_space<vmem>>, vector<16xf32>,
      tpu.vector_store %arg7[%parallel_loop3A_183, %parallel_loop3A_184], %parallel_loop3A_137 {strides = array<i32>} : memref<64x512xf32, #tpu.memory_space<vmem>>, vector<16xf32>,
      %parallel_loop3A_186 = arith.constant 12 : i32
      %parallel_loop3A_187 = vector.broadcast %parallel_loop3A_186 : i32 to vector<16xi32>
      %parallel_loop3A_188 = arith.addi %parallel_loop3A_111, %parallel_loop3A_187 : vector<16xi32>
      %parallel_loop3A_189 = tpu.vector_load_idx %arg5[%parallel_loop3A_188] : memref<11280xf32, #tpu.memory_space<vmem>>[vector<16xi32>], vector<16xf32>,
      %parallel_loop3A_190 = arith.constant 6 : i32
      %parallel_loop3A_191 = arith.index_cast %parallel_loop3A_190 : i32 to index
      %parallel_loop3A_192 = arith.index_cast %parallel_loop3A_113 : i32 to index
      %parallel_loop3A_193 = tpu.vector_load %arg7[%parallel_loop3A_191, %parallel_loop3A_192] {strides = array<i32>} : memref<64x512xf32, #tpu.memory_space<vmem>>, vector<16xf32>,
      tpu.vector_store %arg7[%parallel_loop3A_191, %parallel_loop3A_192], %parallel_loop3A_141 {strides = array<i32>} : memref<64x512xf32, #tpu.memory_space<vmem>>, vector<16xf32>,
      %parallel_loop3A_194 = arith.constant 13 : i32
      %parallel_loop3A_195 = vector.broadcast %parallel_loop3A_194 : i32 to vector<16xi32>
      %parallel_loop3A_196 = arith.addi %parallel_loop3A_111, %parallel_loop3A_195 : vector<16xi32>
      %parallel_loop3A_197 = tpu.vector_load_idx %arg5[%parallel_loop3A_196] : memref<11280xf32, #tpu.memory_space<vmem>>[vector<16xi32>], vector<16xf32>,
      %parallel_loop3A_198 = arith.constant 7 : i32
      %parallel_loop3A_199 = arith.index_cast %parallel_loop3A_198 : i32 to index
      %parallel_loop3A_200 = arith.index_cast %parallel_loop3A_113 : i32 to index
      %parallel_loop3A_201 = tpu.vector_load %arg7[%parallel_loop3A_199, %parallel_loop3A_200] {strides = array<i32>} : memref<64x512xf32, #tpu.memory_space<vmem>>, vector<16xf32>,
      tpu.vector_store %arg7[%parallel_loop3A_199, %parallel_loop3A_200], %parallel_loop3A_149 {strides = array<i32>} : memref<64x512xf32, #tpu.memory_space<vmem>>, vector<16xf32>,
      %parallel_loop3A_202 = arith.constant 14 : i32
      %parallel_loop3A_203 = vector.broadcast %parallel_loop3A_202 : i32 to vector<16xi32>
      %parallel_loop3A_204 = arith.addi %parallel_loop3A_111, %parallel_loop3A_203 : vector<16xi32>
      %parallel_loop3A_205 = tpu.vector_load_idx %arg5[%parallel_loop3A_204] : memref<11280xf32, #tpu.memory_space<vmem>>[vector<16xi32>], vector<16xf32>,
      %parallel_loop3A_206 = arith.constant 8 : i32
      %parallel_loop3A_207 = arith.index_cast %parallel_loop3A_206 : i32 to index
      %parallel_loop3A_208 = arith.index_cast %parallel_loop3A_113 : i32 to index
      %parallel_loop3A_209 = tpu.vector_load %arg7[%parallel_loop3A_207, %parallel_loop3A_208] {strides = array<i32>} : memref<64x512xf32, #tpu.memory_space<vmem>>, vector<16xf32>,
      tpu.vector_store %arg7[%parallel_loop3A_207, %parallel_loop3A_208], %parallel_loop3A_157 {strides = array<i32>} : memref<64x512xf32, #tpu.memory_space<vmem>>, vector<16xf32>,
      %parallel_loop3A_210 = arith.constant 15 : i32
      %parallel_loop3A_211 = vector.broadcast %parallel_loop3A_210 : i32 to vector<16xi32>
      %parallel_loop3A_212 = arith.addi %parallel_loop3A_111, %parallel_loop3A_211 : vector<16xi32>
      %parallel_loop3A_213 = tpu.vector_load_idx %arg5[%parallel_loop3A_212] : memref<11280xf32, #tpu.memory_space<vmem>>[vector<16xi32>], vector<16xf32>,
      %parallel_loop3A_214 = arith.constant 9 : i32
      %parallel_loop3A_215 = arith.index_cast %parallel_loop3A_214 : i32 to index
      %parallel_loop3A_216 = arith.index_cast %parallel_loop3A_113 : i32 to index
      %parallel_loop3A_217 = tpu.vector_load %arg7[%parallel_loop3A_215, %parallel_loop3A_216] {strides = array<i32>} : memref<64x512xf32, #tpu.memory_space<vmem>>, vector<16xf32>,
      tpu.vector_store %arg7[%parallel_loop3A_215, %parallel_loop3A_216], %parallel_loop3A_165 {strides = array<i32>} : memref<64x512xf32, #tpu.memory_space<vmem>>, vector<16xf32>,
      %parallel_loop3A_218 = arith.constant 16 : i32
      %parallel_loop3A_219 = vector.broadcast %parallel_loop3A_218 : i32 to vector<16xi32>
      %parallel_loop3A_220 = arith.addi %parallel_loop3A_111, %parallel_loop3A_219 : vector<16xi32>
      %parallel_loop3A_221 = tpu.vector_load_idx %arg5[%parallel_loop3A_220] : memref<11280xf32, #tpu.memory_space<vmem>>[vector<16xi32>], vector<16xf32>,
      %parallel_loop3A_222 = arith.constant 10 : i32
      %parallel_loop3A_223 = arith.index_cast %parallel_loop3A_222 : i32 to index
      %parallel_loop3A_224 = arith.index_cast %parallel_loop3A_113 : i32 to index
      %parallel_loop3A_225 = tpu.vector_load %arg7[%parallel_loop3A_223, %parallel_loop3A_224] {strides = array<i32>} : memref<64x512xf32, #tpu.memory_space<vmem>>, vector<16xf32>,
      tpu.vector_store %arg7[%parallel_loop3A_223, %parallel_loop3A_224], %parallel_loop3A_173 {strides = array<i32>} : memref<64x512xf32, #tpu.memory_space<vmem>>, vector<16xf32>,
      %parallel_loop3A_226 = arith.constant 17 : i32
      %parallel_loop3A_227 = vector.broadcast %parallel_loop3A_226 : i32 to vector<16xi32>
      %parallel_loop3A_228 = arith.addi %parallel_loop3A_111, %parallel_loop3A_227 : vector<16xi32>
      %parallel_loop3A_229 = tpu.vector_load_idx %arg5[%parallel_loop3A_228] : memref<11280xf32, #tpu.memory_space<vmem>>[vector<16xi32>], vector<16xf32>,
      %parallel_loop3A_230 = arith.constant 11 : i32
      %parallel_loop3A_231 = arith.index_cast %parallel_loop3A_230 : i32 to index
      %parallel_loop3A_232 = arith.index_cast %parallel_loop3A_113 : i32 to index
      %parallel_loop3A_233 = tpu.vector_load %arg7[%parallel_loop3A_231, %parallel_loop3A_232] {strides = array<i32>} : memref<64x512xf32, #tpu.memory_space<vmem>>, vector<16xf32>,
      tpu.vector_store %arg7[%parallel_loop3A_231, %parallel_loop3A_232], %parallel_loop3A_181 {strides = array<i32>} : memref<64x512xf32, #tpu.memory_space<vmem>>, vector<16xf32>,
      %parallel_loop3A_234 = arith.constant 18 : i32
      %parallel_loop3A_235 = vector.broadcast %parallel_loop3A_234 : i32 to vector<16xi32>
      %parallel_loop3A_236 = arith.addi %parallel_loop3A_111, %parallel_loop3A_235 : vector<16xi32>
      %parallel_loop3A_237 = tpu.vector_load_idx %arg5[%parallel_loop3A_236] : memref<11280xf32, #tpu.memory_space<vmem>>[vector<16xi32>], vector<16xf32>,
      %parallel_loop3A_238 = arith.constant 12 : i32
      %parallel_loop3A_239 = arith.index_cast %parallel_loop3A_238 : i32 to index
      %parallel_loop3A_240 = arith.index_cast %parallel_loop3A_113 : i32 to index
      %parallel_loop3A_241 = tpu.vector_load %arg7[%parallel_loop3A_239, %parallel_loop3A_240] {strides = array<i32>} : memref<64x512xf32, #tpu.memory_space<vmem>>, vector<16xf32>,
      tpu.vector_store %arg7[%parallel_loop3A_239, %parallel_loop3A_240], %parallel_loop3A_189 {strides = array<i32>} : memref<64x512xf32, #tpu.memory_space<vmem>>, vector<16xf32>,
      %parallel_loop3A_242 = arith.constant 19 : i32
      %parallel_loop3A_243 = vector.broadcast %parallel_loop3A_242 : i32 to vector<16xi32>
      %parallel_loop3A_244 = arith.addi %parallel_loop3A_111, %parallel_loop3A_243 : vector<16xi32>
      %parallel_loop3A_245 = tpu.vector_load_idx %arg5[%parallel_loop3A_244] : memref<11280xf32, #tpu.memory_space<vmem>>[vector<16xi32>], vector<16xf32>,
      %parallel_loop3A_246 = arith.constant 13 : i32
      %parallel_loop3A_247 = arith.index_cast %parallel_loop3A_246 : i32 to index
      %parallel_loop3A_248 = arith.index_cast %parallel_loop3A_113 : i32 to index
      %parallel_loop3A_249 = tpu.vector_load %arg7[%parallel_loop3A_247, %parallel_loop3A_248] {strides = array<i32>} : memref<64x512xf32, #tpu.memory_space<vmem>>, vector<16xf32>,
      tpu.vector_store %arg7[%parallel_loop3A_247, %parallel_loop3A_248], %parallel_loop3A_197 {strides = array<i32>} : memref<64x512xf32, #tpu.memory_space<vmem>>, vector<16xf32>,
      %parallel_loop3A_250 = arith.constant 20 : i32
      %parallel_loop3A_251 = vector.broadcast %parallel_loop3A_250 : i32 to vector<16xi32>
      %parallel_loop3A_252 = arith.addi %parallel_loop3A_111, %parallel_loop3A_251 : vector<16xi32>
      %parallel_loop3A_253 = tpu.vector_load_idx %arg5[%parallel_loop3A_252] : memref<11280xf32, #tpu.memory_space<vmem>>[vector<16xi32>], vector<16xf32>,
      %parallel_loop3A_254 = arith.constant 14 : i32
      %parallel_loop3A_255 = arith.index_cast %parallel_loop3A_254 : i32 to index
      %parallel_loop3A_256 = arith.index_cast %parallel_loop3A_113 : i32 to index
      %parallel_loop3A_257 = tpu.vector_load %arg7[%parallel_loop3A_255, %parallel_loop3A_256] {strides = array<i32>} : memref<64x512xf32, #tpu.memory_space<vmem>>, vector<16xf32>,
      tpu.vector_store %arg7[%parallel_loop3A_255, %parallel_loop3A_256], %parallel_loop3A_205 {strides = array<i32>} : memref<64x512xf32, #tpu.memory_space<vmem>>, vector<16xf32>,
      %parallel_loop3A_258 = arith.constant 21 : i32
      %parallel_loop3A_259 = vector.broadcast %parallel_loop3A_258 : i32 to vector<16xi32>
      %parallel_loop3A_260 = arith.addi %parallel_loop3A_111, %parallel_loop3A_259 : vector<16xi32>
      %parallel_loop3A_261 = tpu.vector_load_idx %arg5[%parallel_loop3A_260] : memref<11280xf32, #tpu.memory_space<vmem>>[vector<16xi32>], vector<16xf32>,
      %parallel_loop3A_262 = arith.constant 15 : i32
      %parallel_loop3A_263 = arith.index_cast %parallel_loop3A_262 : i32 to index
      %parallel_loop3A_264 = arith.index_cast %parallel_loop3A_113 : i32 to index
      %parallel_loop3A_265 = tpu.vector_load %arg7[%parallel_loop3A_263, %parallel_loop3A_264] {strides = array<i32>} : memref<64x512xf32, #tpu.memory_space<vmem>>, vector<16xf32>,
      tpu.vector_store %arg7[%parallel_loop3A_263, %parallel_loop3A_264], %parallel_loop3A_213 {strides = array<i32>} : memref<64x512xf32, #tpu.memory_space<vmem>>, vector<16xf32>,
      %parallel_loop3A_266 = arith.constant 22 : i32
      %parallel_loop3A_267 = vector.broadcast %parallel_loop3A_266 : i32 to vector<16xi32>
      %parallel_loop3A_268 = arith.addi %parallel_loop3A_111, %parallel_loop3A_267 : vector<16xi32>
      %parallel_loop3A_269 = tpu.vector_load_idx %arg5[%parallel_loop3A_268] : memref<11280xf32, #tpu.memory_space<vmem>>[vector<16xi32>], vector<16xf32>,
      %parallel_loop3A_270 = arith.constant 16 : i32
      %parallel_loop3A_271 = arith.index_cast %parallel_loop3A_270 : i32 to index
      %parallel_loop3A_272 = arith.index_cast %parallel_loop3A_113 : i32 to index
      %parallel_loop3A_273 = tpu.vector_load %arg7[%parallel_loop3A_271, %parallel_loop3A_272] {strides = array<i32>} : memref<64x512xf32, #tpu.memory_space<vmem>>, vector<16xf32>,
      tpu.vector_store %arg7[%parallel_loop3A_271, %parallel_loop3A_272], %parallel_loop3A_221 {strides = array<i32>} : memref<64x512xf32, #tpu.memory_space<vmem>>, vector<16xf32>,
      %parallel_loop3A_274 = arith.constant 23 : i32
      %parallel_loop3A_275 = vector.broadcast %parallel_loop3A_274 : i32 to vector<16xi32>
      %parallel_loop3A_276 = arith.addi %parallel_loop3A_111, %parallel_loop3A_275 : vector<16xi32>
      %parallel_loop3A_277 = tpu.vector_load_idx %arg5[%parallel_loop3A_276] : memref<11280xf32, #tpu.memory_space<vmem>>[vector<16xi32>], vector<16xf32>,
      %parallel_loop3A_278 = arith.constant 17 : i32
      %parallel_loop3A_279 = arith.index_cast %parallel_loop3A_278 : i32 to index
      %parallel_loop3A_280 = arith.index_cast %parallel_loop3A_113 : i32 to index
      %parallel_loop3A_281 = tpu.vector_load %arg7[%parallel_loop3A_279, %parallel_loop3A_280] {strides = array<i32>} : memref<64x512xf32, #tpu.memory_space<vmem>>, vector<16xf32>,
      tpu.vector_store %arg7[%parallel_loop3A_279, %parallel_loop3A_280], %parallel_loop3A_229 {strides = array<i32>} : memref<64x512xf32, #tpu.memory_space<vmem>>, vector<16xf32>,
      %parallel_loop3A_282 = arith.constant 24 : i32
      %parallel_loop3A_283 = vector.broadcast %parallel_loop3A_282 : i32 to vector<16xi32>
      %parallel_loop3A_284 = arith.addi %parallel_loop3A_111, %parallel_loop3A_283 : vector<16xi32>
      %parallel_loop3A_285 = tpu.vector_load_idx %arg5[%parallel_loop3A_284] : memref<11280xf32, #tpu.memory_space<vmem>>[vector<16xi32>], vector<16xf32>,
      %parallel_loop3A_286 = arith.constant 18 : i32
      %parallel_loop3A_287 = arith.index_cast %parallel_loop3A_286 : i32 to index
      %parallel_loop3A_288 = arith.index_cast %parallel_loop3A_113 : i32 to index
      %parallel_loop3A_289 = tpu.vector_load %arg7[%parallel_loop3A_287, %parallel_loop3A_288] {strides = array<i32>} : memref<64x512xf32, #tpu.memory_space<vmem>>, vector<16xf32>,
      tpu.vector_store %arg7[%parallel_loop3A_287, %parallel_loop3A_288], %parallel_loop3A_237 {strides = array<i32>} : memref<64x512xf32, #tpu.memory_space<vmem>>, vector<16xf32>,
      %parallel_loop3A_290 = arith.constant 25 : i32
      %parallel_loop3A_291 = vector.broadcast %parallel_loop3A_290 : i32 to vector<16xi32>
      %parallel_loop3A_292 = arith.addi %parallel_loop3A_111, %parallel_loop3A_291 : vector<16xi32>
      %parallel_loop3A_293 = tpu.vector_load_idx %arg5[%parallel_loop3A_292] : memref<11280xf32, #tpu.memory_space<vmem>>[vector<16xi32>], vector<16xf32>,
      %parallel_loop3A_294 = arith.constant 19 : i32
      %parallel_loop3A_295 = arith.index_cast %parallel_loop3A_294 : i32 to index
      %parallel_loop3A_296 = arith.index_cast %parallel_loop3A_113 : i32 to index
      %parallel_loop3A_297 = tpu.vector_load %arg7[%parallel_loop3A_295, %parallel_loop3A_296] {strides = array<i32>} : memref<64x512xf32, #tpu.memory_space<vmem>>, vector<16xf32>,
      tpu.vector_store %arg7[%parallel_loop3A_295, %parallel_loop3A_296], %parallel_loop3A_245 {strides = array<i32>} : memref<64x512xf32, #tpu.memory_space<vmem>>, vector<16xf32>,
      %parallel_loop3A_298 = arith.constant 26 : i32
      %parallel_loop3A_299 = vector.broadcast %parallel_loop3A_298 : i32 to vector<16xi32>
      %parallel_loop3A_300 = arith.addi %parallel_loop3A_111, %parallel_loop3A_299 : vector<16xi32>
      %parallel_loop3A_301 = tpu.vector_load_idx %arg5[%parallel_loop3A_300] : memref<11280xf32, #tpu.memory_space<vmem>>[vector<16xi32>], vector<16xf32>,
      %parallel_loop3A_302 = arith.constant 20 : i32
      %parallel_loop3A_303 = arith.index_cast %parallel_loop3A_302 : i32 to index
      %parallel_loop3A_304 = arith.index_cast %parallel_loop3A_113 : i32 to index
      %parallel_loop3A_305 = tpu.vector_load %arg7[%parallel_loop3A_303, %parallel_loop3A_304] {strides = array<i32>} : memref<64x512xf32, #tpu.memory_space<vmem>>, vector<16xf32>,
      tpu.vector_store %arg7[%parallel_loop3A_303, %parallel_loop3A_304], %parallel_loop3A_253 {strides = array<i32>} : memref<64x512xf32, #tpu.memory_space<vmem>>, vector<16xf32>,
      %parallel_loop3A_306 = arith.constant 27 : i32
      %parallel_loop3A_307 = vector.broadcast %parallel_loop3A_306 : i32 to vector<16xi32>
      %parallel_loop3A_308 = arith.addi %parallel_loop3A_111, %parallel_loop3A_307 : vector<16xi32>
      %parallel_loop3A_309 = tpu.vector_load_idx %arg5[%parallel_loop3A_308] : memref<11280xf32, #tpu.memory_space<vmem>>[vector<16xi32>], vector<16xf32>,
      %parallel_loop3A_310 = arith.constant 21 : i32
      %parallel_loop3A_311 = arith.index_cast %parallel_loop3A_310 : i32 to index
      %parallel_loop3A_312 = arith.index_cast %parallel_loop3A_113 : i32 to index
      %parallel_loop3A_313 = tpu.vector_load %arg7[%parallel_loop3A_311, %parallel_loop3A_312] {strides = array<i32>} : memref<64x512xf32, #tpu.memory_space<vmem>>, vector<16xf32>,
      tpu.vector_store %arg7[%parallel_loop3A_311, %parallel_loop3A_312], %parallel_loop3A_261 {strides = array<i32>} : memref<64x512xf32, #tpu.memory_space<vmem>>, vector<16xf32>,
      %parallel_loop3A_314 = arith.constant 28 : i32
      %parallel_loop3A_315 = vector.broadcast %parallel_loop3A_314 : i32 to vector<16xi32>
      %parallel_loop3A_316 = arith.addi %parallel_loop3A_111, %parallel_loop3A_315 : vector<16xi32>
      %parallel_loop3A_317 = tpu.vector_load_idx %arg5[%parallel_loop3A_316] : memref<11280xf32, #tpu.memory_space<vmem>>[vector<16xi32>], vector<16xf32>,
      %parallel_loop3A_318 = arith.constant 22 : i32
      %parallel_loop3A_319 = arith.index_cast %parallel_loop3A_318 : i32 to index
      %parallel_loop3A_320 = arith.index_cast %parallel_loop3A_113 : i32 to index
      %parallel_loop3A_321 = tpu.vector_load %arg7[%parallel_loop3A_319, %parallel_loop3A_320] {strides = array<i32>} : memref<64x512xf32, #tpu.memory_space<vmem>>, vector<16xf32>,
      tpu.vector_store %arg7[%parallel_loop3A_319, %parallel_loop3A_320], %parallel_loop3A_269 {strides = array<i32>} : memref<64x512xf32, #tpu.memory_space<vmem>>, vector<16xf32>,
      %parallel_loop3A_322 = arith.constant 29 : i32
      %parallel_loop3A_323 = vector.broadcast %parallel_loop3A_322 : i32 to vector<16xi32>
      %parallel_loop3A_324 = arith.addi %parallel_loop3A_111, %parallel_loop3A_323 : vector<16xi32>
      %parallel_loop3A_325 = tpu.vector_load_idx %arg5[%parallel_loop3A_324] : memref<11280xf32, #tpu.memory_space<vmem>>[vector<16xi32>], vector<16xf32>,
      %parallel_loop3A_326 = arith.constant 23 : i32
      %parallel_loop3A_327 = arith.index_cast %parallel_loop3A_326 : i32 to index
      %parallel_loop3A_328 = arith.index_cast %parallel_loop3A_113 : i32 to index
      %parallel_loop3A_329 = tpu.vector_load %arg7[%parallel_loop3A_327, %parallel_loop3A_328] {strides = array<i32>} : memref<64x512xf32, #tpu.memory_space<vmem>>, vector<16xf32>,
      tpu.vector_store %arg7[%parallel_loop3A_327, %parallel_loop3A_328], %parallel_loop3A_277 {strides = array<i32>} : memref<64x512xf32, #tpu.memory_space<vmem>>, vector<16xf32>,
      %parallel_loop3A_330 = arith.constant 30 : i32
      %parallel_loop3A_331 = vector.broadcast %parallel_loop3A_330 : i32 to vector<16xi32>
      %parallel_loop3A_332 = arith.addi %parallel_loop3A_111, %parallel_loop3A_331 : vector<16xi32>
      %parallel_loop3A_333 = tpu.vector_load_idx %arg5[%parallel_loop3A_332] : memref<11280xf32, #tpu.memory_space<vmem>>[vector<16xi32>], vector<16xf32>,
      %parallel_loop3A_334 = arith.constant 24 : i32
      %parallel_loop3A_335 = arith.index_cast %parallel_loop3A_334 : i32 to index
      %parallel_loop3A_336 = arith.index_cast %parallel_loop3A_113 : i32 to index
      %parallel_loop3A_337 = tpu.vector_load %arg7[%parallel_loop3A_335, %parallel_loop3A_336] {strides = array<i32>} : memref<64x512xf32, #tpu.memory_space<vmem>>, vector<16xf32>,
      tpu.vector_store %arg7[%parallel_loop3A_335, %parallel_loop3A_336], %parallel_loop3A_285 {strides = array<i32>} : memref<64x512xf32, #tpu.memory_space<vmem>>, vector<16xf32>,
      %parallel_loop3A_338 = arith.constant 31 : i32
      %parallel_loop3A_339 = vector.broadcast %parallel_loop3A_338 : i32 to vector<16xi32>
      %parallel_loop3A_340 = arith.addi %parallel_loop3A_111, %parallel_loop3A_339 : vector<16xi32>
      %parallel_loop3A_341 = tpu.vector_load_idx %arg5[%parallel_loop3A_340] : memref<11280xf32, #tpu.memory_space<vmem>>[vector<16xi32>], vector<16xf32>,
      %parallel_loop3A_342 = arith.constant 25 : i32
      %parallel_loop3A_343 = arith.index_cast %parallel_loop3A_342 : i32 to index
      %parallel_loop3A_344 = arith.index_cast %parallel_loop3A_113 : i32 to index
      %parallel_loop3A_345 = tpu.vector_load %arg7[%parallel_loop3A_343, %parallel_loop3A_344] {strides = array<i32>} : memref<64x512xf32, #tpu.memory_space<vmem>>, vector<16xf32>,
      tpu.vector_store %arg7[%parallel_loop3A_343, %parallel_loop3A_344], %parallel_loop3A_293 {strides = array<i32>} : memref<64x512xf32, #tpu.memory_space<vmem>>, vector<16xf32>,
      %parallel_loop3A_346 = arith.constant 32 : i32
      %parallel_loop3A_347 = vector.broadcast %parallel_loop3A_346 : i32 to vector<16xi32>
      %parallel_loop3A_348 = arith.addi %parallel_loop3A_111, %parallel_loop3A_347 : vector<16xi32>
      %parallel_loop3A_349 = tpu.vector_load_idx %arg5[%parallel_loop3A_348] : memref<11280xf32, #tpu.memory_space<vmem>>[vector<16xi32>], vector<16xf32>,
      %parallel_loop3A_350 = arith.constant 26 : i32
      %parallel_loop3A_351 = arith.index_cast %parallel_loop3A_350 : i32 to index
      %parallel_loop3A_352 = arith.index_cast %parallel_loop3A_113 : i32 to index
      %parallel_loop3A_353 = tpu.vector_load %arg7[%parallel_loop3A_351, %parallel_loop3A_352] {strides = array<i32>} : memref<64x512xf32, #tpu.memory_space<vmem>>, vector<16xf32>,
      tpu.vector_store %arg7[%parallel_loop3A_351, %parallel_loop3A_352], %parallel_loop3A_301 {strides = array<i32>} : memref<64x512xf32, #tpu.memory_space<vmem>>, vector<16xf32>,
      %parallel_loop3A_354 = arith.constant 33 : i32
      %parallel_loop3A_355 = vector.broadcast %parallel_loop3A_354 : i32 to vector<16xi32>
      %parallel_loop3A_356 = arith.addi %parallel_loop3A_111, %parallel_loop3A_355 : vector<16xi32>
      %parallel_loop3A_357 = tpu.vector_load_idx %arg5[%parallel_loop3A_356] : memref<11280xf32, #tpu.memory_space<vmem>>[vector<16xi32>], vector<16xf32>,
      %parallel_loop3A_358 = arith.constant 27 : i32
      %parallel_loop3A_359 = arith.index_cast %parallel_loop3A_358 : i32 to index
      %parallel_loop3A_360 = arith.index_cast %parallel_loop3A_113 : i32 to index
      %parallel_loop3A_361 = tpu.vector_load %arg7[%parallel_loop3A_359, %parallel_loop3A_360] {strides = array<i32>} : memref<64x512xf32, #tpu.memory_space<vmem>>, vector<16xf32>,
      tpu.vector_store %arg7[%parallel_loop3A_359, %parallel_loop3A_360], %parallel_loop3A_309 {strides = array<i32>} : memref<64x512xf32, #tpu.memory_space<vmem>>, vector<16xf32>,
      %parallel_loop3A_362 = arith.constant 34 : i32
      %parallel_loop3A_363 = vector.broadcast %parallel_loop3A_362 : i32 to vector<16xi32>
      %parallel_loop3A_364 = arith.addi %parallel_loop3A_111, %parallel_loop3A_363 : vector<16xi32>
      %parallel_loop3A_365 = tpu.vector_load_idx %arg5[%parallel_loop3A_364] : memref<11280xf32, #tpu.memory_space<vmem>>[vector<16xi32>], vector<16xf32>,
      %parallel_loop3A_366 = arith.constant 28 : i32
      %parallel_loop3A_367 = arith.index_cast %parallel_loop3A_366 : i32 to index
      %parallel_loop3A_368 = arith.index_cast %parallel_loop3A_113 : i32 to index
      %parallel_loop3A_369 = tpu.vector_load %arg7[%parallel_loop3A_367, %parallel_loop3A_368] {strides = array<i32>} : memref<64x512xf32, #tpu.memory_space<vmem>>, vector<16xf32>,
      tpu.vector_store %arg7[%parallel_loop3A_367, %parallel_loop3A_368], %parallel_loop3A_317 {strides = array<i32>} : memref<64x512xf32, #tpu.memory_space<vmem>>, vector<16xf32>,
      %parallel_loop3A_370 = arith.constant 35 : i32
      %parallel_loop3A_371 = vector.broadcast %parallel_loop3A_370 : i32 to vector<16xi32>
      %parallel_loop3A_372 = arith.addi %parallel_loop3A_111, %parallel_loop3A_371 : vector<16xi32>
      %parallel_loop3A_373 = tpu.vector_load_idx %arg5[%parallel_loop3A_372] : memref<11280xf32, #tpu.memory_space<vmem>>[vector<16xi32>], vector<16xf32>,
      %parallel_loop3A_374 = arith.constant 29 : i32
      %parallel_loop3A_375 = arith.index_cast %parallel_loop3A_374 : i32 to index
      %parallel_loop3A_376 = arith.index_cast %parallel_loop3A_113 : i32 to index
      %parallel_loop3A_377 = tpu.vector_load %arg7[%parallel_loop3A_375, %parallel_loop3A_376] {strides = array<i32>} : memref<64x512xf32, #tpu.memory_space<vmem>>, vector<16xf32>,
      tpu.vector_store %arg7[%parallel_loop3A_375, %parallel_loop3A_376], %parallel_loop3A_325 {strides = array<i32>} : memref<64x512xf32, #tpu.memory_space<vmem>>, vector<16xf32>,
      %parallel_loop3A_378 = arith.constant 36 : i32
      %parallel_loop3A_379 = vector.broadcast %parallel_loop3A_378 : i32 to vector<16xi32>
      %parallel_loop3A_380 = arith.addi %parallel_loop3A_111, %parallel_loop3A_379 : vector<16xi32>
      %parallel_loop3A_381 = tpu.vector_load_idx %arg5[%parallel_loop3A_380] : memref<11280xf32, #tpu.memory_space<vmem>>[vector<16xi32>], vector<16xf32>,
      %parallel_loop3A_382 = arith.constant 30 : i32
      %parallel_loop3A_383 = arith.index_cast %parallel_loop3A_382 : i32 to index
      %parallel_loop3A_384 = arith.index_cast %parallel_loop3A_113 : i32 to index
      %parallel_loop3A_385 = tpu.vector_load %arg7[%parallel_loop3A_383, %parallel_loop3A_384] {strides = array<i32>} : memref<64x512xf32, #tpu.memory_space<vmem>>, vector<16xf32>,
      tpu.vector_store %arg7[%parallel_loop3A_383, %parallel_loop3A_384], %parallel_loop3A_333 {strides = array<i32>} : memref<64x512xf32, #tpu.memory_space<vmem>>, vector<16xf32>,
      %parallel_loop3A_386 = arith.constant 37 : i32
      %parallel_loop3A_387 = vector.broadcast %parallel_loop3A_386 : i32 to vector<16xi32>
      %parallel_loop3A_388 = arith.addi %parallel_loop3A_111, %parallel_loop3A_387 : vector<16xi32>
      %parallel_loop3A_389 = tpu.vector_load_idx %arg5[%parallel_loop3A_388] : memref<11280xf32, #tpu.memory_space<vmem>>[vector<16xi32>], vector<16xf32>,
      %parallel_loop3A_390 = arith.constant 31 : i32
      %parallel_loop3A_391 = arith.index_cast %parallel_loop3A_390 : i32 to index
      %parallel_loop3A_392 = arith.index_cast %parallel_loop3A_113 : i32 to index
      %parallel_loop3A_393 = tpu.vector_load %arg7[%parallel_loop3A_391, %parallel_loop3A_392] {strides = array<i32>} : memref<64x512xf32, #tpu.memory_space<vmem>>, vector<16xf32>,
      tpu.vector_store %arg7[%parallel_loop3A_391, %parallel_loop3A_392], %parallel_loop3A_341 {strides = array<i32>} : memref<64x512xf32, #tpu.memory_space<vmem>>, vector<16xf32>,
      %parallel_loop3A_394 = arith.constant 38 : i32
      %parallel_loop3A_395 = vector.broadcast %parallel_loop3A_394 : i32 to vector<16xi32>
      %parallel_loop3A_396 = arith.addi %parallel_loop3A_111, %parallel_loop3A_395 : vector<16xi32>
      %parallel_loop3A_397 = tpu.vector_load_idx %arg5[%parallel_loop3A_396] : memref<11280xf32, #tpu.memory_space<vmem>>[vector<16xi32>], vector<16xf32>,
      %parallel_loop3A_398 = arith.constant 32 : i32
      %parallel_loop3A_399 = arith.index_cast %parallel_loop3A_398 : i32 to index
      %parallel_loop3A_400 = arith.index_cast %parallel_loop3A_113 : i32 to index
      %parallel_loop3A_401 = tpu.vector_load %arg7[%parallel_loop3A_399, %parallel_loop3A_400] {strides = array<i32>} : memref<64x512xf32, #tpu.memory_space<vmem>>, vector<16xf32>,
      tpu.vector_store %arg7[%parallel_loop3A_399, %parallel_loop3A_400], %parallel_loop3A_349 {strides = array<i32>} : memref<64x512xf32, #tpu.memory_space<vmem>>, vector<16xf32>,
      %parallel_loop3A_402 = arith.constant 39 : i32
      %parallel_loop3A_403 = vector.broadcast %parallel_loop3A_402 : i32 to vector<16xi32>
      %parallel_loop3A_404 = arith.addi %parallel_loop3A_111, %parallel_loop3A_403 : vector<16xi32>
      %parallel_loop3A_405 = tpu.vector_load_idx %arg5[%parallel_loop3A_404] : memref<11280xf32, #tpu.memory_space<vmem>>[vector<16xi32>], vector<16xf32>,
      %parallel_loop3A_406 = arith.constant 33 : i32
      %parallel_loop3A_407 = arith.index_cast %parallel_loop3A_406 : i32 to index
      %parallel_loop3A_408 = arith.index_cast %parallel_loop3A_113 : i32 to index
      %parallel_loop3A_409 = tpu.vector_load %arg7[%parallel_loop3A_407, %parallel_loop3A_408] {strides = array<i32>} : memref<64x512xf32, #tpu.memory_space<vmem>>, vector<16xf32>,
      tpu.vector_store %arg7[%parallel_loop3A_407, %parallel_loop3A_408], %parallel_loop3A_357 {strides = array<i32>} : memref<64x512xf32, #tpu.memory_space<vmem>>, vector<16xf32>,
      %parallel_loop3A_410 = arith.constant 40 : i32
      %parallel_loop3A_411 = vector.broadcast %parallel_loop3A_410 : i32 to vector<16xi32>
      %parallel_loop3A_412 = arith.addi %parallel_loop3A_111, %parallel_loop3A_411 : vector<16xi32>
      %parallel_loop3A_413 = tpu.vector_load_idx %arg5[%parallel_loop3A_412] : memref<11280xf32, #tpu.memory_space<vmem>>[vector<16xi32>], vector<16xf32>,
      %parallel_loop3A_414 = arith.constant 34 : i32
      %parallel_loop3A_415 = arith.index_cast %parallel_loop3A_414 : i32 to index
      %parallel_loop3A_416 = arith.index_cast %parallel_loop3A_113 : i32 to index
      %parallel_loop3A_417 = tpu.vector_load %arg7[%parallel_loop3A_415, %parallel_loop3A_416] {strides = array<i32>} : memref<64x512xf32, #tpu.memory_space<vmem>>, vector<16xf32>,
      tpu.vector_store %arg7[%parallel_loop3A_415, %parallel_loop3A_416], %parallel_loop3A_365 {strides = array<i32>} : memref<64x512xf32, #tpu.memory_space<vmem>>, vector<16xf32>,
      %parallel_loop3A_418 = arith.constant 41 : i32
      %parallel_loop3A_419 = vector.broadcast %parallel_loop3A_418 : i32 to vector<16xi32>
      %parallel_loop3A_420 = arith.addi %parallel_loop3A_111, %parallel_loop3A_419 : vector<16xi32>
      %parallel_loop3A_421 = tpu.vector_load_idx %arg5[%parallel_loop3A_420] : memref<11280xf32, #tpu.memory_space<vmem>>[vector<16xi32>], vector<16xf32>,
      %parallel_loop3A_422 = arith.constant 35 : i32
      %parallel_loop3A_423 = arith.index_cast %parallel_loop3A_422 : i32 to index
      %parallel_loop3A_424 = arith.index_cast %parallel_loop3A_113 : i32 to index
      %parallel_loop3A_425 = tpu.vector_load %arg7[%parallel_loop3A_423, %parallel_loop3A_424] {strides = array<i32>} : memref<64x512xf32, #tpu.memory_space<vmem>>, vector<16xf32>,
      tpu.vector_store %arg7[%parallel_loop3A_423, %parallel_loop3A_424], %parallel_loop3A_373 {strides = array<i32>} : memref<64x512xf32, #tpu.memory_space<vmem>>, vector<16xf32>,
      %parallel_loop3A_426 = arith.constant 42 : i32
      %parallel_loop3A_427 = vector.broadcast %parallel_loop3A_426 : i32 to vector<16xi32>
      %parallel_loop3A_428 = arith.addi %parallel_loop3A_111, %parallel_loop3A_427 : vector<16xi32>
      %parallel_loop3A_429 = tpu.vector_load_idx %arg5[%parallel_loop3A_428] : memref<11280xf32, #tpu.memory_space<vmem>>[vector<16xi32>], vector<16xf32>,
      %parallel_loop3A_430 = arith.constant 36 : i32
      %parallel_loop3A_431 = arith.index_cast %parallel_loop3A_430 : i32 to index
      %parallel_loop3A_432 = arith.index_cast %parallel_loop3A_113 : i32 to index
      %parallel_loop3A_433 = tpu.vector_load %arg7[%parallel_loop3A_431, %parallel_loop3A_432] {strides = array<i32>} : memref<64x512xf32, #tpu.memory_space<vmem>>, vector<16xf32>,
      tpu.vector_store %arg7[%parallel_loop3A_431, %parallel_loop3A_432], %parallel_loop3A_381 {strides = array<i32>} : memref<64x512xf32, #tpu.memory_space<vmem>>, vector<16xf32>,
      %parallel_loop3A_434 = arith.constant 43 : i32
      %parallel_loop3A_435 = vector.broadcast %parallel_loop3A_434 : i32 to vector<16xi32>
      %parallel_loop3A_436 = arith.addi %parallel_loop3A_111, %parallel_loop3A_435 : vector<16xi32>
      %parallel_loop3A_437 = tpu.vector_load_idx %arg5[%parallel_loop3A_436] : memref<11280xf32, #tpu.memory_space<vmem>>[vector<16xi32>], vector<16xf32>,
      %parallel_loop3A_438 = arith.constant 37 : i32
      %parallel_loop3A_439 = arith.index_cast %parallel_loop3A_438 : i32 to index
      %parallel_loop3A_440 = arith.index_cast %parallel_loop3A_113 : i32 to index
      %parallel_loop3A_441 = tpu.vector_load %arg7[%parallel_loop3A_439, %parallel_loop3A_440] {strides = array<i32>} : memref<64x512xf32, #tpu.memory_space<vmem>>, vector<16xf32>,
      tpu.vector_store %arg7[%parallel_loop3A_439, %parallel_loop3A_440], %parallel_loop3A_389 {strides = array<i32>} : memref<64x512xf32, #tpu.memory_space<vmem>>, vector<16xf32>,
      %parallel_loop3A_442 = arith.constant 44 : i32
      %parallel_loop3A_443 = vector.broadcast %parallel_loop3A_442 : i32 to vector<16xi32>
      %parallel_loop3A_444 = arith.addi %parallel_loop3A_111, %parallel_loop3A_443 : vector<16xi32>
      %parallel_loop3A_445 = tpu.vector_load_idx %arg5[%parallel_loop3A_444] : memref<11280xf32, #tpu.memory_space<vmem>>[vector<16xi32>], vector<16xf32>,
      %parallel_loop3A_446 = arith.constant 38 : i32
      %parallel_loop3A_447 = arith.index_cast %parallel_loop3A_446 : i32 to index
      %parallel_loop3A_448 = arith.index_cast %parallel_loop3A_113 : i32 to index
      %parallel_loop3A_449 = tpu.vector_load %arg7[%parallel_loop3A_447, %parallel_loop3A_448] {strides = array<i32>} : memref<64x512xf32, #tpu.memory_space<vmem>>, vector<16xf32>,
      tpu.vector_store %arg7[%parallel_loop3A_447, %parallel_loop3A_448], %parallel_loop3A_397 {strides = array<i32>} : memref<64x512xf32, #tpu.memory_space<vmem>>, vector<16xf32>,
      %parallel_loop3A_450 = arith.constant 45 : i32
      %parallel_loop3A_451 = vector.broadcast %parallel_loop3A_450 : i32 to vector<16xi32>
      %parallel_loop3A_452 = arith.addi %parallel_loop3A_111, %parallel_loop3A_451 : vector<16xi32>
      %parallel_loop3A_453 = tpu.vector_load_idx %arg5[%parallel_loop3A_452] : memref<11280xf32, #tpu.memory_space<vmem>>[vector<16xi32>], vector<16xf32>,
      %parallel_loop3A_454 = arith.constant 39 : i32
      %parallel_loop3A_455 = arith.index_cast %parallel_loop3A_454 : i32 to index
      %parallel_loop3A_456 = arith.index_cast %parallel_loop3A_113 : i32 to index
      %parallel_loop3A_457 = tpu.vector_load %arg7[%parallel_loop3A_455, %parallel_loop3A_456] {strides = array<i32>} : memref<64x512xf32, #tpu.memory_space<vmem>>, vector<16xf32>,
      tpu.vector_store %arg7[%parallel_loop3A_455, %parallel_loop3A_456], %parallel_loop3A_405 {strides = array<i32>} : memref<64x512xf32, #tpu.memory_space<vmem>>, vector<16xf32>,
      %parallel_loop3A_458 = arith.constant 46 : i32
      %parallel_loop3A_459 = vector.broadcast %parallel_loop3A_458 : i32 to vector<16xi32>
      %parallel_loop3A_460 = arith.addi %parallel_loop3A_111, %parallel_loop3A_459 : vector<16xi32>
      %parallel_loop3A_461 = tpu.vector_load_idx %arg5[%parallel_loop3A_460] : memref<11280xf32, #tpu.memory_space<vmem>>[vector<16xi32>], vector<16xf32>,
      %parallel_loop3A_462 = arith.constant 40 : i32
      %parallel_loop3A_463 = arith.index_cast %parallel_loop3A_462 : i32 to index
      %parallel_loop3A_464 = arith.index_cast %parallel_loop3A_113 : i32 to index
      %parallel_loop3A_465 = tpu.vector_load %arg7[%parallel_loop3A_463, %parallel_loop3A_464] {strides = array<i32>} : memref<64x512xf32, #tpu.memory_space<vmem>>, vector<16xf32>,
      tpu.vector_store %arg7[%parallel_loop3A_463, %parallel_loop3A_464], %parallel_loop3A_413 {strides = array<i32>} : memref<64x512xf32, #tpu.memory_space<vmem>>, vector<16xf32>,
      %parallel_loop3A_466 = arith.constant 47 : i32
      %parallel_loop3A_467 = vector.broadcast %parallel_loop3A_466 : i32 to vector<16xi32>
      %parallel_loop3A_468 = arith.addi %parallel_loop3A_111, %parallel_loop3A_467 : vector<16xi32>
      %parallel_loop3A_469 = tpu.vector_load_idx %arg5[%parallel_loop3A_468] : memref<11280xf32, #tpu.memory_space<vmem>>[vector<16xi32>], vector<16xf32>,
      %parallel_loop3A_470 = arith.constant 41 : i32
      %parallel_loop3A_471 = arith.index_cast %parallel_loop3A_470 : i32 to index
      %parallel_loop3A_472 = arith.index_cast %parallel_loop3A_113 : i32 to index
      %parallel_loop3A_473 = tpu.vector_load %arg7[%parallel_loop3A_471, %parallel_loop3A_472] {strides = array<i32>} : memref<64x512xf32, #tpu.memory_space<vmem>>, vector<16xf32>,
      tpu.vector_store %arg7[%parallel_loop3A_471, %parallel_loop3A_472], %parallel_loop3A_421 {strides = array<i32>} : memref<64x512xf32, #tpu.memory_space<vmem>>, vector<16xf32>,
      %parallel_loop3A_474 = arith.constant 48 : i32
      %parallel_loop3A_475 = vector.broadcast %parallel_loop3A_474 : i32 to vector<16xi32>
      %parallel_loop3A_476 = arith.addi %parallel_loop3A_111, %parallel_loop3A_475 : vector<16xi32>
      %parallel_loop3A_477 = tpu.vector_load_idx %arg5[%parallel_loop3A_476] : memref<11280xf32, #tpu.memory_space<vmem>>[vector<16xi32>], vector<16xf32>,
      %parallel_loop3A_478 = arith.constant 42 : i32
      %parallel_loop3A_479 = arith.index_cast %parallel_loop3A_478 : i32 to index
      %parallel_loop3A_480 = arith.index_cast %parallel_loop3A_113 : i32 to index
      %parallel_loop3A_481 = tpu.vector_load %arg7[%parallel_loop3A_479, %parallel_loop3A_480] {strides = array<i32>} : memref<64x512xf32, #tpu.memory_space<vmem>>, vector<16xf32>,
      tpu.vector_store %arg7[%parallel_loop3A_479, %parallel_loop3A_480], %parallel_loop3A_429 {strides = array<i32>} : memref<64x512xf32, #tpu.memory_space<vmem>>, vector<16xf32>,
      %parallel_loop3A_482 = arith.constant 49 : i32
      %parallel_loop3A_483 = vector.broadcast %parallel_loop3A_482 : i32 to vector<16xi32>
      %parallel_loop3A_484 = arith.addi %parallel_loop3A_111, %parallel_loop3A_483 : vector<16xi32>
      %parallel_loop3A_485 = tpu.vector_load_idx %arg5[%parallel_loop3A_484] : memref<11280xf32, #tpu.memory_space<vmem>>[vector<16xi32>], vector<16xf32>,
      %parallel_loop3A_486 = arith.constant 43 : i32
      %parallel_loop3A_487 = arith.index_cast %parallel_loop3A_486 : i32 to index
      %parallel_loop3A_488 = arith.index_cast %parallel_loop3A_113 : i32 to index
      %parallel_loop3A_489 = tpu.vector_load %arg7[%parallel_loop3A_487, %parallel_loop3A_488] {strides = array<i32>} : memref<64x512xf32, #tpu.memory_space<vmem>>, vector<16xf32>,
      tpu.vector_store %arg7[%parallel_loop3A_487, %parallel_loop3A_488], %parallel_loop3A_437 {strides = array<i32>} : memref<64x512xf32, #tpu.memory_space<vmem>>, vector<16xf32>,
      %parallel_loop3A_490 = arith.constant 50 : i32
      %parallel_loop3A_491 = vector.broadcast %parallel_loop3A_490 : i32 to vector<16xi32>
      %parallel_loop3A_492 = arith.addi %parallel_loop3A_111, %parallel_loop3A_491 : vector<16xi32>
      %parallel_loop3A_493 = tpu.vector_load_idx %arg5[%parallel_loop3A_492] : memref<11280xf32, #tpu.memory_space<vmem>>[vector<16xi32>], vector<16xf32>,
      %parallel_loop3A_494 = arith.constant 44 : i32
      %parallel_loop3A_495 = arith.index_cast %parallel_loop3A_494 : i32 to index
      %parallel_loop3A_496 = arith.index_cast %parallel_loop3A_113 : i32 to index
      %parallel_loop3A_497 = tpu.vector_load %arg7[%parallel_loop3A_495, %parallel_loop3A_496] {strides = array<i32>} : memref<64x512xf32, #tpu.memory_space<vmem>>, vector<16xf32>,
      tpu.vector_store %arg7[%parallel_loop3A_495, %parallel_loop3A_496], %parallel_loop3A_445 {strides = array<i32>} : memref<64x512xf32, #tpu.memory_space<vmem>>, vector<16xf32>,
      %parallel_loop3A_498 = arith.constant 51 : i32
      %parallel_loop3A_499 = vector.broadcast %parallel_loop3A_498 : i32 to vector<16xi32>
      %parallel_loop3A_500 = arith.addi %parallel_loop3A_111, %parallel_loop3A_499 : vector<16xi32>
      %parallel_loop3A_501 = tpu.vector_load_idx %arg5[%parallel_loop3A_500] : memref<11280xf32, #tpu.memory_space<vmem>>[vector<16xi32>], vector<16xf32>,
      %parallel_loop3A_502 = arith.constant 45 : i32
      %parallel_loop3A_503 = arith.index_cast %parallel_loop3A_502 : i32 to index
      %parallel_loop3A_504 = arith.index_cast %parallel_loop3A_113 : i32 to index
      %parallel_loop3A_505 = tpu.vector_load %arg7[%parallel_loop3A_503, %parallel_loop3A_504] {strides = array<i32>} : memref<64x512xf32, #tpu.memory_space<vmem>>, vector<16xf32>,
      tpu.vector_store %arg7[%parallel_loop3A_503, %parallel_loop3A_504], %parallel_loop3A_453 {strides = array<i32>} : memref<64x512xf32, #tpu.memory_space<vmem>>, vector<16xf32>,
      %parallel_loop3A_506 = arith.constant 52 : i32
      %parallel_loop3A_507 = vector.broadcast %parallel_loop3A_506 : i32 to vector<16xi32>
      %parallel_loop3A_508 = arith.addi %parallel_loop3A_111, %parallel_loop3A_507 : vector<16xi32>
      %parallel_loop3A_509 = tpu.vector_load_idx %arg5[%parallel_loop3A_508] : memref<11280xf32, #tpu.memory_space<vmem>>[vector<16xi32>], vector<16xf32>,
      %parallel_loop3A_510 = arith.constant 46 : i32
      %parallel_loop3A_511 = arith.index_cast %parallel_loop3A_510 : i32 to index
      %parallel_loop3A_512 = arith.index_cast %parallel_loop3A_113 : i32 to index
      %parallel_loop3A_513 = tpu.vector_load %arg7[%parallel_loop3A_511, %parallel_loop3A_512] {strides = array<i32>} : memref<64x512xf32, #tpu.memory_space<vmem>>, vector<16xf32>,
      tpu.vector_store %arg7[%parallel_loop3A_511, %parallel_loop3A_512], %parallel_loop3A_461 {strides = array<i32>} : memref<64x512xf32, #tpu.memory_space<vmem>>, vector<16xf32>,
      %parallel_loop3A_514 = arith.constant 53 : i32
      %parallel_loop3A_515 = vector.broadcast %parallel_loop3A_514 : i32 to vector<16xi32>
      %parallel_loop3A_516 = arith.addi %parallel_loop3A_111, %parallel_loop3A_515 : vector<16xi32>
      %parallel_loop3A_517 = tpu.vector_load_idx %arg5[%parallel_loop3A_516] : memref<11280xf32, #tpu.memory_space<vmem>>[vector<16xi32>], vector<16xf32>,
      %parallel_loop3A_518 = arith.constant 47 : i32
      %parallel_loop3A_519 = arith.index_cast %parallel_loop3A_518 : i32 to index
      %parallel_loop3A_520 = arith.index_cast %parallel_loop3A_113 : i32 to index
      %parallel_loop3A_521 = tpu.vector_load %arg7[%parallel_loop3A_519, %parallel_loop3A_520] {strides = array<i32>} : memref<64x512xf32, #tpu.memory_space<vmem>>, vector<16xf32>,
      tpu.vector_store %arg7[%parallel_loop3A_519, %parallel_loop3A_520], %parallel_loop3A_469 {strides = array<i32>} : memref<64x512xf32, #tpu.memory_space<vmem>>, vector<16xf32>,
      %parallel_loop3A_522 = arith.constant 54 : i32
      %parallel_loop3A_523 = vector.broadcast %parallel_loop3A_522 : i32 to vector<16xi32>
      %parallel_loop3A_524 = arith.addi %parallel_loop3A_111, %parallel_loop3A_523 : vector<16xi32>
      %parallel_loop3A_525 = tpu.vector_load_idx %arg5[%parallel_loop3A_524] : memref<11280xf32, #tpu.memory_space<vmem>>[vector<16xi32>], vector<16xf32>,
      %parallel_loop3A_526 = arith.constant 48 : i32
      %parallel_loop3A_527 = arith.index_cast %parallel_loop3A_526 : i32 to index
      %parallel_loop3A_528 = arith.index_cast %parallel_loop3A_113 : i32 to index
      %parallel_loop3A_529 = tpu.vector_load %arg7[%parallel_loop3A_527, %parallel_loop3A_528] {strides = array<i32>} : memref<64x512xf32, #tpu.memory_space<vmem>>, vector<16xf32>,
      tpu.vector_store %arg7[%parallel_loop3A_527, %parallel_loop3A_528], %parallel_loop3A_477 {strides = array<i32>} : memref<64x512xf32, #tpu.memory_space<vmem>>, vector<16xf32>,
      %parallel_loop3A_530 = arith.constant 55 : i32
      %parallel_loop3A_531 = vector.broadcast %parallel_loop3A_530 : i32 to vector<16xi32>
      %parallel_loop3A_532 = arith.addi %parallel_loop3A_111, %parallel_loop3A_531 : vector<16xi32>
      %parallel_loop3A_533 = tpu.vector_load_idx %arg5[%parallel_loop3A_532] : memref<11280xf32, #tpu.memory_space<vmem>>[vector<16xi32>], vector<16xf32>,
      %parallel_loop3A_534 = arith.constant 49 : i32
      %parallel_loop3A_535 = arith.index_cast %parallel_loop3A_534 : i32 to index
      %parallel_loop3A_536 = arith.index_cast %parallel_loop3A_113 : i32 to index
      %parallel_loop3A_537 = tpu.vector_load %arg7[%parallel_loop3A_535, %parallel_loop3A_536] {strides = array<i32>} : memref<64x512xf32, #tpu.memory_space<vmem>>, vector<16xf32>,
      tpu.vector_store %arg7[%parallel_loop3A_535, %parallel_loop3A_536], %parallel_loop3A_485 {strides = array<i32>} : memref<64x512xf32, #tpu.memory_space<vmem>>, vector<16xf32>,
      %parallel_loop3A_538 = arith.constant 56 : i32
      %parallel_loop3A_539 = vector.broadcast %parallel_loop3A_538 : i32 to vector<16xi32>
      %parallel_loop3A_540 = arith.addi %parallel_loop3A_111, %parallel_loop3A_539 : vector<16xi32>
      %parallel_loop3A_541 = tpu.vector_load_idx %arg5[%parallel_loop3A_540] : memref<11280xf32, #tpu.memory_space<vmem>>[vector<16xi32>], vector<16xf32>,
      %parallel_loop3A_542 = arith.constant 50 : i32
      %parallel_loop3A_543 = arith.index_cast %parallel_loop3A_542 : i32 to index
      %parallel_loop3A_544 = arith.index_cast %parallel_loop3A_113 : i32 to index
      %parallel_loop3A_545 = tpu.vector_load %arg7[%parallel_loop3A_543, %parallel_loop3A_544] {strides = array<i32>} : memref<64x512xf32, #tpu.memory_space<vmem>>, vector<16xf32>,
      tpu.vector_store %arg7[%parallel_loop3A_543, %parallel_loop3A_544], %parallel_loop3A_493 {strides = array<i32>} : memref<64x512xf32, #tpu.memory_space<vmem>>, vector<16xf32>,
      %parallel_loop3A_546 = arith.constant 57 : i32
      %parallel_loop3A_547 = vector.broadcast %parallel_loop3A_546 : i32 to vector<16xi32>
      %parallel_loop3A_548 = arith.addi %parallel_loop3A_111, %parallel_loop3A_547 : vector<16xi32>
      %parallel_loop3A_549 = tpu.vector_load_idx %arg5[%parallel_loop3A_548] : memref<11280xf32, #tpu.memory_space<vmem>>[vector<16xi32>], vector<16xf32>,
      %parallel_loop3A_550 = arith.constant 51 : i32
      %parallel_loop3A_551 = arith.index_cast %parallel_loop3A_550 : i32 to index
      %parallel_loop3A_552 = arith.index_cast %parallel_loop3A_113 : i32 to index
      %parallel_loop3A_553 = tpu.vector_load %arg7[%parallel_loop3A_551, %parallel_loop3A_552] {strides = array<i32>} : memref<64x512xf32, #tpu.memory_space<vmem>>, vector<16xf32>,
      tpu.vector_store %arg7[%parallel_loop3A_551, %parallel_loop3A_552], %parallel_loop3A_501 {strides = array<i32>} : memref<64x512xf32, #tpu.memory_space<vmem>>, vector<16xf32>,
      %parallel_loop3A_554 = arith.constant 58 : i32
      %parallel_loop3A_555 = vector.broadcast %parallel_loop3A_554 : i32 to vector<16xi32>
      %parallel_loop3A_556 = arith.addi %parallel_loop3A_111, %parallel_loop3A_555 : vector<16xi32>
      %parallel_loop3A_557 = tpu.vector_load_idx %arg5[%parallel_loop3A_556] : memref<11280xf32, #tpu.memory_space<vmem>>[vector<16xi32>], vector<16xf32>,
      %parallel_loop3A_558 = arith.constant 52 : i32
      %parallel_loop3A_559 = arith.index_cast %parallel_loop3A_558 : i32 to index
      %parallel_loop3A_560 = arith.index_cast %parallel_loop3A_113 : i32 to index
      %parallel_loop3A_561 = tpu.vector_load %arg7[%parallel_loop3A_559, %parallel_loop3A_560] {strides = array<i32>} : memref<64x512xf32, #tpu.memory_space<vmem>>, vector<16xf32>,
      tpu.vector_store %arg7[%parallel_loop3A_559, %parallel_loop3A_560], %parallel_loop3A_509 {strides = array<i32>} : memref<64x512xf32, #tpu.memory_space<vmem>>, vector<16xf32>,
      %parallel_loop3A_562 = arith.constant 59 : i32
      %parallel_loop3A_563 = vector.broadcast %parallel_loop3A_562 : i32 to vector<16xi32>
      %parallel_loop3A_564 = arith.addi %parallel_loop3A_111, %parallel_loop3A_563 : vector<16xi32>
      %parallel_loop3A_565 = tpu.vector_load_idx %arg5[%parallel_loop3A_564] : memref<11280xf32, #tpu.memory_space<vmem>>[vector<16xi32>], vector<16xf32>,
      %parallel_loop3A_566 = arith.constant 53 : i32
      %parallel_loop3A_567 = arith.index_cast %parallel_loop3A_566 : i32 to index
      %parallel_loop3A_568 = arith.index_cast %parallel_loop3A_113 : i32 to index
      %parallel_loop3A_569 = tpu.vector_load %arg7[%parallel_loop3A_567, %parallel_loop3A_568] {strides = array<i32>} : memref<64x512xf32, #tpu.memory_space<vmem>>, vector<16xf32>,
      tpu.vector_store %arg7[%parallel_loop3A_567, %parallel_loop3A_568], %parallel_loop3A_517 {strides = array<i32>} : memref<64x512xf32, #tpu.memory_space<vmem>>, vector<16xf32>,
      %parallel_loop3A_570 = arith.constant 60 : i32
      %parallel_loop3A_571 = vector.broadcast %parallel_loop3A_570 : i32 to vector<16xi32>
      %parallel_loop3A_572 = arith.addi %parallel_loop3A_111, %parallel_loop3A_571 : vector<16xi32>
      %parallel_loop3A_573 = tpu.vector_load_idx %arg5[%parallel_loop3A_572] : memref<11280xf32, #tpu.memory_space<vmem>>[vector<16xi32>], vector<16xf32>,
      %parallel_loop3A_574 = arith.constant 54 : i32
      %parallel_loop3A_575 = arith.index_cast %parallel_loop3A_574 : i32 to index
      %parallel_loop3A_576 = arith.index_cast %parallel_loop3A_113 : i32 to index
      %parallel_loop3A_577 = tpu.vector_load %arg7[%parallel_loop3A_575, %parallel_loop3A_576] {strides = array<i32>} : memref<64x512xf32, #tpu.memory_space<vmem>>, vector<16xf32>,
      tpu.vector_store %arg7[%parallel_loop3A_575, %parallel_loop3A_576], %parallel_loop3A_525 {strides = array<i32>} : memref<64x512xf32, #tpu.memory_space<vmem>>, vector<16xf32>,
      %parallel_loop3A_578 = arith.constant 61 : i32
      %parallel_loop3A_579 = vector.broadcast %parallel_loop3A_578 : i32 to vector<16xi32>
      %parallel_loop3A_580 = arith.addi %parallel_loop3A_111, %parallel_loop3A_579 : vector<16xi32>
      %parallel_loop3A_581 = tpu.vector_load_idx %arg5[%parallel_loop3A_580] : memref<11280xf32, #tpu.memory_space<vmem>>[vector<16xi32>], vector<16xf32>,
      %parallel_loop3A_582 = arith.constant 55 : i32
      %parallel_loop3A_583 = arith.index_cast %parallel_loop3A_582 : i32 to index
      %parallel_loop3A_584 = arith.index_cast %parallel_loop3A_113 : i32 to index
      %parallel_loop3A_585 = tpu.vector_load %arg7[%parallel_loop3A_583, %parallel_loop3A_584] {strides = array<i32>} : memref<64x512xf32, #tpu.memory_space<vmem>>, vector<16xf32>,
      tpu.vector_store %arg7[%parallel_loop3A_583, %parallel_loop3A_584], %parallel_loop3A_533 {strides = array<i32>} : memref<64x512xf32, #tpu.memory_space<vmem>>, vector<16xf32>,
      %parallel_loop3A_586 = arith.constant 62 : i32
      %parallel_loop3A_587 = vector.broadcast %parallel_loop3A_586 : i32 to vector<16xi32>
      %parallel_loop3A_588 = arith.addi %parallel_loop3A_111, %parallel_loop3A_587 : vector<16xi32>
      %parallel_loop3A_589 = tpu.vector_load_idx %arg5[%parallel_loop3A_588] : memref<11280xf32, #tpu.memory_space<vmem>>[vector<16xi32>], vector<16xf32>,
      %parallel_loop3A_590 = arith.constant 56 : i32
      %parallel_loop3A_591 = arith.index_cast %parallel_loop3A_590 : i32 to index
      %parallel_loop3A_592 = arith.index_cast %parallel_loop3A_113 : i32 to index
      %parallel_loop3A_593 = tpu.vector_load %arg7[%parallel_loop3A_591, %parallel_loop3A_592] {strides = array<i32>} : memref<64x512xf32, #tpu.memory_space<vmem>>, vector<16xf32>,
      tpu.vector_store %arg7[%parallel_loop3A_591, %parallel_loop3A_592], %parallel_loop3A_541 {strides = array<i32>} : memref<64x512xf32, #tpu.memory_space<vmem>>, vector<16xf32>,
      %parallel_loop3A_594 = arith.constant 63 : i32
      %parallel_loop3A_595 = vector.broadcast %parallel_loop3A_594 : i32 to vector<16xi32>
      %parallel_loop3A_596 = arith.addi %parallel_loop3A_111, %parallel_loop3A_595 : vector<16xi32>
      %parallel_loop3A_597 = tpu.vector_load_idx %arg5[%parallel_loop3A_596] : memref<11280xf32, #tpu.memory_space<vmem>>[vector<16xi32>], vector<16xf32>,
      %parallel_loop3A_598 = arith.constant 57 : i32
      %parallel_loop3A_599 = arith.index_cast %parallel_loop3A_598 : i32 to index
      %parallel_loop3A_600 = arith.index_cast %parallel_loop3A_113 : i32 to index
      %parallel_loop3A_601 = tpu.vector_load %arg7[%parallel_loop3A_599, %parallel_loop3A_600] {strides = array<i32>} : memref<64x512xf32, #tpu.memory_space<vmem>>, vector<16xf32>,
      tpu.vector_store %arg7[%parallel_loop3A_599, %parallel_loop3A_600], %parallel_loop3A_549 {strides = array<i32>} : memref<64x512xf32, #tpu.memory_space<vmem>>, vector<16xf32>,
      %parallel_loop3A_602 = arith.constant 58 : i32
      %parallel_loop3A_603 = arith.index_cast %parallel_loop3A_602 : i32 to index
      %parallel_loop3A_604 = arith.index_cast %parallel_loop3A_113 : i32 to index
      %parallel_loop3A_605 = tpu.vector_load %arg7[%parallel_loop3A_603, %parallel_loop3A_604] {strides = array<i32>} : memref<64x512xf32, #tpu.memory_space<vmem>>, vector<16xf32>,
      tpu.vector_store %arg7[%parallel_loop3A_603, %parallel_loop3A_604], %parallel_loop3A_557 {strides = array<i32>} : memref<64x512xf32, #tpu.memory_space<vmem>>, vector<16xf32>,
      %parallel_loop3A_606 = arith.constant 59 : i32
      %parallel_loop3A_607 = arith.index_cast %parallel_loop3A_606 : i32 to index
      %parallel_loop3A_608 = arith.index_cast %parallel_loop3A_113 : i32 to index
      %parallel_loop3A_609 = tpu.vector_load %arg7[%parallel_loop3A_607, %parallel_loop3A_608] {strides = array<i32>} : memref<64x512xf32, #tpu.memory_space<vmem>>, vector<16xf32>,
      tpu.vector_store %arg7[%parallel_loop3A_607, %parallel_loop3A_608], %parallel_loop3A_565 {strides = array<i32>} : memref<64x512xf32, #tpu.memory_space<vmem>>, vector<16xf32>,
      %parallel_loop3A_610 = arith.constant 60 : i32
      %parallel_loop3A_611 = arith.index_cast %parallel_loop3A_610 : i32 to index
      %parallel_loop3A_612 = arith.index_cast %parallel_loop3A_113 : i32 to index
      %parallel_loop3A_613 = tpu.vector_load %arg7[%parallel_loop3A_611, %parallel_loop3A_612] {strides = array<i32>} : memref<64x512xf32, #tpu.memory_space<vmem>>, vector<16xf32>,
      tpu.vector_store %arg7[%parallel_loop3A_611, %parallel_loop3A_612], %parallel_loop3A_573 {strides = array<i32>} : memref<64x512xf32, #tpu.memory_space<vmem>>, vector<16xf32>,
      %parallel_loop3A_614 = arith.constant 61 : i32
      %parallel_loop3A_615 = arith.index_cast %parallel_loop3A_614 : i32 to index
      %parallel_loop3A_616 = arith.index_cast %parallel_loop3A_113 : i32 to index
      %parallel_loop3A_617 = tpu.vector_load %arg7[%parallel_loop3A_615, %parallel_loop3A_616] {strides = array<i32>} : memref<64x512xf32, #tpu.memory_space<vmem>>, vector<16xf32>,
      tpu.vector_store %arg7[%parallel_loop3A_615, %parallel_loop3A_616], %parallel_loop3A_581 {strides = array<i32>} : memref<64x512xf32, #tpu.memory_space<vmem>>, vector<16xf32>,
      %parallel_loop3A_618 = arith.constant 62 : i32
      %parallel_loop3A_619 = arith.index_cast %parallel_loop3A_618 : i32 to index
      %parallel_loop3A_620 = arith.index_cast %parallel_loop3A_113 : i32 to index
      %parallel_loop3A_621 = tpu.vector_load %arg7[%parallel_loop3A_619, %parallel_loop3A_620] {strides = array<i32>} : memref<64x512xf32, #tpu.memory_space<vmem>>, vector<16xf32>,
      tpu.vector_store %arg7[%parallel_loop3A_619, %parallel_loop3A_620], %parallel_loop3A_589 {strides = array<i32>} : memref<64x512xf32, #tpu.memory_space<vmem>>, vector<16xf32>,
      %parallel_loop3A_622 = arith.constant 63 : i32
      %parallel_loop3A_623 = arith.index_cast %parallel_loop3A_622 : i32 to index
      %parallel_loop3A_624 = arith.index_cast %parallel_loop3A_113 : i32 to index
      %parallel_loop3A_625 = tpu.vector_load %arg7[%parallel_loop3A_623, %parallel_loop3A_624] {strides = array<i32>} : memref<64x512xf32, #tpu.memory_space<vmem>>, vector<16xf32>,
      tpu.vector_store %arg7[%parallel_loop3A_623, %parallel_loop3A_624], %parallel_loop3A_597 {strides = array<i32>} : memref<64x512xf32, #tpu.memory_space<vmem>>, vector<16xf32>,
    } {sc.loop_unroll_factor = 1 : i64, sc.parallel_access}
    %add3A_52 = arith.constant 384 : i32
    %add3A_53 = arith.addi %mul3A_2, %add3A_52 : i32
    %dma_start3A_54 = arith.constant 0 : i32
    %dma_start3A_55 = arith.constant 384 : i32
    %dma_start3A_56 = tpu.memref_slice %arg7[%dma_start3A_54, %dma_start3A_55] : memref<64x512xf32, #tpu.memory_space<vmem>> -> memref<64x128xf32, #tpu.memory_space<vmem>>
    %dma_start3A_57 = arith.constant 0 : i32
    %dma_start3A_58 = tpu.memref_slice %arg4[%dma_start3A_57, %add3A_53] : memref<64x16384xf32, #tpu.memory_space<hbm>> -> memref<64x128xf32, #tpu.memory_space<hbm>>
    %dma_start3A_59 = arith.constant 0 : i32
    %dma_start3A_60 = tpu.memref_slice %arg4[%dma_start3A_59, %add3A_53] : memref<64x16384xf32, #tpu.memory_space<hbm>> -> memref<64x128xf32, #tpu.memory_space<hbm>>
    %dma_start3A_61 = arith.constant 0 : i32
    %dma_start3A_62 = arith.constant 384 : i32
    %dma_start3A_63 = tpu.memref_slice %arg7[%dma_start3A_61, %dma_start3A_62] : memref<64x512xf32, #tpu.memory_space<vmem>> -> memref<64x128xf32, #tpu.memory_space<vmem>>
    tpu.enqueue_dma source(%dma_start3A_63 : memref<64x128xf32, #tpu.memory_space<vmem>>) target(%dma_start3A_60 : memref<64x128xf32, #tpu.memory_space<hbm>>) target_semaphore(%arg8 : memref<!tpu.dma_semaphore, #tpu.memory_space<semaphore_mem>>)
    %dma_wait3A = arith.constant 0 : i32
    %dma_wait3A_64 = arith.constant 0 : i32
    %dma_wait3A_65 = tpu.memref_slice %arg7[%dma_wait3A, %dma_wait3A_64] : memref<64x512xf32, #tpu.memory_space<vmem>> -> memref<64x128xf32, #tpu.memory_space<vmem>>
    %dma_wait3A_66 = arith.constant 0 : i32
    %dma_wait3A_67 = tpu.memref_slice %arg4[%dma_wait3A_66, %add3A_9] : memref<64x16384xf32, #tpu.memory_space<hbm>> -> memref<64x128xf32, #tpu.memory_space<hbm>>
    %dma_wait3A_68 = arith.constant 0 : i32
    %dma_wait3A_69 = tpu.memref_slice %arg4[%dma_wait3A_68, %add3A_9] : memref<64x16384xf32, #tpu.memory_space<hbm>> -> memref<64x128xf32, #tpu.memory_space<hbm>>
    %dma_wait3A_70 = arith.constant 0 : i32
    %dma_wait3A_71 = arith.constant 0 : i32
    %dma_wait3A_72 = tpu.memref_slice %arg7[%dma_wait3A_70, %dma_wait3A_71] : memref<64x512xf32, #tpu.memory_space<vmem>> -> memref<64x128xf32, #tpu.memory_space<vmem>>
    tpu.wait_dma2 semaphore(%arg8 : memref<!tpu.dma_semaphore, #tpu.memory_space<semaphore_mem>>) src(%dma_wait3A_72 : memref<64x128xf32, #tpu.memory_space<vmem>>) dst(%dma_wait3A_69 : memref<64x128xf32, #tpu.memory_space<hbm>>)
    %dma_wait3A_73 = arith.constant 0 : i32
    %dma_wait3A_74 = arith.constant 128 : i32
    %dma_wait3A_75 = tpu.memref_slice %arg7[%dma_wait3A_73, %dma_wait3A_74] : memref<64x512xf32, #tpu.memory_space<vmem>> -> memref<64x128xf32, #tpu.memory_space<vmem>>
    %dma_wait3A_76 = arith.constant 0 : i32
    %dma_wait3A_77 = tpu.memref_slice %arg4[%dma_wait3A_76, %add3A_23] : memref<64x16384xf32, #tpu.memory_space<hbm>> -> memref<64x128xf32, #tpu.memory_space<hbm>>
    %dma_wait3A_78 = arith.constant 0 : i32
    %dma_wait3A_79 = tpu.memref_slice %arg4[%dma_wait3A_78, %add3A_23] : memref<64x16384xf32, #tpu.memory_space<hbm>> -> memref<64x128xf32, #tpu.memory_space<hbm>>
    %dma_wait3A_80 = arith.constant 0 : i32
    %dma_wait3A_81 = arith.constant 128 : i32
    %dma_wait3A_82 = tpu.memref_slice %arg7[%dma_wait3A_80, %dma_wait3A_81] : memref<64x512xf32, #tpu.memory_space<vmem>> -> memref<64x128xf32, #tpu.memory_space<vmem>>
    tpu.wait_dma2 semaphore(%arg8 : memref<!tpu.dma_semaphore, #tpu.memory_space<semaphore_mem>>) src(%dma_wait3A_82 : memref<64x128xf32, #tpu.memory_space<vmem>>) dst(%dma_wait3A_79 : memref<64x128xf32, #tpu.memory_space<hbm>>)
    %dma_wait3A_83 = arith.constant 0 : i32
    %dma_wait3A_84 = arith.constant 256 : i32
    %dma_wait3A_85 = tpu.memref_slice %arg7[%dma_wait3A_83, %dma_wait3A_84] : memref<64x512xf32, #tpu.memory_space<vmem>> -> memref<64x128xf32, #tpu.memory_space<vmem>>
    %dma_wait3A_86 = arith.constant 0 : i32
    %dma_wait3A_87 = tpu.memref_slice %arg4[%dma_wait3A_86, %add3A_38] : memref<64x16384xf32, #tpu.memory_space<hbm>> -> memref<64x128xf32, #tpu.memory_space<hbm>>
    %dma_wait3A_88 = arith.constant 0 : i32
    %dma_wait3A_89 = tpu.memref_slice %arg4[%dma_wait3A_88, %add3A_38] : memref<64x16384xf32, #tpu.memory_space<hbm>> -> memref<64x128xf32, #tpu.memory_space<hbm>>
    %dma_wait3A_90 = arith.constant 0 : i32
    %dma_wait3A_91 = arith.constant 256 : i32
    %dma_wait3A_92 = tpu.memref_slice %arg7[%dma_wait3A_90, %dma_wait3A_91] : memref<64x512xf32, #tpu.memory_space<vmem>> -> memref<64x128xf32, #tpu.memory_space<vmem>>
    tpu.wait_dma2 semaphore(%arg8 : memref<!tpu.dma_semaphore, #tpu.memory_space<semaphore_mem>>) src(%dma_wait3A_92 : memref<64x128xf32, #tpu.memory_space<vmem>>) dst(%dma_wait3A_89 : memref<64x128xf32, #tpu.memory_space<hbm>>)
    %dma_wait3A_93 = arith.constant 0 : i32
    %dma_wait3A_94 = arith.constant 384 : i32
    %dma_wait3A_95 = tpu.memref_slice %arg7[%dma_wait3A_93, %dma_wait3A_94] : memref<64x512xf32, #tpu.memory_space<vmem>> -> memref<64x128xf32, #tpu.memory_space<vmem>>
    %dma_wait3A_96 = arith.constant 0 : i32
    %dma_wait3A_97 = tpu.memref_slice %arg4[%dma_wait3A_96, %add3A_53] : memref<64x16384xf32, #tpu.memory_space<hbm>> -> memref<64x128xf32, #tpu.memory_space<hbm>>
    %dma_wait3A_98 = arith.constant 0 : i32
    %dma_wait3A_99 = tpu.memref_slice %arg4[%dma_wait3A_98, %add3A_53] : memref<64x16384xf32, #tpu.memory_space<hbm>> -> memref<64x128xf32, #tpu.memory_space<hbm>>
    %dma_wait3A_100 = arith.constant 0 : i32
    %dma_wait3A_101 = arith.constant 384 : i32
    %dma_wait3A_102 = tpu.memref_slice %arg7[%dma_wait3A_100, %dma_wait3A_101] : memref<64x512xf32, #tpu.memory_space<vmem>> -> memref<64x128xf32, #tpu.memory_space<vmem>>
    tpu.wait_dma2 semaphore(%arg8 : memref<!tpu.dma_semaphore, #tpu.memory_space<semaphore_mem>>) src(%dma_wait3A_102 : memref<64x128xf32, #tpu.memory_space<vmem>>) dst(%dma_wait3A_99 : memref<64x128xf32, #tpu.memory_space<hbm>>)
    return
  }
}

</mosaic_0001>

<sc_bundles>
// kernel: kernel.3.cloned.1.call-start
scs
__scs_entry_jumppad:
0x0: {  	(pc) =	sbr.rel $0x88, $3  }
0x1: {  	(tag) =	ssettag $0x0;
	lr =	simm.s32 $0x1  }
0x2: {  	[smem:$0x3F9F] =	sst lr;
	_ =	strace $0xD0000000  }
0x3: {  	_ = 	snop  }
0x4: {  	_ = 	snop  }
0x5: {  	_ = 	snop  }
0x6: {  	_ = 	snop  }
0x7: {  	_ = 	snop  }
__scs_overlays_trampoline_lowered:
0x8: {  	[smem:$0x3FAE] =	sst s0  }
0x9: {  	[smem:$0x3FAF] =	sst s1  }
0xa: {  	[smem:$0x3FB0] =	sst s2  }
0xb: {  	[smem:$0x3FB1] =	sst s3  }
0xc: {  	[smem:$0x3FB2] =	sst s4  }
0xd: {  	[smem:$0x3FB3] =	sst s5  }
0xe: {  	[smem:$0x3FB4] =	sst s6  }
0xf: {  	[smem:$0x3FB5] =	sst s7  }
0x10: {  	[smem:$0x3FB6] =	sst s8  }
0x11: {  	[smem:$0x3FB7] =	sst s9;
	s0 =	simm.s32 @!p0 $0x0  }
0x12: {  	s1 =	sld [smem:$0x3F9D];
	s0 =	simm.s32 @p0 $0x1  }
0x13: {  	[smem:$0x3FB8] =	sst s0;
	s0 =	simm.s32 @!p1 $0x0  }
0x14: {  	s2 =	sld [smem:$0x3F9C];
	s0 =	simm.s32 @p1 $0x1  }
0x15: {  	[smem:$0x3FB9] =	sst s0;
	s0 =	simm.s32 @!p2 $0x0  }
0x16: {  	s3 =	sld [smem:$0x3FDB];
	s0 =	simm.s32 @p2 $0x1  }
0x17: {  	s4 =	simm.s32 $0x1BF5;
	[smem:$0x3FBB] =	sst s0  }
0x18: {  	s0 =	sld [smem:$0x3F9E];
	_ =	swait.ge [sflag:s4], $0x0  }
0x19: {  	s7 =	sld [smem:$0x3F9F]  }
0x1a: {  	s8 =	sadd.s32 $0xFFFFE003, lr  }
0x1b: {  	s9 =	sadd.s32 $0xFFFFFEF7, lr;
	s5 =	simm.s32 $0xFFFFFFFF;
	p2 =	slt.u32 s8, $0xFFFFF086  }
0x1c: {  	p1 =	slt.u32 s9, $0xF7A;
	s5 =	simm.s32 @!p2 $0x0  }
0x1d: {  	s5 =	simm.s32 @p1 $0x1;
	p0 =	seq.s32 s7, s2  }
0x1e: {  	s7 =	smul.u32 @!p0 $0xF7A, s2;
	p2 =	seq.s32 @!p0 s5, $0x0  }
0x1f: {  	s9 =	smul.u32 $0xF7A, s1;
	s8 =	simm.s32 @!p0 $0x1BF5;
	p2 =	por !p2, p0  }
0x20: {  	[sflag:s8] =	ssyncset.s32 @!p0 $0xFFFFF086;
	s6 =	sadd.s32 @!p0 s3, s7;
	s7 =	simm.s32 @!p0 $0x108  }
0x21: {  	s3 =	sadd.s32 s3, s9;
	s6 =	sadd.s32 @!p0 $0x88, s6;
	s7 =	simm.s32 @p2 $0x1082  }
0x22: {  	[simem:s7], [sflag:s8] =	dma.local @!p0 [hbm:s6], $0xF7A  }
0x23: {  	s9 =	sor.u32 $0xD0000000, s2;
	s6 =	simm.s32 $0x108;
	_ =	swait.ge @!p0 [sflag:s8], $0x0  }
0x24: {  	s3 =	sadd.s32 $0x88, s3;
	s6 =	simm.s32 @!p1 $0x1082;
	[sflag:s4] =	ssyncset.s32 $0xFFFFF086  }
0x25: {  	[simem:s6], [sflag:s4] =	dma.local [hbm:s3], $0xF7A  }
0x26: {  	[smem:$0x3F9F] =	sst s1;
	(tag) =	ssettag s2;
	_ =	strace s9  }
0x27: {  	s1 =	sld [smem:$0x3FAF]  }
0x28: {  	s2 =	sld [smem:$0x3FB0]  }
0x29: {  	s4 =	sld [smem:$0x3FB2]  }
0x2a: {  	p0 =	seq.s32 s5, $0x0;
	s5 =	sld [smem:$0x3FB3]  }
0x2b: {  	s6 =	sld [smem:$0x3FB4]  }
0x2c: {  	s7 =	sld [smem:$0x3FB5]  }
0x2d: {  	s3 =	simm.s32 $0x108;
	s8 =	sld [smem:$0x3FB6]  }
0x2e: {  	s3 =	simm.s32 @!p0 $0x1082;
	s9 =	sld [smem:$0x3FB7]  }
0x2f: {  	lr =	sadd.s32 s0, s3;
	s0 =	sld [smem:$0x3FAE]  }
0x30: {  	s3 =	sld [smem:$0x3FB1]  }
0x31: {  	[smem:$0x3FBA] =	sst s10  }
0x32: {  	s10 =	sld [smem:$0x3FB8];
	_ =	sdelay $0x3  }
0x33: {  	p0 =	seq.s32 s10, $0x1;
	s10 =	sld [smem:$0x3FBA];
	_ =	sdelay $0x3  }
0x34: {  	[smem:$0x3FBA] =	sst s10  }
0x35: {  	s10 =	sld [smem:$0x3FB9];
	_ =	sdelay $0x3  }
0x36: {  	p1 =	seq.s32 s10, $0x1;
	s10 =	sld [smem:$0x3FBA];
	_ =	sdelay $0x3  }
0x37: {  	[smem:$0x3FBA] =	sst s10  }
0x38: {  	s10 =	sld [smem:$0x3FBB]  }
0x39: {  	_ = 	snop;
	(pc) =	sbr.ind lr, $3  }
0x3a: {  	_ = 	snop  }
0x3b: {  	_ = 	snop  }
0x3c: {  	p2 =	seq.s32 s10, $0x1;
	s10 =	sld [smem:$0x3FBA]  }
0x3d: {  	_ =	shalt  }
0x3e: {  	_ =	shalt  }
0x3f: {  	_ =	shalt  }
0x40: {  	_ =	shalt  }
0x41: {  	_ =	shalt  }
0x42: {  	_ =	shalt  }
0x43: {  	_ =	shalt  }
0x44: {  	_ =	shalt  }
0x45: {  	_ =	shalt  }
0x46: {  	_ =	shalt  }
0x47: {  	_ =	shalt  }
0x48: {  	_ =	shalt  }
0x49: {  	_ =	shalt  }
0x4a: {  	_ =	shalt  }
0x4b: {  	_ =	shalt  }
0x4c: {  	_ =	shalt  }
0x4d: {  	_ =	shalt  }
0x4e: {  	_ =	shalt  }
0x4f: {  	_ =	shalt  }
0x50: {  	_ =	shalt  }
0x51: {  	_ =	shalt  }
0x52: {  	_ =	shalt  }
0x53: {  	_ =	shalt  }
0x54: {  	_ =	shalt  }
0x55: {  	_ =	shalt  }
0x56: {  	_ =	shalt  }
0x57: {  	_ =	shalt  }
0x58: {  	_ =	shalt  }
0x59: {  	_ =	shalt  }
0x5a: {  	_ =	shalt  }
0x5b: {  	_ =	shalt  }
0x5c: {  	_ =	shalt  }
0x5d: {  	_ =	shalt  }
0x5e: {  	_ =	shalt  }
0x5f: {  	_ =	shalt  }
0x60: {  	_ =	shalt  }
0x61: {  	_ =	shalt  }
0x62: {  	_ =	shalt  }
0x63: {  	_ =	shalt  }
0x64: {  	_ =	shalt  }
0x65: {  	_ =	shalt  }
0x66: {  	_ =	shalt  }
0x67: {  	_ =	shalt  }
0x68: {  	_ =	shalt  }
0x69: {  	_ =	shalt  }
0x6a: {  	_ =	shalt  }
0x6b: {  	_ =	shalt  }
0x6c: {  	_ =	shalt  }
0x6d: {  	_ =	shalt  }
0x6e: {  	_ =	shalt  }
0x6f: {  	_ =	shalt  }
0x70: {  	_ =	shalt  }
0x71: {  	_ =	shalt  }
0x72: {  	_ =	shalt  }
0x73: {  	_ =	shalt  }
0x74: {  	_ =	shalt  }
0x75: {  	_ =	shalt  }
0x76: {  	_ =	shalt  }
0x77: {  	_ =	shalt  }
0x78: {  	_ =	shalt  }
0x79: {  	_ =	shalt  }
0x7a: {  	_ =	shalt  }
0x7b: {  	_ =	shalt  }
0x7c: {  	_ =	shalt  }
0x7d: {  	_ =	shalt  }
0x7e: {  	_ =	shalt  }
0x7f: {  	_ =	shalt  }
0x80: {  	_ =	shalt  }
0x81: {  	_ =	shalt  }
0x82: {  	_ =	shalt  }
0x83: {  	_ =	shalt  }
0x84: {  	_ =	shalt  }
0x85: {  	_ =	shalt  }
0x86: {  	_ =	shalt  }
0x87: {  	_ =	shalt  }
.Lfunc_end0:
.L_simem_size_0:
called_computation_lowered:
.L_overlay_start_0:
0x88: {  	s2 =	sld [smem:$0x3FD9]  }
0x89: {  	s3 =	sld [smem:$0x3FFE];
	_ =	sdelay $0x1  }
0x8a: {  	s1 =	srdreg.scid  }
0x8b: {  	s0 =	sand.u32 $0x1, s1  }
0x8c: {  	s17 =	sshll.u32 s0, $0xA;
	s2 =	sadd.s32 s3, s2  }
0x8d: {  	s2 =	sadd.s32 s2, s17  }
0x8e: {  	[smem:$0x3FC6] =	sst s2  }
0x8f: {  	_ = 	snop  }
0x90: {  	s2 =	sld [smem:$0x3FC9]  }
0x91: {  	s18 =	sld [smem:$0x3FD0];
	(tm) =	ssettm $0x1  }
0x92: {  	s4 =	sld [smem:$0x3FFB];
	_ =	sdelay $0x3  }
0x93: {  	_ =	strace s4  }
0x94: {  	s4 =	sld [smem:$0x3FFC];
	_ =	sdelay $0x3  }
0x95: {  	_ =	strace s4  }
0x96: {  	s4 =	sld [smem:$0x3FFD];
	_ =	sdelay $0x3  }
0x97: {  	_ =	strace s4  }
0x98: {  	_ =	strace $0x8FFFFFFF  }
0x99: {  	s19 =	sld [smem:$0x3FDB];
	_ =	sdelay $0x1  }
0x9a: {  	s5 =	simm.s32 $_scs_section_size  }
0x9b: {  	s6 =	simm.s32 $_size__tile_overlayer_lowered;
	s7 =	simm.s32 $_tile_overlayer_lowered  }
0x9c: {  	s22 =	simm.s32 $0x1BFF;
	s21 =	sshll.u32 s7, $0x1;
	s4 =	sadd.s32 s5, s19  }
0x9d: {  	s8 =	simm.s32 $0x0;
	s20 =	sshll.u32 s6, $0x1;
	s6 =	sadd.s32 s21, s4  }
0x9e: {  	[timem:s8], [sflag:s22] =	dma.local [hbm:s6], s20  }
0x9f: {  	_ =	swait.ge [sflag:s22], s20  }
0xa0: {  	s5 =	ssub.s32 $0x0, s20;
	[sflag:s22] =	ssyncset.done $0x0  }
0xa1: {  	[sflag:s22] =	ssyncadd.s32 s5;
	_ =	sdelay $0x1  }
0xa2: {  	s23 =	simm.s32 $0x1B8B  }
0xa3: {  	_ =	swait.ge [sflag:s23], $0x1  }
0xa4: {  	[sflag:s23] =	ssyncset.done $0x0  }
0xa5: {  	s25 =	simm.s32 $0x1B8E;
	s24 =	sld [smem:$0x3FFE];
	[sflag:s23] =	ssyncadd.s32 $0xFFFFFFFF  }
0xa6: {  	s26 =	simm.s32 $execute0_lowered;
	[smem:$0x3FD2] =	sst s25  }
0xa7: {  	s6 =	sshll.u32 s26, $0x1;
	_ =	strace $0x80000046;
	[dreg:$0x1] =	wrdreg $0xFFFFFFFF  }
0xa8: {  	s28 =	simm.s32 $_size_execute0_lowered;
	s4 =	sadd.s32 s4, s6;
	[dreg:$0x0] =	wrdreg $0x0  }
0xa9: {  	s6 =	sshll.u32 s28, $0x1;
	[dreg:$0x2] =	wrdreg s4  }
0xaa: {  	[dreg:$0x3] =	wrdreg s6  }
0xab: {  	[dreg:$0x4] =	wrdreg $0xC0  }
0xac: {  	_ =	task [dreg:s8], $0x5FFFF  }
0xad: {  	[dreg:$0x1] =	wrdreg $0xFFFFFFFF  }
0xae: {  	[dreg:$0x0] =	wrdreg $0x60  }
0xaf: {  	[dreg:$0x2] =	wrdreg s24  }
0xb0: {  	[dreg:$0x3] =	wrdreg s2  }
0xb1: {  	[dreg:$0x4] =	wrdreg s18  }
0xb2: {  	[dreg:$0x5] =	wrdreg $0x9  }
0xb3: {  	_ =	task.clear_ibuf [dreg:s8], $0x6FFFF;
	_ =	strace $0x90000046  }
0xb4: {  	s29 =	simm.s32 $0x9;
	_ =	strace $0x80000048  }
0xb5: {  	_ =	swait.ge [sflag:s29], $0x1  }
0xb6: {  	[sflag:s29] =	ssyncadd.s32 $0xFFFFFFFF  }
0xb7: {  	_ =	strace $0x90000048  }
0xb8: {  	_ =	sfence  }
0xb9: {  	s30 =	sld [smem:$0x0];
	_ =	sdelay $0x2  }
0xba: {  	s31 =	sshll.u32 s1, $0xD;
	s1 =	sshrl.u32 s1, $0x2  }
0xbb: {  	s3 =	sand.u32 $0x4000, s31;
	s1 =	sadd.s32 s1, s30  }
0xbc: {  	s0 =	sor.u32 s3, s0;
	s1 =	sshll.u32 s1, $0x11  }
0xbd: {  	s0 =	sor.u32 s1, s0  }
0xbe: {  	s0 =	sadd.s32 $0x8F2B, s0  }
0xbf: {  	[sflag:s0] =	ssyncadd.remote.s32 $0x1  }
0xc0: {  	_ =	sfence.sel $0xFFFF  }
0xc1: {  	[dreg:$0x0] =	wrdreg $0xFFFFFFFF;
	(pc) =	sbr.abs _section_cstart, $3  }
0xc2: {  	[dreg:$0x1] =	wrdreg $0xFFFFFFFF  }
0xc3: {  	_ =	task.clear_ibuf [dreg:s8], $0x2FFFF;
	_ =	strace $0x9FFFFFFF  }
0xc4: {  	(tm) =	ssettm $0x7FFFFFFF  }
0xc5: {  	_ =	shalt  }
tec
execute0_lowered:
.L_overlay_start_1:
0x0: {  	(tag) =	ssettag $0x1  }
0x1: {  	v0 =	vlaneseq.u32  }
0x2: {  	v0 =	vmul.u32 $0x2C1, v0;
	_ =	sdelay $0x1  }
0x3: {  	v1 =	vadd.s32 $0x1, v0  }
0x4: {  	s0 =	rddreg [dreg:$0x0];
	v45 =	vadd.s32 $0x2, v0;
	[tilespmem:$0x1FDD0] =	vst v1  }
0x5: {  	s2 =	rddreg [dreg:$0x1];
	s1 =	simm.s32 $0x0;
	v46 =	vadd.s32 $0x3, v0;
	[tilespmem:$0x1FDE0] =	vst v45  }
0x6: {  	[smem:$0x7FF] =	sst s1;
	v47 =	vadd.s32 $0x4, v0;
	[tilespmem:$0x1FDF0] =	vst v46  }
0x7: {  	s4 =	rddreg [dreg:$0x2];
	v48 =	vadd.s32 $0x5, v0;
	_ =	strace $0x80000047;
	[tilespmem:$0x1FE00] =	vst v47  }
0x8: {  	v49 =	vadd.s32 $0x6, v0;
	[tilespmem:$0x1FE10] =	vst v48  }
0x9: {  	v50 =	vadd.s32 $0x7, v0;
	[tilespmem:$0x1FE20] =	vst v49  }
0xa: {  	v51 =	vadd.s32 $0x8, v0;
	[tilespmem:$0x1FE30] =	vst v50  }
0xb: {  	v52 =	vadd.s32 $0x9, v0;
	[tilespmem:$0x1FE40] =	vst v51  }
0xc: {  	v53 =	vadd.s32 $0xA, v0;
	[tilespmem:$0x1FE50] =	vst v52  }
0xd: {  	v54 =	vadd.s32 $0xB, v0;
	[tilespmem:$0x1FE60] =	vst v53  }
0xe: {  	v55 =	vadd.s32 $0xC, v0;
	[tilespmem:$0x1FE70] =	vst v54  }
0xf: {  	v56 =	vadd.s32 $0xD, v0;
	[tilespmem:$0x1FE80] =	vst v55  }
0x10: {  	v57 =	vadd.s32 $0xE, v0;
	[tilespmem:$0x1FE90] =	vst v56  }
0x11: {  	v58 =	vadd.s32 $0xF, v0;
	[tilespmem:$0x1FEA0] =	vst v57  }
0x12: {  	v59 =	vadd.s32 $0x10, v0;
	[tilespmem:$0x1FEB0] =	vst v58  }
0x13: {  	v60 =	vadd.s32 $0x11, v0;
	[tilespmem:$0x1FEC0] =	vst v59  }
0x14: {  	v61 =	vadd.s32 $0x12, v0;
	[tilespmem:$0x1FED0] =	vst v60  }
0x15: {  	v62 =	vadd.s32 $0x13, v0;
	[tilespmem:$0x1FEE0] =	vst v61  }
0x16: {  	v63 =	vadd.s32 $0x14, v0;
	[tilespmem:$0x1FEF0] =	vst v62  }
0x17: {  	[tilespmem:$0x1FF00] =	vst v63  }
0x18: {  	v28 =	vadd.s32 $0x15, v0;
	[tilespmem:$0x1FF10] =	vst v0  }
0x19: {  	v21 =	vadd.s32 $0x16, v0;
	v29 =	vadd.s32 $0x17, v0;
	v25 =	vadd.s32 $0x18, v0;
	[tilespmem:$0x1FF20] =	vst v28  }
0x1a: {  	v30 =	vadd.s32 $0x19, v0;
	v22 =	vadd.s32 $0x1A, v0;
	v31 =	vadd.s32 $0x1B, v0;
	[tilespmem:$0x1FF30] =	vst v21  }
0x1b: {  	v26 =	vadd.s32 $0x1C, v0;
	v32 =	vadd.s32 $0x1D, v0;
	v23 =	vadd.s32 $0x1E, v0;
	[tilespmem:$0x1FF40] =	vst v29  }
0x1c: {  	s3 =	srdreg.scid;
	s6 =	stileid.u32;
	s11 =	simm.s32 $0x3;
	v33 =	vadd.s32 $0x1F, v0;
	v27 =	vadd.s32 $0x20, v0;
	v34 =	vadd.s32 $0x21, v0;
	[tilespmem:$0x1FF50] =	vst v25  }
0x1d: {  	s12 =	simm.s32 $0x2;
	s31 =	simm.s32 $0x5A80;
	s10 =	simm.s32 $0x8A80;
	v24 =	vadd.s32 $0x22, v0;
	v35 =	vadd.s32 $0x23, v0;
	v36 =	vadd.s32 $0x24, v0;
	[tilespmem:$0x1FF60] =	vst v30  }
0x1e: {  	s13 =	simm.s32 $0x9A80;
	s15 =	simm.s32 $0xAA80;
	s3 =	sand.u32 $0x1, s3;
	v37 =	vadd.s32 $0x25, v0;
	v38 =	vadd.s32 $0x26, v0;
	v39 =	vadd.s32 $0x27, v0;
	[tilespmem:$0x1FF70] =	vst v22  }
0x1f: {  	s17 =	simm.s32 $0x1;
	s6 =	sshll.u32 s6, $0xA;
	s7 =	sshll.u32 s3, $0x9;
	v40 =	vadd.s32 $0x28, v0;
	v41 =	vadd.s32 $0x29, v0;
	v42 =	vadd.s32 $0x2A, v0;
	[tilespmem:$0x1FF80] =	vst v31  }
0x20: {  	s19 =	simm.s32 $0x0;
	s5 =	ssub.s32 $0x2, s3;
	s6 =	sor.u32 s7, s6;
	v43 =	vadd.s32 $0x2B, v0;
	v44 =	vadd.s32 $0x2C, v0;
	v45 =	vadd.s32 $0x2D, v0;
	[tilespmem:$0x1FF90] =	vst v26  }
0x21: {  	s3 =	sadd.s32 $0x400, s0;
	s29 =	sshrl.u32 s5, $0x1;
	s4 =	sadd.s32 s4, s6;
	v46 =	vadd.s32 $0x2E, v0;
	v47 =	vadd.s32 $0x2F, v0;
	v48 =	vadd.s32 $0x30, v0;
	[tilespmem:$0x1FFA0] =	vst v32  }
0x22: {  	s0 =	ssub.s32 s5, s29;
	s30 =	sshrl.u32 s6, $0x3;
	s8 =	sadd.s32 $0x180, s4;
	v49 =	vadd.s32 $0x31, v0;
	v50 =	vadd.s32 $0x32, v0;
	v51 =	vadd.s32 $0x33, v0;
	[tilespmem:$0x1FFB0] =	vst v23  }
0x23: {  	s5 =	sadd.s32 s2, s30;
	s14 =	sadd.s32 $0x4000, s4;
	s16 =	sadd.s32 $0x8000, s4;
	v52 =	vadd.s32 $0x34, v0;
	v53 =	vadd.s32 $0x35, v0;
	v54 =	vadd.s32 $0x36, v0;
	[tilespmem:$0x1FFC0] =	vst v33  }
0x24: {  	s6 =	sadd.s32 $0x80, s4;
	s18 =	sadd.s32 $0xC000, s4;
	s20 =	sadd.s32 $0x10000, s4;
	v55 =	vadd.s32 $0x37, v0;
	v56 =	vadd.s32 $0x38, v0;
	v57 =	vadd.s32 $0x39, v0;
	[tilespmem:$0x1FFD0] =	vst v27  }
0x25: {  	s7 =	sadd.s32 $0x100, s4;
	s22 =	sadd.s32 $0x14000, s4;
	s24 =	sadd.s32 $0x18000, s4;
	v58 =	vadd.s32 $0x3A, v0;
	v59 =	vadd.s32 $0x3B, v0;
	v60 =	vadd.s32 $0x3C, v0;
	[tilespmem:$0x1FFE0] =	vst v34  }
0x26: {  	v20 =	vmovc v0;
	s9 =	smax.u32 s0, $0x1;
	s0 =	simm.s32 $0x6A80;
	s2 =	simm.s32 $0x7A80;
	v61 =	vadd.s32 $0x3D, v0;
	v62 =	vadd.s32 $0x3E, v0;
	v63 =	vadd.s32 $0x3F, v0;
	[tilespmem:$0x1FFF0] =	vst v24  }
.LBB2_1:
0x27: {  	[tilespmem:s1], [sflag:$0x2] =	stream.linear.gather [hbm4b:s3+s1], $0x2C80, $0x38;
	[tilespmem:$0xAE80] =	vst v63  }
0x28: {  	s21 =	simm.s32 $0x2C80  }
0x29: {  	[tilespmem:s21], [sflag:$0x3] =	stream.linear.gather [hbm4b:s5+s1], $0x200, $0x38;
	[tilespmem:$0xAE80] =	vst v63  }
0x2a: {  	_ =	swait.ge [sflag:s11], $0x200  }
0x2b: {  	[sflag:s11] =	ssyncset.done $0x0  }
0x2c: {  	[sflag:s11] =	ssyncadd.s32 $0xFFFFFE00  }
0x2d: {  	_ =	swait.ge [sflag:s12], $0x2C80  }
0x2e: {  	[sflag:s12] =	ssyncset.done $0x0  }
0x2f: {  	s21 =	simm.s32 $0x0;
	[sflag:s12] =	ssyncadd.s32 $0xFFFFD380  }
0x30: {  	v0 =	vld [tilespmem:s21+$0x2C80];
	_ =	sdelay $0x1  }
0x31: {  	v2 =	vld [tilespmem:$0x1FDD0]  }
0x32: {  	v3 =	vld [tilespmem:$0x1FDE0]  }
0x33: {  	v4 =	vld [tilespmem:$0x1FDF0]  }
0x34: {  	v5 =	vld [tilespmem:$0x1FE00];
	v0 =	vshll.u32 v0, $0x6  }
0x35: {  	v6 =	vld [tilespmem:$0x1FE10];
	v1 =	vadd.s32 v20, v0  }
0x36: {  	v7 =	vld [tilespmem:$0x1FE20];
	v2 =	vadd.s32 v2, v0  }
0x37: {  	v8 =	vld [tilespmem:$0x1FE30];
	v3 =	vadd.s32 v3, v0  }
0x38: {  	v9 =	vld [tilespmem:$0x1FE40];
	v4 =	vadd.s32 v4, v0  }
0x39: {  	v10 =	vld [tilespmem:$0x1FE50];
	v5 =	vadd.s32 v5, v0  }
0x3a: {  	v6 =	vadd.s32 v6, v0;
	v1 =	vld.idx.msk [tilespmem:v1+s1+$0x0], $0xffff  }
0x3b: {  	v7 =	vadd.s32 v7, v0;
	v2 =	vld.idx.msk [tilespmem:v2+s1+$0x0], $0xffff  }
0x3c: {  	v8 =	vadd.s32 v8, v0;
	v3 =	vld.idx.msk [tilespmem:v3+s1+$0x0], $0xffff  }
0x3d: {  	v4 =	vld.idx.msk [tilespmem:v4+s1+$0x0], $0xffff  }
0x3e: {  	v9 =	vadd.s32 v9, v0;
	v5 =	vld.idx.msk [tilespmem:v5+s1+$0x0], $0xffff  }
0x3f: {  	v6 =	vld.idx.msk [tilespmem:v6+s1+$0x0], $0xffff  }
0x40: {  	v7 =	vld.idx.msk [tilespmem:v7+s1+$0x0], $0xffff;
	[tilespmem:s21+$0x2E80] =	vst v1  }
0x41: {  	v1 =	vld.idx.msk [tilespmem:v8+s1+$0x0], $0xffff  }
0x42: {  	v8 =	vld [tilespmem:$0x1FE60];
	[tilespmem:s21+$0x2F00] =	vst v2  }
0x43: {  	v2 =	vld.idx.msk [tilespmem:v9+s1+$0x0], $0xffff  }
0x44: {  	v9 =	vld [tilespmem:$0x1FE70]  }
0x45: {  	v10 =	vadd.s32 v10, v0;
	_ =	sdelay $0x1  }
0x46: {  	v8 =	vadd.s32 v8, v0;
	_ =	sdelay $0x1  }
0x47: {  	[tilespmem:s21+$0x2F80] =	vst v3;
	v9 =	vadd.s32 v9, v0  }
0x48: {  	v3 =	vld.idx.msk [tilespmem:v10+s1+$0x0], $0xffff  }
0x49: {  	v10 =	vld [tilespmem:$0x1FE80];
	[tilespmem:s21+$0x3000] =	vst v4  }
0x4a: {  	v4 =	vld.idx.msk [tilespmem:v8+s1+$0x0], $0xffff  }
0x4b: {  	v8 =	vld [tilespmem:$0x1FE90];
	[tilespmem:s21+$0x3080] =	vst v5  }
0x4c: {  	v5 =	vld.idx.msk [tilespmem:v9+s1+$0x0], $0xffff  }
0x4d: {  	v9 =	vld [tilespmem:$0x1FEA0]  }
0x4e: {  	v10 =	vadd.s32 v10, v0;
	_ =	sdelay $0x1  }
0x4f: {  	v8 =	vadd.s32 v8, v0;
	_ =	sdelay $0x1  }
0x50: {  	[tilespmem:s21+$0x3100] =	vst v6;
	v9 =	vadd.s32 v9, v0  }
0x51: {  	v6 =	vld.idx.msk [tilespmem:v10+s1+$0x0], $0xffff  }
0x52: {  	v10 =	vld [tilespmem:$0x1FEB0];
	[tilespmem:s21+$0x3180] =	vst v7  }
0x53: {  	v7 =	vld.idx.msk [tilespmem:v8+s1+$0x0], $0xffff  }
0x54: {  	v8 =	vld [tilespmem:$0x1FEC0];
	[tilespmem:s21+$0x3200] =	vst v1  }
0x55: {  	v1 =	vld.idx.msk [tilespmem:v9+s1+$0x0], $0xffff  }
0x56: {  	v9 =	vld [tilespmem:$0x1FED0]  }
0x57: {  	v10 =	vadd.s32 v10, v0;
	_ =	sdelay $0x1  }
0x58: {  	v8 =	vadd.s32 v8, v0;
	_ =	sdelay $0x1  }
0x59: {  	[tilespmem:s21+$0x3E80] =	vst v2;
	v9 =	vadd.s32 v9, v0  }
0x5a: {  	v2 =	vld.idx.msk [tilespmem:v10+s1+$0x0], $0xffff  }
0x5b: {  	v10 =	vld [tilespmem:$0x1FEE0];
	[tilespmem:s21+$0x3F00] =	vst v3  }
0x5c: {  	v3 =	vld.idx.msk [tilespmem:v8+s1+$0x0], $0xffff  }
0x5d: {  	v8 =	vld [tilespmem:$0x1FEF0];
	[tilespmem:s21+$0x3F80] =	vst v4  }
0x5e: {  	v4 =	vld.idx.msk [tilespmem:v9+s1+$0x0], $0xffff  }
0x5f: {  	v9 =	vld [tilespmem:$0x1FF00];
	_ =	sdelay $0x2  }
0x60: {  	v10 =	vadd.s32 v10, v0  }
0x61: {  	v8 =	vadd.s32 v8, v0  }
0x62: {  	v9 =	vadd.s32 v9, v0;
	_ =	sdelay $0x1  }
0x63: {  	[tilespmem:s21+$0x4000] =	vst v5  }
0x64: {  	v5 =	vld.idx.msk [tilespmem:v10+s1+$0x0], $0xffff;
	v10 =	vadd.s32 v28, v0;
	[tilespmem:s21+$0x4080] =	vst v6  }
0x65: {  	v6 =	vld.idx.msk [tilespmem:v8+s1+$0x0], $0xffff;
	v8 =	vadd.s32 v21, v0;
	[tilespmem:s21+$0x4100] =	vst v7  }
0x66: {  	v7 =	vld.idx.msk [tilespmem:v9+s1+$0x0], $0xffff;
	v9 =	vadd.s32 v29, v0;
	_ =	sdelay $0x1  }
0x67: {  	[tilespmem:s21+$0x4180] =	vst v1  }
0x68: {  	v1 =	vld.idx.msk [tilespmem:v10+s1+$0x0], $0xffff;
	v10 =	vadd.s32 v25, v0;
	[tilespmem:s21+$0x4200] =	vst v2  }
0x69: {  	v2 =	vld.idx.msk [tilespmem:v8+s1+$0x0], $0xffff;
	v8 =	vadd.s32 v30, v0;
	[tilespmem:s21+$0x4E80] =	vst v3  }
0x6a: {  	v3 =	vld.idx.msk [tilespmem:v9+s1+$0x0], $0xffff;
	v9 =	vadd.s32 v22, v0;
	_ =	sdelay $0x1  }
0x6b: {  	[tilespmem:s21+$0x4F00] =	vst v4  }
0x6c: {  	v4 =	vld.idx.msk [tilespmem:v10+s1+$0x0], $0xffff;
	v10 =	vadd.s32 v31, v0;
	[tilespmem:s21+$0x4F80] =	vst v5  }
0x6d: {  	v5 =	vld.idx.msk [tilespmem:v8+s1+$0x0], $0xffff;
	v8 =	vadd.s32 v26, v0;
	[tilespmem:s21+$0x5000] =	vst v6  }
0x6e: {  	v6 =	vld.idx.msk [tilespmem:v9+s1+$0x0], $0xffff;
	v9 =	vadd.s32 v32, v0;
	_ =	sdelay $0x1  }
0x6f: {  	[tilespmem:s21+$0x5080] =	vst v7  }
0x70: {  	v7 =	vld.idx.msk [tilespmem:v10+s1+$0x0], $0xffff;
	v10 =	vadd.s32 v23, v0;
	[tilespmem:s21+$0x5100] =	vst v1  }
0x71: {  	v1 =	vld.idx.msk [tilespmem:v8+s1+$0x0], $0xffff;
	v8 =	vadd.s32 v33, v0;
	[tilespmem:s21+$0x5180] =	vst v2  }
0x72: {  	v2 =	vld.idx.msk [tilespmem:v9+s1+$0x0], $0xffff;
	v9 =	vadd.s32 v27, v0;
	_ =	sdelay $0x1  }
0x73: {  	[tilespmem:s21+$0x5200] =	vst v3  }
0x74: {  	v3 =	vld.idx.msk [tilespmem:v10+s1+$0x0], $0xffff;
	v10 =	vadd.s32 v34, v0;
	[tilespmem:s21+$0x5E80] =	vst v4  }
0x75: {  	v4 =	vld.idx.msk [tilespmem:v8+s1+$0x0], $0xffff;
	v8 =	vadd.s32 v24, v0;
	[tilespmem:s21+$0x5F00] =	vst v5  }
0x76: {  	v5 =	vld.idx.msk [tilespmem:v9+s1+$0x0], $0xffff;
	v9 =	vadd.s32 v35, v0;
	_ =	sdelay $0x1  }
0x77: {  	[tilespmem:s21+$0x5F80] =	vst v6  }
0x78: {  	v6 =	vld.idx.msk [tilespmem:v10+s1+$0x0], $0xffff;
	v10 =	vadd.s32 v36, v0;
	[tilespmem:s21+$0x6000] =	vst v7  }
0x79: {  	v7 =	vld.idx.msk [tilespmem:v8+s1+$0x0], $0xffff;
	v8 =	vadd.s32 v37, v0;
	[tilespmem:s21+$0x6080] =	vst v1  }
0x7a: {  	v1 =	vld.idx.msk [tilespmem:v9+s1+$0x0], $0xffff;
	v9 =	vadd.s32 v38, v0;
	_ =	sdelay $0x1  }
0x7b: {  	[tilespmem:s21+$0x6100] =	vst v2  }
0x7c: {  	v2 =	vld.idx.msk [tilespmem:v10+s1+$0x0], $0xffff;
	v10 =	vadd.s32 v39, v0;
	[tilespmem:s21+$0x6180] =	vst v3  }
0x7d: {  	v3 =	vld.idx.msk [tilespmem:v8+s1+$0x0], $0xffff;
	v8 =	vadd.s32 v40, v0;
	[tilespmem:s21+$0x6200] =	vst v4  }
0x7e: {  	v4 =	vld.idx.msk [tilespmem:v9+s1+$0x0], $0xffff;
	v9 =	vadd.s32 v41, v0;
	_ =	sdelay $0x1  }
0x7f: {  	[tilespmem:s21+$0x6E80] =	vst v5  }
0x80: {  	v5 =	vld.idx.msk [tilespmem:v10+s1+$0x0], $0xffff;
	v10 =	vadd.s32 v42, v0;
	[tilespmem:s21+$0x6F00] =	vst v6  }
0x81: {  	v6 =	vld.idx.msk [tilespmem:v8+s1+$0x0], $0xffff;
	v8 =	vadd.s32 v43, v0;
	[tilespmem:s21+$0x6F80] =	vst v7  }
0x82: {  	v7 =	vld.idx.msk [tilespmem:v9+s1+$0x0], $0xffff;
	v9 =	vadd.s32 v44, v0;
	_ =	sdelay $0x1  }
0x83: {  	[tilespmem:s21+$0x7000] =	vst v1  }
0x84: {  	v1 =	vld.idx.msk [tilespmem:v10+s1+$0x0], $0xffff;
	v10 =	vadd.s32 v45, v0;
	[tilespmem:s21+$0x7080] =	vst v2  }
0x85: {  	v2 =	vld.idx.msk [tilespmem:v8+s1+$0x0], $0xffff;
	v8 =	vadd.s32 v46, v0;
	[tilespmem:s21+$0x7100] =	vst v3  }
0x86: {  	v3 =	vld.idx.msk [tilespmem:v9+s1+$0x0], $0xffff;
	v9 =	vadd.s32 v47, v0  }
0x87: {  	[tilespmem:s21+$0x7180] =	vst v4;
	v4 =	vadd.s32 v48, v0;
	_ =	sdelay $0x1  }
0x88: {  	v10 =	vld.idx.msk [tilespmem:v10+s1+$0x0], $0xffff;
	[tilespmem:s21+$0x7200] =	vst v5  }
0x89: {  	v5 =	vadd.s32 v49, v0;
	v8 =	vld.idx.msk [tilespmem:v8+s1+$0x0], $0xffff;
	[tilespmem:s21+$0x7E80] =	vst v6  }
0x8a: {  	v13 =	vld.idx.msk [tilespmem:v9+s1+$0x0], $0xffff;
	v9 =	vadd.s32 v50, v0;
	[tilespmem:s21+$0x7F00] =	vst v7  }
0x8b: {  	v7 =	vld.idx.msk [tilespmem:v4+s1+$0x0], $0xffff;
	v4 =	vadd.s32 v51, v0  }
0x8c: {  	[tilespmem:s21+$0x7F80] =	vst v1;
	v1 =	vadd.s32 v52, v0;
	_ =	sdelay $0x1  }
0x8d: {  	v6 =	vld.idx.msk [tilespmem:v5+s1+$0x0], $0xffff;
	[tilespmem:s21+$0x8000] =	vst v2;
	v2 =	vadd.s32 v53, v0  }
0x8e: {  	v5 =	vld.idx.msk [tilespmem:v9+s1+$0x0], $0xffff;
	[tilespmem:s21+$0x8080] =	vst v3  }
0x8f: {  	v4 =	vld.idx.msk [tilespmem:v4+s1+$0x0], $0xffff;
	[tilespmem:s21+$0x8100] =	vst v10  }
0x90: {  	s23 =	simm.s32 $0x10;
	v12 =	vadd.s32 v54, v0;
	v3 =	vld.idx.msk [tilespmem:v1+s1+$0x0], $0xffff  }
0x91: {  	v11 =	vadd.s32 v55, v0;
	v9 =	vadd.s32 v57, v0;
	[tilespmem:s21+$0x8180] =	vst v8;
	v1 =	vld [tilespmem:s23+$0x2C80]  }
0x92: {  	s25 =	simm.s32 $0x80;
	v10 =	vadd.s32 v56, v0;
	v8 =	vadd.s32 v58, v0;
	v2 =	vld.idx.msk [tilespmem:v2+s1+$0x0], $0xffff;
	[tilespmem:s21+$0x8200] =	vst v13  }
.LBB2_2:
0x93: {  	_ =	sdelay $0x1  }
0x94: {  	v12 =	vld.idx.msk [tilespmem:v12+s1+$0x0], $0xffff;
	[tilespmem:s21+$0x8E80] =	vst v7  }
0x95: {  	v11 =	vld.idx.msk [tilespmem:v11+s1+$0x0], $0xffff;
	[tilespmem:s21+$0x8F00] =	vst v6  }
0x96: {  	v10 =	vld.idx.msk [tilespmem:v10+s1+$0x0], $0xffff;
	[tilespmem:s21+$0x8F80] =	vst v5  }
0x97: {  	v7 =	vadd.s32 v59, v0;
	v9 =	vld.idx.msk [tilespmem:v9+s1+$0x0], $0xffff;
	[tilespmem:s21+$0x9000] =	vst v4  }
0x98: {  	v6 =	vadd.s32 v60, v0;
	v5 =	vadd.s32 v61, v0;
	v8 =	vld.idx.msk [tilespmem:v8+s1+$0x0], $0xffff  }
0x99: {  	v4 =	vadd.s32 v62, v0;
	[tilespmem:s21+$0x9080] =	vst v3;
	v3 =	vadd.s32 v63, v0;
	v0 =	vshll.u32 v1, $0x6;
	v1 =	vld [tilespmem:$0x1FDD0];
	_ =	sdelay $0x2  }
0x9a: {  	v7 =	vld.idx.msk [tilespmem:v7+s1+$0x0], $0xffff;
	[tilespmem:s21+$0x9100] =	vst v2  }
0x9b: {  	v6 =	vld.idx.msk [tilespmem:v6+s1+$0x0], $0xffff  }
0x9c: {  	[tilespmem:s21+$0x9180] =	vst v12;
	v12 =	vadd.s32 v1, v0;
	v1 =	vld [tilespmem:$0x1FDE0];
	_ =	sdelay $0x3  }
0x9d: {  	v5 =	vld.idx.msk [tilespmem:v5+s1+$0x0], $0xffff  }
0x9e: {  	[tilespmem:s21+$0x9200] =	vst v11;
	v11 =	vadd.s32 v1, v0;
	v1 =	vld [tilespmem:$0x1FDF0];
	_ =	sdelay $0x1  }
0x9f: {  	v2 =	vadd.s32 v20, v0;
	v4 =	vld.idx.msk [tilespmem:v4+s1+$0x0], $0xffff;
	[tilespmem:s21+$0x9E80] =	vst v10  }
0xa0: {  	v3 =	vld.idx.msk [tilespmem:v3+s1+$0x0], $0xffff  }
0xa1: {  	s26 =	sshra.s32 s25, $0x2;
	[tilespmem:s21+$0x9F00] =	vst v9;
	v9 =	vld [tilespmem:$0x1FE00]  }
0xa2: {  	v10 =	vadd.s32 v1, v0;
	v1 =	vld [tilespmem:s26+$0x2C80]  }
0xa3: {  	[tilespmem:s21+$0x9F80] =	vst v8;
	v8 =	vld [tilespmem:$0x1FE10]  }
0xa4: {  	v2 =	vld.idx.msk [tilespmem:v2+s1+$0x0], $0xffff;
	[tilespmem:s21+$0xA000] =	vst v7  }
0xa5: {  	v7 =	vld.idx.msk [tilespmem:v12+s1+$0x0], $0xffff  }
0xa6: {  	v9 =	vadd.s32 v9, v0;
	v12 =	vld [tilespmem:$0x1FE20];
	[tilespmem:s21+$0xA080] =	vst v6  }
0xa7: {  	v6 =	vld.idx.msk [tilespmem:v11+s1+$0x0], $0xffff  }
0xa8: {  	v11 =	vld [tilespmem:$0x1FE30];
	[tilespmem:s21+$0xA100] =	vst v5;
	v8 =	vadd.s32 v8, v0  }
0xa9: {  	v5 =	vld.idx.msk [tilespmem:v10+s1+$0x0], $0xffff  }
0xaa: {  	v10 =	vld [tilespmem:$0x1FE40];
	[tilespmem:s21+$0xA180] =	vst v4  }
0xab: {  	v4 =	vld.idx.msk [tilespmem:v9+s1+$0x0], $0xffff;
	v12 =	vadd.s32 v12, v0  }
0xac: {  	v9 =	vld [tilespmem:$0x1FE50];
	[tilespmem:s21+$0xA200] =	vst v3  }
0xad: {  	v11 =	vadd.s32 v11, v0;
	v3 =	vld.idx.msk [tilespmem:v8+s1+$0x0], $0xffff  }
0xae: {  	v8 =	vld [tilespmem:$0x1FE60]  }
0xaf: {  	v10 =	vadd.s32 v10, v0  }
0xb0: {  	s21 =	smov.u32 s23;
	v12 =	vld.idx.msk [tilespmem:v12+s1+$0x0], $0xffff  }
0xb1: {  	v9 =	vadd.s32 v9, v0;
	[tilespmem:s21+$0x2E80] =	vst v2;
	v2 =	vld [tilespmem:$0x1FE70]  }
0xb2: {  	v11 =	vld.idx.msk [tilespmem:v11+s1+$0x0], $0xffff  }
0xb3: {  	[tilespmem:s21+$0x2F00] =	vst v7;
	v7 =	vld [tilespmem:$0x1FE80];
	v8 =	vadd.s32 v8, v0  }
0xb4: {  	v10 =	vld.idx.msk [tilespmem:v10+s1+$0x0], $0xffff  }
0xb5: {  	[tilespmem:s21+$0x2F80] =	vst v6;
	v6 =	vld [tilespmem:$0x1FE90]  }
0xb6: {  	v9 =	vld.idx.msk [tilespmem:v9+s1+$0x0], $0xffff;
	v2 =	vadd.s32 v2, v0  }
0xb7: {  	[tilespmem:s21+$0x3000] =	vst v5;
	v5 =	vld [tilespmem:$0x1FEA0]  }
0xb8: {  	v7 =	vadd.s32 v7, v0;
	v8 =	vld.idx.msk [tilespmem:v8+s1+$0x0], $0xffff  }
0xb9: {  	[tilespmem:s21+$0x3080] =	vst v4;
	v4 =	vld [tilespmem:$0x1FEB0]  }
0xba: {  	v6 =	vadd.s32 v6, v0  }
0xbb: {  	v2 =	vld.idx.msk [tilespmem:v2+s1+$0x0], $0xffff  }
0xbc: {  	v5 =	vadd.s32 v5, v0;
	[tilespmem:s21+$0x3100] =	vst v3;
	v3 =	vld [tilespmem:$0x1FEC0]  }
0xbd: {  	v7 =	vld.idx.msk [tilespmem:v7+s1+$0x0], $0xffff  }
0xbe: {  	[tilespmem:s21+$0x3180] =	vst v12;
	v12 =	vld [tilespmem:$0x1FED0];
	v4 =	vadd.s32 v4, v0  }
0xbf: {  	v6 =	vld.idx.msk [tilespmem:v6+s1+$0x0], $0xffff  }
0xc0: {  	[tilespmem:s21+$0x3200] =	vst v11;
	v11 =	vld [tilespmem:$0x1FEE0]  }
0xc1: {  	v5 =	vld.idx.msk [tilespmem:v5+s1+$0x0], $0xffff  }
0xc2: {  	[tilespmem:s21+$0x3E80] =	vst v10;
	v10 =	vld [tilespmem:$0x1FEF0]  }
0xc3: {  	v4 =	vld.idx.msk [tilespmem:v4+s1+$0x0], $0xffff  }
0xc4: {  	[tilespmem:s21+$0x3F00] =	vst v9;
	v9 =	vld [tilespmem:$0x1FF00]  }
0xc5: {  	v3 =	vadd.s32 v3, v0  }
0xc6: {  	v12 =	vadd.s32 v12, v0  }
0xc7: {  	v11 =	vadd.s32 v11, v0  }
0xc8: {  	v10 =	vadd.s32 v10, v0  }
0xc9: {  	v9 =	vadd.s32 v9, v0  }
0xca: {  	v3 =	vld.idx.msk [tilespmem:v3+s1+$0x0], $0xffff;
	[tilespmem:s21+$0x3F80] =	vst v8;
	v8 =	vadd.s32 v28, v0  }
0xcb: {  	v12 =	vld.idx.msk [tilespmem:v12+s1+$0x0], $0xffff;
	[tilespmem:s21+$0x4000] =	vst v2;
	v2 =	vadd.s32 v21, v0  }
0xcc: {  	v11 =	vld.idx.msk [tilespmem:v11+s1+$0x0], $0xffff;
	[tilespmem:s21+$0x4080] =	vst v7;
	v7 =	vadd.s32 v29, v0  }
0xcd: {  	v10 =	vld.idx.msk [tilespmem:v10+s1+$0x0], $0xffff;
	[tilespmem:s21+$0x4100] =	vst v6;
	v6 =	vadd.s32 v25, v0  }
0xce: {  	v9 =	vld.idx.msk [tilespmem:v9+s1+$0x0], $0xffff;
	[tilespmem:s21+$0x4180] =	vst v5;
	v5 =	vadd.s32 v30, v0  }
0xcf: {  	v8 =	vld.idx.msk [tilespmem:v8+s1+$0x0], $0xffff;
	[tilespmem:s21+$0x4200] =	vst v4;
	v4 =	vadd.s32 v22, v0  }
0xd0: {  	v2 =	vld.idx.msk [tilespmem:v2+s1+$0x0], $0xffff;
	[tilespmem:s21+$0x4E80] =	vst v3;
	v3 =	vadd.s32 v31, v0  }
0xd1: {  	v7 =	vld.idx.msk [tilespmem:v7+s1+$0x0], $0xffff;
	[tilespmem:s21+$0x4F00] =	vst v12;
	v12 =	vadd.s32 v26, v0  }
0xd2: {  	v6 =	vld.idx.msk [tilespmem:v6+s1+$0x0], $0xffff;
	[tilespmem:s21+$0x4F80] =	vst v11;
	v11 =	vadd.s32 v32, v0  }
0xd3: {  	v5 =	vld.idx.msk [tilespmem:v5+s1+$0x0], $0xffff;
	[tilespmem:s21+$0x5000] =	vst v10;
	v10 =	vadd.s32 v23, v0  }
0xd4: {  	v4 =	vld.idx.msk [tilespmem:v4+s1+$0x0], $0xffff;
	[tilespmem:s21+$0x5080] =	vst v9;
	v9 =	vadd.s32 v33, v0  }
0xd5: {  	v3 =	vld.idx.msk [tilespmem:v3+s1+$0x0], $0xffff;
	[tilespmem:s21+$0x5100] =	vst v8;
	v8 =	vadd.s32 v27, v0  }
0xd6: {  	v12 =	vld.idx.msk [tilespmem:v12+s1+$0x0], $0xffff;
	[tilespmem:s21+$0x5180] =	vst v2;
	v2 =	vadd.s32 v34, v0  }
0xd7: {  	v11 =	vld.idx.msk [tilespmem:v11+s1+$0x0], $0xffff;
	[tilespmem:s21+$0x5200] =	vst v7;
	v7 =	vadd.s32 v24, v0  }
0xd8: {  	v10 =	vld.idx.msk [tilespmem:v10+s1+$0x0], $0xffff;
	[tilespmem:s21+$0x5E80] =	vst v6;
	v6 =	vadd.s32 v35, v0  }
0xd9: {  	v9 =	vld.idx.msk [tilespmem:v9+s1+$0x0], $0xffff;
	[tilespmem:s21+$0x5F00] =	vst v5;
	v5 =	vadd.s32 v36, v0  }
0xda: {  	v8 =	vld.idx.msk [tilespmem:v8+s1+$0x0], $0xffff;
	[tilespmem:s21+$0x5F80] =	vst v4;
	v4 =	vadd.s32 v37, v0  }
0xdb: {  	v2 =	vld.idx.msk [tilespmem:v2+s1+$0x0], $0xffff;
	[tilespmem:s21+$0x6000] =	vst v3;
	v3 =	vadd.s32 v38, v0  }
0xdc: {  	v7 =	vld.idx.msk [tilespmem:v7+s1+$0x0], $0xffff;
	[tilespmem:s21+$0x6080] =	vst v12;
	v12 =	vadd.s32 v39, v0  }
0xdd: {  	v6 =	vld.idx.msk [tilespmem:v6+s1+$0x0], $0xffff;
	[tilespmem:s21+$0x6100] =	vst v11;
	v11 =	vadd.s32 v40, v0  }
0xde: {  	v5 =	vld.idx.msk [tilespmem:v5+s1+$0x0], $0xffff;
	[tilespmem:s21+$0x6180] =	vst v10;
	v10 =	vadd.s32 v41, v0  }
0xdf: {  	v4 =	vld.idx.msk [tilespmem:v4+s1+$0x0], $0xffff;
	[tilespmem:s21+$0x6200] =	vst v9;
	v9 =	vadd.s32 v42, v0  }
0xe0: {  	v3 =	vld.idx.msk [tilespmem:v3+s1+$0x0], $0xffff;
	[tilespmem:s21+$0x6E80] =	vst v8;
	v8 =	vadd.s32 v43, v0  }
0xe1: {  	v12 =	vld.idx.msk [tilespmem:v12+s1+$0x0], $0xffff;
	[tilespmem:s21+$0x6F00] =	vst v2;
	v2 =	vadd.s32 v44, v0  }
0xe2: {  	v11 =	vld.idx.msk [tilespmem:v11+s1+$0x0], $0xffff;
	[tilespmem:s21+$0x6F80] =	vst v7;
	v7 =	vadd.s32 v45, v0  }
0xe3: {  	v10 =	vld.idx.msk [tilespmem:v10+s1+$0x0], $0xffff;
	[tilespmem:s21+$0x7000] =	vst v6;
	v6 =	vadd.s32 v46, v0  }
0xe4: {  	v9 =	vld.idx.msk [tilespmem:v9+s1+$0x0], $0xffff;
	[tilespmem:s21+$0x7080] =	vst v5;
	v5 =	vadd.s32 v47, v0  }
0xe5: {  	v8 =	vld.idx.msk [tilespmem:v8+s1+$0x0], $0xffff;
	[tilespmem:s21+$0x7100] =	vst v4;
	v4 =	vadd.s32 v48, v0  }
0xe6: {  	v2 =	vld.idx.msk [tilespmem:v2+s1+$0x0], $0xffff;
	[tilespmem:s21+$0x7180] =	vst v3;
	v3 =	vadd.s32 v49, v0  }
0xe7: {  	v14 =	vadd.s32 v50, v0;
	v13 =	vld.idx.msk [tilespmem:v7+s1+$0x0], $0xffff;
	[tilespmem:s21+$0x7200] =	vst v12  }
0xe8: {  	v16 =	vadd.s32 v51, v0;
	v15 =	vld.idx.msk [tilespmem:v6+s1+$0x0], $0xffff;
	[tilespmem:s21+$0x7E80] =	vst v11  }
0xe9: {  	v18 =	vadd.s32 v52, v0;
	v17 =	vld.idx.msk [tilespmem:v5+s1+$0x0], $0xffff;
	[tilespmem:s21+$0x7F00] =	vst v10  }
0xea: {  	p0 =	sne.s32 s25, $0x1C0;
	v19 =	vadd.s32 v53, v0;
	v7 =	vld.idx.msk [tilespmem:v4+s1+$0x0], $0xffff;
	[tilespmem:s21+$0x7F80] =	vst v9  }
.Ltmp0:
0xeb: {  	v6 =	vld.idx.msk [tilespmem:v3+s1+$0x0], $0xffff;
	[tilespmem:s21+$0x8000] =	vst v8;
	(pc) =	sbr.rel @p0 .LBB2_2-.Ltmp0, $4  }
0xec: {  	v5 =	vld.idx.msk [tilespmem:v14+s1+$0x0], $0xffff;
	[tilespmem:s21+$0x8080] =	vst v2  }
0xed: {  	v12 =	vadd.s32 v54, v0;
	v4 =	vld.idx.msk [tilespmem:v16+s1+$0x0], $0xffff;
	[tilespmem:s21+$0x8100] =	vst v13  }
0xee: {  	v11 =	vadd.s32 v55, v0;
	v10 =	vadd.s32 v56, v0;
	v3 =	vld.idx.msk [tilespmem:v18+s1+$0x0], $0xffff;
	[tilespmem:s21+$0x8180] =	vst v15  }
0xef: {  	s25 =	sadd.s32 $0x40, s25;
	s23 =	smov.u32 s26;
	v9 =	vadd.s32 v57, v0;
	v8 =	vadd.s32 v58, v0;
	v2 =	vld.idx.msk [tilespmem:v19+s1+$0x0], $0xffff;
	[tilespmem:s21+$0x8200] =	vst v17  }
0xf0: {  	v1 =	vshll.u32 v1, $0x6  }
0xf1: {  	v13 =	vadd.s32 v20, v1;
	_ =	sdelay $0x3  }
0xf2: {  	v14 =	vld [tilespmem:$0x1FDD0]  }
0xf3: {  	v13 =	vld.idx.msk [tilespmem:v13+s1+$0x0], $0xffff;
	_ =	sdelay $0x4  }
0xf4: {  	v14 =	vadd.s32 v14, v1;
	[tilespmem:$0x1FC20] =	vst v13;
	v13 =	vld [tilespmem:$0x1FE10];
	_ =	sdelay $0x3  }
0xf5: {  	v15 =	vld [tilespmem:$0x1FDE0]  }
0xf6: {  	v18 =	vadd.s32 v13, v1;
	v13 =	vld.idx.msk [tilespmem:v14+s1+$0x0], $0xffff;
	_ =	sdelay $0x4  }
0xf7: {  	v15 =	vadd.s32 v15, v1;
	[tilespmem:$0x1FC30] =	vst v13;
	v13 =	vld [tilespmem:$0x1FE20];
	_ =	sdelay $0x3  }
0xf8: {  	v16 =	vld [tilespmem:$0x1FDF0]  }
0xf9: {  	v19 =	vadd.s32 v13, v1;
	v13 =	vld.idx.msk [tilespmem:v15+s1+$0x0], $0xffff;
	_ =	sdelay $0x4  }
0xfa: {  	v16 =	vadd.s32 v16, v1;
	[tilespmem:$0x1FC40] =	vst v13;
	v13 =	vld [tilespmem:$0x1FE30]  }
0xfb: {  	v17 =	vld [tilespmem:$0x1FE00];
	_ =	sdelay $0x3  }
0xfc: {  	v15 =	vadd.s32 v13, v1;
	v13 =	vld.idx.msk [tilespmem:v16+s1+$0x0], $0xffff  }
0xfd: {  	v17 =	vadd.s32 v17, v1;
	_ =	sdelay $0x1  }
0xfe: {  	v14 =	vld [tilespmem:$0x1FC20];
	_ =	sdelay $0x1  }
0xff: {  	[tilespmem:$0x1FC50] =	vst v13;
	v13 =	vld [tilespmem:$0x1FE40]  }
0x100: {  	v17 =	vld.idx.msk [tilespmem:v17+s1+$0x0], $0xffff  }
0x101: {  	v18 =	vld.idx.msk [tilespmem:v18+s1+$0x0], $0xffff  }
0x102: {  	v19 =	vld.idx.msk [tilespmem:v19+s1+$0x0], $0xffff;
	[tilespmem:s23+$0x2E80] =	vst v14  }
0x103: {  	v14 =	vld [tilespmem:$0x1FE50];
	_ =	sdelay $0x4  }
0x104: {  	v16 =	vadd.s32 v14, v1;
	v14 =	vld.idx.msk [tilespmem:v15+s1+$0x0], $0xffff;
	_ =	sdelay $0x4  }
0x105: {  	[tilespmem:$0x1FC60] =	vst v14;
	v14 =	vld [tilespmem:$0x1FC30]  }
0x106: {  	v13 =	vadd.s32 v13, v1;
	_ =	sdelay $0x3  }
0x107: {  	[tilespmem:s23+$0x2F00] =	vst v14  }
0x108: {  	v13 =	vld.idx.msk [tilespmem:v13+s1+$0x0], $0xffff;
	_ =	sdelay $0x4  }
0x109: {  	[tilespmem:$0x1FC70] =	vst v13;
	v13 =	vld [tilespmem:$0x1FC40];
	_ =	sdelay $0x4  }
0x10a: {  	v14 =	vld [tilespmem:$0x1FE60];
	[tilespmem:s23+$0x2F80] =	vst v13  }
0x10b: {  	v13 =	vld [tilespmem:$0x1FE70];
	_ =	sdelay $0x4  }
0x10c: {  	v15 =	vadd.s32 v13, v1;
	v13 =	vld.idx.msk [tilespmem:v16+s1+$0x0], $0xffff;
	_ =	sdelay $0x4  }
0x10d: {  	[tilespmem:$0x1FC80] =	vst v13;
	v13 =	vld [tilespmem:$0x1FC50]  }
0x10e: {  	v14 =	vadd.s32 v14, v1;
	_ =	sdelay $0x3  }
0x10f: {  	[tilespmem:s23+$0x3000] =	vst v13  }
0x110: {  	v14 =	vld.idx.msk [tilespmem:v14+s1+$0x0], $0xffff;
	_ =	sdelay $0x4  }
0x111: {  	[tilespmem:$0x1FC90] =	vst v14  }
0x112: {  	v13 =	vld [tilespmem:$0x1FE80];
	[tilespmem:s23+$0x3080] =	vst v17  }
0x113: {  	v14 =	vld [tilespmem:$0x1FE90];
	_ =	sdelay $0x4  }
0x114: {  	v17 =	vadd.s32 v14, v1;
	v14 =	vld.idx.msk [tilespmem:v15+s1+$0x0], $0xffff;
	_ =	sdelay $0x1  }
0x115: {  	v13 =	vadd.s32 v13, v1;
	_ =	sdelay $0x2  }
0x116: {  	[tilespmem:$0x1FCA0] =	vst v14  }
0x117: {  	[tilespmem:s23+$0x3100] =	vst v18  }
0x118: {  	v13 =	vld.idx.msk [tilespmem:v13+s1+$0x0], $0xffff;
	_ =	sdelay $0x4  }
0x119: {  	[tilespmem:$0x1FCB0] =	vst v13  }
0x11a: {  	v14 =	vld [tilespmem:$0x1FEA0];
	[tilespmem:s23+$0x3180] =	vst v19  }
0x11b: {  	v13 =	vld [tilespmem:$0x1FEB0];
	_ =	sdelay $0x4  }
0x11c: {  	v19 =	vadd.s32 v13, v1;
	v13 =	vld.idx.msk [tilespmem:v17+s1+$0x0], $0xffff;
	_ =	sdelay $0x4  }
0x11d: {  	[tilespmem:$0x1FCC0] =	vst v13;
	v13 =	vld [tilespmem:$0x1FC60];
	_ =	sdelay $0x4  }
0x11e: {  	[tilespmem:s23+$0x3200] =	vst v13  }
0x11f: {  	v13 =	vld [tilespmem:$0x1FEC0];
	_ =	sdelay $0x4  }
0x120: {  	v18 =	vadd.s32 v14, v1;
	v15 =	vadd.s32 v13, v1;
	v13 =	vld [tilespmem:$0x1FC70];
	_ =	sdelay $0x4  }
0x121: {  	v18 =	vld.idx.msk [tilespmem:v18+s1+$0x0], $0xffff;
	[tilespmem:s23+$0x3E80] =	vst v13  }
0x122: {  	v13 =	vld [tilespmem:$0x1FED0];
	_ =	sdelay $0x4  }
0x123: {  	v16 =	vadd.s32 v13, v1;
	v13 =	vld [tilespmem:$0x1FC80];
	_ =	sdelay $0x4  }
0x124: {  	v19 =	vld.idx.msk [tilespmem:v19+s1+$0x0], $0xffff;
	[tilespmem:s23+$0x3F00] =	vst v13  }
0x125: {  	v13 =	vld [tilespmem:$0x1FEE0];
	_ =	sdelay $0x4  }
0x126: {  	v14 =	vadd.s32 v13, v1;
	v13 =	vld.idx.msk [tilespmem:v15+s1+$0x0], $0xffff;
	_ =	sdelay $0x4  }
0x127: {  	[tilespmem:$0x1FCD0] =	vst v13;
	v13 =	vld [tilespmem:$0x1FC90];
	_ =	sdelay $0x4  }
0x128: {  	[tilespmem:s23+$0x3F80] =	vst v13  }
0x129: {  	v13 =	vld [tilespmem:$0x1FEF0];
	_ =	sdelay $0x4  }
0x12a: {  	v17 =	vadd.s32 v13, v1;
	v13 =	vld [tilespmem:$0x1FCA0];
	_ =	sdelay $0x4  }
0x12b: {  	v16 =	vld.idx.msk [tilespmem:v16+s1+$0x0], $0xffff;
	[tilespmem:s23+$0x4000] =	vst v13  }
0x12c: {  	v13 =	vld [tilespmem:$0x1FF00];
	_ =	sdelay $0x4  }
0x12d: {  	v15 =	vadd.s32 v13, v1;
	v13 =	vld.idx.msk [tilespmem:v14+s1+$0x0], $0xffff;
	_ =	sdelay $0x4  }
0x12e: {  	[tilespmem:$0x1FCE0] =	vst v13;
	v13 =	vld [tilespmem:$0x1FCB0];
	_ =	sdelay $0x4  }
0x12f: {  	[tilespmem:s23+$0x4080] =	vst v13  }
0x130: {  	v13 =	vld.idx.msk [tilespmem:v17+s1+$0x0], $0xffff;
	_ =	sdelay $0x4  }
0x131: {  	[tilespmem:$0x1FCF0] =	vst v13;
	v13 =	vld [tilespmem:$0x1FCC0];
	_ =	sdelay $0x4  }
0x132: {  	[tilespmem:s23+$0x4100] =	vst v13  }
0x133: {  	v13 =	vld.idx.msk [tilespmem:v15+s1+$0x0], $0xffff;
	_ =	sdelay $0x1  }
0x134: {  	v14 =	vadd.s32 v28, v1;
	_ =	sdelay $0x2  }
0x135: {  	[tilespmem:$0x1FD00] =	vst v13  }
0x136: {  	[tilespmem:s23+$0x4180] =	vst v18  }
0x137: {  	v13 =	vld.idx.msk [tilespmem:v14+s1+$0x0], $0xffff;
	_ =	sdelay $0x1  }
0x138: {  	v17 =	vadd.s32 v21, v1;
	_ =	sdelay $0x2  }
0x139: {  	[tilespmem:$0x1FD10] =	vst v13  }
0x13a: {  	[tilespmem:s23+$0x4200] =	vst v19  }
0x13b: {  	v13 =	vld.idx.msk [tilespmem:v17+s1+$0x0], $0xffff;
	_ =	sdelay $0x4  }
0x13c: {  	[tilespmem:$0x1FD20] =	vst v13;
	v13 =	vld [tilespmem:$0x1FCD0]  }
0x13d: {  	v18 =	vadd.s32 v29, v1;
	_ =	sdelay $0x3  }
0x13e: {  	[tilespmem:s23+$0x4E80] =	vst v13  }
0x13f: {  	v18 =	vld.idx.msk [tilespmem:v18+s1+$0x0], $0xffff;
	[tilespmem:s23+$0x4F00] =	vst v16  }
0x140: {  	v19 =	vadd.s32 v25, v1;
	v13 =	vld [tilespmem:$0x1FCE0]  }
0x141: {  	v15 =	vadd.s32 v30, v1;
	_ =	sdelay $0x3  }
0x142: {  	v19 =	vld.idx.msk [tilespmem:v19+s1+$0x0], $0xffff;
	[tilespmem:s23+$0x4F80] =	vst v13  }
0x143: {  	v13 =	vld.idx.msk [tilespmem:v15+s1+$0x0], $0xffff;
	_ =	sdelay $0x4  }
0x144: {  	[tilespmem:$0x1FD30] =	vst v13;
	v13 =	vld [tilespmem:$0x1FCF0];
	_ =	sdelay $0x4  }
0x145: {  	[tilespmem:s23+$0x5000] =	vst v13  }
0x146: {  	v16 =	vadd.s32 v22, v1;
	v13 =	vld [tilespmem:$0x1FD00]  }
0x147: {  	v14 =	vadd.s32 v31, v1;
	_ =	sdelay $0x3  }
0x148: {  	v16 =	vld.idx.msk [tilespmem:v16+s1+$0x0], $0xffff;
	[tilespmem:s23+$0x5080] =	vst v13  }
0x149: {  	v13 =	vld.idx.msk [tilespmem:v14+s1+$0x0], $0xffff;
	_ =	sdelay $0x4  }
0x14a: {  	[tilespmem:$0x1FD40] =	vst v13;
	v13 =	vld [tilespmem:$0x1FD10]  }
0x14b: {  	v17 =	vadd.s32 v26, v1;
	_ =	sdelay $0x3  }
0x14c: {  	[tilespmem:s23+$0x5100] =	vst v13  }
0x14d: {  	v13 =	vld.idx.msk [tilespmem:v17+s1+$0x0], $0xffff;
	_ =	sdelay $0x4  }
0x14e: {  	[tilespmem:$0x1FD50] =	vst v13;
	v13 =	vld [tilespmem:$0x1FD20]  }
0x14f: {  	v15 =	vadd.s32 v32, v1  }
0x150: {  	v14 =	vadd.s32 v23, v1;
	_ =	sdelay $0x2  }
0x151: {  	[tilespmem:s23+$0x5180] =	vst v13  }
0x152: {  	v15 =	vld.idx.msk [tilespmem:v15+s1+$0x0], $0xffff;
	[tilespmem:s23+$0x5200] =	vst v18  }
0x153: {  	v13 =	vld.idx.msk [tilespmem:v14+s1+$0x0], $0xffff;
	_ =	sdelay $0x4  }
0x154: {  	[tilespmem:$0x1FD60] =	vst v13  }
0x155: {  	[tilespmem:s23+$0x5E80] =	vst v19  }
0x156: {  	v17 =	vadd.s32 v33, v1;
	v13 =	vld [tilespmem:$0x1FD30]  }
0x157: {  	v18 =	vadd.s32 v27, v1;
	_ =	sdelay $0x3  }
0x158: {  	v17 =	vld.idx.msk [tilespmem:v17+s1+$0x0], $0xffff;
	[tilespmem:s23+$0x5F00] =	vst v13  }
0x159: {  	v18 =	vld.idx.msk [tilespmem:v18+s1+$0x0], $0xffff;
	[tilespmem:s23+$0x5F80] =	vst v16  }
0x15a: {  	v19 =	vadd.s32 v34, v1;
	v14 =	vld [tilespmem:$0x1FD40]  }
0x15b: {  	v13 =	vadd.s32 v24, v1;
	_ =	sdelay $0x3  }
0x15c: {  	v19 =	vld.idx.msk [tilespmem:v19+s1+$0x0], $0xffff;
	[tilespmem:s23+$0x6000] =	vst v14  }
0x15d: {  	v13 =	vld.idx.msk [tilespmem:v13+s1+$0x0], $0xffff;
	_ =	sdelay $0x4  }
0x15e: {  	[tilespmem:$0x1FD70] =	vst v13;
	v13 =	vld [tilespmem:$0x1FD50]  }
0x15f: {  	v16 =	vadd.s32 v35, v1  }
0x160: {  	v14 =	vadd.s32 v36, v1;
	_ =	sdelay $0x2  }
0x161: {  	[tilespmem:s23+$0x6080] =	vst v13  }
0x162: {  	v16 =	vld.idx.msk [tilespmem:v16+s1+$0x0], $0xffff;
	[tilespmem:s23+$0x6100] =	vst v15  }
0x163: {  	v14 =	vld.idx.msk [tilespmem:v14+s1+$0x0], $0xffff;
	_ =	sdelay $0x4  }
0x164: {  	[tilespmem:$0x1FD80] =	vst v14;
	v14 =	vld [tilespmem:$0x1FD60]  }
0x165: {  	v13 =	vadd.s32 v37, v1;
	_ =	sdelay $0x3  }
0x166: {  	[tilespmem:s23+$0x6180] =	vst v14  }
0x167: {  	v13 =	vld.idx.msk [tilespmem:v13+s1+$0x0], $0xffff;
	_ =	sdelay $0x1  }
0x168: {  	v15 =	vadd.s32 v38, v1  }
0x169: {  	v14 =	vadd.s32 v39, v1;
	_ =	sdelay $0x1  }
0x16a: {  	[tilespmem:$0x1FD90] =	vst v13  }
0x16b: {  	[tilespmem:s23+$0x6200] =	vst v17  }
0x16c: {  	v15 =	vld.idx.msk [tilespmem:v15+s1+$0x0], $0xffff;
	[tilespmem:s23+$0x6E80] =	vst v18  }
0x16d: {  	v13 =	vld.idx.msk [tilespmem:v14+s1+$0x0], $0xffff;
	_ =	sdelay $0x4  }
0x16e: {  	[tilespmem:$0x1FDA0] =	vst v13  }
0x16f: {  	[tilespmem:s23+$0x6F00] =	vst v19  }
0x170: {  	v17 =	vadd.s32 v40, v1;
	v13 =	vld [tilespmem:$0x1FD70]  }
0x171: {  	v18 =	vadd.s32 v41, v1;
	_ =	sdelay $0x3  }
0x172: {  	v17 =	vld.idx.msk [tilespmem:v17+s1+$0x0], $0xffff;
	[tilespmem:s23+$0x6F80] =	vst v13  }
0x173: {  	v18 =	vld.idx.msk [tilespmem:v18+s1+$0x0], $0xffff;
	[tilespmem:s23+$0x7000] =	vst v16  }
0x174: {  	v19 =	vadd.s32 v42, v1;
	v14 =	vld [tilespmem:$0x1FD80]  }
0x175: {  	v13 =	vadd.s32 v43, v1;
	_ =	sdelay $0x3  }
0x176: {  	v19 =	vld.idx.msk [tilespmem:v19+s1+$0x0], $0xffff;
	[tilespmem:s23+$0x7080] =	vst v14  }
0x177: {  	v13 =	vld.idx.msk [tilespmem:v13+s1+$0x0], $0xffff;
	_ =	sdelay $0x4  }
0x178: {  	[tilespmem:$0x1FDB0] =	vst v13;
	v13 =	vld [tilespmem:$0x1FD90]  }
0x179: {  	v16 =	vadd.s32 v44, v1  }
0x17a: {  	v14 =	vadd.s32 v45, v1;
	_ =	sdelay $0x2  }
0x17b: {  	[tilespmem:s23+$0x7100] =	vst v13  }
0x17c: {  	v16 =	vld.idx.msk [tilespmem:v16+s1+$0x0], $0xffff;
	[tilespmem:s23+$0x7180] =	vst v15  }
0x17d: {  	v14 =	vld.idx.msk [tilespmem:v14+s1+$0x0], $0xffff;
	_ =	sdelay $0x4  }
0x17e: {  	[tilespmem:$0x1FDC0] =	vst v14;
	v14 =	vld [tilespmem:$0x1FDA0]  }
0x17f: {  	v13 =	vadd.s32 v46, v1;
	_ =	sdelay $0x2  }
0x180: {  	v15 =	vadd.s32 v47, v1  }
0x181: {  	[tilespmem:s23+$0x7200] =	vst v14;
	v14 =	vadd.s32 v48, v1  }
0x182: {  	v13 =	vld.idx.msk [tilespmem:v13+s1+$0x0], $0xffff;
	[tilespmem:s23+$0x7E80] =	vst v17;
	v17 =	vadd.s32 v49, v1  }
0x183: {  	v12 =	vld.idx.msk [tilespmem:v12+s1+$0x0], $0xffff;
	[tilespmem:s21+$0x8E80] =	vst v7  }
0x184: {  	v11 =	vld.idx.msk [tilespmem:v11+s1+$0x0], $0xffff  }
0x185: {  	v15 =	vld.idx.msk [tilespmem:v15+s1+$0x0], $0xffff;
	[tilespmem:s23+$0x7F00] =	vst v18  }
0x186: {  	v7 =	vld.idx.msk [tilespmem:v14+s1+$0x0], $0xffff;
	[tilespmem:s23+$0x7F80] =	vst v19  }
0x187: {  	[tilespmem:s21+$0x8F00] =	vst v6;
	v6 =	vld.idx.msk [tilespmem:v17+s1+$0x0], $0xffff  }
0x188: {  	v17 =	vld [tilespmem:$0x1FDB0]  }
0x189: {  	v18 =	vadd.s32 v50, v1;
	_ =	sdelay $0x1  }
0x18a: {  	v10 =	vld.idx.msk [tilespmem:v10+s1+$0x0], $0xffff;
	[tilespmem:s21+$0x8F80] =	vst v5  }
0x18b: {  	v9 =	vld.idx.msk [tilespmem:v9+s1+$0x0], $0xffff;
	[tilespmem:s21+$0x9000] =	vst v4  }
0x18c: {  	v5 =	vadd.s32 v59, v0;
	[tilespmem:s23+$0x8000] =	vst v17  }
0x18d: {  	v4 =	vadd.s32 v60, v0;
	v18 =	vld.idx.msk [tilespmem:v18+s1+$0x0], $0xffff;
	[tilespmem:s23+$0x8080] =	vst v16  }
0x18e: {  	v14 =	vadd.s32 v51, v1;
	v19 =	vld [tilespmem:$0x1FDC0]  }
0x18f: {  	v8 =	vld.idx.msk [tilespmem:v8+s1+$0x0], $0xffff;
	[tilespmem:s21+$0x9080] =	vst v3;
	v3 =	vadd.s32 v61, v0  }
0x190: {  	v17 =	vadd.s32 v52, v1  }
0x191: {  	v5 =	vld.idx.msk [tilespmem:v5+s1+$0x0], $0xffff;
	[tilespmem:s21+$0x9100] =	vst v2;
	v2 =	vadd.s32 v62, v0  }
0x192: {  	v16 =	vadd.s32 v53, v1;
	v4 =	vld.idx.msk [tilespmem:v4+s1+$0x0], $0xffff;
	[tilespmem:s21+$0x9180] =	vst v12  }
0x193: {  	v14 =	vld.idx.msk [tilespmem:v14+s1+$0x0], $0xffff;
	v0 =	vadd.s32 v63, v0;
	[tilespmem:s23+$0x8100] =	vst v19  }
0x194: {  	v3 =	vld.idx.msk [tilespmem:v3+s1+$0x0], $0xffff;
	[tilespmem:s21+$0x9200] =	vst v11  }
0x195: {  	v17 =	vld.idx.msk [tilespmem:v17+s1+$0x0], $0xffff;
	[tilespmem:s23+$0x8180] =	vst v13  }
0x196: {  	v19 =	vadd.s32 v54, v1;
	v2 =	vld.idx.msk [tilespmem:v2+s1+$0x0], $0xffff;
	[tilespmem:s21+$0x9E80] =	vst v10  }
0x197: {  	v13 =	vadd.s32 v55, v1;
	v16 =	vld.idx.msk [tilespmem:v16+s1+$0x0], $0xffff;
	[tilespmem:s23+$0x8200] =	vst v15  }
0x198: {  	v0 =	vld.idx.msk [tilespmem:v0+s1+$0x0], $0xffff;
	[tilespmem:s21+$0x9F00] =	vst v9  }
0x199: {  	[tilespmem:s21+$0x9F80] =	vst v8  }
0x19a: {  	v15 =	vadd.s32 v56, v1;
	[tilespmem:s21+$0xA000] =	vst v5  }
0x19b: {  	v12 =	vld.idx.msk [tilespmem:v19+s1+$0x0], $0xffff;
	[tilespmem:s23+$0x8E80] =	vst v7;
	v7 =	vadd.s32 v57, v1  }
0x19c: {  	v11 =	vld.idx.msk [tilespmem:v13+s1+$0x0], $0xffff;
	[tilespmem:s23+$0x8F00] =	vst v6;
	v6 =	vadd.s32 v58, v1  }
0x19d: {  	[tilespmem:s21+$0xA080] =	vst v4;
	v13 =	vadd.s32 v59, v1  }
0x19e: {  	[tilespmem:s21+$0xA100] =	vst v3  }
0x19f: {  	v10 =	vld.idx.msk [tilespmem:v15+s1+$0x0], $0xffff;
	[tilespmem:s23+$0x8F80] =	vst v18  }
0x1a0: {  	v9 =	vadd.s32 v60, v1;
	v7 =	vld.idx.msk [tilespmem:v7+s1+$0x0], $0xffff;
	[tilespmem:s23+$0x9000] =	vst v14  }
0x1a1: {  	v8 =	vadd.s32 v61, v1;
	v6 =	vld.idx.msk [tilespmem:v6+s1+$0x0], $0xffff;
	[tilespmem:s23+$0x9080] =	vst v17  }
0x1a2: {  	[tilespmem:s21+$0xA180] =	vst v2;
	v5 =	vld.idx.msk [tilespmem:v13+s1+$0x0], $0xffff;
	v13 =	vadd.s32 v62, v1  }
0x1a3: {  	[tilespmem:s21+$0xA200] =	vst v0;
	v1 =	vadd.s32 v63, v1  }
0x1a4: {  	[tilespmem:s23+$0x9100] =	vst v16  }
0x1a5: {  	v4 =	vld.idx.msk [tilespmem:v9+s1+$0x0], $0xffff;
	[tilespmem:s23+$0x9180] =	vst v12  }
0x1a6: {  	v3 =	vld.idx.msk [tilespmem:v8+s1+$0x0], $0xffff;
	[tilespmem:s23+$0x9200] =	vst v11  }
0x1a7: {  	v2 =	vld.idx.msk [tilespmem:v13+s1+$0x0], $0xffff;
	[tilespmem:s23+$0x9E80] =	vst v10  }
0x1a8: {  	v0 =	vld.idx.msk [tilespmem:v1+s1+$0x0], $0xffff;
	[tilespmem:s23+$0x9F00] =	vst v7  }
0x1a9: {  	[tilespmem:s23+$0x9F80] =	vst v6  }
0x1aa: {  	[tilespmem:s23+$0xA000] =	vst v5  }
0x1ab: {  	[tilespmem:s23+$0xA080] =	vst v4  }
0x1ac: {  	[tilespmem:s23+$0xA100] =	vst v3  }
0x1ad: {  	[tilespmem:s23+$0xA180] =	vst v2  }
0x1ae: {  	s29 =	simm.s32 $0x2E80;
	s21 =	simm.s32 $0x0;
	[tilespmem:s23+$0xA200] =	vst v0  }
0x1af: {  	[hbm4b:s4+s21] =	stream.linear.scatter [tilespmem:s29], [sflag:$0x1], $0x400, $0x38;
	[tilespmem:$0xAE80] =	vst v63  }
0x1b0: {  	s30 =	simm.s32 $0x3E80  }
0x1b1: {  	[hbm4b:s14+s21] =	stream.linear.scatter [tilespmem:s30], [sflag:$0x1], $0x400, $0x38;
	[tilespmem:$0xAE80] =	vst v63  }
0x1b2: {  	s25 =	simm.s32 $0x4E80  }
0x1b3: {  	[hbm4b:s16+s21] =	stream.linear.scatter [tilespmem:s25], [sflag:$0x1], $0x400, $0x38;
	[tilespmem:$0xAE80] =	vst v63  }
0x1b4: {  	s26 =	simm.s32 $0x5E80  }
0x1b5: {  	[hbm4b:s18+s21] =	stream.linear.scatter [tilespmem:s26], [sflag:$0x1], $0x400, $0x38;
	[tilespmem:$0xAE80] =	vst v63  }
0x1b6: {  	s29 =	simm.s32 $0x6E80  }
0x1b7: {  	[hbm4b:s20+s21] =	stream.linear.scatter [tilespmem:s29], [sflag:$0x1], $0x400, $0x38;
	[tilespmem:$0xAE80] =	vst v63  }
0x1b8: {  	s30 =	simm.s32 $0x7E80  }
0x1b9: {  	[hbm4b:s22+s21] =	stream.linear.scatter [tilespmem:s30], [sflag:$0x1], $0x400, $0x38;
	[tilespmem:$0xAE80] =	vst v63  }
0x1ba: {  	s25 =	simm.s32 $0x8E80  }
0x1bb: {  	[hbm4b:s24+s21] =	stream.linear.scatter [tilespmem:s25], [sflag:$0x1], $0x400, $0x38;
	[tilespmem:$0xAE80] =	vst v63  }
0x1bc: {  	s26 =	sadd.s32 $0x1C000, s4;
	s29 =	simm.s32 $0x0;
	s25 =	simm.s32 $0x9E80  }
0x1bd: {  	[hbm4b:s26+s21] =	stream.linear.scatter [tilespmem:s25], [sflag:$0x1], $0x400, $0x38;
	[tilespmem:$0xAE80] =	vst v63  }
0x1be: {  	v0 =	vld [tilespmem:s29+$0x2D00]  }
0x1bf: {  	v1 =	vld [tilespmem:$0x1FF10]  }
0x1c0: {  	v2 =	vld [tilespmem:$0x1FDD0]  }
0x1c1: {  	v3 =	vld [tilespmem:$0x1FDE0]  }
0x1c2: {  	v4 =	vld [tilespmem:$0x1FDF0]  }
0x1c3: {  	v5 =	vld [tilespmem:$0x1FE00];
	v0 =	vshll.u32 v0, $0x6  }
0x1c4: {  	v6 =	vld [tilespmem:$0x1FE10];
	v1 =	vadd.s32 v1, v0  }
0x1c5: {  	v7 =	vld [tilespmem:$0x1FE20];
	v2 =	vadd.s32 v2, v0  }
0x1c6: {  	v8 =	vld [tilespmem:$0x1FE30];
	v3 =	vadd.s32 v3, v0  }
0x1c7: {  	v9 =	vld [tilespmem:$0x1FE40];
	v4 =	vadd.s32 v4, v0  }
0x1c8: {  	v10 =	vld [tilespmem:$0x1FE50];
	v5 =	vadd.s32 v5, v0  }
0x1c9: {  	v6 =	vadd.s32 v6, v0;
	v1 =	vld.idx.msk [tilespmem:v1+s1+$0x0], $0xffff  }
0x1ca: {  	v7 =	vadd.s32 v7, v0;
	v2 =	vld.idx.msk [tilespmem:v2+s1+$0x0], $0xffff  }
0x1cb: {  	v8 =	vadd.s32 v8, v0;
	v3 =	vld.idx.msk [tilespmem:v3+s1+$0x0], $0xffff  }
0x1cc: {  	s23 =	simm.s32 $0x400;
	v4 =	vld.idx.msk [tilespmem:v4+s1+$0x0], $0xffff  }
0x1cd: {  	s30 =	sand.u32 $0x3FFFFC00, s23;
	v5 =	vld.idx.msk [tilespmem:v5+s1+$0x0], $0xffff  }
0x1ce: {  	s21 =	sadd.s32 $0x0, s30;
	v6 =	vld.idx.msk [tilespmem:v6+s1+$0x0], $0xffff  }
0x1cf: {  	v7 =	vld.idx.msk [tilespmem:v7+s1+$0x0], $0xffff;
	[tilespmem:s21+$0x2E80] =	vst v1  }
0x1d0: {  	v1 =	vld.idx.msk [tilespmem:v8+s1+$0x0], $0xffff  }
0x1d1: {  	v8 =	vld [tilespmem:$0x1FE60]  }
0x1d2: {  	v9 =	vadd.s32 v9, v0;
	_ =	sdelay $0x1  }
0x1d3: {  	v10 =	vadd.s32 v10, v0;
	_ =	sdelay $0x1  }
0x1d4: {  	[tilespmem:s21+$0x2F00] =	vst v2;
	v8 =	vadd.s32 v8, v0  }
0x1d5: {  	v2 =	vld.idx.msk [tilespmem:v9+s1+$0x0], $0xffff  }
0x1d6: {  	v9 =	vld [tilespmem:$0x1FE70];
	[tilespmem:s21+$0x2F80] =	vst v3  }
0x1d7: {  	v3 =	vld.idx.msk [tilespmem:v10+s1+$0x0], $0xffff  }
0x1d8: {  	v10 =	vld [tilespmem:$0x1FE80];
	[tilespmem:s21+$0x3000] =	vst v4  }
0x1d9: {  	v4 =	vld.idx.msk [tilespmem:v8+s1+$0x0], $0xffff  }
0x1da: {  	v8 =	vld [tilespmem:$0x1FE90]  }
0x1db: {  	v9 =	vadd.s32 v9, v0;
	_ =	sdelay $0x1  }
0x1dc: {  	v10 =	vadd.s32 v10, v0;
	_ =	sdelay $0x1  }
0x1dd: {  	[tilespmem:s21+$0x3080] =	vst v5;
	v8 =	vadd.s32 v8, v0  }
0x1de: {  	v5 =	vld.idx.msk [tilespmem:v9+s1+$0x0], $0xffff  }
0x1df: {  	v9 =	vld [tilespmem:$0x1FEA0];
	[tilespmem:s21+$0x3100] =	vst v6  }
0x1e0: {  	v6 =	vld.idx.msk [tilespmem:v10+s1+$0x0], $0xffff  }
0x1e1: {  	v10 =	vld [tilespmem:$0x1FEB0];
	[tilespmem:s21+$0x3180] =	vst v7  }
0x1e2: {  	v7 =	vld.idx.msk [tilespmem:v8+s1+$0x0], $0xffff  }
0x1e3: {  	v8 =	vld [tilespmem:$0x1FEC0]  }
0x1e4: {  	v9 =	vadd.s32 v9, v0  }
0x1e5: {  	s25 =	simm.s32 $0x80  }
0x1e6: {  	s26 =	sor.u32 s23, s25;
	v10 =	vadd.s32 v10, v0  }
0x1e7: {  	s26 =	sor.u32 $0x380, s26  }
0x1e8: {  	[tilespmem:s26+$0x2E80] =	vst v1;
	v8 =	vadd.s32 v8, v0  }
0x1e9: {  	v1 =	vld.idx.msk [tilespmem:v9+s1+$0x0], $0xffff  }
0x1ea: {  	v9 =	vld [tilespmem:$0x1FED0];
	[tilespmem:s21+$0x3E80] =	vst v2  }
0x1eb: {  	v2 =	vld.idx.msk [tilespmem:v10+s1+$0x0], $0xffff  }
0x1ec: {  	v10 =	vld [tilespmem:$0x1FEE0];
	[tilespmem:s21+$0x3F00] =	vst v3  }
0x1ed: {  	v3 =	vld.idx.msk [tilespmem:v8+s1+$0x0], $0xffff  }
0x1ee: {  	v8 =	vld [tilespmem:$0x1FEF0]  }
0x1ef: {  	v9 =	vadd.s32 v9, v0;
	_ =	sdelay $0x1  }
0x1f0: {  	v10 =	vadd.s32 v10, v0;
	_ =	sdelay $0x1  }
0x1f1: {  	[tilespmem:s21+$0x3F80] =	vst v4;
	v8 =	vadd.s32 v8, v0  }
0x1f2: {  	v4 =	vld.idx.msk [tilespmem:v9+s1+$0x0], $0xffff  }
0x1f3: {  	v9 =	vld [tilespmem:$0x1FF00];
	[tilespmem:s21+$0x4000] =	vst v5  }
0x1f4: {  	v5 =	vld.idx.msk [tilespmem:v10+s1+$0x0], $0xffff  }
0x1f5: {  	v10 =	vld [tilespmem:$0x1FF20];
	[tilespmem:s21+$0x4080] =	vst v6  }
0x1f6: {  	v6 =	vld.idx.msk [tilespmem:v8+s1+$0x0], $0xffff  }
0x1f7: {  	v8 =	vld [tilespmem:$0x1FF30]  }
0x1f8: {  	v9 =	vadd.s32 v9, v0;
	_ =	sdelay $0x1  }
0x1f9: {  	v10 =	vadd.s32 v10, v0;
	_ =	sdelay $0x1  }
0x1fa: {  	[tilespmem:s21+$0x4100] =	vst v7;
	v8 =	vadd.s32 v8, v0  }
0x1fb: {  	v7 =	vld.idx.msk [tilespmem:v9+s1+$0x0], $0xffff  }
0x1fc: {  	v9 =	vld [tilespmem:$0x1FF40];
	[tilespmem:s21+$0x4180] =	vst v1  }
0x1fd: {  	v1 =	vld.idx.msk [tilespmem:v10+s1+$0x0], $0xffff  }
0x1fe: {  	v10 =	vld [tilespmem:$0x1FF50];
	[tilespmem:s21+$0x4200] =	vst v2  }
0x1ff: {  	v2 =	vld.idx.msk [tilespmem:v8+s1+$0x0], $0xffff  }
0x200: {  	v8 =	vld [tilespmem:$0x1FF60]  }
0x201: {  	v9 =	vadd.s32 v9, v0;
	_ =	sdelay $0x1  }
0x202: {  	v10 =	vadd.s32 v10, v0;
	_ =	sdelay $0x1  }
0x203: {  	[tilespmem:s21+$0x4E80] =	vst v3;
	v8 =	vadd.s32 v8, v0  }
0x204: {  	v3 =	vld.idx.msk [tilespmem:v9+s1+$0x0], $0xffff  }
0x205: {  	v9 =	vld [tilespmem:$0x1FF70];
	[tilespmem:s21+$0x4F00] =	vst v4  }
0x206: {  	v4 =	vld.idx.msk [tilespmem:v10+s1+$0x0], $0xffff  }
0x207: {  	v10 =	vld [tilespmem:$0x1FF80];
	[tilespmem:s21+$0x4F80] =	vst v5  }
0x208: {  	v5 =	vld.idx.msk [tilespmem:v8+s1+$0x0], $0xffff  }
0x209: {  	v8 =	vld [tilespmem:$0x1FF90]  }
0x20a: {  	v9 =	vadd.s32 v9, v0;
	_ =	sdelay $0x1  }
0x20b: {  	v10 =	vadd.s32 v10, v0;
	_ =	sdelay $0x1  }
0x20c: {  	[tilespmem:s21+$0x5000] =	vst v6;
	v8 =	vadd.s32 v8, v0  }
0x20d: {  	v6 =	vld.idx.msk [tilespmem:v9+s1+$0x0], $0xffff  }
0x20e: {  	v9 =	vld [tilespmem:$0x1FFA0];
	[tilespmem:s21+$0x5080] =	vst v7  }
0x20f: {  	v7 =	vld.idx.msk [tilespmem:v10+s1+$0x0], $0xffff  }
0x210: {  	v10 =	vld [tilespmem:$0x1FFB0];
	[tilespmem:s21+$0x5100] =	vst v1  }
0x211: {  	v1 =	vld.idx.msk [tilespmem:v8+s1+$0x0], $0xffff  }
0x212: {  	v8 =	vld [tilespmem:$0x1FFC0]  }
0x213: {  	v9 =	vadd.s32 v9, v0;
	_ =	sdelay $0x1  }
0x214: {  	v10 =	vadd.s32 v10, v0;
	_ =	sdelay $0x1  }
0x215: {  	[tilespmem:s21+$0x5180] =	vst v2;
	v8 =	vadd.s32 v8, v0  }
0x216: {  	v2 =	vld.idx.msk [tilespmem:v9+s1+$0x0], $0xffff  }
0x217: {  	v9 =	vld [tilespmem:$0x1FFD0];
	[tilespmem:s21+$0x5200] =	vst v3  }
0x218: {  	v3 =	vld.idx.msk [tilespmem:v10+s1+$0x0], $0xffff  }
0x219: {  	v10 =	vld [tilespmem:$0x1FFE0];
	[tilespmem:s21+$0x5E80] =	vst v4  }
0x21a: {  	v4 =	vld.idx.msk [tilespmem:v8+s1+$0x0], $0xffff  }
0x21b: {  	v8 =	vld [tilespmem:$0x1FFF0]  }
0x21c: {  	v9 =	vadd.s32 v9, v0;
	_ =	sdelay $0x2  }
0x21d: {  	v10 =	vadd.s32 v10, v0  }
0x21e: {  	[tilespmem:s21+$0x5F00] =	vst v5;
	v8 =	vadd.s32 v8, v0  }
0x21f: {  	v5 =	vld.idx.msk [tilespmem:v9+s1+$0x0], $0xffff;
	v9 =	vadd.s32 v35, v0;
	_ =	sdelay $0x1  }
0x220: {  	[tilespmem:s21+$0x5F80] =	vst v6  }
0x221: {  	v6 =	vld.idx.msk [tilespmem:v10+s1+$0x0], $0xffff;
	v10 =	vadd.s32 v36, v0;
	[tilespmem:s21+$0x6000] =	vst v7  }
0x222: {  	v7 =	vld.idx.msk [tilespmem:v8+s1+$0x0], $0xffff;
	v8 =	vadd.s32 v37, v0;
	[tilespmem:s21+$0x6080] =	vst v1  }
0x223: {  	v1 =	vld.idx.msk [tilespmem:v9+s1+$0x0], $0xffff;
	v9 =	vadd.s32 v38, v0;
	_ =	sdelay $0x1  }
0x224: {  	[tilespmem:s21+$0x6100] =	vst v2  }
0x225: {  	v2 =	vld.idx.msk [tilespmem:v10+s1+$0x0], $0xffff;
	v10 =	vadd.s32 v39, v0;
	[tilespmem:s21+$0x6180] =	vst v3  }
0x226: {  	v3 =	vld.idx.msk [tilespmem:v8+s1+$0x0], $0xffff;
	v8 =	vadd.s32 v40, v0;
	[tilespmem:s21+$0x6200] =	vst v4  }
0x227: {  	v4 =	vld.idx.msk [tilespmem:v9+s1+$0x0], $0xffff;
	v9 =	vadd.s32 v41, v0;
	_ =	sdelay $0x1  }
0x228: {  	[tilespmem:s21+$0x6E80] =	vst v5  }
0x229: {  	v5 =	vld.idx.msk [tilespmem:v10+s1+$0x0], $0xffff;
	v10 =	vadd.s32 v42, v0;
	[tilespmem:s21+$0x6F00] =	vst v6  }
0x22a: {  	v6 =	vld.idx.msk [tilespmem:v8+s1+$0x0], $0xffff;
	v8 =	vadd.s32 v43, v0;
	[tilespmem:s21+$0x6F80] =	vst v7  }
0x22b: {  	v7 =	vld.idx.msk [tilespmem:v9+s1+$0x0], $0xffff;
	v9 =	vadd.s32 v44, v0;
	_ =	sdelay $0x1  }
0x22c: {  	[tilespmem:s21+$0x7000] =	vst v1  }
0x22d: {  	v1 =	vld.idx.msk [tilespmem:v10+s1+$0x0], $0xffff;
	v10 =	vadd.s32 v45, v0;
	[tilespmem:s21+$0x7080] =	vst v2  }
0x22e: {  	v2 =	vld.idx.msk [tilespmem:v8+s1+$0x0], $0xffff;
	v8 =	vadd.s32 v46, v0;
	[tilespmem:s21+$0x7100] =	vst v3  }
0x22f: {  	v3 =	vld.idx.msk [tilespmem:v9+s1+$0x0], $0xffff;
	v9 =	vadd.s32 v47, v0  }
0x230: {  	[tilespmem:s21+$0x7180] =	vst v4;
	v4 =	vadd.s32 v48, v0;
	_ =	sdelay $0x1  }
0x231: {  	v10 =	vld.idx.msk [tilespmem:v10+s1+$0x0], $0xffff;
	[tilespmem:s21+$0x7200] =	vst v5  }
0x232: {  	v5 =	vadd.s32 v49, v0;
	v8 =	vld.idx.msk [tilespmem:v8+s1+$0x0], $0xffff;
	[tilespmem:s21+$0x7E80] =	vst v6  }
0x233: {  	v13 =	vld.idx.msk [tilespmem:v9+s1+$0x0], $0xffff;
	v9 =	vadd.s32 v50, v0;
	[tilespmem:s21+$0x7F00] =	vst v7  }
0x234: {  	v7 =	vld.idx.msk [tilespmem:v4+s1+$0x0], $0xffff;
	v4 =	vadd.s32 v51, v0  }
0x235: {  	[tilespmem:s21+$0x7F80] =	vst v1;
	v1 =	vadd.s32 v52, v0;
	_ =	sdelay $0x1  }
0x236: {  	v6 =	vld.idx.msk [tilespmem:v5+s1+$0x0], $0xffff;
	[tilespmem:s21+$0x8000] =	vst v2;
	v2 =	vadd.s32 v53, v0  }
0x237: {  	v5 =	vld.idx.msk [tilespmem:v9+s1+$0x0], $0xffff;
	[tilespmem:s21+$0x8080] =	vst v3  }
0x238: {  	v4 =	vld.idx.msk [tilespmem:v4+s1+$0x0], $0xffff;
	[tilespmem:s21+$0x8100] =	vst v10  }
0x239: {  	v12 =	vadd.s32 v54, v0;
	s26 =	simm.s32 $0x10;
	v3 =	vld.idx.msk [tilespmem:v1+s1+$0x0], $0xffff  }
0x23a: {  	v11 =	vadd.s32 v55, v0;
	v9 =	vadd.s32 v57, v0;
	[tilespmem:s21+$0x8180] =	vst v8;
	v1 =	vld [tilespmem:s26+$0x2D00]  }
0x23b: {  	s28 =	simm.s32 $0x80;
	v10 =	vadd.s32 v56, v0;
	v8 =	vadd.s32 v58, v0;
	v2 =	vld.idx.msk [tilespmem:v2+s1+$0x0], $0xffff;
	[tilespmem:s21+$0x8200] =	vst v13  }
.LBB2_4:
0x23c: {  	_ =	sdelay $0x1  }
0x23d: {  	v12 =	vld.idx.msk [tilespmem:v12+s1+$0x0], $0xffff;
	[tilespmem:s21+$0x8E80] =	vst v7  }
0x23e: {  	v11 =	vld.idx.msk [tilespmem:v11+s1+$0x0], $0xffff;
	[tilespmem:s21+$0x8F00] =	vst v6  }
0x23f: {  	v10 =	vld.idx.msk [tilespmem:v10+s1+$0x0], $0xffff;
	[tilespmem:s21+$0x8F80] =	vst v5  }
0x240: {  	v7 =	vadd.s32 v59, v0;
	v9 =	vld.idx.msk [tilespmem:v9+s1+$0x0], $0xffff;
	[tilespmem:s21+$0x9000] =	vst v4  }
0x241: {  	v6 =	vadd.s32 v60, v0;
	v5 =	vadd.s32 v61, v0;
	v8 =	vld.idx.msk [tilespmem:v8+s1+$0x0], $0xffff  }
0x242: {  	v4 =	vadd.s32 v62, v0;
	[tilespmem:s21+$0x9080] =	vst v3;
	v3 =	vadd.s32 v63, v0;
	v0 =	vshll.u32 v1, $0x6;
	v1 =	vld [tilespmem:$0x1FDD0];
	_ =	sdelay $0x2  }
0x243: {  	v7 =	vld.idx.msk [tilespmem:v7+s1+$0x0], $0xffff;
	[tilespmem:s21+$0x9100] =	vst v2  }
0x244: {  	v6 =	vld.idx.msk [tilespmem:v6+s1+$0x0], $0xffff  }
0x245: {  	[tilespmem:s21+$0x9180] =	vst v12;
	v12 =	vadd.s32 v1, v0;
	v1 =	vld [tilespmem:$0x1FDE0];
	_ =	sdelay $0x3  }
0x246: {  	v5 =	vld.idx.msk [tilespmem:v5+s1+$0x0], $0xffff  }
0x247: {  	[tilespmem:s21+$0x9200] =	vst v11;
	v11 =	vadd.s32 v1, v0;
	v1 =	vld [tilespmem:$0x1FDF0];
	_ =	sdelay $0x1  }
0x248: {  	v2 =	vadd.s32 v20, v0;
	v4 =	vld.idx.msk [tilespmem:v4+s1+$0x0], $0xffff;
	[tilespmem:s21+$0x9E80] =	vst v10  }
0x249: {  	v3 =	vld.idx.msk [tilespmem:v3+s1+$0x0], $0xffff  }
0x24a: {  	s29 =	sshra.s32 s28, $0x2;
	[tilespmem:s21+$0x9F00] =	vst v9;
	v9 =	vld [tilespmem:$0x1FE00]  }
0x24b: {  	v10 =	vadd.s32 v1, v0;
	v1 =	vld [tilespmem:s29+$0x2D00]  }
0x24c: {  	[tilespmem:s21+$0x9F80] =	vst v8;
	v8 =	vld [tilespmem:$0x1FE10]  }
0x24d: {  	v2 =	vld.idx.msk [tilespmem:v2+s1+$0x0], $0xffff;
	[tilespmem:s21+$0xA000] =	vst v7  }
0x24e: {  	v7 =	vld.idx.msk [tilespmem:v12+s1+$0x0], $0xffff  }
0x24f: {  	v9 =	vadd.s32 v9, v0;
	v12 =	vld [tilespmem:$0x1FE20];
	[tilespmem:s21+$0xA080] =	vst v6  }
0x250: {  	v6 =	vld.idx.msk [tilespmem:v11+s1+$0x0], $0xffff  }
0x251: {  	v11 =	vld [tilespmem:$0x1FE30];
	[tilespmem:s21+$0xA100] =	vst v5;
	v8 =	vadd.s32 v8, v0  }
0x252: {  	v5 =	vld.idx.msk [tilespmem:v10+s1+$0x0], $0xffff  }
0x253: {  	v10 =	vld [tilespmem:$0x1FE40];
	[tilespmem:s21+$0xA180] =	vst v4  }
0x254: {  	v4 =	vld.idx.msk [tilespmem:v9+s1+$0x0], $0xffff;
	v12 =	vadd.s32 v12, v0  }
0x255: {  	v9 =	vld [tilespmem:$0x1FE50];
	[tilespmem:s21+$0xA200] =	vst v3  }
0x256: {  	v11 =	vadd.s32 v11, v0;
	v3 =	vld.idx.msk [tilespmem:v8+s1+$0x0], $0xffff  }
0x257: {  	s23 =	sadd.s32 $0x80, s23;
	v8 =	vld [tilespmem:$0x1FE60]  }
0x258: {  	s30 =	sand.u32 $0x3FFFFC00, s23;
	v10 =	vadd.s32 v10, v0  }
0x259: {  	s21 =	sadd.s32 s26, s30;
	v12 =	vld.idx.msk [tilespmem:v12+s1+$0x0], $0xffff  }
0x25a: {  	v9 =	vadd.s32 v9, v0;
	[tilespmem:s21+$0x2E80] =	vst v2;
	v2 =	vld [tilespmem:$0x1FE70]  }
0x25b: {  	v11 =	vld.idx.msk [tilespmem:v11+s1+$0x0], $0xffff  }
0x25c: {  	[tilespmem:s21+$0x2F00] =	vst v7;
	v7 =	vld [tilespmem:$0x1FE80];
	v8 =	vadd.s32 v8, v0  }
0x25d: {  	v10 =	vld.idx.msk [tilespmem:v10+s1+$0x0], $0xffff  }
0x25e: {  	[tilespmem:s21+$0x2F80] =	vst v6;
	v6 =	vld [tilespmem:$0x1FE90]  }
0x25f: {  	v9 =	vld.idx.msk [tilespmem:v9+s1+$0x0], $0xffff;
	v2 =	vadd.s32 v2, v0  }
0x260: {  	[tilespmem:s21+$0x3000] =	vst v5;
	v5 =	vld [tilespmem:$0x1FEA0]  }
0x261: {  	v7 =	vadd.s32 v7, v0;
	v8 =	vld.idx.msk [tilespmem:v8+s1+$0x0], $0xffff  }
0x262: {  	[tilespmem:s21+$0x3080] =	vst v4;
	v4 =	vld [tilespmem:$0x1FEB0]  }
0x263: {  	v6 =	vadd.s32 v6, v0  }
0x264: {  	v2 =	vld.idx.msk [tilespmem:v2+s1+$0x0], $0xffff  }
0x265: {  	v5 =	vadd.s32 v5, v0;
	[tilespmem:s21+$0x3100] =	vst v3;
	v3 =	vld [tilespmem:$0x1FEC0]  }
0x266: {  	s25 =	sadd.s32 $0x10, s25;
	v7 =	vld.idx.msk [tilespmem:v7+s1+$0x0], $0xffff  }
0x267: {  	s30 =	sor.u32 s23, s25;
	[tilespmem:s21+$0x3180] =	vst v12;
	v12 =	vld [tilespmem:$0x1FED0];
	v4 =	vadd.s32 v4, v0  }
0x268: {  	s26 =	smov.u32 s29;
	s29 =	sor.u32 $0x380, s30;
	v6 =	vld.idx.msk [tilespmem:v6+s1+$0x0], $0xffff  }
0x269: {  	[tilespmem:s29+$0x2E80] =	vst v11;
	v11 =	vld [tilespmem:$0x1FEE0]  }
0x26a: {  	v5 =	vld.idx.msk [tilespmem:v5+s1+$0x0], $0xffff  }
0x26b: {  	[tilespmem:s21+$0x3E80] =	vst v10;
	v10 =	vld [tilespmem:$0x1FEF0]  }
0x26c: {  	v4 =	vld.idx.msk [tilespmem:v4+s1+$0x0], $0xffff  }
0x26d: {  	[tilespmem:s21+$0x3F00] =	vst v9;
	v9 =	vld [tilespmem:$0x1FF00]  }
0x26e: {  	v3 =	vadd.s32 v3, v0  }
0x26f: {  	v12 =	vadd.s32 v12, v0  }
0x270: {  	v11 =	vadd.s32 v11, v0  }
0x271: {  	v10 =	vadd.s32 v10, v0  }
0x272: {  	v9 =	vadd.s32 v9, v0  }
0x273: {  	v3 =	vld.idx.msk [tilespmem:v3+s1+$0x0], $0xffff;
	[tilespmem:s21+$0x3F80] =	vst v8;
	v8 =	vadd.s32 v28, v0  }
0x274: {  	v12 =	vld.idx.msk [tilespmem:v12+s1+$0x0], $0xffff;
	[tilespmem:s21+$0x4000] =	vst v2;
	v2 =	vadd.s32 v21, v0  }
0x275: {  	v11 =	vld.idx.msk [tilespmem:v11+s1+$0x0], $0xffff;
	[tilespmem:s21+$0x4080] =	vst v7;
	v7 =	vadd.s32 v29, v0  }
0x276: {  	v10 =	vld.idx.msk [tilespmem:v10+s1+$0x0], $0xffff;
	[tilespmem:s21+$0x4100] =	vst v6;
	v6 =	vadd.s32 v25, v0  }
0x277: {  	v9 =	vld.idx.msk [tilespmem:v9+s1+$0x0], $0xffff;
	[tilespmem:s21+$0x4180] =	vst v5;
	v5 =	vadd.s32 v30, v0  }
0x278: {  	v8 =	vld.idx.msk [tilespmem:v8+s1+$0x0], $0xffff;
	[tilespmem:s21+$0x4200] =	vst v4;
	v4 =	vadd.s32 v22, v0  }
0x279: {  	v2 =	vld.idx.msk [tilespmem:v2+s1+$0x0], $0xffff;
	[tilespmem:s21+$0x4E80] =	vst v3;
	v3 =	vadd.s32 v31, v0  }
0x27a: {  	v7 =	vld.idx.msk [tilespmem:v7+s1+$0x0], $0xffff;
	[tilespmem:s21+$0x4F00] =	vst v12;
	v12 =	vadd.s32 v26, v0  }
0x27b: {  	v6 =	vld.idx.msk [tilespmem:v6+s1+$0x0], $0xffff;
	[tilespmem:s21+$0x4F80] =	vst v11;
	v11 =	vadd.s32 v32, v0  }
0x27c: {  	v5 =	vld.idx.msk [tilespmem:v5+s1+$0x0], $0xffff;
	[tilespmem:s21+$0x5000] =	vst v10;
	v10 =	vadd.s32 v23, v0  }
0x27d: {  	v4 =	vld.idx.msk [tilespmem:v4+s1+$0x0], $0xffff;
	[tilespmem:s21+$0x5080] =	vst v9;
	v9 =	vadd.s32 v33, v0  }
0x27e: {  	v3 =	vld.idx.msk [tilespmem:v3+s1+$0x0], $0xffff;
	[tilespmem:s21+$0x5100] =	vst v8;
	v8 =	vadd.s32 v27, v0  }
0x27f: {  	v12 =	vld.idx.msk [tilespmem:v12+s1+$0x0], $0xffff;
	[tilespmem:s21+$0x5180] =	vst v2;
	v2 =	vadd.s32 v34, v0  }
0x280: {  	v11 =	vld.idx.msk [tilespmem:v11+s1+$0x0], $0xffff;
	[tilespmem:s21+$0x5200] =	vst v7;
	v7 =	vadd.s32 v24, v0  }
0x281: {  	v10 =	vld.idx.msk [tilespmem:v10+s1+$0x0], $0xffff;
	[tilespmem:s21+$0x5E80] =	vst v6;
	v6 =	vadd.s32 v35, v0  }
0x282: {  	v9 =	vld.idx.msk [tilespmem:v9+s1+$0x0], $0xffff;
	[tilespmem:s21+$0x5F00] =	vst v5;
	v5 =	vadd.s32 v36, v0  }
0x283: {  	v8 =	vld.idx.msk [tilespmem:v8+s1+$0x0], $0xffff;
	[tilespmem:s21+$0x5F80] =	vst v4;
	v4 =	vadd.s32 v37, v0  }
0x284: {  	v2 =	vld.idx.msk [tilespmem:v2+s1+$0x0], $0xffff;
	[tilespmem:s21+$0x6000] =	vst v3;
	v3 =	vadd.s32 v38, v0  }
0x285: {  	v7 =	vld.idx.msk [tilespmem:v7+s1+$0x0], $0xffff;
	[tilespmem:s21+$0x6080] =	vst v12;
	v12 =	vadd.s32 v39, v0  }
0x286: {  	v6 =	vld.idx.msk [tilespmem:v6+s1+$0x0], $0xffff;
	[tilespmem:s21+$0x6100] =	vst v11;
	v11 =	vadd.s32 v40, v0  }
0x287: {  	v5 =	vld.idx.msk [tilespmem:v5+s1+$0x0], $0xffff;
	[tilespmem:s21+$0x6180] =	vst v10;
	v10 =	vadd.s32 v41, v0  }
0x288: {  	v4 =	vld.idx.msk [tilespmem:v4+s1+$0x0], $0xffff;
	[tilespmem:s21+$0x6200] =	vst v9;
	v9 =	vadd.s32 v42, v0  }
0x289: {  	v3 =	vld.idx.msk [tilespmem:v3+s1+$0x0], $0xffff;
	[tilespmem:s21+$0x6E80] =	vst v8;
	v8 =	vadd.s32 v43, v0  }
0x28a: {  	v12 =	vld.idx.msk [tilespmem:v12+s1+$0x0], $0xffff;
	[tilespmem:s21+$0x6F00] =	vst v2;
	v2 =	vadd.s32 v44, v0  }
0x28b: {  	v11 =	vld.idx.msk [tilespmem:v11+s1+$0x0], $0xffff;
	[tilespmem:s21+$0x6F80] =	vst v7;
	v7 =	vadd.s32 v45, v0  }
0x28c: {  	v10 =	vld.idx.msk [tilespmem:v10+s1+$0x0], $0xffff;
	[tilespmem:s21+$0x7000] =	vst v6;
	v6 =	vadd.s32 v46, v0  }
0x28d: {  	v9 =	vld.idx.msk [tilespmem:v9+s1+$0x0], $0xffff;
	[tilespmem:s21+$0x7080] =	vst v5;
	v5 =	vadd.s32 v47, v0  }
0x28e: {  	v8 =	vld.idx.msk [tilespmem:v8+s1+$0x0], $0xffff;
	[tilespmem:s21+$0x7100] =	vst v4;
	v4 =	vadd.s32 v48, v0  }
0x28f: {  	v2 =	vld.idx.msk [tilespmem:v2+s1+$0x0], $0xffff;
	[tilespmem:s21+$0x7180] =	vst v3;
	v3 =	vadd.s32 v49, v0  }
0x290: {  	v14 =	vadd.s32 v50, v0;
	v13 =	vld.idx.msk [tilespmem:v7+s1+$0x0], $0xffff;
	[tilespmem:s21+$0x7200] =	vst v12  }
0x291: {  	v16 =	vadd.s32 v51, v0;
	v15 =	vld.idx.msk [tilespmem:v6+s1+$0x0], $0xffff;
	[tilespmem:s21+$0x7E80] =	vst v11  }
0x292: {  	v18 =	vadd.s32 v52, v0;
	v17 =	vld.idx.msk [tilespmem:v5+s1+$0x0], $0xffff;
	[tilespmem:s21+$0x7F00] =	vst v10  }
0x293: {  	p0 =	sne.s32 s28, $0x1C0;
	v19 =	vadd.s32 v53, v0;
	v7 =	vld.idx.msk [tilespmem:v4+s1+$0x0], $0xffff;
	[tilespmem:s21+$0x7F80] =	vst v9  }
.Ltmp1:
0x294: {  	v6 =	vld.idx.msk [tilespmem:v3+s1+$0x0], $0xffff;
	[tilespmem:s21+$0x8000] =	vst v8;
	(pc) =	sbr.rel @p0 .LBB2_4-.Ltmp1, $4  }
0x295: {  	v5 =	vld.idx.msk [tilespmem:v14+s1+$0x0], $0xffff;
	[tilespmem:s21+$0x8080] =	vst v2  }
0x296: {  	v12 =	vadd.s32 v54, v0;
	v4 =	vld.idx.msk [tilespmem:v16+s1+$0x0], $0xffff;
	[tilespmem:s21+$0x8100] =	vst v13  }
0x297: {  	v11 =	vadd.s32 v55, v0;
	v10 =	vadd.s32 v56, v0;
	v3 =	vld.idx.msk [tilespmem:v18+s1+$0x0], $0xffff;
	[tilespmem:s21+$0x8180] =	vst v15  }
0x298: {  	s28 =	sadd.s32 $0x40, s28;
	v9 =	vadd.s32 v57, v0;
	v8 =	vadd.s32 v58, v0;
	v2 =	vld.idx.msk [tilespmem:v19+s1+$0x0], $0xffff;
	[tilespmem:s21+$0x8200] =	vst v17  }
0x299: {  	v1 =	vshll.u32 v1, $0x6  }
0x29a: {  	v13 =	vadd.s32 v20, v1;
	_ =	sdelay $0x3  }
0x29b: {  	v14 =	vld [tilespmem:$0x1FDD0]  }
0x29c: {  	v13 =	vld.idx.msk [tilespmem:v13+s1+$0x0], $0xffff;
	_ =	sdelay $0x4  }
0x29d: {  	v14 =	vadd.s32 v14, v1;
	[tilespmem:$0x1FA60] =	vst v13;
	v13 =	vld [tilespmem:$0x1FE10];
	_ =	sdelay $0x3  }
0x29e: {  	v15 =	vld [tilespmem:$0x1FDE0]  }
0x29f: {  	v18 =	vadd.s32 v13, v1;
	v13 =	vld.idx.msk [tilespmem:v14+s1+$0x0], $0xffff;
	_ =	sdelay $0x4  }
0x2a0: {  	v15 =	vadd.s32 v15, v1;
	[tilespmem:$0x1FA70] =	vst v13;
	v13 =	vld [tilespmem:$0x1FE20];
	_ =	sdelay $0x3  }
0x2a1: {  	v16 =	vld [tilespmem:$0x1FDF0]  }
0x2a2: {  	v19 =	vadd.s32 v13, v1;
	v13 =	vld.idx.msk [tilespmem:v15+s1+$0x0], $0xffff;
	_ =	sdelay $0x4  }
0x2a3: {  	v16 =	vadd.s32 v16, v1;
	[tilespmem:$0x1FA80] =	vst v13;
	v13 =	vld [tilespmem:$0x1FE30];
	_ =	sdelay $0x4  }
0x2a4: {  	v14 =	vadd.s32 v13, v1;
	v13 =	vld.idx.msk [tilespmem:v16+s1+$0x0], $0xffff;
	_ =	sdelay $0x2  }
0x2a5: {  	v17 =	vld [tilespmem:$0x1FE00];
	_ =	sdelay $0x1  }
0x2a6: {  	[tilespmem:$0x1FA90] =	vst v13;
	v13 =	vld [tilespmem:$0x1FE40];
	_ =	sdelay $0x2  }
0x2a7: {  	v17 =	vadd.s32 v17, v1;
	_ =	sdelay $0x1  }
0x2a8: {  	v15 =	vadd.s32 v13, v1;
	v13 =	vld [tilespmem:$0x1FA60];
	_ =	sdelay $0x1  }
0x2a9: {  	s28 =	sadd.s32 $0x80, s23  }
0x2aa: {  	s23 =	sand.u32 $0x3FFFFC00, s28;
	v17 =	vld.idx.msk [tilespmem:v17+s1+$0x0], $0xffff  }
0x2ab: {  	s23 =	sadd.s32 s26, s23;
	v18 =	vld.idx.msk [tilespmem:v18+s1+$0x0], $0xffff  }
0x2ac: {  	v19 =	vld.idx.msk [tilespmem:v19+s1+$0x0], $0xffff;
	[tilespmem:s23+$0x2E80] =	vst v13  }
0x2ad: {  	v13 =	vld [tilespmem:$0x1FE50];
	_ =	sdelay $0x4  }
0x2ae: {  	v16 =	vadd.s32 v13, v1;
	v13 =	vld.idx.msk [tilespmem:v14+s1+$0x0], $0xffff;
	_ =	sdelay $0x4  }
0x2af: {  	[tilespmem:$0x1FAA0] =	vst v13;
	v13 =	vld [tilespmem:$0x1FA70];
	_ =	sdelay $0x4  }
0x2b0: {  	[tilespmem:s23+$0x2F00] =	vst v13  }
0x2b1: {  	v13 =	vld [tilespmem:$0x1FE60];
	_ =	sdelay $0x4  }
0x2b2: {  	v14 =	vadd.s32 v13, v1;
	v13 =	vld.idx.msk [tilespmem:v15+s1+$0x0], $0xffff;
	_ =	sdelay $0x4  }
0x2b3: {  	[tilespmem:$0x1FAB0] =	vst v13;
	v13 =	vld [tilespmem:$0x1FA80];
	_ =	sdelay $0x4  }
0x2b4: {  	[tilespmem:s23+$0x2F80] =	vst v13  }
0x2b5: {  	v13 =	vld [tilespmem:$0x1FE70];
	_ =	sdelay $0x4  }
0x2b6: {  	v15 =	vadd.s32 v13, v1;
	v13 =	vld.idx.msk [tilespmem:v16+s1+$0x0], $0xffff;
	_ =	sdelay $0x4  }
0x2b7: {  	[tilespmem:$0x1FAC0] =	vst v13;
	v13 =	vld [tilespmem:$0x1FA90];
	_ =	sdelay $0x4  }
0x2b8: {  	[tilespmem:s23+$0x3000] =	vst v13  }
0x2b9: {  	v13 =	vld [tilespmem:$0x1FE80];
	_ =	sdelay $0x4  }
0x2ba: {  	v16 =	vadd.s32 v13, v1;
	v13 =	vld.idx.msk [tilespmem:v14+s1+$0x0], $0xffff;
	_ =	sdelay $0x4  }
0x2bb: {  	[tilespmem:$0x1FAD0] =	vst v13  }
0x2bc: {  	[tilespmem:s23+$0x3080] =	vst v17  }
0x2bd: {  	v13 =	vld [tilespmem:$0x1FE90];
	_ =	sdelay $0x4  }
0x2be: {  	v17 =	vadd.s32 v13, v1;
	v13 =	vld.idx.msk [tilespmem:v15+s1+$0x0], $0xffff;
	_ =	sdelay $0x4  }
0x2bf: {  	[tilespmem:$0x1FAE0] =	vst v13  }
0x2c0: {  	[tilespmem:s23+$0x3100] =	vst v18  }
0x2c1: {  	v13 =	vld [tilespmem:$0x1FEA0];
	_ =	sdelay $0x4  }
0x2c2: {  	v18 =	vadd.s32 v13, v1;
	v13 =	vld.idx.msk [tilespmem:v16+s1+$0x0], $0xffff;
	_ =	sdelay $0x4  }
0x2c3: {  	[tilespmem:$0x1FAF0] =	vst v13  }
0x2c4: {  	[tilespmem:s23+$0x3180] =	vst v19  }
0x2c5: {  	v13 =	vld [tilespmem:$0x1FEB0];
	_ =	sdelay $0x4  }
0x2c6: {  	v19 =	vadd.s32 v13, v1;
	v13 =	vld [tilespmem:$0x1FAA0];
	_ =	sdelay $0x1  }
0x2c7: {  	s25 =	sadd.s32 $0x10, s25  }
0x2c8: {  	s25 =	sor.u32 s28, s25  }
0x2c9: {  	s25 =	sor.u32 $0x380, s25  }
0x2ca: {  	v17 =	vld.idx.msk [tilespmem:v17+s1+$0x0], $0xffff;
	[tilespmem:s25+$0x2E80] =	vst v13  }
0x2cb: {  	v14 =	vld [tilespmem:$0x1FAB0];
	_ =	sdelay $0x1  }
0x2cc: {  	v13 =	vld [tilespmem:$0x1FEC0];
	_ =	sdelay $0x2  }
0x2cd: {  	v18 =	vld.idx.msk [tilespmem:v18+s1+$0x0], $0xffff;
	[tilespmem:s23+$0x3E80] =	vst v14  }
0x2ce: {  	v15 =	vld [tilespmem:$0x1FAC0]  }
0x2cf: {  	v13 =	vadd.s32 v13, v1;
	_ =	sdelay $0x2  }
0x2d0: {  	v14 =	vld [tilespmem:$0x1FED0]  }
0x2d1: {  	v19 =	vld.idx.msk [tilespmem:v19+s1+$0x0], $0xffff;
	[tilespmem:s23+$0x3F00] =	vst v15  }
0x2d2: {  	v13 =	vld.idx.msk [tilespmem:v13+s1+$0x0], $0xffff;
	_ =	sdelay $0x4  }
0x2d3: {  	[tilespmem:$0x1FB00] =	vst v13;
	v13 =	vld [tilespmem:$0x1FAD0];
	_ =	sdelay $0x4  }
0x2d4: {  	v15 =	vld [tilespmem:$0x1FEE0];
	[tilespmem:s23+$0x3F80] =	vst v13  }
0x2d5: {  	v14 =	vadd.s32 v14, v1;
	v13 =	vld [tilespmem:$0x1FEF0];
	_ =	sdelay $0x4  }
0x2d6: {  	v16 =	vadd.s32 v13, v1;
	v13 =	vld.idx.msk [tilespmem:v14+s1+$0x0], $0xffff;
	_ =	sdelay $0x4  }
0x2d7: {  	[tilespmem:$0x1FB10] =	vst v13;
	v13 =	vld [tilespmem:$0x1FAE0];
	_ =	sdelay $0x4  }
0x2d8: {  	[tilespmem:s23+$0x4000] =	vst v13  }
0x2d9: {  	v15 =	vadd.s32 v15, v1;
	v13 =	vld [tilespmem:$0x1FF00];
	_ =	sdelay $0x4  }
0x2da: {  	v14 =	vadd.s32 v13, v1;
	v13 =	vld.idx.msk [tilespmem:v15+s1+$0x0], $0xffff;
	_ =	sdelay $0x4  }
0x2db: {  	[tilespmem:$0x1FB20] =	vst v13;
	v13 =	vld [tilespmem:$0x1FAF0];
	_ =	sdelay $0x4  }
0x2dc: {  	[tilespmem:s23+$0x4080] =	vst v13  }
0x2dd: {  	v13 =	vld.idx.msk [tilespmem:v16+s1+$0x0], $0xffff;
	_ =	sdelay $0x4  }
0x2de: {  	[tilespmem:$0x1FB30] =	vst v13  }
0x2df: {  	[tilespmem:s23+$0x4100] =	vst v17  }
0x2e0: {  	v13 =	vld.idx.msk [tilespmem:v14+s1+$0x0], $0xffff;
	_ =	sdelay $0x1  }
0x2e1: {  	v15 =	vadd.s32 v28, v1;
	_ =	sdelay $0x2  }
0x2e2: {  	[tilespmem:$0x1FB40] =	vst v13  }
0x2e3: {  	[tilespmem:s23+$0x4180] =	vst v18  }
0x2e4: {  	v13 =	vld.idx.msk [tilespmem:v15+s1+$0x0], $0xffff;
	_ =	sdelay $0x1  }
0x2e5: {  	v17 =	vadd.s32 v21, v1;
	_ =	sdelay $0x2  }
0x2e6: {  	[tilespmem:$0x1FB50] =	vst v13  }
0x2e7: {  	[tilespmem:s23+$0x4200] =	vst v19  }
0x2e8: {  	v13 =	vld.idx.msk [tilespmem:v17+s1+$0x0], $0xffff;
	_ =	sdelay $0x4  }
0x2e9: {  	[tilespmem:$0x1FB60] =	vst v13;
	v13 =	vld [tilespmem:$0x1FB00];
	_ =	sdelay $0x4  }
0x2ea: {  	[tilespmem:s23+$0x4E80] =	vst v13  }
0x2eb: {  	v18 =	vadd.s32 v29, v1;
	v13 =	vld [tilespmem:$0x1FB10];
	_ =	sdelay $0x4  }
0x2ec: {  	v18 =	vld.idx.msk [tilespmem:v18+s1+$0x0], $0xffff;
	[tilespmem:s23+$0x4F00] =	vst v13  }
0x2ed: {  	v19 =	vadd.s32 v25, v1;
	v13 =	vld [tilespmem:$0x1FB20]  }
0x2ee: {  	v16 =	vadd.s32 v30, v1;
	_ =	sdelay $0x3  }
0x2ef: {  	v19 =	vld.idx.msk [tilespmem:v19+s1+$0x0], $0xffff;
	[tilespmem:s23+$0x4F80] =	vst v13  }
0x2f0: {  	v13 =	vld.idx.msk [tilespmem:v16+s1+$0x0], $0xffff;
	_ =	sdelay $0x4  }
0x2f1: {  	[tilespmem:$0x1FB70] =	vst v13;
	v13 =	vld [tilespmem:$0x1FB30]  }
0x2f2: {  	v17 =	vadd.s32 v22, v1;
	_ =	sdelay $0x3  }
0x2f3: {  	[tilespmem:s23+$0x5000] =	vst v13  }
0x2f4: {  	v13 =	vld.idx.msk [tilespmem:v17+s1+$0x0], $0xffff;
	_ =	sdelay $0x4  }
0x2f5: {  	[tilespmem:$0x1FB80] =	vst v13;
	v13 =	vld [tilespmem:$0x1FB40]  }
0x2f6: {  	v14 =	vadd.s32 v31, v1;
	_ =	sdelay $0x3  }
0x2f7: {  	[tilespmem:s23+$0x5080] =	vst v13  }
0x2f8: {  	v13 =	vld.idx.msk [tilespmem:v14+s1+$0x0], $0xffff;
	_ =	sdelay $0x4  }
0x2f9: {  	[tilespmem:$0x1FB90] =	vst v13;
	v13 =	vld [tilespmem:$0x1FB50];
	_ =	sdelay $0x4  }
0x2fa: {  	[tilespmem:s23+$0x5100] =	vst v13  }
0x2fb: {  	v15 =	vadd.s32 v26, v1;
	v13 =	vld [tilespmem:$0x1FB60]  }
0x2fc: {  	v16 =	vadd.s32 v32, v1;
	_ =	sdelay $0x3  }
0x2fd: {  	v15 =	vld.idx.msk [tilespmem:v15+s1+$0x0], $0xffff;
	[tilespmem:s23+$0x5180] =	vst v13  }
0x2fe: {  	v13 =	vld.idx.msk [tilespmem:v16+s1+$0x0], $0xffff;
	_ =	sdelay $0x1  }
0x2ff: {  	v14 =	vadd.s32 v23, v1;
	_ =	sdelay $0x2  }
0x300: {  	[tilespmem:$0x1FBA0] =	vst v13  }
0x301: {  	[tilespmem:s23+$0x5200] =	vst v18  }
0x302: {  	v13 =	vld.idx.msk [tilespmem:v14+s1+$0x0], $0xffff;
	_ =	sdelay $0x4  }
0x303: {  	[tilespmem:$0x1FBB0] =	vst v13  }
0x304: {  	[tilespmem:s23+$0x5E80] =	vst v19  }
0x305: {  	v17 =	vadd.s32 v33, v1;
	v13 =	vld [tilespmem:$0x1FB70];
	_ =	sdelay $0x4  }
0x306: {  	v17 =	vld.idx.msk [tilespmem:v17+s1+$0x0], $0xffff;
	[tilespmem:s23+$0x5F00] =	vst v13  }
0x307: {  	v18 =	vadd.s32 v27, v1;
	v13 =	vld [tilespmem:$0x1FB80];
	_ =	sdelay $0x4  }
0x308: {  	v18 =	vld.idx.msk [tilespmem:v18+s1+$0x0], $0xffff;
	[tilespmem:s23+$0x5F80] =	vst v13  }
0x309: {  	v19 =	vadd.s32 v34, v1;
	v14 =	vld [tilespmem:$0x1FB90]  }
0x30a: {  	v16 =	vadd.s32 v24, v1  }
0x30b: {  	v13 =	vadd.s32 v35, v1;
	_ =	sdelay $0x2  }
0x30c: {  	v19 =	vld.idx.msk [tilespmem:v19+s1+$0x0], $0xffff;
	[tilespmem:s23+$0x6000] =	vst v14  }
0x30d: {  	v16 =	vld.idx.msk [tilespmem:v16+s1+$0x0], $0xffff;
	[tilespmem:s23+$0x6080] =	vst v15  }
0x30e: {  	v13 =	vld.idx.msk [tilespmem:v13+s1+$0x0], $0xffff;
	_ =	sdelay $0x4  }
0x30f: {  	[tilespmem:$0x1FBC0] =	vst v13;
	v13 =	vld [tilespmem:$0x1FBA0]  }
0x310: {  	v14 =	vadd.s32 v36, v1;
	_ =	sdelay $0x3  }
0x311: {  	[tilespmem:s23+$0x6100] =	vst v13  }
0x312: {  	v14 =	vld.idx.msk [tilespmem:v14+s1+$0x0], $0xffff;
	_ =	sdelay $0x4  }
0x313: {  	[tilespmem:$0x1FBD0] =	vst v14;
	v14 =	vld [tilespmem:$0x1FBB0]  }
0x314: {  	v15 =	vadd.s32 v37, v1  }
0x315: {  	v13 =	vadd.s32 v38, v1;
	_ =	sdelay $0x2  }
0x316: {  	[tilespmem:s23+$0x6180] =	vst v14  }
0x317: {  	v15 =	vld.idx.msk [tilespmem:v15+s1+$0x0], $0xffff;
	[tilespmem:s23+$0x6200] =	vst v17  }
0x318: {  	v13 =	vld.idx.msk [tilespmem:v13+s1+$0x0], $0xffff;
	_ =	sdelay $0x1  }
0x319: {  	v14 =	vadd.s32 v39, v1;
	_ =	sdelay $0x2  }
0x31a: {  	[tilespmem:$0x1FBE0] =	vst v13  }
0x31b: {  	[tilespmem:s23+$0x6E80] =	vst v18  }
0x31c: {  	v13 =	vld.idx.msk [tilespmem:v14+s1+$0x0], $0xffff;
	_ =	sdelay $0x1  }
0x31d: {  	v17 =	vadd.s32 v40, v1;
	_ =	sdelay $0x2  }
0x31e: {  	[tilespmem:$0x1FBF0] =	vst v13  }
0x31f: {  	[tilespmem:s23+$0x6F00] =	vst v19  }
0x320: {  	v17 =	vld.idx.msk [tilespmem:v17+s1+$0x0], $0xffff;
	[tilespmem:s23+$0x6F80] =	vst v16  }
0x321: {  	v18 =	vadd.s32 v41, v1;
	v13 =	vld [tilespmem:$0x1FBC0];
	_ =	sdelay $0x4  }
0x322: {  	v18 =	vld.idx.msk [tilespmem:v18+s1+$0x0], $0xffff;
	[tilespmem:s23+$0x7000] =	vst v13  }
0x323: {  	v19 =	vadd.s32 v42, v1;
	v14 =	vld [tilespmem:$0x1FBD0]  }
0x324: {  	v16 =	vadd.s32 v43, v1  }
0x325: {  	v13 =	vadd.s32 v44, v1;
	_ =	sdelay $0x2  }
0x326: {  	v19 =	vld.idx.msk [tilespmem:v19+s1+$0x0], $0xffff;
	[tilespmem:s23+$0x7080] =	vst v14  }
0x327: {  	v16 =	vld.idx.msk [tilespmem:v16+s1+$0x0], $0xffff;
	[tilespmem:s23+$0x7100] =	vst v15  }
0x328: {  	v13 =	vld.idx.msk [tilespmem:v13+s1+$0x0], $0xffff;
	_ =	sdelay $0x4  }
0x329: {  	[tilespmem:$0x1FC00] =	vst v13;
	v13 =	vld [tilespmem:$0x1FBE0]  }
0x32a: {  	v14 =	vadd.s32 v45, v1;
	_ =	sdelay $0x3  }
0x32b: {  	[tilespmem:s23+$0x7180] =	vst v13  }
0x32c: {  	v14 =	vld.idx.msk [tilespmem:v14+s1+$0x0], $0xffff;
	_ =	sdelay $0x4  }
0x32d: {  	[tilespmem:$0x1FC10] =	vst v14;
	v14 =	vld [tilespmem:$0x1FBF0]  }
0x32e: {  	v15 =	vadd.s32 v46, v1  }
0x32f: {  	v13 =	vadd.s32 v47, v1;
	_ =	sdelay $0x1  }
0x330: {  	v12 =	vld.idx.msk [tilespmem:v12+s1+$0x0], $0xffff;
	[tilespmem:s21+$0x8E80] =	vst v7  }
0x331: {  	[tilespmem:s23+$0x7200] =	vst v14;
	v14 =	vadd.s32 v48, v1  }
0x332: {  	v15 =	vld.idx.msk [tilespmem:v15+s1+$0x0], $0xffff;
	[tilespmem:s23+$0x7E80] =	vst v17;
	v17 =	vadd.s32 v49, v1  }
0x333: {  	v13 =	vld.idx.msk [tilespmem:v13+s1+$0x0], $0xffff;
	[tilespmem:s23+$0x7F00] =	vst v18;
	v18 =	vadd.s32 v50, v1  }
0x334: {  	v11 =	vld.idx.msk [tilespmem:v11+s1+$0x0], $0xffff;
	[tilespmem:s21+$0x8F00] =	vst v6  }
0x335: {  	v10 =	vld.idx.msk [tilespmem:v10+s1+$0x0], $0xffff  }
0x336: {  	v7 =	vld.idx.msk [tilespmem:v14+s1+$0x0], $0xffff;
	[tilespmem:s23+$0x7F80] =	vst v19  }
0x337: {  	v6 =	vld.idx.msk [tilespmem:v17+s1+$0x0], $0xffff;
	[tilespmem:s23+$0x8000] =	vst v16  }
0x338: {  	[tilespmem:s21+$0x8F80] =	vst v5;
	v17 =	vld.idx.msk [tilespmem:v18+s1+$0x0], $0xffff  }
0x339: {  	v18 =	vld [tilespmem:$0x1FC00];
	_ =	sdelay $0x3  }
0x33a: {  	v5 =	vadd.s32 v59, v0;
	v9 =	vld.idx.msk [tilespmem:v9+s1+$0x0], $0xffff;
	[tilespmem:s21+$0x9000] =	vst v4  }
0x33b: {  	v4 =	vadd.s32 v60, v0;
	[tilespmem:s23+$0x8080] =	vst v18  }
0x33c: {  	v14 =	vadd.s32 v51, v1;
	v19 =	vld [tilespmem:$0x1FC10]  }
0x33d: {  	v8 =	vld.idx.msk [tilespmem:v8+s1+$0x0], $0xffff;
	[tilespmem:s21+$0x9080] =	vst v3;
	v3 =	vadd.s32 v61, v0  }
0x33e: {  	v16 =	vadd.s32 v52, v1  }
0x33f: {  	v5 =	vld.idx.msk [tilespmem:v5+s1+$0x0], $0xffff;
	[tilespmem:s21+$0x9100] =	vst v2;
	v2 =	vadd.s32 v62, v0  }
0x340: {  	v18 =	vadd.s32 v53, v1;
	v4 =	vld.idx.msk [tilespmem:v4+s1+$0x0], $0xffff;
	[tilespmem:s21+$0x9180] =	vst v12  }
0x341: {  	v14 =	vld.idx.msk [tilespmem:v14+s1+$0x0], $0xffff;
	v0 =	vadd.s32 v63, v0;
	[tilespmem:s23+$0x8100] =	vst v19  }
0x342: {  	v3 =	vld.idx.msk [tilespmem:v3+s1+$0x0], $0xffff;
	[tilespmem:s21+$0x9200] =	vst v11  }
0x343: {  	v16 =	vld.idx.msk [tilespmem:v16+s1+$0x0], $0xffff;
	[tilespmem:s23+$0x8180] =	vst v15  }
0x344: {  	v19 =	vadd.s32 v54, v1;
	v2 =	vld.idx.msk [tilespmem:v2+s1+$0x0], $0xffff;
	[tilespmem:s21+$0x9E80] =	vst v10  }
0x345: {  	v15 =	vadd.s32 v55, v1;
	v18 =	vld.idx.msk [tilespmem:v18+s1+$0x0], $0xffff;
	[tilespmem:s23+$0x8200] =	vst v13  }
0x346: {  	v13 =	vadd.s32 v56, v1;
	v0 =	vld.idx.msk [tilespmem:v0+s1+$0x0], $0xffff;
	[tilespmem:s21+$0x9F00] =	vst v9  }
0x347: {  	[tilespmem:s21+$0x9F80] =	vst v8  }
0x348: {  	[tilespmem:s21+$0xA000] =	vst v5  }
0x349: {  	v12 =	vld.idx.msk [tilespmem:v19+s1+$0x0], $0xffff;
	[tilespmem:s23+$0x8E80] =	vst v7;
	v7 =	vadd.s32 v57, v1  }
0x34a: {  	v11 =	vld.idx.msk [tilespmem:v15+s1+$0x0], $0xffff;
	[tilespmem:s23+$0x8F00] =	vst v6;
	v6 =	vadd.s32 v58, v1  }
0x34b: {  	[tilespmem:s21+$0xA080] =	vst v4;
	v10 =	vld.idx.msk [tilespmem:v13+s1+$0x0], $0xffff;
	v13 =	vadd.s32 v59, v1  }
0x34c: {  	[tilespmem:s21+$0xA100] =	vst v3  }
0x34d: {  	[tilespmem:s23+$0x8F80] =	vst v17  }
0x34e: {  	v9 =	vadd.s32 v60, v1;
	v7 =	vld.idx.msk [tilespmem:v7+s1+$0x0], $0xffff;
	[tilespmem:s23+$0x9000] =	vst v14  }
0x34f: {  	v8 =	vadd.s32 v61, v1;
	v6 =	vld.idx.msk [tilespmem:v6+s1+$0x0], $0xffff;
	[tilespmem:s23+$0x9080] =	vst v16  }
0x350: {  	[tilespmem:s21+$0xA180] =	vst v2;
	v5 =	vld.idx.msk [tilespmem:v13+s1+$0x0], $0xffff;
	v13 =	vadd.s32 v62, v1  }
0x351: {  	[tilespmem:s21+$0xA200] =	vst v0;
	v1 =	vadd.s32 v63, v1  }
0x352: {  	[tilespmem:s23+$0x9100] =	vst v18  }
0x353: {  	v4 =	vld.idx.msk [tilespmem:v9+s1+$0x0], $0xffff;
	[tilespmem:s23+$0x9180] =	vst v12  }
0x354: {  	v3 =	vld.idx.msk [tilespmem:v8+s1+$0x0], $0xffff;
	[tilespmem:s23+$0x9200] =	vst v11  }
0x355: {  	v2 =	vld.idx.msk [tilespmem:v13+s1+$0x0], $0xffff;
	[tilespmem:s23+$0x9E80] =	vst v10  }
0x356: {  	v0 =	vld.idx.msk [tilespmem:v1+s1+$0x0], $0xffff;
	[tilespmem:s23+$0x9F00] =	vst v7  }
0x357: {  	[tilespmem:s23+$0x9F80] =	vst v6  }
0x358: {  	[tilespmem:s23+$0xA000] =	vst v5  }
0x359: {  	[tilespmem:s23+$0xA080] =	vst v4  }
0x35a: {  	[tilespmem:s23+$0xA100] =	vst v3  }
0x35b: {  	[tilespmem:s23+$0xA180] =	vst v2  }
0x35c: {  	s26 =	simm.s32 $0x3280;
	s21 =	simm.s32 $0x0;
	[tilespmem:s23+$0xA200] =	vst v0  }
0x35d: {  	[hbm4b:s6+s21] =	stream.linear.scatter [tilespmem:s26], [sflag:$0x1], $0x400, $0x38;
	[tilespmem:$0xAE80] =	vst v63  }
0x35e: {  	s29 =	sadd.s32 $0x4000, s6;
	s30 =	simm.s32 $0x4280  }
0x35f: {  	[hbm4b:s29+s21] =	stream.linear.scatter [tilespmem:s30], [sflag:$0x1], $0x400, $0x38;
	[tilespmem:$0xAE80] =	vst v63  }
0x360: {  	s25 =	sadd.s32 $0x8000, s6;
	s26 =	simm.s32 $0x5280  }
0x361: {  	[hbm4b:s25+s21] =	stream.linear.scatter [tilespmem:s26], [sflag:$0x1], $0x400, $0x38;
	[tilespmem:$0xAE80] =	vst v63  }
0x362: {  	s29 =	sadd.s32 $0xC000, s6;
	s30 =	simm.s32 $0x6280  }
0x363: {  	[hbm4b:s29+s21] =	stream.linear.scatter [tilespmem:s30], [sflag:$0x1], $0x400, $0x38;
	[tilespmem:$0xAE80] =	vst v63  }
0x364: {  	s25 =	sadd.s32 $0x10000, s6;
	s26 =	simm.s32 $0x7280  }
0x365: {  	[hbm4b:s25+s21] =	stream.linear.scatter [tilespmem:s26], [sflag:$0x1], $0x400, $0x38;
	[tilespmem:$0xAE80] =	vst v63  }
0x366: {  	s29 =	sadd.s32 $0x14000, s6;
	s30 =	simm.s32 $0x8280  }
0x367: {  	[hbm4b:s29+s21] =	stream.linear.scatter [tilespmem:s30], [sflag:$0x1], $0x400, $0x38;
	[tilespmem:$0xAE80] =	vst v63  }
0x368: {  	s25 =	sadd.s32 $0x18000, s6;
	s26 =	simm.s32 $0x9280  }
0x369: {  	[hbm4b:s25+s21] =	stream.linear.scatter [tilespmem:s26], [sflag:$0x1], $0x400, $0x38;
	[tilespmem:$0xAE80] =	vst v63  }
0x36a: {  	s29 =	sadd.s32 $0x1C000, s6;
	s30 =	simm.s32 $0xA280;
	s26 =	simm.s32 $0x0  }
0x36b: {  	[hbm4b:s29+s21] =	stream.linear.scatter [tilespmem:s30], [sflag:$0x1], $0x400, $0x38;
	[tilespmem:$0xAE80] =	vst v63  }
0x36c: {  	v0 =	vld [tilespmem:s26+$0x2D80]  }
0x36d: {  	v1 =	vld [tilespmem:$0x1FF10]  }
0x36e: {  	v2 =	vld [tilespmem:$0x1FDD0]  }
0x36f: {  	v3 =	vld [tilespmem:$0x1FDE0]  }
0x370: {  	v4 =	vld [tilespmem:$0x1FDF0]  }
0x371: {  	v5 =	vld [tilespmem:$0x1FE00];
	v0 =	vshll.u32 v0, $0x6  }
0x372: {  	v6 =	vld [tilespmem:$0x1FE10];
	v1 =	vadd.s32 v1, v0  }
0x373: {  	v7 =	vld [tilespmem:$0x1FE20];
	v2 =	vadd.s32 v2, v0  }
0x374: {  	v8 =	vld [tilespmem:$0x1FE30];
	v3 =	vadd.s32 v3, v0  }
0x375: {  	v9 =	vld [tilespmem:$0x1FE40];
	v4 =	vadd.s32 v4, v0  }
0x376: {  	v10 =	vld [tilespmem:$0x1FE50];
	v5 =	vadd.s32 v5, v0  }
0x377: {  	v6 =	vadd.s32 v6, v0;
	v1 =	vld.idx.msk [tilespmem:v1+s1+$0x0], $0xffff  }
0x378: {  	v7 =	vadd.s32 v7, v0;
	v2 =	vld.idx.msk [tilespmem:v2+s1+$0x0], $0xffff  }
0x379: {  	v8 =	vadd.s32 v8, v0;
	v3 =	vld.idx.msk [tilespmem:v3+s1+$0x0], $0xffff  }
0x37a: {  	s23 =	simm.s32 $0x800;
	v4 =	vld.idx.msk [tilespmem:v4+s1+$0x0], $0xffff  }
0x37b: {  	s29 =	sand.u32 $0x3FFFFC00, s23;
	v5 =	vld.idx.msk [tilespmem:v5+s1+$0x0], $0xffff  }
0x37c: {  	s21 =	sadd.s32 $0x0, s29;
	v6 =	vld.idx.msk [tilespmem:v6+s1+$0x0], $0xffff  }
0x37d: {  	v7 =	vld.idx.msk [tilespmem:v7+s1+$0x0], $0xffff;
	[tilespmem:s21+$0x2E80] =	vst v1  }
0x37e: {  	v1 =	vld.idx.msk [tilespmem:v8+s1+$0x0], $0xffff  }
0x37f: {  	v8 =	vld [tilespmem:$0x1FE60]  }
0x380: {  	v9 =	vadd.s32 v9, v0;
	_ =	sdelay $0x1  }
0x381: {  	v10 =	vadd.s32 v10, v0;
	_ =	sdelay $0x1  }
0x382: {  	[tilespmem:s21+$0x2F00] =	vst v2;
	v8 =	vadd.s32 v8, v0  }
0x383: {  	v2 =	vld.idx.msk [tilespmem:v9+s1+$0x0], $0xffff  }
0x384: {  	v9 =	vld [tilespmem:$0x1FE70];
	[tilespmem:s21+$0x2F80] =	vst v3  }
0x385: {  	v3 =	vld.idx.msk [tilespmem:v10+s1+$0x0], $0xffff  }
0x386: {  	v10 =	vld [tilespmem:$0x1FE80];
	[tilespmem:s21+$0x3000] =	vst v4  }
0x387: {  	v4 =	vld.idx.msk [tilespmem:v8+s1+$0x0], $0xffff  }
0x388: {  	v8 =	vld [tilespmem:$0x1FE90]  }
0x389: {  	v9 =	vadd.s32 v9, v0;
	_ =	sdelay $0x1  }
0x38a: {  	v10 =	vadd.s32 v10, v0;
	_ =	sdelay $0x1  }
0x38b: {  	[tilespmem:s21+$0x3080] =	vst v5;
	v8 =	vadd.s32 v8, v0  }
0x38c: {  	v5 =	vld.idx.msk [tilespmem:v9+s1+$0x0], $0xffff  }
0x38d: {  	v9 =	vld [tilespmem:$0x1FEA0];
	[tilespmem:s21+$0x3100] =	vst v6  }
0x38e: {  	v6 =	vld.idx.msk [tilespmem:v10+s1+$0x0], $0xffff  }
0x38f: {  	v10 =	vld [tilespmem:$0x1FEB0];
	[tilespmem:s21+$0x3180] =	vst v7  }
0x390: {  	v7 =	vld.idx.msk [tilespmem:v8+s1+$0x0], $0xffff  }
0x391: {  	v8 =	vld [tilespmem:$0x1FEC0]  }
0x392: {  	v9 =	vadd.s32 v9, v0  }
0x393: {  	s25 =	simm.s32 $0x100  }
0x394: {  	s30 =	sor.u32 s23, s25;
	v10 =	vadd.s32 v10, v0  }
0x395: {  	s26 =	sor.u32 $0x380, s30  }
0x396: {  	[tilespmem:s26+$0x2E80] =	vst v1;
	v8 =	vadd.s32 v8, v0  }
0x397: {  	v1 =	vld.idx.msk [tilespmem:v9+s1+$0x0], $0xffff  }
0x398: {  	v9 =	vld [tilespmem:$0x1FED0];
	[tilespmem:s21+$0x3E80] =	vst v2  }
0x399: {  	v2 =	vld.idx.msk [tilespmem:v10+s1+$0x0], $0xffff  }
0x39a: {  	v10 =	vld [tilespmem:$0x1FEE0];
	[tilespmem:s21+$0x3F00] =	vst v3  }
0x39b: {  	v3 =	vld.idx.msk [tilespmem:v8+s1+$0x0], $0xffff  }
0x39c: {  	v8 =	vld [tilespmem:$0x1FEF0]  }
0x39d: {  	v9 =	vadd.s32 v9, v0;
	_ =	sdelay $0x1  }
0x39e: {  	v10 =	vadd.s32 v10, v0;
	_ =	sdelay $0x1  }
0x39f: {  	[tilespmem:s21+$0x3F80] =	vst v4;
	v8 =	vadd.s32 v8, v0  }
0x3a0: {  	v4 =	vld.idx.msk [tilespmem:v9+s1+$0x0], $0xffff  }
0x3a1: {  	v9 =	vld [tilespmem:$0x1FF00];
	[tilespmem:s21+$0x4000] =	vst v5  }
0x3a2: {  	v5 =	vld.idx.msk [tilespmem:v10+s1+$0x0], $0xffff  }
0x3a3: {  	v10 =	vld [tilespmem:$0x1FF20];
	[tilespmem:s21+$0x4080] =	vst v6  }
0x3a4: {  	v6 =	vld.idx.msk [tilespmem:v8+s1+$0x0], $0xffff  }
0x3a5: {  	v8 =	vld [tilespmem:$0x1FF30]  }
0x3a6: {  	v9 =	vadd.s32 v9, v0;
	_ =	sdelay $0x1  }
0x3a7: {  	v10 =	vadd.s32 v10, v0;
	_ =	sdelay $0x1  }
0x3a8: {  	[tilespmem:s21+$0x4100] =	vst v7;
	v8 =	vadd.s32 v8, v0  }
0x3a9: {  	v7 =	vld.idx.msk [tilespmem:v9+s1+$0x0], $0xffff  }
0x3aa: {  	v9 =	vld [tilespmem:$0x1FF40];
	[tilespmem:s21+$0x4180] =	vst v1  }
0x3ab: {  	v1 =	vld.idx.msk [tilespmem:v10+s1+$0x0], $0xffff  }
0x3ac: {  	v10 =	vld [tilespmem:$0x1FF50];
	[tilespmem:s21+$0x4200] =	vst v2  }
0x3ad: {  	v2 =	vld.idx.msk [tilespmem:v8+s1+$0x0], $0xffff  }
0x3ae: {  	v8 =	vld [tilespmem:$0x1FF60]  }
0x3af: {  	v9 =	vadd.s32 v9, v0;
	_ =	sdelay $0x1  }
0x3b0: {  	v10 =	vadd.s32 v10, v0;
	_ =	sdelay $0x1  }
0x3b1: {  	[tilespmem:s21+$0x4E80] =	vst v3;
	v8 =	vadd.s32 v8, v0  }
0x3b2: {  	v3 =	vld.idx.msk [tilespmem:v9+s1+$0x0], $0xffff  }
0x3b3: {  	v9 =	vld [tilespmem:$0x1FF70];
	[tilespmem:s21+$0x4F00] =	vst v4  }
0x3b4: {  	v4 =	vld.idx.msk [tilespmem:v10+s1+$0x0], $0xffff  }
0x3b5: {  	v10 =	vld [tilespmem:$0x1FF80];
	[tilespmem:s21+$0x4F80] =	vst v5  }
0x3b6: {  	v5 =	vld.idx.msk [tilespmem:v8+s1+$0x0], $0xffff  }
0x3b7: {  	v8 =	vld [tilespmem:$0x1FF90]  }
0x3b8: {  	v9 =	vadd.s32 v9, v0;
	_ =	sdelay $0x1  }
0x3b9: {  	v10 =	vadd.s32 v10, v0;
	_ =	sdelay $0x1  }
0x3ba: {  	[tilespmem:s21+$0x5000] =	vst v6;
	v8 =	vadd.s32 v8, v0  }
0x3bb: {  	v6 =	vld.idx.msk [tilespmem:v9+s1+$0x0], $0xffff  }
0x3bc: {  	v9 =	vld [tilespmem:$0x1FFA0];
	[tilespmem:s21+$0x5080] =	vst v7  }
0x3bd: {  	v7 =	vld.idx.msk [tilespmem:v10+s1+$0x0], $0xffff  }
0x3be: {  	v10 =	vld [tilespmem:$0x1FFB0];
	[tilespmem:s21+$0x5100] =	vst v1  }
0x3bf: {  	v1 =	vld.idx.msk [tilespmem:v8+s1+$0x0], $0xffff  }
0x3c0: {  	v8 =	vld [tilespmem:$0x1FFC0]  }
0x3c1: {  	v9 =	vadd.s32 v9, v0;
	_ =	sdelay $0x1  }
0x3c2: {  	v10 =	vadd.s32 v10, v0;
	_ =	sdelay $0x1  }
0x3c3: {  	[tilespmem:s21+$0x5180] =	vst v2;
	v8 =	vadd.s32 v8, v0  }
0x3c4: {  	v2 =	vld.idx.msk [tilespmem:v9+s1+$0x0], $0xffff  }
0x3c5: {  	v9 =	vld [tilespmem:$0x1FFD0];
	[tilespmem:s21+$0x5200] =	vst v3  }
0x3c6: {  	v3 =	vld.idx.msk [tilespmem:v10+s1+$0x0], $0xffff  }
0x3c7: {  	v10 =	vld [tilespmem:$0x1FFE0];
	[tilespmem:s21+$0x5E80] =	vst v4  }
0x3c8: {  	v4 =	vld.idx.msk [tilespmem:v8+s1+$0x0], $0xffff  }
0x3c9: {  	v8 =	vld [tilespmem:$0x1FFF0]  }
0x3ca: {  	v9 =	vadd.s32 v9, v0;
	_ =	sdelay $0x2  }
0x3cb: {  	v10 =	vadd.s32 v10, v0  }
0x3cc: {  	[tilespmem:s21+$0x5F00] =	vst v5;
	v8 =	vadd.s32 v8, v0  }
0x3cd: {  	v5 =	vld.idx.msk [tilespmem:v9+s1+$0x0], $0xffff;
	v9 =	vadd.s32 v35, v0;
	_ =	sdelay $0x1  }
0x3ce: {  	[tilespmem:s21+$0x5F80] =	vst v6  }
0x3cf: {  	v6 =	vld.idx.msk [tilespmem:v10+s1+$0x0], $0xffff;
	v10 =	vadd.s32 v36, v0;
	[tilespmem:s21+$0x6000] =	vst v7  }
0x3d0: {  	v7 =	vld.idx.msk [tilespmem:v8+s1+$0x0], $0xffff;
	v8 =	vadd.s32 v37, v0;
	[tilespmem:s21+$0x6080] =	vst v1  }
0x3d1: {  	v1 =	vld.idx.msk [tilespmem:v9+s1+$0x0], $0xffff;
	v9 =	vadd.s32 v38, v0;
	_ =	sdelay $0x1  }
0x3d2: {  	[tilespmem:s21+$0x6100] =	vst v2  }
0x3d3: {  	v2 =	vld.idx.msk [tilespmem:v10+s1+$0x0], $0xffff;
	v10 =	vadd.s32 v39, v0;
	[tilespmem:s21+$0x6180] =	vst v3  }
0x3d4: {  	v3 =	vld.idx.msk [tilespmem:v8+s1+$0x0], $0xffff;
	v8 =	vadd.s32 v40, v0;
	[tilespmem:s21+$0x6200] =	vst v4  }
0x3d5: {  	v4 =	vld.idx.msk [tilespmem:v9+s1+$0x0], $0xffff;
	v9 =	vadd.s32 v41, v0;
	_ =	sdelay $0x1  }
0x3d6: {  	[tilespmem:s21+$0x6E80] =	vst v5  }
0x3d7: {  	v5 =	vld.idx.msk [tilespmem:v10+s1+$0x0], $0xffff;
	v10 =	vadd.s32 v42, v0;
	[tilespmem:s21+$0x6F00] =	vst v6  }
0x3d8: {  	v6 =	vld.idx.msk [tilespmem:v8+s1+$0x0], $0xffff;
	v8 =	vadd.s32 v43, v0;
	[tilespmem:s21+$0x6F80] =	vst v7  }
0x3d9: {  	v7 =	vld.idx.msk [tilespmem:v9+s1+$0x0], $0xffff;
	v9 =	vadd.s32 v44, v0;
	_ =	sdelay $0x1  }
0x3da: {  	[tilespmem:s21+$0x7000] =	vst v1  }
0x3db: {  	v1 =	vld.idx.msk [tilespmem:v10+s1+$0x0], $0xffff;
	v10 =	vadd.s32 v45, v0;
	[tilespmem:s21+$0x7080] =	vst v2  }
0x3dc: {  	v2 =	vld.idx.msk [tilespmem:v8+s1+$0x0], $0xffff;
	v8 =	vadd.s32 v46, v0;
	[tilespmem:s21+$0x7100] =	vst v3  }
0x3dd: {  	v3 =	vld.idx.msk [tilespmem:v9+s1+$0x0], $0xffff;
	v9 =	vadd.s32 v47, v0  }
0x3de: {  	[tilespmem:s21+$0x7180] =	vst v4;
	v4 =	vadd.s32 v48, v0;
	_ =	sdelay $0x1  }
0x3df: {  	v10 =	vld.idx.msk [tilespmem:v10+s1+$0x0], $0xffff;
	[tilespmem:s21+$0x7200] =	vst v5  }
0x3e0: {  	v5 =	vadd.s32 v49, v0;
	v8 =	vld.idx.msk [tilespmem:v8+s1+$0x0], $0xffff;
	[tilespmem:s21+$0x7E80] =	vst v6  }
0x3e1: {  	v13 =	vld.idx.msk [tilespmem:v9+s1+$0x0], $0xffff;
	v9 =	vadd.s32 v50, v0;
	[tilespmem:s21+$0x7F00] =	vst v7  }
0x3e2: {  	v7 =	vld.idx.msk [tilespmem:v4+s1+$0x0], $0xffff;
	v4 =	vadd.s32 v51, v0  }
0x3e3: {  	[tilespmem:s21+$0x7F80] =	vst v1;
	v1 =	vadd.s32 v52, v0;
	_ =	sdelay $0x1  }
0x3e4: {  	v6 =	vld.idx.msk [tilespmem:v5+s1+$0x0], $0xffff;
	[tilespmem:s21+$0x8000] =	vst v2;
	v2 =	vadd.s32 v53, v0  }
0x3e5: {  	v5 =	vld.idx.msk [tilespmem:v9+s1+$0x0], $0xffff;
	[tilespmem:s21+$0x8080] =	vst v3  }
0x3e6: {  	v4 =	vld.idx.msk [tilespmem:v4+s1+$0x0], $0xffff;
	[tilespmem:s21+$0x8100] =	vst v10  }
0x3e7: {  	v12 =	vadd.s32 v54, v0;
	s26 =	simm.s32 $0x10;
	v3 =	vld.idx.msk [tilespmem:v1+s1+$0x0], $0xffff  }
0x3e8: {  	v11 =	vadd.s32 v55, v0;
	v9 =	vadd.s32 v57, v0;
	[tilespmem:s21+$0x8180] =	vst v8;
	v1 =	vld [tilespmem:s26+$0x2D80]  }
0x3e9: {  	s28 =	simm.s32 $0x80;
	v10 =	vadd.s32 v56, v0;
	v8 =	vadd.s32 v58, v0;
	v2 =	vld.idx.msk [tilespmem:v2+s1+$0x0], $0xffff;
	[tilespmem:s21+$0x8200] =	vst v13  }
.LBB2_6:
0x3ea: {  	_ =	sdelay $0x1  }
0x3eb: {  	v12 =	vld.idx.msk [tilespmem:v12+s1+$0x0], $0xffff;
	[tilespmem:s21+$0x8E80] =	vst v7  }
0x3ec: {  	v11 =	vld.idx.msk [tilespmem:v11+s1+$0x0], $0xffff;
	[tilespmem:s21+$0x8F00] =	vst v6  }
0x3ed: {  	v10 =	vld.idx.msk [tilespmem:v10+s1+$0x0], $0xffff;
	[tilespmem:s21+$0x8F80] =	vst v5  }
0x3ee: {  	v7 =	vadd.s32 v59, v0;
	v9 =	vld.idx.msk [tilespmem:v9+s1+$0x0], $0xffff;
	[tilespmem:s21+$0x9000] =	vst v4  }
0x3ef: {  	v6 =	vadd.s32 v60, v0;
	v5 =	vadd.s32 v61, v0;
	v8 =	vld.idx.msk [tilespmem:v8+s1+$0x0], $0xffff  }
0x3f0: {  	v4 =	vadd.s32 v62, v0;
	[tilespmem:s21+$0x9080] =	vst v3;
	v3 =	vadd.s32 v63, v0;
	v0 =	vshll.u32 v1, $0x6;
	v1 =	vld [tilespmem:$0x1FDD0];
	_ =	sdelay $0x2  }
0x3f1: {  	v7 =	vld.idx.msk [tilespmem:v7+s1+$0x0], $0xffff;
	[tilespmem:s21+$0x9100] =	vst v2  }
0x3f2: {  	v6 =	vld.idx.msk [tilespmem:v6+s1+$0x0], $0xffff  }
0x3f3: {  	[tilespmem:s21+$0x9180] =	vst v12;
	v12 =	vadd.s32 v1, v0;
	v1 =	vld [tilespmem:$0x1FDE0];
	_ =	sdelay $0x3  }
0x3f4: {  	v5 =	vld.idx.msk [tilespmem:v5+s1+$0x0], $0xffff  }
0x3f5: {  	[tilespmem:s21+$0x9200] =	vst v11;
	v11 =	vadd.s32 v1, v0;
	v1 =	vld [tilespmem:$0x1FDF0];
	_ =	sdelay $0x1  }
0x3f6: {  	v2 =	vadd.s32 v20, v0;
	v4 =	vld.idx.msk [tilespmem:v4+s1+$0x0], $0xffff;
	[tilespmem:s21+$0x9E80] =	vst v10  }
0x3f7: {  	v3 =	vld.idx.msk [tilespmem:v3+s1+$0x0], $0xffff  }
0x3f8: {  	s29 =	sshra.s32 s28, $0x2;
	[tilespmem:s21+$0x9F00] =	vst v9;
	v9 =	vld [tilespmem:$0x1FE00]  }
0x3f9: {  	v10 =	vadd.s32 v1, v0;
	v1 =	vld [tilespmem:s29+$0x2D80]  }
0x3fa: {  	[tilespmem:s21+$0x9F80] =	vst v8;
	v8 =	vld [tilespmem:$0x1FE10]  }
0x3fb: {  	v2 =	vld.idx.msk [tilespmem:v2+s1+$0x0], $0xffff;
	[tilespmem:s21+$0xA000] =	vst v7  }
0x3fc: {  	v7 =	vld.idx.msk [tilespmem:v12+s1+$0x0], $0xffff  }
0x3fd: {  	v9 =	vadd.s32 v9, v0;
	v12 =	vld [tilespmem:$0x1FE20];
	[tilespmem:s21+$0xA080] =	vst v6  }
0x3fe: {  	v6 =	vld.idx.msk [tilespmem:v11+s1+$0x0], $0xffff  }
0x3ff: {  	v11 =	vld [tilespmem:$0x1FE30];
	[tilespmem:s21+$0xA100] =	vst v5;
	v8 =	vadd.s32 v8, v0  }
0x400: {  	v5 =	vld.idx.msk [tilespmem:v10+s1+$0x0], $0xffff  }
0x401: {  	v10 =	vld [tilespmem:$0x1FE40];
	[tilespmem:s21+$0xA180] =	vst v4  }
0x402: {  	v4 =	vld.idx.msk [tilespmem:v9+s1+$0x0], $0xffff;
	v12 =	vadd.s32 v12, v0  }
0x403: {  	v9 =	vld [tilespmem:$0x1FE50];
	[tilespmem:s21+$0xA200] =	vst v3  }
0x404: {  	v11 =	vadd.s32 v11, v0;
	v3 =	vld.idx.msk [tilespmem:v8+s1+$0x0], $0xffff  }
0x405: {  	s23 =	sadd.s32 $0x80, s23;
	v8 =	vld [tilespmem:$0x1FE60]  }
0x406: {  	s30 =	sand.u32 $0x3FFFFC00, s23;
	v10 =	vadd.s32 v10, v0  }
0x407: {  	s21 =	sadd.s32 s26, s30;
	v12 =	vld.idx.msk [tilespmem:v12+s1+$0x0], $0xffff  }
0x408: {  	v9 =	vadd.s32 v9, v0;
	[tilespmem:s21+$0x2E80] =	vst v2;
	v2 =	vld [tilespmem:$0x1FE70]  }
0x409: {  	v11 =	vld.idx.msk [tilespmem:v11+s1+$0x0], $0xffff  }
0x40a: {  	[tilespmem:s21+$0x2F00] =	vst v7;
	v7 =	vld [tilespmem:$0x1FE80];
	v8 =	vadd.s32 v8, v0  }
0x40b: {  	v10 =	vld.idx.msk [tilespmem:v10+s1+$0x0], $0xffff  }
0x40c: {  	[tilespmem:s21+$0x2F80] =	vst v6;
	v6 =	vld [tilespmem:$0x1FE90]  }
0x40d: {  	v9 =	vld.idx.msk [tilespmem:v9+s1+$0x0], $0xffff;
	v2 =	vadd.s32 v2, v0  }
0x40e: {  	[tilespmem:s21+$0x3000] =	vst v5;
	v5 =	vld [tilespmem:$0x1FEA0]  }
0x40f: {  	v7 =	vadd.s32 v7, v0;
	v8 =	vld.idx.msk [tilespmem:v8+s1+$0x0], $0xffff  }
0x410: {  	[tilespmem:s21+$0x3080] =	vst v4;
	v4 =	vld [tilespmem:$0x1FEB0]  }
0x411: {  	v6 =	vadd.s32 v6, v0  }
0x412: {  	v2 =	vld.idx.msk [tilespmem:v2+s1+$0x0], $0xffff  }
0x413: {  	v5 =	vadd.s32 v5, v0;
	[tilespmem:s21+$0x3100] =	vst v3;
	v3 =	vld [tilespmem:$0x1FEC0]  }
0x414: {  	s25 =	sadd.s32 $0x10, s25;
	v7 =	vld.idx.msk [tilespmem:v7+s1+$0x0], $0xffff  }
0x415: {  	s30 =	sor.u32 s23, s25;
	[tilespmem:s21+$0x3180] =	vst v12;
	v12 =	vld [tilespmem:$0x1FED0];
	v4 =	vadd.s32 v4, v0  }
0x416: {  	s26 =	smov.u32 s29;
	s29 =	sor.u32 $0x380, s30;
	v6 =	vld.idx.msk [tilespmem:v6+s1+$0x0], $0xffff  }
0x417: {  	[tilespmem:s29+$0x2E80] =	vst v11;
	v11 =	vld [tilespmem:$0x1FEE0]  }
0x418: {  	v5 =	vld.idx.msk [tilespmem:v5+s1+$0x0], $0xffff  }
0x419: {  	[tilespmem:s21+$0x3E80] =	vst v10;
	v10 =	vld [tilespmem:$0x1FEF0]  }
0x41a: {  	v4 =	vld.idx.msk [tilespmem:v4+s1+$0x0], $0xffff  }
0x41b: {  	[tilespmem:s21+$0x3F00] =	vst v9;
	v9 =	vld [tilespmem:$0x1FF00]  }
0x41c: {  	v3 =	vadd.s32 v3, v0  }
0x41d: {  	v12 =	vadd.s32 v12, v0  }
0x41e: {  	v11 =	vadd.s32 v11, v0  }
0x41f: {  	v10 =	vadd.s32 v10, v0  }
0x420: {  	v9 =	vadd.s32 v9, v0  }
0x421: {  	v3 =	vld.idx.msk [tilespmem:v3+s1+$0x0], $0xffff;
	[tilespmem:s21+$0x3F80] =	vst v8;
	v8 =	vadd.s32 v28, v0  }
0x422: {  	v12 =	vld.idx.msk [tilespmem:v12+s1+$0x0], $0xffff;
	[tilespmem:s21+$0x4000] =	vst v2;
	v2 =	vadd.s32 v21, v0  }
0x423: {  	v11 =	vld.idx.msk [tilespmem:v11+s1+$0x0], $0xffff;
	[tilespmem:s21+$0x4080] =	vst v7;
	v7 =	vadd.s32 v29, v0  }
0x424: {  	v10 =	vld.idx.msk [tilespmem:v10+s1+$0x0], $0xffff;
	[tilespmem:s21+$0x4100] =	vst v6;
	v6 =	vadd.s32 v25, v0  }
0x425: {  	v9 =	vld.idx.msk [tilespmem:v9+s1+$0x0], $0xffff;
	[tilespmem:s21+$0x4180] =	vst v5;
	v5 =	vadd.s32 v30, v0  }
0x426: {  	v8 =	vld.idx.msk [tilespmem:v8+s1+$0x0], $0xffff;
	[tilespmem:s21+$0x4200] =	vst v4;
	v4 =	vadd.s32 v22, v0  }
0x427: {  	v2 =	vld.idx.msk [tilespmem:v2+s1+$0x0], $0xffff;
	[tilespmem:s21+$0x4E80] =	vst v3;
	v3 =	vadd.s32 v31, v0  }
0x428: {  	v7 =	vld.idx.msk [tilespmem:v7+s1+$0x0], $0xffff;
	[tilespmem:s21+$0x4F00] =	vst v12;
	v12 =	vadd.s32 v26, v0  }
0x429: {  	v6 =	vld.idx.msk [tilespmem:v6+s1+$0x0], $0xffff;
	[tilespmem:s21+$0x4F80] =	vst v11;
	v11 =	vadd.s32 v32, v0  }
0x42a: {  	v5 =	vld.idx.msk [tilespmem:v5+s1+$0x0], $0xffff;
	[tilespmem:s21+$0x5000] =	vst v10;
	v10 =	vadd.s32 v23, v0  }
0x42b: {  	v4 =	vld.idx.msk [tilespmem:v4+s1+$0x0], $0xffff;
	[tilespmem:s21+$0x5080] =	vst v9;
	v9 =	vadd.s32 v33, v0  }
0x42c: {  	v3 =	vld.idx.msk [tilespmem:v3+s1+$0x0], $0xffff;
	[tilespmem:s21+$0x5100] =	vst v8;
	v8 =	vadd.s32 v27, v0  }
0x42d: {  	v12 =	vld.idx.msk [tilespmem:v12+s1+$0x0], $0xffff;
	[tilespmem:s21+$0x5180] =	vst v2;
	v2 =	vadd.s32 v34, v0  }
0x42e: {  	v11 =	vld.idx.msk [tilespmem:v11+s1+$0x0], $0xffff;
	[tilespmem:s21+$0x5200] =	vst v7;
	v7 =	vadd.s32 v24, v0  }
0x42f: {  	v10 =	vld.idx.msk [tilespmem:v10+s1+$0x0], $0xffff;
	[tilespmem:s21+$0x5E80] =	vst v6;
	v6 =	vadd.s32 v35, v0  }
0x430: {  	v9 =	vld.idx.msk [tilespmem:v9+s1+$0x0], $0xffff;
	[tilespmem:s21+$0x5F00] =	vst v5;
	v5 =	vadd.s32 v36, v0  }
0x431: {  	v8 =	vld.idx.msk [tilespmem:v8+s1+$0x0], $0xffff;
	[tilespmem:s21+$0x5F80] =	vst v4;
	v4 =	vadd.s32 v37, v0  }
0x432: {  	v2 =	vld.idx.msk [tilespmem:v2+s1+$0x0], $0xffff;
	[tilespmem:s21+$0x6000] =	vst v3;
	v3 =	vadd.s32 v38, v0  }
0x433: {  	v7 =	vld.idx.msk [tilespmem:v7+s1+$0x0], $0xffff;
	[tilespmem:s21+$0x6080] =	vst v12;
	v12 =	vadd.s32 v39, v0  }
0x434: {  	v6 =	vld.idx.msk [tilespmem:v6+s1+$0x0], $0xffff;
	[tilespmem:s21+$0x6100] =	vst v11;
	v11 =	vadd.s32 v40, v0  }
0x435: {  	v5 =	vld.idx.msk [tilespmem:v5+s1+$0x0], $0xffff;
	[tilespmem:s21+$0x6180] =	vst v10;
	v10 =	vadd.s32 v41, v0  }
0x436: {  	v4 =	vld.idx.msk [tilespmem:v4+s1+$0x0], $0xffff;
	[tilespmem:s21+$0x6200] =	vst v9;
	v9 =	vadd.s32 v42, v0  }
0x437: {  	v3 =	vld.idx.msk [tilespmem:v3+s1+$0x0], $0xffff;
	[tilespmem:s21+$0x6E80] =	vst v8;
	v8 =	vadd.s32 v43, v0  }
0x438: {  	v12 =	vld.idx.msk [tilespmem:v12+s1+$0x0], $0xffff;
	[tilespmem:s21+$0x6F00] =	vst v2;
	v2 =	vadd.s32 v44, v0  }
0x439: {  	v11 =	vld.idx.msk [tilespmem:v11+s1+$0x0], $0xffff;
	[tilespmem:s21+$0x6F80] =	vst v7;
	v7 =	vadd.s32 v45, v0  }
0x43a: {  	v10 =	vld.idx.msk [tilespmem:v10+s1+$0x0], $0xffff;
	[tilespmem:s21+$0x7000] =	vst v6;
	v6 =	vadd.s32 v46, v0  }
0x43b: {  	v9 =	vld.idx.msk [tilespmem:v9+s1+$0x0], $0xffff;
	[tilespmem:s21+$0x7080] =	vst v5;
	v5 =	vadd.s32 v47, v0  }
0x43c: {  	v8 =	vld.idx.msk [tilespmem:v8+s1+$0x0], $0xffff;
	[tilespmem:s21+$0x7100] =	vst v4;
	v4 =	vadd.s32 v48, v0  }
0x43d: {  	v2 =	vld.idx.msk [tilespmem:v2+s1+$0x0], $0xffff;
	[tilespmem:s21+$0x7180] =	vst v3;
	v3 =	vadd.s32 v49, v0  }
0x43e: {  	v14 =	vadd.s32 v50, v0;
	v13 =	vld.idx.msk [tilespmem:v7+s1+$0x0], $0xffff;
	[tilespmem:s21+$0x7200] =	vst v12  }
0x43f: {  	v16 =	vadd.s32 v51, v0;
	v15 =	vld.idx.msk [tilespmem:v6+s1+$0x0], $0xffff;
	[tilespmem:s21+$0x7E80] =	vst v11  }
0x440: {  	v18 =	vadd.s32 v52, v0;
	v17 =	vld.idx.msk [tilespmem:v5+s1+$0x0], $0xffff;
	[tilespmem:s21+$0x7F00] =	vst v10  }
0x441: {  	p0 =	sne.s32 s28, $0x1C0;
	v19 =	vadd.s32 v53, v0;
	v7 =	vld.idx.msk [tilespmem:v4+s1+$0x0], $0xffff;
	[tilespmem:s21+$0x7F80] =	vst v9  }
.Ltmp2:
0x442: {  	v6 =	vld.idx.msk [tilespmem:v3+s1+$0x0], $0xffff;
	[tilespmem:s21+$0x8000] =	vst v8;
	(pc) =	sbr.rel @p0 .LBB2_6-.Ltmp2, $4  }
0x443: {  	v5 =	vld.idx.msk [tilespmem:v14+s1+$0x0], $0xffff;
	[tilespmem:s21+$0x8080] =	vst v2  }
0x444: {  	v12 =	vadd.s32 v54, v0;
	v4 =	vld.idx.msk [tilespmem:v16+s1+$0x0], $0xffff;
	[tilespmem:s21+$0x8100] =	vst v13  }
0x445: {  	v11 =	vadd.s32 v55, v0;
	v10 =	vadd.s32 v56, v0;
	v3 =	vld.idx.msk [tilespmem:v18+s1+$0x0], $0xffff;
	[tilespmem:s21+$0x8180] =	vst v15  }
0x446: {  	s28 =	sadd.s32 $0x40, s28;
	v9 =	vadd.s32 v57, v0;
	v8 =	vadd.s32 v58, v0;
	v2 =	vld.idx.msk [tilespmem:v19+s1+$0x0], $0xffff;
	[tilespmem:s21+$0x8200] =	vst v17  }
0x447: {  	v1 =	vshll.u32 v1, $0x6  }
0x448: {  	v13 =	vadd.s32 v20, v1;
	_ =	sdelay $0x3  }
0x449: {  	v14 =	vld [tilespmem:$0x1FDD0]  }
0x44a: {  	v13 =	vld.idx.msk [tilespmem:v13+s1+$0x0], $0xffff;
	_ =	sdelay $0x4  }
0x44b: {  	v14 =	vadd.s32 v14, v1;
	[tilespmem:$0x1F8A0] =	vst v13;
	v13 =	vld [tilespmem:$0x1FE10];
	_ =	sdelay $0x3  }
0x44c: {  	v15 =	vld [tilespmem:$0x1FDE0]  }
0x44d: {  	v18 =	vadd.s32 v13, v1;
	v13 =	vld.idx.msk [tilespmem:v14+s1+$0x0], $0xffff;
	_ =	sdelay $0x4  }
0x44e: {  	v15 =	vadd.s32 v15, v1;
	[tilespmem:$0x1F8B0] =	vst v13;
	v13 =	vld [tilespmem:$0x1FE20];
	_ =	sdelay $0x3  }
0x44f: {  	v16 =	vld [tilespmem:$0x1FDF0]  }
0x450: {  	v19 =	vadd.s32 v13, v1;
	v13 =	vld.idx.msk [tilespmem:v15+s1+$0x0], $0xffff;
	_ =	sdelay $0x4  }
0x451: {  	v16 =	vadd.s32 v16, v1;
	[tilespmem:$0x1F8C0] =	vst v13;
	v13 =	vld [tilespmem:$0x1FE30];
	_ =	sdelay $0x4  }
0x452: {  	v14 =	vadd.s32 v13, v1;
	v13 =	vld.idx.msk [tilespmem:v16+s1+$0x0], $0xffff;
	_ =	sdelay $0x2  }
0x453: {  	v17 =	vld [tilespmem:$0x1FE00];
	_ =	sdelay $0x1  }
0x454: {  	[tilespmem:$0x1F8D0] =	vst v13;
	v13 =	vld [tilespmem:$0x1FE40];
	_ =	sdelay $0x2  }
0x455: {  	v17 =	vadd.s32 v17, v1;
	_ =	sdelay $0x1  }
0x456: {  	v15 =	vadd.s32 v13, v1;
	v13 =	vld [tilespmem:$0x1F8A0];
	_ =	sdelay $0x1  }
0x457: {  	s28 =	sadd.s32 $0x80, s23  }
0x458: {  	s23 =	sand.u32 $0x3FFFFC00, s28;
	v17 =	vld.idx.msk [tilespmem:v17+s1+$0x0], $0xffff  }
0x459: {  	s23 =	sadd.s32 s26, s23;
	v18 =	vld.idx.msk [tilespmem:v18+s1+$0x0], $0xffff  }
0x45a: {  	v19 =	vld.idx.msk [tilespmem:v19+s1+$0x0], $0xffff;
	[tilespmem:s23+$0x2E80] =	vst v13  }
0x45b: {  	v13 =	vld [tilespmem:$0x1FE50];
	_ =	sdelay $0x4  }
0x45c: {  	v16 =	vadd.s32 v13, v1;
	v13 =	vld.idx.msk [tilespmem:v14+s1+$0x0], $0xffff;
	_ =	sdelay $0x4  }
0x45d: {  	[tilespmem:$0x1F8E0] =	vst v13;
	v13 =	vld [tilespmem:$0x1F8B0];
	_ =	sdelay $0x4  }
0x45e: {  	[tilespmem:s23+$0x2F00] =	vst v13  }
0x45f: {  	v13 =	vld [tilespmem:$0x1FE60];
	_ =	sdelay $0x4  }
0x460: {  	v14 =	vadd.s32 v13, v1;
	v13 =	vld.idx.msk [tilespmem:v15+s1+$0x0], $0xffff;
	_ =	sdelay $0x4  }
0x461: {  	[tilespmem:$0x1F8F0] =	vst v13;
	v13 =	vld [tilespmem:$0x1F8C0];
	_ =	sdelay $0x4  }
0x462: {  	[tilespmem:s23+$0x2F80] =	vst v13  }
0x463: {  	v13 =	vld [tilespmem:$0x1FE70];
	_ =	sdelay $0x4  }
0x464: {  	v15 =	vadd.s32 v13, v1;
	v13 =	vld.idx.msk [tilespmem:v16+s1+$0x0], $0xffff;
	_ =	sdelay $0x4  }
0x465: {  	[tilespmem:$0x1F900] =	vst v13;
	v13 =	vld [tilespmem:$0x1F8D0];
	_ =	sdelay $0x4  }
0x466: {  	[tilespmem:s23+$0x3000] =	vst v13  }
0x467: {  	v13 =	vld [tilespmem:$0x1FE80];
	_ =	sdelay $0x4  }
0x468: {  	v16 =	vadd.s32 v13, v1;
	v13 =	vld.idx.msk [tilespmem:v14+s1+$0x0], $0xffff;
	_ =	sdelay $0x4  }
0x469: {  	[tilespmem:$0x1F910] =	vst v13  }
0x46a: {  	[tilespmem:s23+$0x3080] =	vst v17  }
0x46b: {  	v13 =	vld [tilespmem:$0x1FE90];
	_ =	sdelay $0x4  }
0x46c: {  	v17 =	vadd.s32 v13, v1;
	v13 =	vld.idx.msk [tilespmem:v15+s1+$0x0], $0xffff;
	_ =	sdelay $0x4  }
0x46d: {  	[tilespmem:$0x1F920] =	vst v13  }
0x46e: {  	[tilespmem:s23+$0x3100] =	vst v18  }
0x46f: {  	v13 =	vld [tilespmem:$0x1FEA0];
	_ =	sdelay $0x4  }
0x470: {  	v18 =	vadd.s32 v13, v1;
	v13 =	vld.idx.msk [tilespmem:v16+s1+$0x0], $0xffff;
	_ =	sdelay $0x4  }
0x471: {  	[tilespmem:$0x1F930] =	vst v13  }
0x472: {  	[tilespmem:s23+$0x3180] =	vst v19  }
0x473: {  	v13 =	vld [tilespmem:$0x1FEB0];
	_ =	sdelay $0x4  }
0x474: {  	v19 =	vadd.s32 v13, v1;
	v13 =	vld [tilespmem:$0x1F8E0];
	_ =	sdelay $0x1  }
0x475: {  	s25 =	sadd.s32 $0x10, s25  }
0x476: {  	s25 =	sor.u32 s28, s25  }
0x477: {  	s25 =	sor.u32 $0x380, s25  }
0x478: {  	v17 =	vld.idx.msk [tilespmem:v17+s1+$0x0], $0xffff;
	[tilespmem:s25+$0x2E80] =	vst v13  }
0x479: {  	v14 =	vld [tilespmem:$0x1F8F0];
	_ =	sdelay $0x1  }
0x47a: {  	v13 =	vld [tilespmem:$0x1FEC0];
	_ =	sdelay $0x2  }
0x47b: {  	v18 =	vld.idx.msk [tilespmem:v18+s1+$0x0], $0xffff;
	[tilespmem:s23+$0x3E80] =	vst v14  }
0x47c: {  	v15 =	vld [tilespmem:$0x1F900]  }
0x47d: {  	v13 =	vadd.s32 v13, v1;
	_ =	sdelay $0x2  }
0x47e: {  	v14 =	vld [tilespmem:$0x1FED0]  }
0x47f: {  	v19 =	vld.idx.msk [tilespmem:v19+s1+$0x0], $0xffff;
	[tilespmem:s23+$0x3F00] =	vst v15  }
0x480: {  	v13 =	vld.idx.msk [tilespmem:v13+s1+$0x0], $0xffff;
	_ =	sdelay $0x4  }
0x481: {  	[tilespmem:$0x1F940] =	vst v13;
	v13 =	vld [tilespmem:$0x1F910];
	_ =	sdelay $0x4  }
0x482: {  	v15 =	vld [tilespmem:$0x1FEE0];
	[tilespmem:s23+$0x3F80] =	vst v13  }
0x483: {  	v14 =	vadd.s32 v14, v1;
	v13 =	vld [tilespmem:$0x1FEF0];
	_ =	sdelay $0x4  }
0x484: {  	v16 =	vadd.s32 v13, v1;
	v13 =	vld.idx.msk [tilespmem:v14+s1+$0x0], $0xffff;
	_ =	sdelay $0x4  }
0x485: {  	[tilespmem:$0x1F950] =	vst v13;
	v13 =	vld [tilespmem:$0x1F920];
	_ =	sdelay $0x4  }
0x486: {  	[tilespmem:s23+$0x4000] =	vst v13  }
0x487: {  	v15 =	vadd.s32 v15, v1;
	v13 =	vld [tilespmem:$0x1FF00];
	_ =	sdelay $0x4  }
0x488: {  	v14 =	vadd.s32 v13, v1;
	v13 =	vld.idx.msk [tilespmem:v15+s1+$0x0], $0xffff;
	_ =	sdelay $0x4  }
0x489: {  	[tilespmem:$0x1F960] =	vst v13;
	v13 =	vld [tilespmem:$0x1F930];
	_ =	sdelay $0x4  }
0x48a: {  	[tilespmem:s23+$0x4080] =	vst v13  }
0x48b: {  	v13 =	vld.idx.msk [tilespmem:v16+s1+$0x0], $0xffff;
	_ =	sdelay $0x4  }
0x48c: {  	[tilespmem:$0x1F970] =	vst v13  }
0x48d: {  	[tilespmem:s23+$0x4100] =	vst v17  }
0x48e: {  	v13 =	vld.idx.msk [tilespmem:v14+s1+$0x0], $0xffff;
	_ =	sdelay $0x1  }
0x48f: {  	v15 =	vadd.s32 v28, v1;
	_ =	sdelay $0x2  }
0x490: {  	[tilespmem:$0x1F980] =	vst v13  }
0x491: {  	[tilespmem:s23+$0x4180] =	vst v18  }
0x492: {  	v13 =	vld.idx.msk [tilespmem:v15+s1+$0x0], $0xffff;
	_ =	sdelay $0x1  }
0x493: {  	v17 =	vadd.s32 v21, v1;
	_ =	sdelay $0x2  }
0x494: {  	[tilespmem:$0x1F990] =	vst v13  }
0x495: {  	[tilespmem:s23+$0x4200] =	vst v19  }
0x496: {  	v13 =	vld.idx.msk [tilespmem:v17+s1+$0x0], $0xffff;
	_ =	sdelay $0x4  }
0x497: {  	[tilespmem:$0x1F9A0] =	vst v13;
	v13 =	vld [tilespmem:$0x1F940];
	_ =	sdelay $0x4  }
0x498: {  	[tilespmem:s23+$0x4E80] =	vst v13  }
0x499: {  	v18 =	vadd.s32 v29, v1;
	v13 =	vld [tilespmem:$0x1F950];
	_ =	sdelay $0x4  }
0x49a: {  	v18 =	vld.idx.msk [tilespmem:v18+s1+$0x0], $0xffff;
	[tilespmem:s23+$0x4F00] =	vst v13  }
0x49b: {  	v19 =	vadd.s32 v25, v1;
	v13 =	vld [tilespmem:$0x1F960]  }
0x49c: {  	v16 =	vadd.s32 v30, v1;
	_ =	sdelay $0x3  }
0x49d: {  	v19 =	vld.idx.msk [tilespmem:v19+s1+$0x0], $0xffff;
	[tilespmem:s23+$0x4F80] =	vst v13  }
0x49e: {  	v13 =	vld.idx.msk [tilespmem:v16+s1+$0x0], $0xffff;
	_ =	sdelay $0x4  }
0x49f: {  	[tilespmem:$0x1F9B0] =	vst v13;
	v13 =	vld [tilespmem:$0x1F970]  }
0x4a0: {  	v17 =	vadd.s32 v22, v1;
	_ =	sdelay $0x3  }
0x4a1: {  	[tilespmem:s23+$0x5000] =	vst v13  }
0x4a2: {  	v13 =	vld.idx.msk [tilespmem:v17+s1+$0x0], $0xffff;
	_ =	sdelay $0x4  }
0x4a3: {  	[tilespmem:$0x1F9C0] =	vst v13;
	v13 =	vld [tilespmem:$0x1F980]  }
0x4a4: {  	v14 =	vadd.s32 v31, v1;
	_ =	sdelay $0x3  }
0x4a5: {  	[tilespmem:s23+$0x5080] =	vst v13  }
0x4a6: {  	v13 =	vld.idx.msk [tilespmem:v14+s1+$0x0], $0xffff;
	_ =	sdelay $0x4  }
0x4a7: {  	[tilespmem:$0x1F9D0] =	vst v13;
	v13 =	vld [tilespmem:$0x1F990];
	_ =	sdelay $0x4  }
0x4a8: {  	[tilespmem:s23+$0x5100] =	vst v13  }
0x4a9: {  	v15 =	vadd.s32 v26, v1;
	v13 =	vld [tilespmem:$0x1F9A0]  }
0x4aa: {  	v16 =	vadd.s32 v32, v1;
	_ =	sdelay $0x3  }
0x4ab: {  	v15 =	vld.idx.msk [tilespmem:v15+s1+$0x0], $0xffff;
	[tilespmem:s23+$0x5180] =	vst v13  }
0x4ac: {  	v13 =	vld.idx.msk [tilespmem:v16+s1+$0x0], $0xffff;
	_ =	sdelay $0x1  }
0x4ad: {  	v14 =	vadd.s32 v23, v1;
	_ =	sdelay $0x2  }
0x4ae: {  	[tilespmem:$0x1F9E0] =	vst v13  }
0x4af: {  	[tilespmem:s23+$0x5200] =	vst v18  }
0x4b0: {  	v13 =	vld.idx.msk [tilespmem:v14+s1+$0x0], $0xffff;
	_ =	sdelay $0x4  }
0x4b1: {  	[tilespmem:$0x1F9F0] =	vst v13  }
0x4b2: {  	[tilespmem:s23+$0x5E80] =	vst v19  }
0x4b3: {  	v17 =	vadd.s32 v33, v1;
	v13 =	vld [tilespmem:$0x1F9B0];
	_ =	sdelay $0x4  }
0x4b4: {  	v17 =	vld.idx.msk [tilespmem:v17+s1+$0x0], $0xffff;
	[tilespmem:s23+$0x5F00] =	vst v13  }
0x4b5: {  	v18 =	vadd.s32 v27, v1;
	v13 =	vld [tilespmem:$0x1F9C0];
	_ =	sdelay $0x4  }
0x4b6: {  	v18 =	vld.idx.msk [tilespmem:v18+s1+$0x0], $0xffff;
	[tilespmem:s23+$0x5F80] =	vst v13  }
0x4b7: {  	v19 =	vadd.s32 v34, v1;
	v14 =	vld [tilespmem:$0x1F9D0]  }
0x4b8: {  	v16 =	vadd.s32 v24, v1  }
0x4b9: {  	v13 =	vadd.s32 v35, v1;
	_ =	sdelay $0x2  }
0x4ba: {  	v19 =	vld.idx.msk [tilespmem:v19+s1+$0x0], $0xffff;
	[tilespmem:s23+$0x6000] =	vst v14  }
0x4bb: {  	v16 =	vld.idx.msk [tilespmem:v16+s1+$0x0], $0xffff;
	[tilespmem:s23+$0x6080] =	vst v15  }
0x4bc: {  	v13 =	vld.idx.msk [tilespmem:v13+s1+$0x0], $0xffff;
	_ =	sdelay $0x4  }
0x4bd: {  	[tilespmem:$0x1FA00] =	vst v13;
	v13 =	vld [tilespmem:$0x1F9E0]  }
0x4be: {  	v14 =	vadd.s32 v36, v1;
	_ =	sdelay $0x3  }
0x4bf: {  	[tilespmem:s23+$0x6100] =	vst v13  }
0x4c0: {  	v14 =	vld.idx.msk [tilespmem:v14+s1+$0x0], $0xffff;
	_ =	sdelay $0x4  }
0x4c1: {  	[tilespmem:$0x1FA10] =	vst v14;
	v14 =	vld [tilespmem:$0x1F9F0]  }
0x4c2: {  	v15 =	vadd.s32 v37, v1  }
0x4c3: {  	v13 =	vadd.s32 v38, v1;
	_ =	sdelay $0x2  }
0x4c4: {  	[tilespmem:s23+$0x6180] =	vst v14  }
0x4c5: {  	v15 =	vld.idx.msk [tilespmem:v15+s1+$0x0], $0xffff;
	[tilespmem:s23+$0x6200] =	vst v17  }
0x4c6: {  	v13 =	vld.idx.msk [tilespmem:v13+s1+$0x0], $0xffff;
	_ =	sdelay $0x1  }
0x4c7: {  	v14 =	vadd.s32 v39, v1;
	_ =	sdelay $0x2  }
0x4c8: {  	[tilespmem:$0x1FA20] =	vst v13  }
0x4c9: {  	[tilespmem:s23+$0x6E80] =	vst v18  }
0x4ca: {  	v13 =	vld.idx.msk [tilespmem:v14+s1+$0x0], $0xffff;
	_ =	sdelay $0x1  }
0x4cb: {  	v17 =	vadd.s32 v40, v1;
	_ =	sdelay $0x2  }
0x4cc: {  	[tilespmem:$0x1FA30] =	vst v13  }
0x4cd: {  	[tilespmem:s23+$0x6F00] =	vst v19  }
0x4ce: {  	v17 =	vld.idx.msk [tilespmem:v17+s1+$0x0], $0xffff;
	[tilespmem:s23+$0x6F80] =	vst v16  }
0x4cf: {  	v18 =	vadd.s32 v41, v1;
	v13 =	vld [tilespmem:$0x1FA00];
	_ =	sdelay $0x4  }
0x4d0: {  	v18 =	vld.idx.msk [tilespmem:v18+s1+$0x0], $0xffff;
	[tilespmem:s23+$0x7000] =	vst v13  }
0x4d1: {  	v19 =	vadd.s32 v42, v1;
	v14 =	vld [tilespmem:$0x1FA10]  }
0x4d2: {  	v16 =	vadd.s32 v43, v1  }
0x4d3: {  	v13 =	vadd.s32 v44, v1;
	_ =	sdelay $0x2  }
0x4d4: {  	v19 =	vld.idx.msk [tilespmem:v19+s1+$0x0], $0xffff;
	[tilespmem:s23+$0x7080] =	vst v14  }
0x4d5: {  	v16 =	vld.idx.msk [tilespmem:v16+s1+$0x0], $0xffff;
	[tilespmem:s23+$0x7100] =	vst v15  }
0x4d6: {  	v13 =	vld.idx.msk [tilespmem:v13+s1+$0x0], $0xffff;
	_ =	sdelay $0x4  }
0x4d7: {  	[tilespmem:$0x1FA40] =	vst v13;
	v13 =	vld [tilespmem:$0x1FA20]  }
0x4d8: {  	v14 =	vadd.s32 v45, v1;
	_ =	sdelay $0x3  }
0x4d9: {  	[tilespmem:s23+$0x7180] =	vst v13  }
0x4da: {  	v14 =	vld.idx.msk [tilespmem:v14+s1+$0x0], $0xffff;
	_ =	sdelay $0x4  }
0x4db: {  	[tilespmem:$0x1FA50] =	vst v14;
	v14 =	vld [tilespmem:$0x1FA30]  }
0x4dc: {  	v15 =	vadd.s32 v46, v1  }
0x4dd: {  	v13 =	vadd.s32 v47, v1;
	_ =	sdelay $0x1  }
0x4de: {  	v12 =	vld.idx.msk [tilespmem:v12+s1+$0x0], $0xffff;
	[tilespmem:s21+$0x8E80] =	vst v7  }
0x4df: {  	[tilespmem:s23+$0x7200] =	vst v14;
	v14 =	vadd.s32 v48, v1  }
0x4e0: {  	v15 =	vld.idx.msk [tilespmem:v15+s1+$0x0], $0xffff;
	[tilespmem:s23+$0x7E80] =	vst v17;
	v17 =	vadd.s32 v49, v1  }
0x4e1: {  	v13 =	vld.idx.msk [tilespmem:v13+s1+$0x0], $0xffff;
	[tilespmem:s23+$0x7F00] =	vst v18;
	v18 =	vadd.s32 v50, v1  }
0x4e2: {  	v11 =	vld.idx.msk [tilespmem:v11+s1+$0x0], $0xffff;
	[tilespmem:s21+$0x8F00] =	vst v6  }
0x4e3: {  	v10 =	vld.idx.msk [tilespmem:v10+s1+$0x0], $0xffff  }
0x4e4: {  	v7 =	vld.idx.msk [tilespmem:v14+s1+$0x0], $0xffff;
	[tilespmem:s23+$0x7F80] =	vst v19  }
0x4e5: {  	v6 =	vld.idx.msk [tilespmem:v17+s1+$0x0], $0xffff;
	[tilespmem:s23+$0x8000] =	vst v16  }
0x4e6: {  	[tilespmem:s21+$0x8F80] =	vst v5;
	v17 =	vld.idx.msk [tilespmem:v18+s1+$0x0], $0xffff  }
0x4e7: {  	v18 =	vld [tilespmem:$0x1FA40];
	_ =	sdelay $0x3  }
0x4e8: {  	v5 =	vadd.s32 v59, v0;
	v9 =	vld.idx.msk [tilespmem:v9+s1+$0x0], $0xffff;
	[tilespmem:s21+$0x9000] =	vst v4  }
0x4e9: {  	v4 =	vadd.s32 v60, v0;
	[tilespmem:s23+$0x8080] =	vst v18  }
0x4ea: {  	v14 =	vadd.s32 v51, v1;
	v19 =	vld [tilespmem:$0x1FA50]  }
0x4eb: {  	v8 =	vld.idx.msk [tilespmem:v8+s1+$0x0], $0xffff;
	[tilespmem:s21+$0x9080] =	vst v3;
	v3 =	vadd.s32 v61, v0  }
0x4ec: {  	v16 =	vadd.s32 v52, v1  }
0x4ed: {  	v5 =	vld.idx.msk [tilespmem:v5+s1+$0x0], $0xffff;
	[tilespmem:s21+$0x9100] =	vst v2;
	v2 =	vadd.s32 v62, v0  }
0x4ee: {  	v18 =	vadd.s32 v53, v1;
	v4 =	vld.idx.msk [tilespmem:v4+s1+$0x0], $0xffff;
	[tilespmem:s21+$0x9180] =	vst v12  }
0x4ef: {  	v14 =	vld.idx.msk [tilespmem:v14+s1+$0x0], $0xffff;
	v0 =	vadd.s32 v63, v0;
	[tilespmem:s23+$0x8100] =	vst v19  }
0x4f0: {  	v3 =	vld.idx.msk [tilespmem:v3+s1+$0x0], $0xffff;
	[tilespmem:s21+$0x9200] =	vst v11  }
0x4f1: {  	v16 =	vld.idx.msk [tilespmem:v16+s1+$0x0], $0xffff;
	[tilespmem:s23+$0x8180] =	vst v15  }
0x4f2: {  	v19 =	vadd.s32 v54, v1;
	v2 =	vld.idx.msk [tilespmem:v2+s1+$0x0], $0xffff;
	[tilespmem:s21+$0x9E80] =	vst v10  }
0x4f3: {  	v15 =	vadd.s32 v55, v1;
	v18 =	vld.idx.msk [tilespmem:v18+s1+$0x0], $0xffff;
	[tilespmem:s23+$0x8200] =	vst v13  }
0x4f4: {  	v13 =	vadd.s32 v56, v1;
	v0 =	vld.idx.msk [tilespmem:v0+s1+$0x0], $0xffff;
	[tilespmem:s21+$0x9F00] =	vst v9  }
0x4f5: {  	[tilespmem:s21+$0x9F80] =	vst v8  }
0x4f6: {  	[tilespmem:s21+$0xA000] =	vst v5  }
0x4f7: {  	v12 =	vld.idx.msk [tilespmem:v19+s1+$0x0], $0xffff;
	[tilespmem:s23+$0x8E80] =	vst v7;
	v7 =	vadd.s32 v57, v1  }
0x4f8: {  	v11 =	vld.idx.msk [tilespmem:v15+s1+$0x0], $0xffff;
	[tilespmem:s23+$0x8F00] =	vst v6;
	v6 =	vadd.s32 v58, v1  }
0x4f9: {  	[tilespmem:s21+$0xA080] =	vst v4;
	v10 =	vld.idx.msk [tilespmem:v13+s1+$0x0], $0xffff;
	v13 =	vadd.s32 v59, v1  }
0x4fa: {  	[tilespmem:s21+$0xA100] =	vst v3  }
0x4fb: {  	[tilespmem:s23+$0x8F80] =	vst v17  }
0x4fc: {  	v9 =	vadd.s32 v60, v1;
	v7 =	vld.idx.msk [tilespmem:v7+s1+$0x0], $0xffff;
	[tilespmem:s23+$0x9000] =	vst v14  }
0x4fd: {  	v8 =	vadd.s32 v61, v1;
	v6 =	vld.idx.msk [tilespmem:v6+s1+$0x0], $0xffff;
	[tilespmem:s23+$0x9080] =	vst v16  }
0x4fe: {  	[tilespmem:s21+$0xA180] =	vst v2;
	v5 =	vld.idx.msk [tilespmem:v13+s1+$0x0], $0xffff;
	v13 =	vadd.s32 v62, v1  }
0x4ff: {  	[tilespmem:s21+$0xA200] =	vst v0;
	v1 =	vadd.s32 v63, v1  }
0x500: {  	[tilespmem:s23+$0x9100] =	vst v18  }
0x501: {  	v4 =	vld.idx.msk [tilespmem:v9+s1+$0x0], $0xffff;
	[tilespmem:s23+$0x9180] =	vst v12  }
0x502: {  	v3 =	vld.idx.msk [tilespmem:v8+s1+$0x0], $0xffff;
	[tilespmem:s23+$0x9200] =	vst v11  }
0x503: {  	v2 =	vld.idx.msk [tilespmem:v13+s1+$0x0], $0xffff;
	[tilespmem:s23+$0x9E80] =	vst v10  }
0x504: {  	v0 =	vld.idx.msk [tilespmem:v1+s1+$0x0], $0xffff;
	[tilespmem:s23+$0x9F00] =	vst v7  }
0x505: {  	[tilespmem:s23+$0x9F80] =	vst v6  }
0x506: {  	[tilespmem:s23+$0xA000] =	vst v5  }
0x507: {  	[tilespmem:s23+$0xA080] =	vst v4  }
0x508: {  	[tilespmem:s23+$0xA100] =	vst v3  }
0x509: {  	[tilespmem:s23+$0xA180] =	vst v2  }
0x50a: {  	s26 =	simm.s32 $0x3680;
	s21 =	simm.s32 $0x0;
	[tilespmem:s23+$0xA200] =	vst v0  }
0x50b: {  	[hbm4b:s7+s21] =	stream.linear.scatter [tilespmem:s26], [sflag:$0x1], $0x400, $0x38;
	[tilespmem:$0xAE80] =	vst v63  }
0x50c: {  	s29 =	sadd.s32 $0x4000, s7;
	s30 =	simm.s32 $0x4680  }
0x50d: {  	[hbm4b:s29+s21] =	stream.linear.scatter [tilespmem:s30], [sflag:$0x1], $0x400, $0x38;
	[tilespmem:$0xAE80] =	vst v63  }
0x50e: {  	s25 =	sadd.s32 $0x8000, s7;
	s26 =	simm.s32 $0x5680  }
0x50f: {  	[hbm4b:s25+s21] =	stream.linear.scatter [tilespmem:s26], [sflag:$0x1], $0x400, $0x38;
	[tilespmem:$0xAE80] =	vst v63  }
0x510: {  	s29 =	sadd.s32 $0xC000, s7;
	s30 =	simm.s32 $0x6680  }
0x511: {  	[hbm4b:s29+s21] =	stream.linear.scatter [tilespmem:s30], [sflag:$0x1], $0x400, $0x38;
	[tilespmem:$0xAE80] =	vst v63  }
0x512: {  	s25 =	sadd.s32 $0x10000, s7;
	s26 =	simm.s32 $0x7680  }
0x513: {  	[hbm4b:s25+s21] =	stream.linear.scatter [tilespmem:s26], [sflag:$0x1], $0x400, $0x38;
	[tilespmem:$0xAE80] =	vst v63  }
0x514: {  	s29 =	sadd.s32 $0x14000, s7;
	s30 =	simm.s32 $0x8680  }
0x515: {  	[hbm4b:s29+s21] =	stream.linear.scatter [tilespmem:s30], [sflag:$0x1], $0x400, $0x38;
	[tilespmem:$0xAE80] =	vst v63  }
0x516: {  	s25 =	sadd.s32 $0x18000, s7;
	s26 =	simm.s32 $0x9680  }
0x517: {  	[hbm4b:s25+s21] =	stream.linear.scatter [tilespmem:s26], [sflag:$0x1], $0x400, $0x38;
	[tilespmem:$0xAE80] =	vst v63  }
0x518: {  	s29 =	sadd.s32 $0x1C000, s7;
	s30 =	simm.s32 $0xA680;
	s26 =	simm.s32 $0x0  }
0x519: {  	[hbm4b:s29+s21] =	stream.linear.scatter [tilespmem:s30], [sflag:$0x1], $0x400, $0x38;
	[tilespmem:$0xAE80] =	vst v63  }
0x51a: {  	v0 =	vld [tilespmem:s26+$0x2E00]  }
0x51b: {  	v1 =	vld [tilespmem:$0x1FF10]  }
0x51c: {  	v2 =	vld [tilespmem:$0x1FDD0]  }
0x51d: {  	v3 =	vld [tilespmem:$0x1FDE0]  }
0x51e: {  	v4 =	vld [tilespmem:$0x1FDF0]  }
0x51f: {  	v5 =	vld [tilespmem:$0x1FE00];
	v0 =	vshll.u32 v0, $0x6  }
0x520: {  	v6 =	vld [tilespmem:$0x1FE10];
	v1 =	vadd.s32 v1, v0  }
0x521: {  	v7 =	vld [tilespmem:$0x1FE20];
	v2 =	vadd.s32 v2, v0  }
0x522: {  	v8 =	vld [tilespmem:$0x1FE30];
	v3 =	vadd.s32 v3, v0  }
0x523: {  	v9 =	vld [tilespmem:$0x1FE40];
	v4 =	vadd.s32 v4, v0  }
0x524: {  	v10 =	vld [tilespmem:$0x1FE50];
	v5 =	vadd.s32 v5, v0  }
0x525: {  	v6 =	vadd.s32 v6, v0;
	v1 =	vld.idx.msk [tilespmem:v1+s1+$0x0], $0xffff  }
0x526: {  	v7 =	vadd.s32 v7, v0;
	v2 =	vld.idx.msk [tilespmem:v2+s1+$0x0], $0xffff  }
0x527: {  	v8 =	vadd.s32 v8, v0;
	v3 =	vld.idx.msk [tilespmem:v3+s1+$0x0], $0xffff  }
0x528: {  	s23 =	simm.s32 $0xC00;
	v4 =	vld.idx.msk [tilespmem:v4+s1+$0x0], $0xffff  }
0x529: {  	s29 =	sand.u32 $0x3FFFFC00, s23;
	v5 =	vld.idx.msk [tilespmem:v5+s1+$0x0], $0xffff  }
0x52a: {  	s21 =	sadd.s32 $0x0, s29;
	v6 =	vld.idx.msk [tilespmem:v6+s1+$0x0], $0xffff  }
0x52b: {  	v7 =	vld.idx.msk [tilespmem:v7+s1+$0x0], $0xffff;
	[tilespmem:s21+$0x2E80] =	vst v1  }
0x52c: {  	v1 =	vld.idx.msk [tilespmem:v8+s1+$0x0], $0xffff  }
0x52d: {  	v8 =	vld [tilespmem:$0x1FE60]  }
0x52e: {  	v9 =	vadd.s32 v9, v0;
	_ =	sdelay $0x1  }
0x52f: {  	v10 =	vadd.s32 v10, v0;
	_ =	sdelay $0x1  }
0x530: {  	[tilespmem:s21+$0x2F00] =	vst v2;
	v8 =	vadd.s32 v8, v0  }
0x531: {  	v2 =	vld.idx.msk [tilespmem:v9+s1+$0x0], $0xffff  }
0x532: {  	v9 =	vld [tilespmem:$0x1FE70];
	[tilespmem:s21+$0x2F80] =	vst v3  }
0x533: {  	v3 =	vld.idx.msk [tilespmem:v10+s1+$0x0], $0xffff  }
0x534: {  	v10 =	vld [tilespmem:$0x1FE80];
	[tilespmem:s21+$0x3000] =	vst v4  }
0x535: {  	v4 =	vld.idx.msk [tilespmem:v8+s1+$0x0], $0xffff  }
0x536: {  	v8 =	vld [tilespmem:$0x1FE90]  }
0x537: {  	v9 =	vadd.s32 v9, v0;
	_ =	sdelay $0x1  }
0x538: {  	v10 =	vadd.s32 v10, v0;
	_ =	sdelay $0x1  }
0x539: {  	[tilespmem:s21+$0x3080] =	vst v5;
	v8 =	vadd.s32 v8, v0  }
0x53a: {  	v5 =	vld.idx.msk [tilespmem:v9+s1+$0x0], $0xffff  }
0x53b: {  	v9 =	vld [tilespmem:$0x1FEA0];
	[tilespmem:s21+$0x3100] =	vst v6  }
0x53c: {  	v6 =	vld.idx.msk [tilespmem:v10+s1+$0x0], $0xffff  }
0x53d: {  	v10 =	vld [tilespmem:$0x1FEB0];
	[tilespmem:s21+$0x3180] =	vst v7  }
0x53e: {  	v7 =	vld.idx.msk [tilespmem:v8+s1+$0x0], $0xffff  }
0x53f: {  	v8 =	vld [tilespmem:$0x1FEC0]  }
0x540: {  	v9 =	vadd.s32 v9, v0  }
0x541: {  	s25 =	simm.s32 $0x180  }
0x542: {  	s30 =	sor.u32 s23, s25;
	v10 =	vadd.s32 v10, v0  }
0x543: {  	s26 =	sor.u32 $0x380, s30  }
0x544: {  	[tilespmem:s26+$0x2E80] =	vst v1;
	v8 =	vadd.s32 v8, v0  }
0x545: {  	v1 =	vld.idx.msk [tilespmem:v9+s1+$0x0], $0xffff  }
0x546: {  	v9 =	vld [tilespmem:$0x1FED0];
	[tilespmem:s21+$0x3E80] =	vst v2  }
0x547: {  	v2 =	vld.idx.msk [tilespmem:v10+s1+$0x0], $0xffff  }
0x548: {  	v10 =	vld [tilespmem:$0x1FEE0];
	[tilespmem:s21+$0x3F00] =	vst v3  }
0x549: {  	v3 =	vld.idx.msk [tilespmem:v8+s1+$0x0], $0xffff  }
0x54a: {  	v8 =	vld [tilespmem:$0x1FEF0]  }
0x54b: {  	v9 =	vadd.s32 v9, v0;
	_ =	sdelay $0x1  }
0x54c: {  	v10 =	vadd.s32 v10, v0;
	_ =	sdelay $0x1  }
0x54d: {  	[tilespmem:s21+$0x3F80] =	vst v4;
	v8 =	vadd.s32 v8, v0  }
0x54e: {  	v4 =	vld.idx.msk [tilespmem:v9+s1+$0x0], $0xffff  }
0x54f: {  	v9 =	vld [tilespmem:$0x1FF00];
	[tilespmem:s21+$0x4000] =	vst v5  }
0x550: {  	v5 =	vld.idx.msk [tilespmem:v10+s1+$0x0], $0xffff  }
0x551: {  	v10 =	vld [tilespmem:$0x1FF20];
	[tilespmem:s21+$0x4080] =	vst v6  }
0x552: {  	v6 =	vld.idx.msk [tilespmem:v8+s1+$0x0], $0xffff  }
0x553: {  	v8 =	vld [tilespmem:$0x1FF30]  }
0x554: {  	v9 =	vadd.s32 v9, v0;
	_ =	sdelay $0x1  }
0x555: {  	v10 =	vadd.s32 v10, v0;
	_ =	sdelay $0x1  }
0x556: {  	[tilespmem:s21+$0x4100] =	vst v7;
	v8 =	vadd.s32 v8, v0  }
0x557: {  	v7 =	vld.idx.msk [tilespmem:v9+s1+$0x0], $0xffff  }
0x558: {  	v9 =	vld [tilespmem:$0x1FF40];
	[tilespmem:s21+$0x4180] =	vst v1  }
0x559: {  	v1 =	vld.idx.msk [tilespmem:v10+s1+$0x0], $0xffff  }
0x55a: {  	v10 =	vld [tilespmem:$0x1FF50];
	[tilespmem:s21+$0x4200] =	vst v2  }
0x55b: {  	v2 =	vld.idx.msk [tilespmem:v8+s1+$0x0], $0xffff  }
0x55c: {  	v8 =	vld [tilespmem:$0x1FF60]  }
0x55d: {  	v9 =	vadd.s32 v9, v0;
	_ =	sdelay $0x1  }
0x55e: {  	v10 =	vadd.s32 v10, v0;
	_ =	sdelay $0x1  }
0x55f: {  	[tilespmem:s21+$0x4E80] =	vst v3;
	v8 =	vadd.s32 v8, v0  }
0x560: {  	v3 =	vld.idx.msk [tilespmem:v9+s1+$0x0], $0xffff  }
0x561: {  	v9 =	vld [tilespmem:$0x1FF70];
	[tilespmem:s21+$0x4F00] =	vst v4  }
0x562: {  	v4 =	vld.idx.msk [tilespmem:v10+s1+$0x0], $0xffff  }
0x563: {  	v10 =	vld [tilespmem:$0x1FF80];
	[tilespmem:s21+$0x4F80] =	vst v5  }
0x564: {  	v5 =	vld.idx.msk [tilespmem:v8+s1+$0x0], $0xffff  }
0x565: {  	v8 =	vld [tilespmem:$0x1FF90]  }
0x566: {  	v9 =	vadd.s32 v9, v0;
	_ =	sdelay $0x1  }
0x567: {  	v10 =	vadd.s32 v10, v0;
	_ =	sdelay $0x1  }
0x568: {  	[tilespmem:s21+$0x5000] =	vst v6;
	v8 =	vadd.s32 v8, v0  }
0x569: {  	v6 =	vld.idx.msk [tilespmem:v9+s1+$0x0], $0xffff  }
0x56a: {  	v9 =	vld [tilespmem:$0x1FFA0];
	[tilespmem:s21+$0x5080] =	vst v7  }
0x56b: {  	v7 =	vld.idx.msk [tilespmem:v10+s1+$0x0], $0xffff  }
0x56c: {  	v10 =	vld [tilespmem:$0x1FFB0];
	[tilespmem:s21+$0x5100] =	vst v1  }
0x56d: {  	v1 =	vld.idx.msk [tilespmem:v8+s1+$0x0], $0xffff  }
0x56e: {  	v8 =	vld [tilespmem:$0x1FFC0]  }
0x56f: {  	v9 =	vadd.s32 v9, v0;
	_ =	sdelay $0x1  }
0x570: {  	v10 =	vadd.s32 v10, v0;
	_ =	sdelay $0x1  }
0x571: {  	[tilespmem:s21+$0x5180] =	vst v2;
	v8 =	vadd.s32 v8, v0  }
0x572: {  	v2 =	vld.idx.msk [tilespmem:v9+s1+$0x0], $0xffff  }
0x573: {  	v9 =	vld [tilespmem:$0x1FFD0];
	[tilespmem:s21+$0x5200] =	vst v3  }
0x574: {  	v3 =	vld.idx.msk [tilespmem:v10+s1+$0x0], $0xffff  }
0x575: {  	v10 =	vld [tilespmem:$0x1FFE0];
	[tilespmem:s21+$0x5E80] =	vst v4  }
0x576: {  	v4 =	vld.idx.msk [tilespmem:v8+s1+$0x0], $0xffff  }
0x577: {  	v8 =	vld [tilespmem:$0x1FFF0]  }
0x578: {  	v9 =	vadd.s32 v9, v0;
	_ =	sdelay $0x2  }
0x579: {  	v10 =	vadd.s32 v10, v0  }
0x57a: {  	[tilespmem:s21+$0x5F00] =	vst v5;
	v8 =	vadd.s32 v8, v0  }
0x57b: {  	v5 =	vld.idx.msk [tilespmem:v9+s1+$0x0], $0xffff;
	v9 =	vadd.s32 v35, v0;
	_ =	sdelay $0x1  }
0x57c: {  	[tilespmem:s21+$0x5F80] =	vst v6  }
0x57d: {  	v6 =	vld.idx.msk [tilespmem:v10+s1+$0x0], $0xffff;
	v10 =	vadd.s32 v36, v0;
	[tilespmem:s21+$0x6000] =	vst v7  }
0x57e: {  	v7 =	vld.idx.msk [tilespmem:v8+s1+$0x0], $0xffff;
	v8 =	vadd.s32 v37, v0;
	[tilespmem:s21+$0x6080] =	vst v1  }
0x57f: {  	v1 =	vld.idx.msk [tilespmem:v9+s1+$0x0], $0xffff;
	v9 =	vadd.s32 v38, v0;
	_ =	sdelay $0x1  }
0x580: {  	[tilespmem:s21+$0x6100] =	vst v2  }
0x581: {  	v2 =	vld.idx.msk [tilespmem:v10+s1+$0x0], $0xffff;
	v10 =	vadd.s32 v39, v0;
	[tilespmem:s21+$0x6180] =	vst v3  }
0x582: {  	v3 =	vld.idx.msk [tilespmem:v8+s1+$0x0], $0xffff;
	v8 =	vadd.s32 v40, v0;
	[tilespmem:s21+$0x6200] =	vst v4  }
0x583: {  	v4 =	vld.idx.msk [tilespmem:v9+s1+$0x0], $0xffff;
	v9 =	vadd.s32 v41, v0;
	_ =	sdelay $0x1  }
0x584: {  	[tilespmem:s21+$0x6E80] =	vst v5  }
0x585: {  	v5 =	vld.idx.msk [tilespmem:v10+s1+$0x0], $0xffff;
	v10 =	vadd.s32 v42, v0;
	[tilespmem:s21+$0x6F00] =	vst v6  }
0x586: {  	v6 =	vld.idx.msk [tilespmem:v8+s1+$0x0], $0xffff;
	v8 =	vadd.s32 v43, v0;
	[tilespmem:s21+$0x6F80] =	vst v7  }
0x587: {  	v7 =	vld.idx.msk [tilespmem:v9+s1+$0x0], $0xffff;
	v9 =	vadd.s32 v44, v0;
	_ =	sdelay $0x1  }
0x588: {  	[tilespmem:s21+$0x7000] =	vst v1  }
0x589: {  	v1 =	vld.idx.msk [tilespmem:v10+s1+$0x0], $0xffff;
	v10 =	vadd.s32 v45, v0;
	[tilespmem:s21+$0x7080] =	vst v2  }
0x58a: {  	v2 =	vld.idx.msk [tilespmem:v8+s1+$0x0], $0xffff;
	v8 =	vadd.s32 v46, v0;
	[tilespmem:s21+$0x7100] =	vst v3  }
0x58b: {  	v3 =	vld.idx.msk [tilespmem:v9+s1+$0x0], $0xffff;
	v9 =	vadd.s32 v47, v0  }
0x58c: {  	[tilespmem:s21+$0x7180] =	vst v4;
	v4 =	vadd.s32 v48, v0;
	_ =	sdelay $0x1  }
0x58d: {  	v10 =	vld.idx.msk [tilespmem:v10+s1+$0x0], $0xffff;
	[tilespmem:s21+$0x7200] =	vst v5  }
0x58e: {  	v5 =	vadd.s32 v49, v0;
	v8 =	vld.idx.msk [tilespmem:v8+s1+$0x0], $0xffff;
	[tilespmem:s21+$0x7E80] =	vst v6  }
0x58f: {  	v13 =	vld.idx.msk [tilespmem:v9+s1+$0x0], $0xffff;
	v9 =	vadd.s32 v50, v0;
	[tilespmem:s21+$0x7F00] =	vst v7  }
0x590: {  	v7 =	vld.idx.msk [tilespmem:v4+s1+$0x0], $0xffff;
	v4 =	vadd.s32 v51, v0  }
0x591: {  	[tilespmem:s21+$0x7F80] =	vst v1;
	v1 =	vadd.s32 v52, v0;
	_ =	sdelay $0x1  }
0x592: {  	v6 =	vld.idx.msk [tilespmem:v5+s1+$0x0], $0xffff;
	[tilespmem:s21+$0x8000] =	vst v2;
	v2 =	vadd.s32 v53, v0  }
0x593: {  	v5 =	vld.idx.msk [tilespmem:v9+s1+$0x0], $0xffff;
	[tilespmem:s21+$0x8080] =	vst v3  }
0x594: {  	v4 =	vld.idx.msk [tilespmem:v4+s1+$0x0], $0xffff;
	[tilespmem:s21+$0x8100] =	vst v10  }
0x595: {  	v12 =	vadd.s32 v54, v0;
	s26 =	simm.s32 $0x10;
	v3 =	vld.idx.msk [tilespmem:v1+s1+$0x0], $0xffff  }
0x596: {  	v11 =	vadd.s32 v55, v0;
	v9 =	vadd.s32 v57, v0;
	[tilespmem:s21+$0x8180] =	vst v8;
	v1 =	vld [tilespmem:s26+$0x2E00]  }
0x597: {  	s28 =	simm.s32 $0x80;
	v10 =	vadd.s32 v56, v0;
	v8 =	vadd.s32 v58, v0;
	v2 =	vld.idx.msk [tilespmem:v2+s1+$0x0], $0xffff;
	[tilespmem:s21+$0x8200] =	vst v13  }
.LBB2_8:
0x598: {  	_ =	sdelay $0x1  }
0x599: {  	v12 =	vld.idx.msk [tilespmem:v12+s1+$0x0], $0xffff;
	[tilespmem:s21+$0x8E80] =	vst v7  }
0x59a: {  	v11 =	vld.idx.msk [tilespmem:v11+s1+$0x0], $0xffff;
	[tilespmem:s21+$0x8F00] =	vst v6  }
0x59b: {  	v10 =	vld.idx.msk [tilespmem:v10+s1+$0x0], $0xffff;
	[tilespmem:s21+$0x8F80] =	vst v5  }
0x59c: {  	v7 =	vadd.s32 v59, v0;
	v9 =	vld.idx.msk [tilespmem:v9+s1+$0x0], $0xffff;
	[tilespmem:s21+$0x9000] =	vst v4  }
0x59d: {  	v6 =	vadd.s32 v60, v0;
	v5 =	vadd.s32 v61, v0;
	v8 =	vld.idx.msk [tilespmem:v8+s1+$0x0], $0xffff  }
0x59e: {  	v4 =	vadd.s32 v62, v0;
	[tilespmem:s21+$0x9080] =	vst v3;
	v3 =	vadd.s32 v63, v0;
	v0 =	vshll.u32 v1, $0x6;
	v1 =	vld [tilespmem:$0x1FDD0];
	_ =	sdelay $0x2  }
0x59f: {  	v7 =	vld.idx.msk [tilespmem:v7+s1+$0x0], $0xffff;
	[tilespmem:s21+$0x9100] =	vst v2  }
0x5a0: {  	v6 =	vld.idx.msk [tilespmem:v6+s1+$0x0], $0xffff  }
0x5a1: {  	[tilespmem:s21+$0x9180] =	vst v12;
	v12 =	vadd.s32 v1, v0;
	v1 =	vld [tilespmem:$0x1FDE0];
	_ =	sdelay $0x3  }
0x5a2: {  	v5 =	vld.idx.msk [tilespmem:v5+s1+$0x0], $0xffff  }
0x5a3: {  	[tilespmem:s21+$0x9200] =	vst v11;
	v11 =	vadd.s32 v1, v0;
	v1 =	vld [tilespmem:$0x1FDF0];
	_ =	sdelay $0x1  }
0x5a4: {  	v2 =	vadd.s32 v20, v0;
	v4 =	vld.idx.msk [tilespmem:v4+s1+$0x0], $0xffff;
	[tilespmem:s21+$0x9E80] =	vst v10  }
0x5a5: {  	v3 =	vld.idx.msk [tilespmem:v3+s1+$0x0], $0xffff  }
0x5a6: {  	s29 =	sshra.s32 s28, $0x2;
	[tilespmem:s21+$0x9F00] =	vst v9;
	v9 =	vld [tilespmem:$0x1FE00]  }
0x5a7: {  	v10 =	vadd.s32 v1, v0;
	v1 =	vld [tilespmem:s29+$0x2E00]  }
0x5a8: {  	[tilespmem:s21+$0x9F80] =	vst v8;
	v8 =	vld [tilespmem:$0x1FE10]  }
0x5a9: {  	v2 =	vld.idx.msk [tilespmem:v2+s1+$0x0], $0xffff;
	[tilespmem:s21+$0xA000] =	vst v7  }
0x5aa: {  	v7 =	vld.idx.msk [tilespmem:v12+s1+$0x0], $0xffff  }
0x5ab: {  	v9 =	vadd.s32 v9, v0;
	v12 =	vld [tilespmem:$0x1FE20];
	[tilespmem:s21+$0xA080] =	vst v6  }
0x5ac: {  	v6 =	vld.idx.msk [tilespmem:v11+s1+$0x0], $0xffff  }
0x5ad: {  	v11 =	vld [tilespmem:$0x1FE30];
	[tilespmem:s21+$0xA100] =	vst v5;
	v8 =	vadd.s32 v8, v0  }
0x5ae: {  	v5 =	vld.idx.msk [tilespmem:v10+s1+$0x0], $0xffff  }
0x5af: {  	v10 =	vld [tilespmem:$0x1FE40];
	[tilespmem:s21+$0xA180] =	vst v4  }
0x5b0: {  	v4 =	vld.idx.msk [tilespmem:v9+s1+$0x0], $0xffff;
	v12 =	vadd.s32 v12, v0  }
0x5b1: {  	v9 =	vld [tilespmem:$0x1FE50];
	[tilespmem:s21+$0xA200] =	vst v3  }
0x5b2: {  	v11 =	vadd.s32 v11, v0;
	v3 =	vld.idx.msk [tilespmem:v8+s1+$0x0], $0xffff  }
0x5b3: {  	s23 =	sadd.s32 $0x80, s23;
	v8 =	vld [tilespmem:$0x1FE60]  }
0x5b4: {  	s30 =	sand.u32 $0x3FFFFC00, s23;
	v10 =	vadd.s32 v10, v0  }
0x5b5: {  	s21 =	sadd.s32 s26, s30;
	v12 =	vld.idx.msk [tilespmem:v12+s1+$0x0], $0xffff  }
0x5b6: {  	v9 =	vadd.s32 v9, v0;
	[tilespmem:s21+$0x2E80] =	vst v2;
	v2 =	vld [tilespmem:$0x1FE70]  }
0x5b7: {  	v11 =	vld.idx.msk [tilespmem:v11+s1+$0x0], $0xffff  }
0x5b8: {  	[tilespmem:s21+$0x2F00] =	vst v7;
	v7 =	vld [tilespmem:$0x1FE80];
	v8 =	vadd.s32 v8, v0  }
0x5b9: {  	v10 =	vld.idx.msk [tilespmem:v10+s1+$0x0], $0xffff  }
0x5ba: {  	[tilespmem:s21+$0x2F80] =	vst v6;
	v6 =	vld [tilespmem:$0x1FE90]  }
0x5bb: {  	v9 =	vld.idx.msk [tilespmem:v9+s1+$0x0], $0xffff;
	v2 =	vadd.s32 v2, v0  }
0x5bc: {  	[tilespmem:s21+$0x3000] =	vst v5;
	v5 =	vld [tilespmem:$0x1FEA0]  }
0x5bd: {  	v7 =	vadd.s32 v7, v0;
	v8 =	vld.idx.msk [tilespmem:v8+s1+$0x0], $0xffff  }
0x5be: {  	[tilespmem:s21+$0x3080] =	vst v4;
	v4 =	vld [tilespmem:$0x1FEB0]  }
0x5bf: {  	v6 =	vadd.s32 v6, v0  }
0x5c0: {  	v2 =	vld.idx.msk [tilespmem:v2+s1+$0x0], $0xffff  }
0x5c1: {  	v5 =	vadd.s32 v5, v0;
	[tilespmem:s21+$0x3100] =	vst v3;
	v3 =	vld [tilespmem:$0x1FEC0]  }
0x5c2: {  	s25 =	sadd.s32 $0x10, s25;
	v7 =	vld.idx.msk [tilespmem:v7+s1+$0x0], $0xffff  }
0x5c3: {  	s30 =	sor.u32 s23, s25;
	[tilespmem:s21+$0x3180] =	vst v12;
	v12 =	vld [tilespmem:$0x1FED0];
	v4 =	vadd.s32 v4, v0  }
0x5c4: {  	s26 =	smov.u32 s29;
	s29 =	sor.u32 $0x380, s30;
	v6 =	vld.idx.msk [tilespmem:v6+s1+$0x0], $0xffff  }
0x5c5: {  	[tilespmem:s29+$0x2E80] =	vst v11;
	v11 =	vld [tilespmem:$0x1FEE0]  }
0x5c6: {  	v5 =	vld.idx.msk [tilespmem:v5+s1+$0x0], $0xffff  }
0x5c7: {  	[tilespmem:s21+$0x3E80] =	vst v10;
	v10 =	vld [tilespmem:$0x1FEF0]  }
0x5c8: {  	v4 =	vld.idx.msk [tilespmem:v4+s1+$0x0], $0xffff  }
0x5c9: {  	[tilespmem:s21+$0x3F00] =	vst v9;
	v9 =	vld [tilespmem:$0x1FF00]  }
0x5ca: {  	v3 =	vadd.s32 v3, v0  }
0x5cb: {  	v12 =	vadd.s32 v12, v0  }
0x5cc: {  	v11 =	vadd.s32 v11, v0  }
0x5cd: {  	v10 =	vadd.s32 v10, v0  }
0x5ce: {  	v9 =	vadd.s32 v9, v0  }
0x5cf: {  	v3 =	vld.idx.msk [tilespmem:v3+s1+$0x0], $0xffff;
	[tilespmem:s21+$0x3F80] =	vst v8;
	v8 =	vadd.s32 v28, v0  }
0x5d0: {  	v12 =	vld.idx.msk [tilespmem:v12+s1+$0x0], $0xffff;
	[tilespmem:s21+$0x4000] =	vst v2;
	v2 =	vadd.s32 v21, v0  }
0x5d1: {  	v11 =	vld.idx.msk [tilespmem:v11+s1+$0x0], $0xffff;
	[tilespmem:s21+$0x4080] =	vst v7;
	v7 =	vadd.s32 v29, v0  }
0x5d2: {  	v10 =	vld.idx.msk [tilespmem:v10+s1+$0x0], $0xffff;
	[tilespmem:s21+$0x4100] =	vst v6;
	v6 =	vadd.s32 v25, v0  }
0x5d3: {  	v9 =	vld.idx.msk [tilespmem:v9+s1+$0x0], $0xffff;
	[tilespmem:s21+$0x4180] =	vst v5;
	v5 =	vadd.s32 v30, v0  }
0x5d4: {  	v8 =	vld.idx.msk [tilespmem:v8+s1+$0x0], $0xffff;
	[tilespmem:s21+$0x4200] =	vst v4;
	v4 =	vadd.s32 v22, v0  }
0x5d5: {  	v2 =	vld.idx.msk [tilespmem:v2+s1+$0x0], $0xffff;
	[tilespmem:s21+$0x4E80] =	vst v3;
	v3 =	vadd.s32 v31, v0  }
0x5d6: {  	v7 =	vld.idx.msk [tilespmem:v7+s1+$0x0], $0xffff;
	[tilespmem:s21+$0x4F00] =	vst v12;
	v12 =	vadd.s32 v26, v0  }
0x5d7: {  	v6 =	vld.idx.msk [tilespmem:v6+s1+$0x0], $0xffff;
	[tilespmem:s21+$0x4F80] =	vst v11;
	v11 =	vadd.s32 v32, v0  }
0x5d8: {  	v5 =	vld.idx.msk [tilespmem:v5+s1+$0x0], $0xffff;
	[tilespmem:s21+$0x5000] =	vst v10;
	v10 =	vadd.s32 v23, v0  }
0x5d9: {  	v4 =	vld.idx.msk [tilespmem:v4+s1+$0x0], $0xffff;
	[tilespmem:s21+$0x5080] =	vst v9;
	v9 =	vadd.s32 v33, v0  }
0x5da: {  	v3 =	vld.idx.msk [tilespmem:v3+s1+$0x0], $0xffff;
	[tilespmem:s21+$0x5100] =	vst v8;
	v8 =	vadd.s32 v27, v0  }
0x5db: {  	v12 =	vld.idx.msk [tilespmem:v12+s1+$0x0], $0xffff;
	[tilespmem:s21+$0x5180] =	vst v2;
	v2 =	vadd.s32 v34, v0  }
0x5dc: {  	v11 =	vld.idx.msk [tilespmem:v11+s1+$0x0], $0xffff;
	[tilespmem:s21+$0x5200] =	vst v7;
	v7 =	vadd.s32 v24, v0  }
0x5dd: {  	v10 =	vld.idx.msk [tilespmem:v10+s1+$0x0], $0xffff;
	[tilespmem:s21+$0x5E80] =	vst v6;
	v6 =	vadd.s32 v35, v0  }
0x5de: {  	v9 =	vld.idx.msk [tilespmem:v9+s1+$0x0], $0xffff;
	[tilespmem:s21+$0x5F00] =	vst v5;
	v5 =	vadd.s32 v36, v0  }
0x5df: {  	v8 =	vld.idx.msk [tilespmem:v8+s1+$0x0], $0xffff;
	[tilespmem:s21+$0x5F80] =	vst v4;
	v4 =	vadd.s32 v37, v0  }
0x5e0: {  	v2 =	vld.idx.msk [tilespmem:v2+s1+$0x0], $0xffff;
	[tilespmem:s21+$0x6000] =	vst v3;
	v3 =	vadd.s32 v38, v0  }
0x5e1: {  	v7 =	vld.idx.msk [tilespmem:v7+s1+$0x0], $0xffff;
	[tilespmem:s21+$0x6080] =	vst v12;
	v12 =	vadd.s32 v39, v0  }
0x5e2: {  	v6 =	vld.idx.msk [tilespmem:v6+s1+$0x0], $0xffff;
	[tilespmem:s21+$0x6100] =	vst v11;
	v11 =	vadd.s32 v40, v0  }
0x5e3: {  	v5 =	vld.idx.msk [tilespmem:v5+s1+$0x0], $0xffff;
	[tilespmem:s21+$0x6180] =	vst v10;
	v10 =	vadd.s32 v41, v0  }
0x5e4: {  	v4 =	vld.idx.msk [tilespmem:v4+s1+$0x0], $0xffff;
	[tilespmem:s21+$0x6200] =	vst v9;
	v9 =	vadd.s32 v42, v0  }
0x5e5: {  	v3 =	vld.idx.msk [tilespmem:v3+s1+$0x0], $0xffff;
	[tilespmem:s21+$0x6E80] =	vst v8;
	v8 =	vadd.s32 v43, v0  }
0x5e6: {  	v12 =	vld.idx.msk [tilespmem:v12+s1+$0x0], $0xffff;
	[tilespmem:s21+$0x6F00] =	vst v2;
	v2 =	vadd.s32 v44, v0  }
0x5e7: {  	v11 =	vld.idx.msk [tilespmem:v11+s1+$0x0], $0xffff;
	[tilespmem:s21+$0x6F80] =	vst v7;
	v7 =	vadd.s32 v45, v0  }
0x5e8: {  	v10 =	vld.idx.msk [tilespmem:v10+s1+$0x0], $0xffff;
	[tilespmem:s21+$0x7000] =	vst v6;
	v6 =	vadd.s32 v46, v0  }
0x5e9: {  	v9 =	vld.idx.msk [tilespmem:v9+s1+$0x0], $0xffff;
	[tilespmem:s21+$0x7080] =	vst v5;
	v5 =	vadd.s32 v47, v0  }
0x5ea: {  	v8 =	vld.idx.msk [tilespmem:v8+s1+$0x0], $0xffff;
	[tilespmem:s21+$0x7100] =	vst v4;
	v4 =	vadd.s32 v48, v0  }
0x5eb: {  	v2 =	vld.idx.msk [tilespmem:v2+s1+$0x0], $0xffff;
	[tilespmem:s21+$0x7180] =	vst v3;
	v3 =	vadd.s32 v49, v0  }
0x5ec: {  	v14 =	vadd.s32 v50, v0;
	v13 =	vld.idx.msk [tilespmem:v7+s1+$0x0], $0xffff;
	[tilespmem:s21+$0x7200] =	vst v12  }
0x5ed: {  	v16 =	vadd.s32 v51, v0;
	v15 =	vld.idx.msk [tilespmem:v6+s1+$0x0], $0xffff;
	[tilespmem:s21+$0x7E80] =	vst v11  }
0x5ee: {  	v18 =	vadd.s32 v52, v0;
	v17 =	vld.idx.msk [tilespmem:v5+s1+$0x0], $0xffff;
	[tilespmem:s21+$0x7F00] =	vst v10  }
0x5ef: {  	p0 =	sne.s32 s28, $0x1C0;
	v19 =	vadd.s32 v53, v0;
	v7 =	vld.idx.msk [tilespmem:v4+s1+$0x0], $0xffff;
	[tilespmem:s21+$0x7F80] =	vst v9  }
.Ltmp3:
0x5f0: {  	v6 =	vld.idx.msk [tilespmem:v3+s1+$0x0], $0xffff;
	[tilespmem:s21+$0x8000] =	vst v8;
	(pc) =	sbr.rel @p0 .LBB2_8-.Ltmp3, $4  }
0x5f1: {  	v5 =	vld.idx.msk [tilespmem:v14+s1+$0x0], $0xffff;
	[tilespmem:s21+$0x8080] =	vst v2  }
0x5f2: {  	v12 =	vadd.s32 v54, v0;
	v4 =	vld.idx.msk [tilespmem:v16+s1+$0x0], $0xffff;
	[tilespmem:s21+$0x8100] =	vst v13  }
0x5f3: {  	v11 =	vadd.s32 v55, v0;
	v10 =	vadd.s32 v56, v0;
	v3 =	vld.idx.msk [tilespmem:v18+s1+$0x0], $0xffff;
	[tilespmem:s21+$0x8180] =	vst v15  }
0x5f4: {  	s28 =	sadd.s32 $0x40, s28;
	v9 =	vadd.s32 v57, v0;
	v8 =	vadd.s32 v58, v0;
	v2 =	vld.idx.msk [tilespmem:v19+s1+$0x0], $0xffff;
	[tilespmem:s21+$0x8200] =	vst v17  }
0x5f5: {  	v1 =	vshll.u32 v1, $0x6  }
0x5f6: {  	v13 =	vadd.s32 v20, v1;
	_ =	sdelay $0x3  }
0x5f7: {  	v14 =	vld [tilespmem:$0x1FDD0]  }
0x5f8: {  	v13 =	vld.idx.msk [tilespmem:v13+s1+$0x0], $0xffff;
	_ =	sdelay $0x4  }
0x5f9: {  	v14 =	vadd.s32 v14, v1;
	[tilespmem:$0x1F720] =	vst v13;
	v13 =	vld [tilespmem:$0x1FE10];
	_ =	sdelay $0x3  }
0x5fa: {  	v15 =	vld [tilespmem:$0x1FDE0]  }
0x5fb: {  	v18 =	vadd.s32 v13, v1;
	v13 =	vld.idx.msk [tilespmem:v14+s1+$0x0], $0xffff;
	_ =	sdelay $0x4  }
0x5fc: {  	v15 =	vadd.s32 v15, v1;
	[tilespmem:$0x1F730] =	vst v13;
	v13 =	vld [tilespmem:$0x1FE20];
	_ =	sdelay $0x4  }
0x5fd: {  	v19 =	vadd.s32 v13, v1;
	v13 =	vld.idx.msk [tilespmem:v15+s1+$0x0], $0xffff;
	_ =	sdelay $0x4  }
0x5fe: {  	[tilespmem:$0x1F740] =	vst v13;
	v13 =	vld [tilespmem:$0x1FE30];
	_ =	sdelay $0x1  }
0x5ff: {  	v16 =	vld [tilespmem:$0x1FDF0]  }
0x600: {  	v17 =	vld [tilespmem:$0x1FE00];
	_ =	sdelay $0x1  }
0x601: {  	v14 =	vadd.s32 v13, v1;
	v13 =	vld [tilespmem:$0x1FE40];
	_ =	sdelay $0x1  }
0x602: {  	v16 =	vadd.s32 v16, v1  }
0x603: {  	v17 =	vadd.s32 v17, v1;
	_ =	sdelay $0x1  }
0x604: {  	v15 =	vadd.s32 v13, v1;
	v13 =	vld [tilespmem:$0x1F720];
	_ =	sdelay $0x1  }
0x605: {  	s28 =	sadd.s32 $0x80, s23;
	v16 =	vld.idx.msk [tilespmem:v16+s1+$0x0], $0xffff  }
0x606: {  	s23 =	sand.u32 $0x3FFFFC00, s28;
	v17 =	vld.idx.msk [tilespmem:v17+s1+$0x0], $0xffff  }
0x607: {  	s23 =	sadd.s32 s26, s23;
	v18 =	vld.idx.msk [tilespmem:v18+s1+$0x0], $0xffff  }
0x608: {  	v19 =	vld.idx.msk [tilespmem:v19+s1+$0x0], $0xffff;
	[tilespmem:s23+$0x2E80] =	vst v13  }
0x609: {  	v14 =	vld.idx.msk [tilespmem:v14+s1+$0x0], $0xffff;
	_ =	sdelay $0x4  }
0x60a: {  	[tilespmem:$0x1F750] =	vst v14;
	v14 =	vld [tilespmem:$0x1F730];
	_ =	sdelay $0x4  }
0x60b: {  	v13 =	vld [tilespmem:$0x1FE50];
	[tilespmem:s23+$0x2F00] =	vst v14  }
0x60c: {  	v15 =	vld.idx.msk [tilespmem:v15+s1+$0x0], $0xffff;
	_ =	sdelay $0x4  }
0x60d: {  	[tilespmem:$0x1F760] =	vst v15;
	v15 =	vld [tilespmem:$0x1F740]  }
0x60e: {  	v13 =	vadd.s32 v13, v1;
	_ =	sdelay $0x1  }
0x60f: {  	v14 =	vld [tilespmem:$0x1FE60];
	_ =	sdelay $0x1  }
0x610: {  	[tilespmem:s23+$0x2F80] =	vst v15  }
0x611: {  	v13 =	vld.idx.msk [tilespmem:v13+s1+$0x0], $0xffff;
	_ =	sdelay $0x1  }
0x612: {  	v14 =	vadd.s32 v14, v1;
	_ =	sdelay $0x1  }
0x613: {  	v15 =	vld [tilespmem:$0x1FE70]  }
0x614: {  	[tilespmem:$0x1F770] =	vst v13  }
0x615: {  	[tilespmem:s23+$0x3000] =	vst v16  }
0x616: {  	v13 =	vld.idx.msk [tilespmem:v14+s1+$0x0], $0xffff;
	_ =	sdelay $0x1  }
0x617: {  	v15 =	vadd.s32 v15, v1;
	_ =	sdelay $0x1  }
0x618: {  	v16 =	vld [tilespmem:$0x1FE80]  }
0x619: {  	[tilespmem:$0x1F780] =	vst v13  }
0x61a: {  	[tilespmem:s23+$0x3080] =	vst v17  }
0x61b: {  	v13 =	vld.idx.msk [tilespmem:v15+s1+$0x0], $0xffff;
	_ =	sdelay $0x1  }
0x61c: {  	v16 =	vadd.s32 v16, v1;
	_ =	sdelay $0x2  }
0x61d: {  	[tilespmem:$0x1F790] =	vst v13  }
0x61e: {  	v17 =	vld [tilespmem:$0x1FE90];
	[tilespmem:s23+$0x3100] =	vst v18  }
0x61f: {  	v16 =	vld.idx.msk [tilespmem:v16+s1+$0x0], $0xffff;
	_ =	sdelay $0x4  }
0x620: {  	[tilespmem:$0x1F7A0] =	vst v16  }
0x621: {  	v13 =	vld [tilespmem:$0x1FEA0];
	[tilespmem:s23+$0x3180] =	vst v19  }
0x622: {  	v16 =	vld [tilespmem:$0x1FEB0];
	_ =	sdelay $0x4  }
0x623: {  	v17 =	vadd.s32 v17, v1;
	v19 =	vadd.s32 v16, v1;
	v16 =	vld [tilespmem:$0x1F750];
	_ =	sdelay $0x1  }
0x624: {  	s25 =	sadd.s32 $0x10, s25  }
0x625: {  	s25 =	sor.u32 s28, s25  }
0x626: {  	s25 =	sor.u32 $0x380, s25  }
0x627: {  	v17 =	vld.idx.msk [tilespmem:v17+s1+$0x0], $0xffff;
	[tilespmem:s25+$0x2E80] =	vst v16  }
0x628: {  	v18 =	vadd.s32 v13, v1;
	v16 =	vld [tilespmem:$0x1F760];
	_ =	sdelay $0x1  }
0x629: {  	v13 =	vld [tilespmem:$0x1FEC0];
	_ =	sdelay $0x2  }
0x62a: {  	v18 =	vld.idx.msk [tilespmem:v18+s1+$0x0], $0xffff;
	[tilespmem:s23+$0x3E80] =	vst v16  }
0x62b: {  	v15 =	vld [tilespmem:$0x1F770]  }
0x62c: {  	v13 =	vadd.s32 v13, v1;
	_ =	sdelay $0x1  }
0x62d: {  	v14 =	vld [tilespmem:$0x1FED0];
	_ =	sdelay $0x1  }
0x62e: {  	v19 =	vld.idx.msk [tilespmem:v19+s1+$0x0], $0xffff;
	[tilespmem:s23+$0x3F00] =	vst v15  }
0x62f: {  	v16 =	vld.idx.msk [tilespmem:v13+s1+$0x0], $0xffff  }
0x630: {  	v13 =	vld [tilespmem:$0x1F780]  }
0x631: {  	v14 =	vadd.s32 v14, v1;
	_ =	sdelay $0x3  }
0x632: {  	v15 =	vld [tilespmem:$0x1FEE0];
	[tilespmem:s23+$0x3F80] =	vst v13  }
0x633: {  	v14 =	vld.idx.msk [tilespmem:v14+s1+$0x0], $0xffff;
	_ =	sdelay $0x4  }
0x634: {  	[tilespmem:$0x1F7B0] =	vst v14;
	v14 =	vld [tilespmem:$0x1F790]  }
0x635: {  	v15 =	vadd.s32 v15, v1;
	_ =	sdelay $0x3  }
0x636: {  	v13 =	vld [tilespmem:$0x1FEF0];
	[tilespmem:s23+$0x4000] =	vst v14  }
0x637: {  	v15 =	vld.idx.msk [tilespmem:v15+s1+$0x0], $0xffff;
	_ =	sdelay $0x4  }
0x638: {  	[tilespmem:$0x1F7C0] =	vst v15;
	v15 =	vld [tilespmem:$0x1F7A0]  }
0x639: {  	v13 =	vadd.s32 v13, v1;
	_ =	sdelay $0x1  }
0x63a: {  	v14 =	vld [tilespmem:$0x1FF00];
	_ =	sdelay $0x1  }
0x63b: {  	[tilespmem:s23+$0x4080] =	vst v15  }
0x63c: {  	v13 =	vld.idx.msk [tilespmem:v13+s1+$0x0], $0xffff;
	_ =	sdelay $0x1  }
0x63d: {  	v14 =	vadd.s32 v14, v1;
	_ =	sdelay $0x2  }
0x63e: {  	[tilespmem:$0x1F7D0] =	vst v13  }
0x63f: {  	[tilespmem:s23+$0x4100] =	vst v17  }
0x640: {  	v13 =	vld.idx.msk [tilespmem:v14+s1+$0x0], $0xffff;
	_ =	sdelay $0x1  }
0x641: {  	v15 =	vadd.s32 v28, v1;
	_ =	sdelay $0x2  }
0x642: {  	[tilespmem:$0x1F7E0] =	vst v13  }
0x643: {  	[tilespmem:s23+$0x4180] =	vst v18  }
0x644: {  	v13 =	vld.idx.msk [tilespmem:v15+s1+$0x0], $0xffff;
	_ =	sdelay $0x1  }
0x645: {  	v17 =	vadd.s32 v21, v1;
	_ =	sdelay $0x2  }
0x646: {  	[tilespmem:$0x1F7F0] =	vst v13  }
0x647: {  	[tilespmem:s23+$0x4200] =	vst v19  }
0x648: {  	v17 =	vld.idx.msk [tilespmem:v17+s1+$0x0], $0xffff;
	[tilespmem:s23+$0x4E80] =	vst v16  }
0x649: {  	v18 =	vadd.s32 v29, v1;
	v13 =	vld [tilespmem:$0x1F7B0];
	_ =	sdelay $0x4  }
0x64a: {  	v18 =	vld.idx.msk [tilespmem:v18+s1+$0x0], $0xffff;
	[tilespmem:s23+$0x4F00] =	vst v13  }
0x64b: {  	v19 =	vadd.s32 v25, v1;
	v14 =	vld [tilespmem:$0x1F7C0];
	_ =	sdelay $0x4  }
0x64c: {  	v19 =	vld.idx.msk [tilespmem:v19+s1+$0x0], $0xffff;
	[tilespmem:s23+$0x4F80] =	vst v14  }
0x64d: {  	v16 =	vadd.s32 v30, v1;
	v15 =	vld [tilespmem:$0x1F7D0]  }
0x64e: {  	v13 =	vadd.s32 v22, v1;
	_ =	sdelay $0x3  }
0x64f: {  	v16 =	vld.idx.msk [tilespmem:v16+s1+$0x0], $0xffff;
	[tilespmem:s23+$0x5000] =	vst v15  }
0x650: {  	v13 =	vld.idx.msk [tilespmem:v13+s1+$0x0], $0xffff;
	_ =	sdelay $0x4  }
0x651: {  	[tilespmem:$0x1F800] =	vst v13;
	v13 =	vld [tilespmem:$0x1F7E0]  }
0x652: {  	v14 =	vadd.s32 v31, v1;
	_ =	sdelay $0x3  }
0x653: {  	[tilespmem:s23+$0x5080] =	vst v13  }
0x654: {  	v14 =	vld.idx.msk [tilespmem:v14+s1+$0x0], $0xffff;
	_ =	sdelay $0x4  }
0x655: {  	[tilespmem:$0x1F810] =	vst v14;
	v14 =	vld [tilespmem:$0x1F7F0]  }
0x656: {  	v15 =	vadd.s32 v26, v1  }
0x657: {  	v13 =	vadd.s32 v32, v1;
	_ =	sdelay $0x2  }
0x658: {  	[tilespmem:s23+$0x5100] =	vst v14  }
0x659: {  	v15 =	vld.idx.msk [tilespmem:v15+s1+$0x0], $0xffff;
	[tilespmem:s23+$0x5180] =	vst v17  }
0x65a: {  	v13 =	vld.idx.msk [tilespmem:v13+s1+$0x0], $0xffff;
	_ =	sdelay $0x1  }
0x65b: {  	v14 =	vadd.s32 v23, v1;
	_ =	sdelay $0x2  }
0x65c: {  	[tilespmem:$0x1F820] =	vst v13  }
0x65d: {  	[tilespmem:s23+$0x5200] =	vst v18  }
0x65e: {  	v13 =	vld.idx.msk [tilespmem:v14+s1+$0x0], $0xffff;
	_ =	sdelay $0x1  }
0x65f: {  	v17 =	vadd.s32 v33, v1;
	_ =	sdelay $0x2  }
0x660: {  	[tilespmem:$0x1F830] =	vst v13  }
0x661: {  	[tilespmem:s23+$0x5E80] =	vst v19  }
0x662: {  	v17 =	vld.idx.msk [tilespmem:v17+s1+$0x0], $0xffff;
	[tilespmem:s23+$0x5F00] =	vst v16  }
0x663: {  	v18 =	vadd.s32 v27, v1;
	v13 =	vld [tilespmem:$0x1F800];
	_ =	sdelay $0x4  }
0x664: {  	v18 =	vld.idx.msk [tilespmem:v18+s1+$0x0], $0xffff;
	[tilespmem:s23+$0x5F80] =	vst v13  }
0x665: {  	v19 =	vadd.s32 v34, v1;
	v14 =	vld [tilespmem:$0x1F810]  }
0x666: {  	v16 =	vadd.s32 v24, v1  }
0x667: {  	v13 =	vadd.s32 v35, v1;
	_ =	sdelay $0x2  }
0x668: {  	v19 =	vld.idx.msk [tilespmem:v19+s1+$0x0], $0xffff;
	[tilespmem:s23+$0x6000] =	vst v14  }
0x669: {  	v16 =	vld.idx.msk [tilespmem:v16+s1+$0x0], $0xffff;
	[tilespmem:s23+$0x6080] =	vst v15  }
0x66a: {  	v13 =	vld.idx.msk [tilespmem:v13+s1+$0x0], $0xffff;
	_ =	sdelay $0x4  }
0x66b: {  	[tilespmem:$0x1F840] =	vst v13;
	v13 =	vld [tilespmem:$0x1F820]  }
0x66c: {  	v14 =	vadd.s32 v36, v1;
	_ =	sdelay $0x3  }
0x66d: {  	[tilespmem:s23+$0x6100] =	vst v13  }
0x66e: {  	v14 =	vld.idx.msk [tilespmem:v14+s1+$0x0], $0xffff;
	_ =	sdelay $0x4  }
0x66f: {  	[tilespmem:$0x1F850] =	vst v14;
	v14 =	vld [tilespmem:$0x1F830]  }
0x670: {  	v15 =	vadd.s32 v37, v1  }
0x671: {  	v13 =	vadd.s32 v38, v1;
	_ =	sdelay $0x2  }
0x672: {  	[tilespmem:s23+$0x6180] =	vst v14  }
0x673: {  	v15 =	vld.idx.msk [tilespmem:v15+s1+$0x0], $0xffff;
	[tilespmem:s23+$0x6200] =	vst v17  }
0x674: {  	v13 =	vld.idx.msk [tilespmem:v13+s1+$0x0], $0xffff;
	_ =	sdelay $0x1  }
0x675: {  	v14 =	vadd.s32 v39, v1;
	_ =	sdelay $0x2  }
0x676: {  	[tilespmem:$0x1F860] =	vst v13  }
0x677: {  	[tilespmem:s23+$0x6E80] =	vst v18  }
0x678: {  	v13 =	vld.idx.msk [tilespmem:v14+s1+$0x0], $0xffff;
	_ =	sdelay $0x1  }
0x679: {  	v17 =	vadd.s32 v40, v1;
	_ =	sdelay $0x2  }
0x67a: {  	[tilespmem:$0x1F870] =	vst v13  }
0x67b: {  	[tilespmem:s23+$0x6F00] =	vst v19  }
0x67c: {  	v17 =	vld.idx.msk [tilespmem:v17+s1+$0x0], $0xffff;
	[tilespmem:s23+$0x6F80] =	vst v16  }
0x67d: {  	v18 =	vadd.s32 v41, v1;
	v13 =	vld [tilespmem:$0x1F840];
	_ =	sdelay $0x4  }
0x67e: {  	v18 =	vld.idx.msk [tilespmem:v18+s1+$0x0], $0xffff;
	[tilespmem:s23+$0x7000] =	vst v13  }
0x67f: {  	v19 =	vadd.s32 v42, v1;
	v14 =	vld [tilespmem:$0x1F850]  }
0x680: {  	v16 =	vadd.s32 v43, v1  }
0x681: {  	v13 =	vadd.s32 v44, v1;
	_ =	sdelay $0x2  }
0x682: {  	v19 =	vld.idx.msk [tilespmem:v19+s1+$0x0], $0xffff;
	[tilespmem:s23+$0x7080] =	vst v14  }
0x683: {  	v16 =	vld.idx.msk [tilespmem:v16+s1+$0x0], $0xffff;
	[tilespmem:s23+$0x7100] =	vst v15  }
0x684: {  	v13 =	vld.idx.msk [tilespmem:v13+s1+$0x0], $0xffff;
	_ =	sdelay $0x4  }
0x685: {  	[tilespmem:$0x1F880] =	vst v13;
	v13 =	vld [tilespmem:$0x1F860]  }
0x686: {  	v14 =	vadd.s32 v45, v1;
	_ =	sdelay $0x3  }
0x687: {  	[tilespmem:s23+$0x7180] =	vst v13  }
0x688: {  	v14 =	vld.idx.msk [tilespmem:v14+s1+$0x0], $0xffff;
	_ =	sdelay $0x4  }
0x689: {  	[tilespmem:$0x1F890] =	vst v14;
	v14 =	vld [tilespmem:$0x1F870]  }
0x68a: {  	v15 =	vadd.s32 v46, v1  }
0x68b: {  	v13 =	vadd.s32 v47, v1;
	_ =	sdelay $0x1  }
0x68c: {  	v12 =	vld.idx.msk [tilespmem:v12+s1+$0x0], $0xffff;
	[tilespmem:s21+$0x8E80] =	vst v7  }
0x68d: {  	[tilespmem:s23+$0x7200] =	vst v14;
	v14 =	vadd.s32 v48, v1  }
0x68e: {  	v15 =	vld.idx.msk [tilespmem:v15+s1+$0x0], $0xffff;
	[tilespmem:s23+$0x7E80] =	vst v17;
	v17 =	vadd.s32 v49, v1  }
0x68f: {  	v13 =	vld.idx.msk [tilespmem:v13+s1+$0x0], $0xffff;
	[tilespmem:s23+$0x7F00] =	vst v18;
	v18 =	vadd.s32 v50, v1  }
0x690: {  	v11 =	vld.idx.msk [tilespmem:v11+s1+$0x0], $0xffff;
	[tilespmem:s21+$0x8F00] =	vst v6  }
0x691: {  	v10 =	vld.idx.msk [tilespmem:v10+s1+$0x0], $0xffff  }
0x692: {  	v7 =	vld.idx.msk [tilespmem:v14+s1+$0x0], $0xffff;
	[tilespmem:s23+$0x7F80] =	vst v19  }
0x693: {  	v6 =	vld.idx.msk [tilespmem:v17+s1+$0x0], $0xffff;
	[tilespmem:s23+$0x8000] =	vst v16  }
0x694: {  	[tilespmem:s21+$0x8F80] =	vst v5;
	v17 =	vld.idx.msk [tilespmem:v18+s1+$0x0], $0xffff  }
0x695: {  	v18 =	vld [tilespmem:$0x1F880];
	_ =	sdelay $0x3  }
0x696: {  	v5 =	vadd.s32 v59, v0;
	v9 =	vld.idx.msk [tilespmem:v9+s1+$0x0], $0xffff;
	[tilespmem:s21+$0x9000] =	vst v4  }
0x697: {  	v4 =	vadd.s32 v60, v0;
	[tilespmem:s23+$0x8080] =	vst v18  }
0x698: {  	v14 =	vadd.s32 v51, v1;
	v19 =	vld [tilespmem:$0x1F890]  }
0x699: {  	v8 =	vld.idx.msk [tilespmem:v8+s1+$0x0], $0xffff;
	[tilespmem:s21+$0x9080] =	vst v3;
	v3 =	vadd.s32 v61, v0  }
0x69a: {  	v16 =	vadd.s32 v52, v1  }
0x69b: {  	v5 =	vld.idx.msk [tilespmem:v5+s1+$0x0], $0xffff;
	[tilespmem:s21+$0x9100] =	vst v2;
	v2 =	vadd.s32 v62, v0  }
0x69c: {  	v18 =	vadd.s32 v53, v1;
	v4 =	vld.idx.msk [tilespmem:v4+s1+$0x0], $0xffff;
	[tilespmem:s21+$0x9180] =	vst v12  }
0x69d: {  	v14 =	vld.idx.msk [tilespmem:v14+s1+$0x0], $0xffff;
	v0 =	vadd.s32 v63, v0;
	[tilespmem:s23+$0x8100] =	vst v19  }
0x69e: {  	v3 =	vld.idx.msk [tilespmem:v3+s1+$0x0], $0xffff;
	[tilespmem:s21+$0x9200] =	vst v11  }
0x69f: {  	v16 =	vld.idx.msk [tilespmem:v16+s1+$0x0], $0xffff;
	[tilespmem:s23+$0x8180] =	vst v15  }
0x6a0: {  	v19 =	vadd.s32 v54, v1;
	v2 =	vld.idx.msk [tilespmem:v2+s1+$0x0], $0xffff;
	[tilespmem:s21+$0x9E80] =	vst v10  }
0x6a1: {  	v15 =	vadd.s32 v55, v1;
	v18 =	vld.idx.msk [tilespmem:v18+s1+$0x0], $0xffff;
	[tilespmem:s23+$0x8200] =	vst v13  }
0x6a2: {  	v13 =	vadd.s32 v56, v1;
	v0 =	vld.idx.msk [tilespmem:v0+s1+$0x0], $0xffff;
	[tilespmem:s21+$0x9F00] =	vst v9  }
0x6a3: {  	[tilespmem:s21+$0x9F80] =	vst v8  }
0x6a4: {  	[tilespmem:s21+$0xA000] =	vst v5  }
0x6a5: {  	v12 =	vld.idx.msk [tilespmem:v19+s1+$0x0], $0xffff;
	[tilespmem:s23+$0x8E80] =	vst v7;
	v7 =	vadd.s32 v57, v1  }
0x6a6: {  	v11 =	vld.idx.msk [tilespmem:v15+s1+$0x0], $0xffff;
	[tilespmem:s23+$0x8F00] =	vst v6;
	v6 =	vadd.s32 v58, v1  }
0x6a7: {  	v10 =	vld.idx.msk [tilespmem:v13+s1+$0x0], $0xffff;
	[tilespmem:s23+$0x8F80] =	vst v17;
	v17 =	vadd.s32 v59, v1  }
0x6a8: {  	[tilespmem:s21+$0xA080] =	vst v4  }
0x6a9: {  	[tilespmem:s21+$0xA100] =	vst v3  }
0x6aa: {  	v9 =	vadd.s32 v60, v1;
	v7 =	vld.idx.msk [tilespmem:v7+s1+$0x0], $0xffff;
	[tilespmem:s23+$0x9000] =	vst v14  }
0x6ab: {  	v6 =	vld.idx.msk [tilespmem:v6+s1+$0x0], $0xffff;
	[tilespmem:s23+$0x9080] =	vst v16;
	v16 =	vadd.s32 v61, v1  }
0x6ac: {  	[tilespmem:s21+$0xA180] =	vst v2;
	v5 =	vld.idx.msk [tilespmem:v17+s1+$0x0], $0xffff;
	v17 =	vadd.s32 v62, v1  }
0x6ad: {  	[tilespmem:s21+$0xA200] =	vst v0;
	v1 =	vadd.s32 v63, v1  }
0x6ae: {  	[tilespmem:s23+$0x9100] =	vst v18  }
0x6af: {  	v14 =	vld.idx.msk [tilespmem:v9+s1+$0x0], $0xffff;
	[tilespmem:s23+$0x9180] =	vst v12  }
0x6b0: {  	v15 =	vld.idx.msk [tilespmem:v16+s1+$0x0], $0xffff;
	[tilespmem:s23+$0x9200] =	vst v11  }
0x6b1: {  	v16 =	vld.idx.msk [tilespmem:v17+s1+$0x0], $0xffff;
	[tilespmem:s23+$0x9E80] =	vst v10  }
0x6b2: {  	v17 =	vld.idx.msk [tilespmem:v1+s1+$0x0], $0xffff;
	[tilespmem:s23+$0x9F00] =	vst v7  }
0x6b3: {  	[tilespmem:s23+$0x9F80] =	vst v6  }
0x6b4: {  	[tilespmem:s23+$0xA000] =	vst v5  }
0x6b5: {  	[tilespmem:s23+$0xA080] =	vst v14  }
0x6b6: {  	[tilespmem:s23+$0xA100] =	vst v15  }
0x6b7: {  	[tilespmem:s23+$0xA180] =	vst v16  }
0x6b8: {  	s28 =	simm.s32 $0x3A80;
	[tilespmem:s23+$0xA200] =	vst v17  }
0x6b9: {  	[hbm4b:s8+s1] =	stream.linear.scatter [tilespmem:s28], [sflag:$0x1], $0x400, $0x38;
	[tilespmem:$0xAE80] =	vst v63  }
0x6ba: {  	s29 =	sadd.s32 $0x4000, s8;
	s30 =	simm.s32 $0x4A80  }
0x6bb: {  	[hbm4b:s29+s1] =	stream.linear.scatter [tilespmem:s30], [sflag:$0x1], $0x400, $0x38;
	[tilespmem:$0xAE80] =	vst v63  }
0x6bc: {  	s23 =	sadd.s32 $0x8000, s8  }
0x6bd: {  	[hbm4b:s23+s1] =	stream.linear.scatter [tilespmem:s31], [sflag:$0x1], $0x400, $0x38;
	[tilespmem:$0xAE80] =	vst v63  }
0x6be: {  	s25 =	sadd.s32 $0xC000, s8  }
0x6bf: {  	[hbm4b:s25+s1] =	stream.linear.scatter [tilespmem:s0], [sflag:$0x1], $0x400, $0x38;
	[tilespmem:$0xAE80] =	vst v63  }
0x6c0: {  	s26 =	sadd.s32 $0x10000, s8  }
0x6c1: {  	[hbm4b:s26+s1] =	stream.linear.scatter [tilespmem:s2], [sflag:$0x1], $0x400, $0x38;
	[tilespmem:$0xAE80] =	vst v63  }
0x6c2: {  	s28 =	sadd.s32 $0x14000, s8  }
0x6c3: {  	[hbm4b:s28+s1] =	stream.linear.scatter [tilespmem:s10], [sflag:$0x1], $0x400, $0x38;
	[tilespmem:$0xAE80] =	vst v63  }
0x6c4: {  	s29 =	sadd.s32 $0x18000, s8  }
0x6c5: {  	[hbm4b:s29+s1] =	stream.linear.scatter [tilespmem:s13], [sflag:$0x1], $0x400, $0x38;
	[tilespmem:$0xAE80] =	vst v63  }
0x6c6: {  	s30 =	sadd.s32 $0x1C000, s8  }
0x6c7: {  	[hbm4b:s30+s1] =	stream.linear.scatter [tilespmem:s15], [sflag:$0x1], $0x400, $0x38;
	[tilespmem:$0xAE80] =	vst v63  }
0x6c8: {  	_ =	swait.ge [sflag:s17], $0x2000  }
0x6c9: {  	[sflag:s17] =	ssyncset.done $0x0  }
0x6ca: {  	[sflag:s17] =	ssyncadd.s32 $0xFFFFE000  }
0x6cb: {  	_ =	swait.ge [sflag:s17], $0x2000  }
0x6cc: {  	[sflag:s17] =	ssyncset.done $0x0  }
0x6cd: {  	s19 =	sadd.s32 $0x1, s19;
	[sflag:s17] =	ssyncadd.s32 $0xFFFFE000  }
0x6ce: {  	p0 =	sne.s32 s19, s9;
	_ =	swait.ge [sflag:s17], $0x2000  }
.Ltmp4:
0x6cf: {  	[sflag:s17] =	ssyncset.done $0x0;
	(pc) =	sbr.rel @p0 .LBB2_1-.Ltmp4, $4  }
0x6d0: {  	[sflag:s17] =	ssyncadd.s32 $0xFFFFE000  }
0x6d1: {  	_ =	swait.ge [sflag:s17], $0x2000  }
0x6d2: {  	[sflag:s17] =	ssyncset.done $0x0  }
0x6d3: {  	[sflag:s17] =	ssyncadd.s32 $0xFFFFE000  }
0x6d4: {  	_ =	sfence.sel $0x180000  }
0x6d5: {  	[bflag:$0x0] =	sbarrier.arrive $0xFFFF  }
0x6d6: {  	_ =	strace $0x90000047  }
0x6d7: {  	s0 =	stileid.u32;
	[bflag:$0x2] =	sbarrier.arrive $0xFFFF  }
0x6d8: {  	p0 =	sne.s32 s0, $0x0;
	s0 =	rddreg [dreg:$0x3]  }
0x6d9: {  	s0 =	sadd.s32 @!p0 $0x100000, s0  }
0x6da: {  	[sflag:s0] =	ssyncadd.tile.s32 @!p0 $0x1;
	_ =	shalt  }
.Lfunc_end2:
_tile_overlayer_lowered:
.L_overlay_start_2:
0x6db: {  	(tag) =	ssettag $0x2  }
0x6dc: {  	s0 =	rddreg [dreg:$0x0];
	s2 =	stileid.u32  }
0x6dd: {  	s1 =	rddreg [dreg:$0x1];
	p0 =	sne.s32 s2, $0x0  }
0x6de: {  	s3 =	rddreg [dreg:$0x2];
	[bflag:$0x3] =	sbarrier.arrive $0xFFFF;
	s2 =	simm.s32 @!p0 $0x1C03  }
0x6df: {  	[timem:s3], [sflag:s2] =	dma.local @!p0 [hbm:s0], s1  }
0x6e0: {  	s0 =	simm.s32 @!p0 $0x3  }
0x6e1: {  	_ =	swait.ge @!p0 [sflag:s0], s1  }
0x6e2: {  	s1 =	ssub.s32 @!p0 $0x0, s1;
	[sflag:s0] =	ssyncset.done @!p0 $0x0  }
0x6e3: {  	[sflag:s0] =	ssyncadd.s32 @!p0 s1  }
0x6e4: {  	[bflag:$0x3] =	sbarrier.arrive $0xFFFF  }
0x6e5: {  	_ =	shalt  }

</sc_bundles>
